<compile_context>
chip_gen: v7x
topology: tpu7x:2x2x1
jax: 0.10.2.dev20260603
libtpu: 0.0.44.dev20260713+nightly
codegen_flags: <defaults>
</compile_context>

<pallas_src>
import functools

import jax
import jax.numpy as jnp
from jax import lax
from jax.experimental import pallas as pl
from jax.experimental.pallas import tpu as pltpu, tpu_sc as plsc

N = 100000
NP = 100096
E = 1600000
B = 128
NB = E // B
NC = 2
NS = 16
NW = NC * NS
ROWS_PER_TILE = NP // NS
STG = 368
NSTG = ROWS_PER_TILE // STG

FULL1 = NB // NW
REM1 = NB - FULL1 * NW


def _gather_body(x_hbm, send_hbm, recv_hbm, xs_hbm, xr_hbm, xpk_hbm,
                 xspm, stage_v, idxs, bufs, idxr, bufr,
                 sis0, sis1, sir0, sir1, sws0, sws1, swr0, swr1):
    cid = lax.axis_index("c")
    sid = lax.axis_index("s")
    wid = sid * NC + cid
    sis = (sis0, sis1)
    sir = (sir0, sir1)
    sws = (sws0, sws1)
    swr = (swr0, swr1)

    r0 = sid * ROWS_PER_TILE

    def stage_body(k, _):
        rk = r0 + k * STG
        pltpu.sync_copy(x_hbm.at[pl.ds(rk, STG), pl.ds(0, 16)], stage_v)
        pltpu.sync_copy(stage_v, xspm.at[pl.ds(rk, STG)])
        pltpu.sync_copy(stage_v, xpk_hbm.at[pl.ds(rk, STG)])
        return ()

    lax.fori_loop(0, NSTG, stage_body, (), unroll=False)
    plsc.subcore_barrier()

    for p in range(2):
        b = wid + NW * p
        pltpu.async_copy(send_hbm.at[b], idxs.at[p], sis[p])
        pltpu.async_copy(recv_hbm.at[b], idxr.at[p], sir[p])

    def body(jj, _):
        for p in range(2):
            j = 2 * jj + p
            b = wid + NW * j

            @pl.when(j >= 2)
            def _():
                pltpu.make_async_copy(bufs.at[p], xs_hbm.at[b - 2 * NW],
                                      sws[p]).wait()
                pltpu.make_async_copy(bufr.at[p], xr_hbm.at[b - 2 * NW],
                                      swr[p]).wait()

            pltpu.make_async_copy(send_hbm.at[b], idxs.at[p], sis[p]).wait()
            pltpu.make_async_copy(recv_hbm.at[b], idxr.at[p], sir[p]).wait()
            pltpu.sync_copy(xspm.at[idxs.at[p]], bufs.at[p])
            pltpu.sync_copy(xspm.at[idxr.at[p]], bufr.at[p])
            pltpu.async_copy(bufs.at[p], xs_hbm.at[b], sws[p])
            pltpu.async_copy(bufr.at[p], xr_hbm.at[b], swr[p])

            @pl.when(j < 2 * FULL1 // 2 - 2)
            def _():
                pltpu.async_copy(send_hbm.at[b + 2 * NW], idxs.at[p], sis[p])
                pltpu.async_copy(recv_hbm.at[b + 2 * NW], idxr.at[p], sir[p])

        return ()

    lax.fori_loop(0, FULL1 // 2, body, (), unroll=False)
    for p in range(2):
        b = wid + NW * (FULL1 - 2 + p)
        pltpu.make_async_copy(bufs.at[p], xs_hbm.at[b], sws[p]).wait()
        pltpu.make_async_copy(bufr.at[p], xr_hbm.at[b], swr[p]).wait()

    @pl.when(wid < REM1)
    def _():
        b = NW * FULL1 + wid
        pltpu.sync_copy(send_hbm.at[b], idxs.at[0])
        pltpu.sync_copy(recv_hbm.at[b], idxr.at[0])
        pltpu.sync_copy(xspm.at[idxs.at[0]], bufs.at[0])
        pltpu.sync_copy(xspm.at[idxr.at[0]], bufr.at[0])
        pltpu.sync_copy(bufs.at[0], xs_hbm.at[b])
        pltpu.sync_copy(bufr.at[0], xr_hbm.at[b])


BLK_E = 6400
G_E = BLK_E // 8


def _edge_mlp_body(xs_ref, xr_ref, w0bd, b0t, w1, b1, w2, b2, w3, b3, w4, b4,
                   w5, b5, out_ref):
    d = (xr_ref[...] - xs_ref[...]).astype(jnp.bfloat16)
    hp = jnp.dot(d, w0bd[...], preferred_element_type=jnp.float32) + b0t[...]
    hp = jnp.maximum(hp, 0.0).astype(jnp.bfloat16)
    h = jnp.concatenate([hp[:, 256 * j:256 * (j + 1)] for j in range(8)],
                        axis=0)
    for w, b in ((w1, b1), (w2, b2), (w3, b3), (w4, b4)):
        h = jnp.dot(h, w[...], preferred_element_type=jnp.float32) + b[...]
        h = jnp.maximum(h, 0.0).astype(jnp.bfloat16)
    m = (jnp.dot(h, w5[...], preferred_element_type=jnp.float32)
         + b5[...]).astype(jnp.bfloat16)
    for c in range(2):
        out_ref[c] = jnp.concatenate(
            [m[G_E * j:G_E * (j + 1), 32 * c:32 * (c + 1)] for j in range(8)],
            axis=1)


def _edge_mlp(xs, xr, ws, bs):
    in_specs = [
        pl.BlockSpec((G_E, 128), lambda i: (i, 0)),
        pl.BlockSpec((G_E, 128), lambda i: (i, 0)),
    ]
    for w, b in zip(ws, bs):
        in_specs.append(pl.BlockSpec(w.shape, lambda i: (0, 0)))
        in_specs.append(pl.BlockSpec(b.shape, lambda i: (0, 0)))
    args = [xs, xr]
    for w, b in zip(ws, bs):
        args += [w, b]
    return pl.pallas_call(
        _edge_mlp_body,
        grid=(E // BLK_E,),
        in_specs=in_specs,
        out_specs=pl.BlockSpec((2, G_E, 256), lambda i: (0, i, 0)),
        out_shape=jax.ShapeDtypeStruct((2, E // 8, 256), jnp.bfloat16),
    )(*args)


HNB = NB // 2
FULL3 = HNB // NS
REM3 = HNB - FULL3 * NS


def _scatter_body(m_hbm, recv_hbm, zrows_hbm, aggr_hbm, acc, stage_v, idx,
                  upd, six0, six1, sup0, sup1):
    cid = lax.axis_index("c")
    sid = lax.axis_index("s")
    r0 = sid * ROWS_PER_TILE
    six = (six0, six1)
    sup = (sup0, sup1)
    ch = cid

    for q in range(2):
        bq = q * HNB

        def zero_body(k, _):
            pltpu.sync_copy(zrows_hbm, stage_v)
            pltpu.sync_copy(stage_v, acc.at[pl.ds(r0 + k * STG, STG)])
            return ()

        lax.fori_loop(0, NSTG, zero_body, (), unroll=False)
        plsc.subcore_barrier()

        for p in range(2):
            b = bq + sid + NS * p
            pltpu.async_copy(recv_hbm.at[b], idx.at[p], six[p])
            pltpu.async_copy(m_hbm.at[ch * NB + b], upd.at[p], sup[p])

        def body(jj, _):
            for p in range(2):
                j = 2 * jj + p
                b = bq + sid + NS * j
                pltpu.make_async_copy(recv_hbm.at[b], idx.at[p],
                                      six[p]).wait()
                pltpu.make_async_copy(m_hbm.at[ch * NB + b], upd.at[p],
                                      sup[p]).wait()
                pltpu.sync_copy(upd.at[p], acc.at[idx.at[p]], add=True)

                @pl.when(j < FULL3 - 2)
                def _():
                    b2 = b + 2 * NS
                    pltpu.async_copy(recv_hbm.at[b2], idx.at[p], six[p])
                    pltpu.async_copy(m_hbm.at[ch * NB + b2], upd.at[p],
                                     sup[p])

            return ()

        lax.fori_loop(0, FULL3 // 2, body, (), unroll=False)

        @pl.when(sid < REM3)
        def _():
            b = bq + NS * FULL3 + sid
            pltpu.sync_copy(recv_hbm.at[b], idx.at[0])
            pltpu.sync_copy(m_hbm.at[ch * NB + b], upd.at[0])
            pltpu.sync_copy(upd.at[0], acc.at[idx.at[0]], add=True)

        plsc.subcore_barrier()

        def out_body(k, _):
            pltpu.sync_copy(acc.at[pl.ds(r0 + k * STG, STG)], stage_v)
            pltpu.sync_copy(stage_v, aggr_hbm.at[
                pl.ds((ch * 2 + q) * NP + r0 + k * STG, STG)])
            return ()

        lax.fori_loop(0, NSTG, out_body, (), unroll=False)
        plsc.subcore_barrier()


BLK_N = 2944
G_N = BLK_N // 8


def _node_mlp_body(x_ref, aggr_ref, w0a, w0b, b0, w1, b1, w2, b2, out_ref):
    outs = []
    for j in range(8):
        xj = x_ref[:, 16 * j:16 * (j + 1)]
        h = jnp.dot(xj, w0a[...], preferred_element_type=jnp.float32) + b0[...]
        for c in range(2):
            for q in range(2):
                aj = aggr_ref[c, q][:, 32 * j:32 * (j + 1)]
                h += jnp.dot(aj, w0b[c], preferred_element_type=jnp.float32)
        h = jnp.maximum(h, 0.0)
        h = jnp.dot(h, w1[...], preferred_element_type=jnp.float32) + b1[...]
        h = jnp.maximum(h, 0.0)
        dv8 = jnp.dot(h, w2[...], preferred_element_type=jnp.float32) + b2[...]
        v_new = xj[:, 3:6] + dv8[:, 0:3]
        x_new = xj[:, 0:3] + v_new * 0.01
        outs.append(jnp.concatenate([x_new, v_new, dv8[:, 3:5]], axis=1))
    out_ref[...] = jnp.concatenate(outs, axis=1)


def _node_mlp(x_pack, aggr4, w0a, w0b, b0, w1, b1, w2, b2):
    return pl.pallas_call(
        _node_mlp_body,
        grid=(NP // BLK_N,),
        in_specs=[
            pl.BlockSpec((G_N, 128), lambda i: (i, 0)),
            pl.BlockSpec((2, 2, G_N, 256), lambda i: (0, 0, i, 0)),
            pl.BlockSpec(w0a.shape, lambda i: (0, 0)),
            pl.BlockSpec(w0b.shape, lambda i: (0, 0, 0)),
            pl.BlockSpec(b0.shape, lambda i: (0, 0)),
            pl.BlockSpec(w1.shape, lambda i: (0, 0)),
            pl.BlockSpec(b1.shape, lambda i: (0, 0)),
            pl.BlockSpec(w2.shape, lambda i: (0, 0)),
            pl.BlockSpec(b2.shape, lambda i: (0, 0)),
        ],
        out_specs=pl.BlockSpec((G_N, 64), lambda i: (i, 0)),
        out_shape=jax.ShapeDtypeStruct((NP // 8, 64), jnp.float32),
    )(x_pack, aggr4, w0a, w0b, b0, w1, b1, w2, b2)


def _pad2(w, rows, cols):
    return jnp.pad(w, ((0, rows - w.shape[0]), (0, cols - w.shape[1])))


@functools.lru_cache(maxsize=None)
def _sc_kernels():
    mesh = plsc.VectorSubcoreMesh(core_axis_name="c", subcore_axis_name="s",
                                  num_cores=NC, num_subcores=NS)
    params = pltpu.CompilerParams(use_tc_tiling_on_sc=False)
    gather_k = pl.kernel(
        _gather_body,
        compiler_params=params,
        out_type=[
            jax.ShapeDtypeStruct((NB, B, 16), jnp.float32),
            jax.ShapeDtypeStruct((NB, B, 16), jnp.float32),
            jax.ShapeDtypeStruct((NP, 16), jnp.float32),
        ],
        mesh=mesh,
        scratch_types=[
            pltpu.VMEM_SHARED((NP, 16), jnp.float32),
            pltpu.VMEM((STG, 16), jnp.float32),
            pltpu.VMEM((2, B), jnp.int32),
            pltpu.VMEM((2, B, 16), jnp.float32),
            pltpu.VMEM((2, B), jnp.int32),
            pltpu.VMEM((2, B, 16), jnp.float32),
        ] + [pltpu.SemaphoreType.DMA] * 8,
    )
    scatter_k = pl.kernel(
        _scatter_body,
        compiler_params=params,
        out_type=jax.ShapeDtypeStruct((4 * NP, 32), jnp.bfloat16),
        mesh=mesh,
        scratch_types=[
            pltpu.VMEM_SHARED((NP, 32), jnp.bfloat16),
            pltpu.VMEM((STG, 32), jnp.bfloat16),
            pltpu.VMEM((2, B), jnp.int32),
            pltpu.VMEM((2, B, 32), jnp.bfloat16),
        ] + [pltpu.SemaphoreType.DMA] * 4,
    )
    return gather_k, scatter_k


def kernel(x, edge_index, edge_attr, eW0, eb0, eW1, eb1, eW2, eb2, eW3, eb3,
           eW4, eb4, eW5, eb5, nW0, nb0, nW1, nb1, nW2, nb2):
    x128 = jnp.pad(x, ((0, NP - N), (0, 122)))
    send = edge_index[0].reshape(NB, B)
    recv = edge_index[1].reshape(NB, B)

    gather_k, scatter_k = _sc_kernels()
    xs3, xr3, xpk = gather_k(x128, send, recv)
    x_pack = xpk.reshape(NP // 8, 128)
    xs = xs3.reshape(E // 8, 128)
    xr = xr3.reshape(E // 8, 128)

    w0p = _pad2(eW0, 16, 256)
    w0bd = jnp.zeros((128, 2048), jnp.float32)
    for j in range(8):
        w0bd = lax.dynamic_update_slice(w0bd, w0p, (16 * j, 256 * j))
    b0t = jnp.tile(jnp.pad(eb0, (0, 106)), 8)[None, :]
    ws = [w0bd.astype(jnp.bfloat16)] + [
        _pad2(w, 256, 256).astype(jnp.bfloat16) for w in (eW1, eW2, eW3, eW4)
    ] + [_pad2(eW5, 256, 64).astype(jnp.bfloat16)]
    bs = [b0t] + [jnp.pad(b, (0, 106))[None, :] for b in
                  (eb1, eb2, eb3, eb4)] + [jnp.pad(eb5, (0, 14))[None, :]]
    m4 = _edge_mlp(xs, xr, ws, bs)

    m4f = m4.reshape(2 * NB, B, 32)
    zrows = jnp.zeros((STG, 32), jnp.bfloat16)
    aggrf = scatter_k(m4f, recv, zrows)
    aggr4 = aggrf.reshape(2, 2, NP // 8, 256)

    w0a = _pad2(nW0[:6], 16, 128)
    w0b = _pad2(nW0[6:], 64, 128).reshape(2, 32, 128).astype(jnp.bfloat16)
    b0 = jnp.pad(nb0, (0, 28))[None, :]
    w1 = _pad2(nW1, 128, 128)
    b1 = jnp.pad(nb1, (0, 28))[None, :]
    w2 = _pad2(nW2, 128, 8)
    b2 = jnp.pad(nb2, (0, 5))[None, :]
    outp = _node_mlp(x_pack, aggr4, w0a, w0b, b0, w1, b1, w2, b2)
    return outp.reshape(NP, 8)[:N, :6]

# --- scband reference (transcript-rebuilt; emitter-appended) ---
"""Pipeline reference for scband-trunk-gnn-5360119185623 (READ-ONLY COPY).

The authoritative reference and input builder live on the scoring server;
editing this copy changes nothing except your own understanding.
"""

import jax, jax.numpy as jnp
import numpy as np

N = 100000
E = 1600000


def _lin(key, fi, fo):
    W = jax.random.normal(key, (fi, fo), dtype=jnp.float32) / np.sqrt(fi)
    b = jnp.zeros((fo,), dtype=jnp.float32)
    return W, b


def setup_inputs(seed: int = 0):
    key = jax.random.key(seed)
    ks = jax.random.split(key, 12)
    inp = {}
    inp['x'] = jax.random.normal(ks[0], (N, 6), dtype=jnp.float32)
    inp['edge_index'] = jax.random.randint(ks[1], (2, E), 0, N, dtype=jnp.int32)
    inp['edge_attr'] = jax.random.normal(ks[2], (E, 4), dtype=jnp.float32)
    edims = [(6, 150), (150, 150), (150, 150), (150, 150), (150, 150), (150, 50)]
    for i, (fi, fo) in enumerate(edims):
        W, b = _lin(ks[3 + i], fi, fo)
        inp['eW%d' % i] = W
        inp['eb%d' % i] = b
    ndims = [(56, 100), (100, 100), (100, 3)]
    for i, (fi, fo) in enumerate(ndims):
        W, b = _lin(ks[9 + i], fi, fo)
        inp['nW%d' % i] = W
        inp['nb%d' % i] = b
    return inp


def _mlp(h, params):
    n = len(params)
    for i, (W, b) in enumerate(params):
        h = h @ W + b
        if i < n - 1:
            h = jax.nn.relu(h)
    return h


def reference(x, edge_index, edge_attr, eW0, eb0, eW1, eb1, eW2, eb2, eW3, eb3, eW4, eb4, eW5, eb5, nW0, nb0, nW1, nb1, nW2, nb2):
    eparams = [(eW0, eb0), (eW1, eb1), (eW2, eb2), (eW3, eb3), (eW4, eb4), (eW5, eb5)]
    nparams = [(nW0, nb0), (nW1, nb1), (nW2, nb2)]
    sender = edge_index[0]
    receiver = edge_index[1]
    diff = x[receiver] - x[sender]
    m = _mlp(diff, eparams)
    aggr = jax.ops.segment_sum(m, receiver, num_segments=N)
    dv = _mlp(jnp.concatenate([x, aggr], axis=1), nparams)
    v_new = x[:, 3:] + dv
    x_new = x[:, :3] + v_new * 0.01
    full_x_new = jnp.concatenate([x_new, v_new], axis=1)
    return full_x_new

if __name__ == "__main__":
    import jax
    _d = setup_inputs()
    print(jax.jit(kernel)(*tuple(_d.values())))

</pallas_src>

<mosaic_0001>
#map = affine_map<(d0, d1) -> (0, 0, 0)>
#map1 = affine_map<(d0, d1) -> (0, 0)>
module attributes {stable_mosaic.version = 14 : i64} {
  func.func @_scatter_body(%arg0: i32, %arg1: i32, %arg2: memref<25000x128x32xbf16, #tpu.memory_space<hbm>>, %arg3: memref<12500x128xi32, #tpu.memory_space<hbm>>, %arg4: memref<368x32xbf16, #tpu.memory_space<hbm>>, %arg5: memref<400384x32xbf16, #tpu.memory_space<hbm>>, %arg6: memref<100096x32xbf16, #tpu.memory_space<vmem_shared>>, %arg7: memref<368x32xbf16, #tpu.memory_space<vmem>>, %arg8: memref<2x128xi32, #tpu.memory_space<vmem>>, %arg9: memref<2x128x32xbf16, #tpu.memory_space<vmem>>, %arg10: memref<!tpu.dma_semaphore, #tpu.memory_space<semaphore_mem>>, %arg11: memref<!tpu.dma_semaphore, #tpu.memory_space<semaphore_mem>>, %arg12: memref<!tpu.dma_semaphore, #tpu.memory_space<semaphore_mem>>, %arg13: memref<!tpu.dma_semaphore, #tpu.memory_space<semaphore_mem>>) attributes {dimension_semantics = [#tpu.dimension_semantics<core_parallel>, #tpu.dimension_semantics<subcore_parallel>], iteration_bounds = array<i64: 2, 16>, scalar_prefetch = 0 : i64, scratch_operands = 8 : i64, tpu.core_type = #tpu.core_type<sc_vector_subcore>, window_params = [{transform_indices = #map}, {transform_indices = #map1}, {transform_indices = #map1}, {transform_indices = #map1}]} {
    %mul3A = arith.constant 6256 : i32
    %mul3A_0 = arith.muli %arg1, %mul3A : i32
    %scan3A = arith.constant 0 : i32
    %scan3A_1 = arith.constant 17 : i32
    %scan3A_2 = arith.addi %scan3A, %scan3A_1 : i32
    %scan3A_3 = arith.constant 1 : i32
    scf.for %scan3A_188 = %scan3A to %scan3A_2 step %scan3A_3  : i32 {
      "tpu.region"() ({
        %run_scoped3A = tpu.sem_alloc : memref<!tpu.dma_semaphore, #tpu.memory_space<semaphore_mem>>
        tpu.enqueue_dma source(%arg4 : memref<368x32xbf16, #tpu.memory_space<hbm>>) target(%arg7 : memref<368x32xbf16, #tpu.memory_space<vmem>>) target_semaphore(%run_scoped3A : memref<!tpu.dma_semaphore, #tpu.memory_space<semaphore_mem>>)
        tpu.wait_dma2 semaphore(%run_scoped3A : memref<!tpu.dma_semaphore, #tpu.memory_space<semaphore_mem>>) src(%arg4 : memref<368x32xbf16, #tpu.memory_space<hbm>>) dst(%arg7 : memref<368x32xbf16, #tpu.memory_space<vmem>>)
        tpu.yield
      }) : () -> ()
      %mul3A_189 = arith.constant 368 : i32
      %mul3A_190 = arith.muli %scan3A_188, %mul3A_189 : i32
      %add3A_191 = arith.addi %mul3A_0, %mul3A_190 : i32
      "tpu.region"() ({
        %run_scoped3A = tpu.sem_alloc : memref<!tpu.dma_semaphore, #tpu.memory_space<semaphore_mem>>
        %dma_start3A_192 = arith.constant 0 : i32
        %dma_start3A_193 = tpu.memref_slice %arg6[%add3A_191, %dma_start3A_192] : memref<100096x32xbf16, #tpu.memory_space<vmem_shared>> -> memref<368x32xbf16, #tpu.memory_space<vmem_shared>>
        %dma_start3A_194 = arith.constant 0 : i32
        %dma_start3A_195 = tpu.memref_slice %arg6[%add3A_191, %dma_start3A_194] : memref<100096x32xbf16, #tpu.memory_space<vmem_shared>> -> memref<368x32xbf16, #tpu.memory_space<vmem_shared>>
        tpu.enqueue_dma source(%arg7 : memref<368x32xbf16, #tpu.memory_space<vmem>>) target(%dma_start3A_195 : memref<368x32xbf16, #tpu.memory_space<vmem_shared>>) target_semaphore(%run_scoped3A : memref<!tpu.dma_semaphore, #tpu.memory_space<semaphore_mem>>)
        %dma_wait3A = arith.constant 0 : i32
        %dma_wait3A_196 = tpu.memref_slice %arg6[%add3A_191, %dma_wait3A] : memref<100096x32xbf16, #tpu.memory_space<vmem_shared>> -> memref<368x32xbf16, #tpu.memory_space<vmem_shared>>
        %dma_wait3A_197 = arith.constant 0 : i32
        %dma_wait3A_198 = tpu.memref_slice %arg6[%add3A_191, %dma_wait3A_197] : memref<100096x32xbf16, #tpu.memory_space<vmem_shared>> -> memref<368x32xbf16, #tpu.memory_space<vmem_shared>>
        tpu.wait_dma2 semaphore(%run_scoped3A : memref<!tpu.dma_semaphore, #tpu.memory_space<semaphore_mem>>) src(%arg7 : memref<368x32xbf16, #tpu.memory_space<vmem>>) dst(%dma_wait3A_198 : memref<368x32xbf16, #tpu.memory_space<vmem_shared>>)
        tpu.yield
      }) : () -> ()
    }
    %scan3A_4 = arith.constant 17 : i32
    %barrier3A = arith.constant 0 : index
    tpu.barrier barrier_id(%barrier3A)
    %add3A = arith.constant 0 : i32
    %add3A_5 = arith.addi %add3A, %arg1 : i32
    %add3A_6 = arith.constant 0 : i32
    %add3A_7 = arith.addi %add3A_5, %add3A_6 : i32
    %dma_start3A = arith.constant 0 : i32
    %dma_start3A_8 = arith.constant 0 : i32
    %dma_start3A_9 = tpu.memref_slice %arg8[%dma_start3A, %dma_start3A_8] : memref<2x128xi32, #tpu.memory_space<vmem>> -> memref<1x128xi32, #tpu.memory_space<vmem>>
    %dma_start3A_10 = tpu.memref_squeeze %dma_start3A_9 : memref<1x128xi32, #tpu.memory_space<vmem>> -> memref<128xi32, #tpu.memory_space<vmem>>
    %dma_start3A_11 = arith.constant 0 : i32
    %dma_start3A_12 = tpu.memref_slice %arg3[%add3A_7, %dma_start3A_11] : memref<12500x128xi32, #tpu.memory_space<hbm>> -> memref<1x128xi32, #tpu.memory_space<hbm>>
    %dma_start3A_13 = tpu.memref_squeeze %dma_start3A_12 : memref<1x128xi32, #tpu.memory_space<hbm>> -> memref<128xi32, #tpu.memory_space<hbm>>
    %dma_start3A_14 = arith.constant 0 : i32
    %dma_start3A_15 = tpu.memref_slice %arg8[%dma_start3A, %dma_start3A_14] : memref<2x128xi32, #tpu.memory_space<vmem>> -> memref<1x128xi32, #tpu.memory_space<vmem>>
    %dma_start3A_16 = tpu.memref_squeeze %dma_start3A_15 : memref<1x128xi32, #tpu.memory_space<vmem>> -> memref<128xi32, #tpu.memory_space<vmem>>
    %dma_start3A_17 = arith.constant 0 : i32
    %dma_start3A_18 = tpu.memref_slice %arg3[%add3A_7, %dma_start3A_17] : memref<12500x128xi32, #tpu.memory_space<hbm>> -> memref<1x128xi32, #tpu.memory_space<hbm>>
    %dma_start3A_19 = tpu.memref_squeeze %dma_start3A_18 : memref<1x128xi32, #tpu.memory_space<hbm>> -> memref<128xi32, #tpu.memory_space<hbm>>
    tpu.enqueue_dma source(%dma_start3A_19 : memref<128xi32, #tpu.memory_space<hbm>>) target(%dma_start3A_16 : memref<128xi32, #tpu.memory_space<vmem>>) target_semaphore(%arg10 : memref<!tpu.dma_semaphore, #tpu.memory_space<semaphore_mem>>)
    %mul3A_20 = arith.constant 12500 : i32
    %mul3A_21 = arith.muli %arg0, %mul3A_20 : i32
    %add3A_22 = arith.addi %mul3A_21, %add3A_7 : i32
    %dma_start3A_23 = arith.constant 0 : i32
    %dma_start3A_24 = arith.constant 0 : i32
    %dma_start3A_25 = arith.constant 0 : i32
    %dma_start3A_26 = tpu.memref_slice %arg9[%dma_start3A_23, %dma_start3A_24, %dma_start3A_25] : memref<2x128x32xbf16, #tpu.memory_space<vmem>> -> memref<1x128x32xbf16, #tpu.memory_space<vmem>>
    %dma_start3A_27 = tpu.memref_squeeze %dma_start3A_26 : memref<1x128x32xbf16, #tpu.memory_space<vmem>> -> memref<128x32xbf16, #tpu.memory_space<vmem>>
    %dma_start3A_28 = arith.constant 0 : i32
    %dma_start3A_29 = arith.constant 0 : i32
    %dma_start3A_30 = tpu.memref_slice %arg2[%add3A_22, %dma_start3A_28, %dma_start3A_29] : memref<25000x128x32xbf16, #tpu.memory_space<hbm>> -> memref<1x128x32xbf16, #tpu.memory_space<hbm>>
    %dma_start3A_31 = tpu.memref_squeeze %dma_start3A_30 : memref<1x128x32xbf16, #tpu.memory_space<hbm>> -> memref<128x32xbf16, #tpu.memory_space<hbm>>
    %dma_start3A_32 = arith.constant 0 : i32
    %dma_start3A_33 = arith.constant 0 : i32
    %dma_start3A_34 = tpu.memref_slice %arg9[%dma_start3A_23, %dma_start3A_32, %dma_start3A_33] : memref<2x128x32xbf16, #tpu.memory_space<vmem>> -> memref<1x128x32xbf16, #tpu.memory_space<vmem>>
    %dma_start3A_35 = tpu.memref_squeeze %dma_start3A_34 : memref<1x128x32xbf16, #tpu.memory_space<vmem>> -> memref<128x32xbf16, #tpu.memory_space<vmem>>
    %dma_start3A_36 = arith.constant 0 : i32
    %dma_start3A_37 = arith.constant 0 : i32
    %dma_start3A_38 = tpu.memref_slice %arg2[%add3A_22, %dma_start3A_36, %dma_start3A_37] : memref<25000x128x32xbf16, #tpu.memory_space<hbm>> -> memref<1x128x32xbf16, #tpu.memory_space<hbm>>
    %dma_start3A_39 = tpu.memref_squeeze %dma_start3A_38 : memref<1x128x32xbf16, #tpu.memory_space<hbm>> -> memref<128x32xbf16, #tpu.memory_space<hbm>>
    tpu.enqueue_dma source(%dma_start3A_39 : memref<128x32xbf16, #tpu.memory_space<hbm>>) target(%dma_start3A_35 : memref<128x32xbf16, #tpu.memory_space<vmem>>) target_semaphore(%arg12 : memref<!tpu.dma_semaphore, #tpu.memory_space<semaphore_mem>>)
    %add3A_40 = arith.constant 0 : i32
    %add3A_41 = arith.addi %add3A_40, %arg1 : i32
    %add3A_42 = arith.constant 16 : i32
    %add3A_43 = arith.addi %add3A_41, %add3A_42 : i32
    %dma_start3A_44 = arith.constant 1 : i32
    %dma_start3A_45 = arith.constant 0 : i32
    %dma_start3A_46 = tpu.memref_slice %arg8[%dma_start3A_44, %dma_start3A_45] : memref<2x128xi32, #tpu.memory_space<vmem>> -> memref<1x128xi32, #tpu.memory_space<vmem>>
    %dma_start3A_47 = tpu.memref_squeeze %dma_start3A_46 : memref<1x128xi32, #tpu.memory_space<vmem>> -> memref<128xi32, #tpu.memory_space<vmem>>
    %dma_start3A_48 = arith.constant 0 : i32
    %dma_start3A_49 = tpu.memref_slice %arg3[%add3A_43, %dma_start3A_48] : memref<12500x128xi32, #tpu.memory_space<hbm>> -> memref<1x128xi32, #tpu.memory_space<hbm>>
    %dma_start3A_50 = tpu.memref_squeeze %dma_start3A_49 : memref<1x128xi32, #tpu.memory_space<hbm>> -> memref<128xi32, #tpu.memory_space<hbm>>
    %dma_start3A_51 = arith.constant 0 : i32
    %dma_start3A_52 = tpu.memref_slice %arg8[%dma_start3A_44, %dma_start3A_51] : memref<2x128xi32, #tpu.memory_space<vmem>> -> memref<1x128xi32, #tpu.memory_space<vmem>>
    %dma_start3A_53 = tpu.memref_squeeze %dma_start3A_52 : memref<1x128xi32, #tpu.memory_space<vmem>> -> memref<128xi32, #tpu.memory_space<vmem>>
    %dma_start3A_54 = arith.constant 0 : i32
    %dma_start3A_55 = tpu.memref_slice %arg3[%add3A_43, %dma_start3A_54] : memref<12500x128xi32, #tpu.memory_space<hbm>> -> memref<1x128xi32, #tpu.memory_space<hbm>>
    %dma_start3A_56 = tpu.memref_squeeze %dma_start3A_55 : memref<1x128xi32, #tpu.memory_space<hbm>> -> memref<128xi32, #tpu.memory_space<hbm>>
    tpu.enqueue_dma source(%dma_start3A_56 : memref<128xi32, #tpu.memory_space<hbm>>) target(%dma_start3A_53 : memref<128xi32, #tpu.memory_space<vmem>>) target_semaphore(%arg11 : memref<!tpu.dma_semaphore, #tpu.memory_space<semaphore_mem>>)
    %mul3A_57 = arith.constant 12500 : i32
    %mul3A_58 = arith.muli %arg0, %mul3A_57 : i32
    %add3A_59 = arith.addi %mul3A_58, %add3A_43 : i32
    %dma_start3A_60 = arith.constant 1 : i32
    %dma_start3A_61 = arith.constant 0 : i32
    %dma_start3A_62 = arith.constant 0 : i32
    %dma_start3A_63 = tpu.memref_slice %arg9[%dma_start3A_60, %dma_start3A_61, %dma_start3A_62] : memref<2x128x32xbf16, #tpu.memory_space<vmem>> -> memref<1x128x32xbf16, #tpu.memory_space<vmem>>
    %dma_start3A_64 = tpu.memref_squeeze %dma_start3A_63 : memref<1x128x32xbf16, #tpu.memory_space<vmem>> -> memref<128x32xbf16, #tpu.memory_space<vmem>>
    %dma_start3A_65 = arith.constant 0 : i32
    %dma_start3A_66 = arith.constant 0 : i32
    %dma_start3A_67 = tpu.memref_slice %arg2[%add3A_59, %dma_start3A_65, %dma_start3A_66] : memref<25000x128x32xbf16, #tpu.memory_space<hbm>> -> memref<1x128x32xbf16, #tpu.memory_space<hbm>>
    %dma_start3A_68 = tpu.memref_squeeze %dma_start3A_67 : memref<1x128x32xbf16, #tpu.memory_space<hbm>> -> memref<128x32xbf16, #tpu.memory_space<hbm>>
    %dma_start3A_69 = arith.constant 0 : i32
    %dma_start3A_70 = arith.constant 0 : i32
    %dma_start3A_71 = tpu.memref_slice %arg9[%dma_start3A_60, %dma_start3A_69, %dma_start3A_70] : memref<2x128x32xbf16, #tpu.memory_space<vmem>> -> memref<1x128x32xbf16, #tpu.memory_space<vmem>>
    %dma_start3A_72 = tpu.memref_squeeze %dma_start3A_71 : memref<1x128x32xbf16, #tpu.memory_space<vmem>> -> memref<128x32xbf16, #tpu.memory_space<vmem>>
    %dma_start3A_73 = arith.constant 0 : i32
    %dma_start3A_74 = arith.constant 0 : i32
    %dma_start3A_75 = tpu.memref_slice %arg2[%add3A_59, %dma_start3A_73, %dma_start3A_74] : memref<25000x128x32xbf16, #tpu.memory_space<hbm>> -> memref<1x128x32xbf16, #tpu.memory_space<hbm>>
    %dma_start3A_76 = tpu.memref_squeeze %dma_start3A_75 : memref<1x128x32xbf16, #tpu.memory_space<hbm>> -> memref<128x32xbf16, #tpu.memory_space<hbm>>
    tpu.enqueue_dma source(%dma_start3A_76 : memref<128x32xbf16, #tpu.memory_space<hbm>>) target(%dma_start3A_72 : memref<128x32xbf16, #tpu.memory_space<vmem>>) target_semaphore(%arg13 : memref<!tpu.dma_semaphore, #tpu.memory_space<semaphore_mem>>)
    %scan3A_77 = arith.constant 0 : i32
    %scan3A_78 = arith.constant 195 : i32
    %scan3A_79 = arith.addi %scan3A_77, %scan3A_78 : i32
    %scan3A_80 = arith.constant 1 : i32
    scf.for %scan3A_188 = %scan3A_77 to %scan3A_79 step %scan3A_80  : i32 {
      %mul3A_189 = arith.constant 2 : i32
      %mul3A_190 = arith.muli %mul3A_189, %scan3A_188 : i32
      %add3A_191 = arith.constant 0 : i32
      %add3A_192 = arith.addi %mul3A_190, %add3A_191 : i32
      %add3A_193 = arith.constant 0 : i32
      %add3A_194 = arith.addi %add3A_193, %arg1 : i32
      %mul3A_195 = arith.constant 16 : i32
      %mul3A_196 = arith.muli %mul3A_195, %add3A_192 : i32
      %add3A_197 = arith.addi %add3A_194, %mul3A_196 : i32
      %dma_wait3A = arith.constant 0 : i32
      %dma_wait3A_198 = arith.constant 0 : i32
      %dma_wait3A_199 = tpu.memref_slice %arg8[%dma_wait3A, %dma_wait3A_198] : memref<2x128xi32, #tpu.memory_space<vmem>> -> memref<1x128xi32, #tpu.memory_space<vmem>>
      %dma_wait3A_200 = tpu.memref_squeeze %dma_wait3A_199 : memref<1x128xi32, #tpu.memory_space<vmem>> -> memref<128xi32, #tpu.memory_space<vmem>>
      %dma_wait3A_201 = arith.constant 0 : i32
      %dma_wait3A_202 = tpu.memref_slice %arg3[%add3A_197, %dma_wait3A_201] : memref<12500x128xi32, #tpu.memory_space<hbm>> -> memref<1x128xi32, #tpu.memory_space<hbm>>
      %dma_wait3A_203 = tpu.memref_squeeze %dma_wait3A_202 : memref<1x128xi32, #tpu.memory_space<hbm>> -> memref<128xi32, #tpu.memory_space<hbm>>
      %dma_wait3A_204 = arith.constant 0 : i32
      %dma_wait3A_205 = tpu.memref_slice %arg8[%dma_wait3A, %dma_wait3A_204] : memref<2x128xi32, #tpu.memory_space<vmem>> -> memref<1x128xi32, #tpu.memory_space<vmem>>
      %dma_wait3A_206 = tpu.memref_squeeze %dma_wait3A_205 : memref<1x128xi32, #tpu.memory_space<vmem>> -> memref<128xi32, #tpu.memory_space<vmem>>
      %dma_wait3A_207 = arith.constant 0 : i32
      %dma_wait3A_208 = tpu.memref_slice %arg3[%add3A_197, %dma_wait3A_207] : memref<12500x128xi32, #tpu.memory_space<hbm>> -> memref<1x128xi32, #tpu.memory_space<hbm>>
      %dma_wait3A_209 = tpu.memref_squeeze %dma_wait3A_208 : memref<1x128xi32, #tpu.memory_space<hbm>> -> memref<128xi32, #tpu.memory_space<hbm>>
      tpu.wait_dma2 semaphore(%arg10 : memref<!tpu.dma_semaphore, #tpu.memory_space<semaphore_mem>>) src(%dma_wait3A_209 : memref<128xi32, #tpu.memory_space<hbm>>) dst(%dma_wait3A_206 : memref<128xi32, #tpu.memory_space<vmem>>)
      %mul3A_210 = arith.constant 12500 : i32
      %mul3A_211 = arith.muli %arg0, %mul3A_210 : i32
      %add3A_212 = arith.addi %mul3A_211, %add3A_197 : i32
      %dma_wait3A_213 = arith.constant 0 : i32
      %dma_wait3A_214 = arith.constant 0 : i32
      %dma_wait3A_215 = arith.constant 0 : i32
      %dma_wait3A_216 = tpu.memref_slice %arg9[%dma_wait3A_213, %dma_wait3A_214, %dma_wait3A_215] : memref<2x128x32xbf16, #tpu.memory_space<vmem>> -> memref<1x128x32xbf16, #tpu.memory_space<vmem>>
      %dma_wait3A_217 = tpu.memref_squeeze %dma_wait3A_216 : memref<1x128x32xbf16, #tpu.memory_space<vmem>> -> memref<128x32xbf16, #tpu.memory_space<vmem>>
      %dma_wait3A_218 = arith.constant 0 : i32
      %dma_wait3A_219 = arith.constant 0 : i32
      %dma_wait3A_220 = tpu.memref_slice %arg2[%add3A_212, %dma_wait3A_218, %dma_wait3A_219] : memref<25000x128x32xbf16, #tpu.memory_space<hbm>> -> memref<1x128x32xbf16, #tpu.memory_space<hbm>>
      %dma_wait3A_221 = tpu.memref_squeeze %dma_wait3A_220 : memref<1x128x32xbf16, #tpu.memory_space<hbm>> -> memref<128x32xbf16, #tpu.memory_space<hbm>>
      %dma_wait3A_222 = arith.constant 0 : i32
      %dma_wait3A_223 = arith.constant 0 : i32
      %dma_wait3A_224 = tpu.memref_slice %arg9[%dma_wait3A_213, %dma_wait3A_222, %dma_wait3A_223] : memref<2x128x32xbf16, #tpu.memory_space<vmem>> -> memref<1x128x32xbf16, #tpu.memory_space<vmem>>
      %dma_wait3A_225 = tpu.memref_squeeze %dma_wait3A_224 : memref<1x128x32xbf16, #tpu.memory_space<vmem>> -> memref<128x32xbf16, #tpu.memory_space<vmem>>
      %dma_wait3A_226 = arith.constant 0 : i32
      %dma_wait3A_227 = arith.constant 0 : i32
      %dma_wait3A_228 = tpu.memref_slice %arg2[%add3A_212, %dma_wait3A_226, %dma_wait3A_227] : memref<25000x128x32xbf16, #tpu.memory_space<hbm>> -> memref<1x128x32xbf16, #tpu.memory_space<hbm>>
      %dma_wait3A_229 = tpu.memref_squeeze %dma_wait3A_228 : memref<1x128x32xbf16, #tpu.memory_space<hbm>> -> memref<128x32xbf16, #tpu.memory_space<hbm>>
      tpu.wait_dma2 semaphore(%arg12 : memref<!tpu.dma_semaphore, #tpu.memory_space<semaphore_mem>>) src(%dma_wait3A_229 : memref<128x32xbf16, #tpu.memory_space<hbm>>) dst(%dma_wait3A_225 : memref<128x32xbf16, #tpu.memory_space<vmem>>)
      %run_scoped3A = arith.constant 0 : i32
      %run_scoped3A_230 = arith.constant 0 : i32
      "tpu.region"() ({
        %run_scoped3A_285 = tpu.sem_alloc : memref<!tpu.dma_semaphore, #tpu.memory_space<semaphore_mem>>
        %dma_start3A_286 = arith.constant 0 : i32
        %dma_start3A_287 = arith.constant 0 : i32
        %dma_start3A_288 = tpu.memref_slice %arg9[%run_scoped3A, %dma_start3A_286, %dma_start3A_287] : memref<2x128x32xbf16, #tpu.memory_space<vmem>> -> memref<1x128x32xbf16, #tpu.memory_space<vmem>>
        %dma_start3A_289 = tpu.memref_squeeze %dma_start3A_288 : memref<1x128x32xbf16, #tpu.memory_space<vmem>> -> memref<128x32xbf16, #tpu.memory_space<vmem>>
        %dma_start3A_290 = arith.constant 0 : i32
        %dma_start3A_291 = tpu.memref_slice %arg8[%run_scoped3A_230, %dma_start3A_290] : memref<2x128xi32, #tpu.memory_space<vmem>> -> memref<1x128xi32, #tpu.memory_space<vmem>>
        %dma_start3A_292 = tpu.memref_squeeze %dma_start3A_291 : memref<1x128xi32, #tpu.memory_space<vmem>> -> memref<128xi32, #tpu.memory_space<vmem>>
        %dma_start3A_293 = arith.constant 0 : i32
        %dma_start3A_294 = arith.constant 0 : i32
        %dma_start3A_295 = tpu.memref_slice %arg6[%dma_start3A_293, %dma_start3A_294] : memref<100096x32xbf16, #tpu.memory_space<vmem_shared>> -> memref<100096x32xbf16, #tpu.memory_space<vmem_shared>>
        tpu.enqueue_indirect_dma source(%dma_start3A_289 : memref<128x32xbf16, #tpu.memory_space<vmem>>) target(%dma_start3A_295 : memref<100096x32xbf16, #tpu.memory_space<vmem_shared>>) offsets(%dma_start3A_292 : memref<128xi32, #tpu.memory_space<vmem>>) semaphore(%run_scoped3A_285 : memref<!tpu.dma_semaphore, #tpu.memory_space<semaphore_mem>>) {add = true}
        %dma_wait3A_296 = arith.constant 0 : i32
        %dma_wait3A_297 = arith.constant 0 : i32
        %dma_wait3A_298 = tpu.memref_slice %arg9[%run_scoped3A, %dma_wait3A_296, %dma_wait3A_297] : memref<2x128x32xbf16, #tpu.memory_space<vmem>> -> memref<1x128x32xbf16, #tpu.memory_space<vmem>>
        %dma_wait3A_299 = tpu.memref_squeeze %dma_wait3A_298 : memref<1x128x32xbf16, #tpu.memory_space<vmem>> -> memref<128x32xbf16, #tpu.memory_space<vmem>>
        %dma_wait3A_300 = arith.constant 0 : i32
        %dma_wait3A_301 = tpu.memref_slice %arg8[%run_scoped3A_230, %dma_wait3A_300] : memref<2x128xi32, #tpu.memory_space<vmem>> -> memref<1x128xi32, #tpu.memory_space<vmem>>
        %dma_wait3A_302 = tpu.memref_squeeze %dma_wait3A_301 : memref<1x128xi32, #tpu.memory_space<vmem>> -> memref<128xi32, #tpu.memory_space<vmem>>
        %dma_wait3A_303 = arith.constant 0 : i32
        %dma_wait3A_304 = arith.constant 0 : i32
        %dma_wait3A_305 = tpu.memref_slice %arg6[%dma_wait3A_303, %dma_wait3A_304] : memref<100096x32xbf16, #tpu.memory_space<vmem_shared>> -> memref<100096x32xbf16, #tpu.memory_space<vmem_shared>>
        tpu.wait_indirect_dma semaphore(%run_scoped3A_285 : memref<!tpu.dma_semaphore, #tpu.memory_space<semaphore_mem>>) src(%dma_wait3A_299 : memref<128x32xbf16, #tpu.memory_space<vmem>>) dst(%dma_wait3A_305 : memref<100096x32xbf16, #tpu.memory_space<vmem_shared>>)
        tpu.yield
      }) : () -> ()
      %lt3A_231 = arith.constant 388 : i32
      %lt3A_232 = arith.cmpi slt, %add3A_192, %lt3A_231 : i32
      %convert_element_type3A_233 = arith.extui %lt3A_232 : i1 to i32
      %cond3A_234 = arith.constant 0 : i32
      %cond3A_235 = arith.cmpi ne, %convert_element_type3A_233, %cond3A_234 : i32
      scf.if %cond3A_235 {
        %add3A_285 = arith.constant 32 : i32
        %add3A_286 = arith.addi %add3A_197, %add3A_285 : i32
        %dma_start3A_287 = arith.constant 0 : i32
        %dma_start3A_288 = arith.constant 0 : i32
        %dma_start3A_289 = tpu.memref_slice %arg8[%dma_start3A_287, %dma_start3A_288] : memref<2x128xi32, #tpu.memory_space<vmem>> -> memref<1x128xi32, #tpu.memory_space<vmem>>
        %dma_start3A_290 = tpu.memref_squeeze %dma_start3A_289 : memref<1x128xi32, #tpu.memory_space<vmem>> -> memref<128xi32, #tpu.memory_space<vmem>>
        %dma_start3A_291 = arith.constant 0 : i32
        %dma_start3A_292 = tpu.memref_slice %arg3[%add3A_286, %dma_start3A_291] : memref<12500x128xi32, #tpu.memory_space<hbm>> -> memref<1x128xi32, #tpu.memory_space<hbm>>
        %dma_start3A_293 = tpu.memref_squeeze %dma_start3A_292 : memref<1x128xi32, #tpu.memory_space<hbm>> -> memref<128xi32, #tpu.memory_space<hbm>>
        %dma_start3A_294 = arith.constant 0 : i32
        %dma_start3A_295 = tpu.memref_slice %arg8[%dma_start3A_287, %dma_start3A_294] : memref<2x128xi32, #tpu.memory_space<vmem>> -> memref<1x128xi32, #tpu.memory_space<vmem>>
        %dma_start3A_296 = tpu.memref_squeeze %dma_start3A_295 : memref<1x128xi32, #tpu.memory_space<vmem>> -> memref<128xi32, #tpu.memory_space<vmem>>
        %dma_start3A_297 = arith.constant 0 : i32
        %dma_start3A_298 = tpu.memref_slice %arg3[%add3A_286, %dma_start3A_297] : memref<12500x128xi32, #tpu.memory_space<hbm>> -> memref<1x128xi32, #tpu.memory_space<hbm>>
        %dma_start3A_299 = tpu.memref_squeeze %dma_start3A_298 : memref<1x128xi32, #tpu.memory_space<hbm>> -> memref<128xi32, #tpu.memory_space<hbm>>
        tpu.enqueue_dma source(%dma_start3A_299 : memref<128xi32, #tpu.memory_space<hbm>>) target(%dma_start3A_296 : memref<128xi32, #tpu.memory_space<vmem>>) target_semaphore(%arg10 : memref<!tpu.dma_semaphore, #tpu.memory_space<semaphore_mem>>)
        %mul3A_300 = arith.constant 12500 : i32
        %mul3A_301 = arith.muli %arg0, %mul3A_300 : i32
        %add3A_302 = arith.addi %mul3A_301, %add3A_286 : i32
        %dma_start3A_303 = arith.constant 0 : i32
        %dma_start3A_304 = arith.constant 0 : i32
        %dma_start3A_305 = arith.constant 0 : i32
        %dma_start3A_306 = tpu.memref_slice %arg9[%dma_start3A_303, %dma_start3A_304, %dma_start3A_305] : memref<2x128x32xbf16, #tpu.memory_space<vmem>> -> memref<1x128x32xbf16, #tpu.memory_space<vmem>>
        %dma_start3A_307 = tpu.memref_squeeze %dma_start3A_306 : memref<1x128x32xbf16, #tpu.memory_space<vmem>> -> memref<128x32xbf16, #tpu.memory_space<vmem>>
        %dma_start3A_308 = arith.constant 0 : i32
        %dma_start3A_309 = arith.constant 0 : i32
        %dma_start3A_310 = tpu.memref_slice %arg2[%add3A_302, %dma_start3A_308, %dma_start3A_309] : memref<25000x128x32xbf16, #tpu.memory_space<hbm>> -> memref<1x128x32xbf16, #tpu.memory_space<hbm>>
        %dma_start3A_311 = tpu.memref_squeeze %dma_start3A_310 : memref<1x128x32xbf16, #tpu.memory_space<hbm>> -> memref<128x32xbf16, #tpu.memory_space<hbm>>
        %dma_start3A_312 = arith.constant 0 : i32
        %dma_start3A_313 = arith.constant 0 : i32
        %dma_start3A_314 = tpu.memref_slice %arg9[%dma_start3A_303, %dma_start3A_312, %dma_start3A_313] : memref<2x128x32xbf16, #tpu.memory_space<vmem>> -> memref<1x128x32xbf16, #tpu.memory_space<vmem>>
        %dma_start3A_315 = tpu.memref_squeeze %dma_start3A_314 : memref<1x128x32xbf16, #tpu.memory_space<vmem>> -> memref<128x32xbf16, #tpu.memory_space<vmem>>
        %dma_start3A_316 = arith.constant 0 : i32
        %dma_start3A_317 = arith.constant 0 : i32
        %dma_start3A_318 = tpu.memref_slice %arg2[%add3A_302, %dma_start3A_316, %dma_start3A_317] : memref<25000x128x32xbf16, #tpu.memory_space<hbm>> -> memref<1x128x32xbf16, #tpu.memory_space<hbm>>
        %dma_start3A_319 = tpu.memref_squeeze %dma_start3A_318 : memref<1x128x32xbf16, #tpu.memory_space<hbm>> -> memref<128x32xbf16, #tpu.memory_space<hbm>>
        tpu.enqueue_dma source(%dma_start3A_319 : memref<128x32xbf16, #tpu.memory_space<hbm>>) target(%dma_start3A_315 : memref<128x32xbf16, #tpu.memory_space<vmem>>) target_semaphore(%arg12 : memref<!tpu.dma_semaphore, #tpu.memory_space<semaphore_mem>>)
      } else {
      }
      %mul3A_236 = arith.constant 2 : i32
      %mul3A_237 = arith.muli %mul3A_236, %scan3A_188 : i32
      %add3A_238 = arith.constant 1 : i32
      %add3A_239 = arith.addi %mul3A_237, %add3A_238 : i32
      %add3A_240 = arith.constant 0 : i32
      %add3A_241 = arith.addi %add3A_240, %arg1 : i32
      %mul3A_242 = arith.constant 16 : i32
      %mul3A_243 = arith.muli %mul3A_242, %add3A_239 : i32
      %add3A_244 = arith.addi %add3A_241, %mul3A_243 : i32
      %dma_wait3A_245 = arith.constant 1 : i32
      %dma_wait3A_246 = arith.constant 0 : i32
      %dma_wait3A_247 = tpu.memref_slice %arg8[%dma_wait3A_245, %dma_wait3A_246] : memref<2x128xi32, #tpu.memory_space<vmem>> -> memref<1x128xi32, #tpu.memory_space<vmem>>
      %dma_wait3A_248 = tpu.memref_squeeze %dma_wait3A_247 : memref<1x128xi32, #tpu.memory_space<vmem>> -> memref<128xi32, #tpu.memory_space<vmem>>
      %dma_wait3A_249 = arith.constant 0 : i32
      %dma_wait3A_250 = tpu.memref_slice %arg3[%add3A_244, %dma_wait3A_249] : memref<12500x128xi32, #tpu.memory_space<hbm>> -> memref<1x128xi32, #tpu.memory_space<hbm>>
      %dma_wait3A_251 = tpu.memref_squeeze %dma_wait3A_250 : memref<1x128xi32, #tpu.memory_space<hbm>> -> memref<128xi32, #tpu.memory_space<hbm>>
      %dma_wait3A_252 = arith.constant 0 : i32
      %dma_wait3A_253 = tpu.memref_slice %arg8[%dma_wait3A_245, %dma_wait3A_252] : memref<2x128xi32, #tpu.memory_space<vmem>> -> memref<1x128xi32, #tpu.memory_space<vmem>>
      %dma_wait3A_254 = tpu.memref_squeeze %dma_wait3A_253 : memref<1x128xi32, #tpu.memory_space<vmem>> -> memref<128xi32, #tpu.memory_space<vmem>>
      %dma_wait3A_255 = arith.constant 0 : i32
      %dma_wait3A_256 = tpu.memref_slice %arg3[%add3A_244, %dma_wait3A_255] : memref<12500x128xi32, #tpu.memory_space<hbm>> -> memref<1x128xi32, #tpu.memory_space<hbm>>
      %dma_wait3A_257 = tpu.memref_squeeze %dma_wait3A_256 : memref<1x128xi32, #tpu.memory_space<hbm>> -> memref<128xi32, #tpu.memory_space<hbm>>
      tpu.wait_dma2 semaphore(%arg11 : memref<!tpu.dma_semaphore, #tpu.memory_space<semaphore_mem>>) src(%dma_wait3A_257 : memref<128xi32, #tpu.memory_space<hbm>>) dst(%dma_wait3A_254 : memref<128xi32, #tpu.memory_space<vmem>>)
      %mul3A_258 = arith.constant 12500 : i32
      %mul3A_259 = arith.muli %arg0, %mul3A_258 : i32
      %add3A_260 = arith.addi %mul3A_259, %add3A_244 : i32
      %dma_wait3A_261 = arith.constant 1 : i32
      %dma_wait3A_262 = arith.constant 0 : i32
      %dma_wait3A_263 = arith.constant 0 : i32
      %dma_wait3A_264 = tpu.memref_slice %arg9[%dma_wait3A_261, %dma_wait3A_262, %dma_wait3A_263] : memref<2x128x32xbf16, #tpu.memory_space<vmem>> -> memref<1x128x32xbf16, #tpu.memory_space<vmem>>
      %dma_wait3A_265 = tpu.memref_squeeze %dma_wait3A_264 : memref<1x128x32xbf16, #tpu.memory_space<vmem>> -> memref<128x32xbf16, #tpu.memory_space<vmem>>
      %dma_wait3A_266 = arith.constant 0 : i32
      %dma_wait3A_267 = arith.constant 0 : i32
      %dma_wait3A_268 = tpu.memref_slice %arg2[%add3A_260, %dma_wait3A_266, %dma_wait3A_267] : memref<25000x128x32xbf16, #tpu.memory_space<hbm>> -> memref<1x128x32xbf16, #tpu.memory_space<hbm>>
      %dma_wait3A_269 = tpu.memref_squeeze %dma_wait3A_268 : memref<1x128x32xbf16, #tpu.memory_space<hbm>> -> memref<128x32xbf16, #tpu.memory_space<hbm>>
      %dma_wait3A_270 = arith.constant 0 : i32
      %dma_wait3A_271 = arith.constant 0 : i32
      %dma_wait3A_272 = tpu.memref_slice %arg9[%dma_wait3A_261, %dma_wait3A_270, %dma_wait3A_271] : memref<2x128x32xbf16, #tpu.memory_space<vmem>> -> memref<1x128x32xbf16, #tpu.memory_space<vmem>>
      %dma_wait3A_273 = tpu.memref_squeeze %dma_wait3A_272 : memref<1x128x32xbf16, #tpu.memory_space<vmem>> -> memref<128x32xbf16, #tpu.memory_space<vmem>>
      %dma_wait3A_274 = arith.constant 0 : i32
      %dma_wait3A_275 = arith.constant 0 : i32
      %dma_wait3A_276 = tpu.memref_slice %arg2[%add3A_260, %dma_wait3A_274, %dma_wait3A_275] : memref<25000x128x32xbf16, #tpu.memory_space<hbm>> -> memref<1x128x32xbf16, #tpu.memory_space<hbm>>
      %dma_wait3A_277 = tpu.memref_squeeze %dma_wait3A_276 : memref<1x128x32xbf16, #tpu.memory_space<hbm>> -> memref<128x32xbf16, #tpu.memory_space<hbm>>
      tpu.wait_dma2 semaphore(%arg13 : memref<!tpu.dma_semaphore, #tpu.memory_space<semaphore_mem>>) src(%dma_wait3A_277 : memref<128x32xbf16, #tpu.memory_space<hbm>>) dst(%dma_wait3A_273 : memref<128x32xbf16, #tpu.memory_space<vmem>>)
      %run_scoped3A_278 = arith.constant 1 : i32
      %run_scoped3A_279 = arith.constant 1 : i32
      "tpu.region"() ({
        %run_scoped3A_285 = tpu.sem_alloc : memref<!tpu.dma_semaphore, #tpu.memory_space<semaphore_mem>>
        %dma_start3A_286 = arith.constant 0 : i32
        %dma_start3A_287 = arith.constant 0 : i32
        %dma_start3A_288 = tpu.memref_slice %arg9[%run_scoped3A_278, %dma_start3A_286, %dma_start3A_287] : memref<2x128x32xbf16, #tpu.memory_space<vmem>> -> memref<1x128x32xbf16, #tpu.memory_space<vmem>>
        %dma_start3A_289 = tpu.memref_squeeze %dma_start3A_288 : memref<1x128x32xbf16, #tpu.memory_space<vmem>> -> memref<128x32xbf16, #tpu.memory_space<vmem>>
        %dma_start3A_290 = arith.constant 0 : i32
        %dma_start3A_291 = tpu.memref_slice %arg8[%run_scoped3A_279, %dma_start3A_290] : memref<2x128xi32, #tpu.memory_space<vmem>> -> memref<1x128xi32, #tpu.memory_space<vmem>>
        %dma_start3A_292 = tpu.memref_squeeze %dma_start3A_291 : memref<1x128xi32, #tpu.memory_space<vmem>> -> memref<128xi32, #tpu.memory_space<vmem>>
        %dma_start3A_293 = arith.constant 0 : i32
        %dma_start3A_294 = arith.constant 0 : i32
        %dma_start3A_295 = tpu.memref_slice %arg6[%dma_start3A_293, %dma_start3A_294] : memref<100096x32xbf16, #tpu.memory_space<vmem_shared>> -> memref<100096x32xbf16, #tpu.memory_space<vmem_shared>>
        tpu.enqueue_indirect_dma source(%dma_start3A_289 : memref<128x32xbf16, #tpu.memory_space<vmem>>) target(%dma_start3A_295 : memref<100096x32xbf16, #tpu.memory_space<vmem_shared>>) offsets(%dma_start3A_292 : memref<128xi32, #tpu.memory_space<vmem>>) semaphore(%run_scoped3A_285 : memref<!tpu.dma_semaphore, #tpu.memory_space<semaphore_mem>>) {add = true}
        %dma_wait3A_296 = arith.constant 0 : i32
        %dma_wait3A_297 = arith.constant 0 : i32
        %dma_wait3A_298 = tpu.memref_slice %arg9[%run_scoped3A_278, %dma_wait3A_296, %dma_wait3A_297] : memref<2x128x32xbf16, #tpu.memory_space<vmem>> -> memref<1x128x32xbf16, #tpu.memory_space<vmem>>
        %dma_wait3A_299 = tpu.memref_squeeze %dma_wait3A_298 : memref<1x128x32xbf16, #tpu.memory_space<vmem>> -> memref<128x32xbf16, #tpu.memory_space<vmem>>
        %dma_wait3A_300 = arith.constant 0 : i32
        %dma_wait3A_301 = tpu.memref_slice %arg8[%run_scoped3A_279, %dma_wait3A_300] : memref<2x128xi32, #tpu.memory_space<vmem>> -> memref<1x128xi32, #tpu.memory_space<vmem>>
        %dma_wait3A_302 = tpu.memref_squeeze %dma_wait3A_301 : memref<1x128xi32, #tpu.memory_space<vmem>> -> memref<128xi32, #tpu.memory_space<vmem>>
        %dma_wait3A_303 = arith.constant 0 : i32
        %dma_wait3A_304 = arith.constant 0 : i32
        %dma_wait3A_305 = tpu.memref_slice %arg6[%dma_wait3A_303, %dma_wait3A_304] : memref<100096x32xbf16, #tpu.memory_space<vmem_shared>> -> memref<100096x32xbf16, #tpu.memory_space<vmem_shared>>
        tpu.wait_indirect_dma semaphore(%run_scoped3A_285 : memref<!tpu.dma_semaphore, #tpu.memory_space<semaphore_mem>>) src(%dma_wait3A_299 : memref<128x32xbf16, #tpu.memory_space<vmem>>) dst(%dma_wait3A_305 : memref<100096x32xbf16, #tpu.memory_space<vmem_shared>>)
        tpu.yield
      }) : () -> ()
      %lt3A_280 = arith.constant 388 : i32
      %lt3A_281 = arith.cmpi slt, %add3A_239, %lt3A_280 : i32
      %convert_element_type3A_282 = arith.extui %lt3A_281 : i1 to i32
      %cond3A_283 = arith.constant 0 : i32
      %cond3A_284 = arith.cmpi ne, %convert_element_type3A_282, %cond3A_283 : i32
      scf.if %cond3A_284 {
        %add3A_285 = arith.constant 32 : i32
        %add3A_286 = arith.addi %add3A_244, %add3A_285 : i32
        %dma_start3A_287 = arith.constant 1 : i32
        %dma_start3A_288 = arith.constant 0 : i32
        %dma_start3A_289 = tpu.memref_slice %arg8[%dma_start3A_287, %dma_start3A_288] : memref<2x128xi32, #tpu.memory_space<vmem>> -> memref<1x128xi32, #tpu.memory_space<vmem>>
        %dma_start3A_290 = tpu.memref_squeeze %dma_start3A_289 : memref<1x128xi32, #tpu.memory_space<vmem>> -> memref<128xi32, #tpu.memory_space<vmem>>
        %dma_start3A_291 = arith.constant 0 : i32
        %dma_start3A_292 = tpu.memref_slice %arg3[%add3A_286, %dma_start3A_291] : memref<12500x128xi32, #tpu.memory_space<hbm>> -> memref<1x128xi32, #tpu.memory_space<hbm>>
        %dma_start3A_293 = tpu.memref_squeeze %dma_start3A_292 : memref<1x128xi32, #tpu.memory_space<hbm>> -> memref<128xi32, #tpu.memory_space<hbm>>
        %dma_start3A_294 = arith.constant 0 : i32
        %dma_start3A_295 = tpu.memref_slice %arg8[%dma_start3A_287, %dma_start3A_294] : memref<2x128xi32, #tpu.memory_space<vmem>> -> memref<1x128xi32, #tpu.memory_space<vmem>>
        %dma_start3A_296 = tpu.memref_squeeze %dma_start3A_295 : memref<1x128xi32, #tpu.memory_space<vmem>> -> memref<128xi32, #tpu.memory_space<vmem>>
        %dma_start3A_297 = arith.constant 0 : i32
        %dma_start3A_298 = tpu.memref_slice %arg3[%add3A_286, %dma_start3A_297] : memref<12500x128xi32, #tpu.memory_space<hbm>> -> memref<1x128xi32, #tpu.memory_space<hbm>>
        %dma_start3A_299 = tpu.memref_squeeze %dma_start3A_298 : memref<1x128xi32, #tpu.memory_space<hbm>> -> memref<128xi32, #tpu.memory_space<hbm>>
        tpu.enqueue_dma source(%dma_start3A_299 : memref<128xi32, #tpu.memory_space<hbm>>) target(%dma_start3A_296 : memref<128xi32, #tpu.memory_space<vmem>>) target_semaphore(%arg11 : memref<!tpu.dma_semaphore, #tpu.memory_space<semaphore_mem>>)
        %mul3A_300 = arith.constant 12500 : i32
        %mul3A_301 = arith.muli %arg0, %mul3A_300 : i32
        %add3A_302 = arith.addi %mul3A_301, %add3A_286 : i32
        %dma_start3A_303 = arith.constant 1 : i32
        %dma_start3A_304 = arith.constant 0 : i32
        %dma_start3A_305 = arith.constant 0 : i32
        %dma_start3A_306 = tpu.memref_slice %arg9[%dma_start3A_303, %dma_start3A_304, %dma_start3A_305] : memref<2x128x32xbf16, #tpu.memory_space<vmem>> -> memref<1x128x32xbf16, #tpu.memory_space<vmem>>
        %dma_start3A_307 = tpu.memref_squeeze %dma_start3A_306 : memref<1x128x32xbf16, #tpu.memory_space<vmem>> -> memref<128x32xbf16, #tpu.memory_space<vmem>>
        %dma_start3A_308 = arith.constant 0 : i32
        %dma_start3A_309 = arith.constant 0 : i32
        %dma_start3A_310 = tpu.memref_slice %arg2[%add3A_302, %dma_start3A_308, %dma_start3A_309] : memref<25000x128x32xbf16, #tpu.memory_space<hbm>> -> memref<1x128x32xbf16, #tpu.memory_space<hbm>>
        %dma_start3A_311 = tpu.memref_squeeze %dma_start3A_310 : memref<1x128x32xbf16, #tpu.memory_space<hbm>> -> memref<128x32xbf16, #tpu.memory_space<hbm>>
        %dma_start3A_312 = arith.constant 0 : i32
        %dma_start3A_313 = arith.constant 0 : i32
        %dma_start3A_314 = tpu.memref_slice %arg9[%dma_start3A_303, %dma_start3A_312, %dma_start3A_313] : memref<2x128x32xbf16, #tpu.memory_space<vmem>> -> memref<1x128x32xbf16, #tpu.memory_space<vmem>>
        %dma_start3A_315 = tpu.memref_squeeze %dma_start3A_314 : memref<1x128x32xbf16, #tpu.memory_space<vmem>> -> memref<128x32xbf16, #tpu.memory_space<vmem>>
        %dma_start3A_316 = arith.constant 0 : i32
        %dma_start3A_317 = arith.constant 0 : i32
        %dma_start3A_318 = tpu.memref_slice %arg2[%add3A_302, %dma_start3A_316, %dma_start3A_317] : memref<25000x128x32xbf16, #tpu.memory_space<hbm>> -> memref<1x128x32xbf16, #tpu.memory_space<hbm>>
        %dma_start3A_319 = tpu.memref_squeeze %dma_start3A_318 : memref<1x128x32xbf16, #tpu.memory_space<hbm>> -> memref<128x32xbf16, #tpu.memory_space<hbm>>
        tpu.enqueue_dma source(%dma_start3A_319 : memref<128x32xbf16, #tpu.memory_space<hbm>>) target(%dma_start3A_315 : memref<128x32xbf16, #tpu.memory_space<vmem>>) target_semaphore(%arg13 : memref<!tpu.dma_semaphore, #tpu.memory_space<semaphore_mem>>)
      } else {
      }
    }
    %scan3A_81 = arith.constant 195 : i32
    %lt3A = arith.constant 10 : i32
    %lt3A_82 = arith.cmpi slt, %arg1, %lt3A : i32
    %convert_element_type3A = arith.extui %lt3A_82 : i1 to i32
    %cond3A = arith.constant 0 : i32
    %cond3A_83 = arith.cmpi ne, %convert_element_type3A, %cond3A : i32
    scf.if %cond3A_83 {
      %add3A_188 = arith.constant 6240 : i32
      %add3A_189 = arith.addi %add3A_188, %arg1 : i32
      %run_scoped3A = arith.constant 0 : i32
      "tpu.region"() ({
        %run_scoped3A_196 = tpu.sem_alloc : memref<!tpu.dma_semaphore, #tpu.memory_space<semaphore_mem>>
        %dma_start3A_197 = arith.constant 0 : i32
        %dma_start3A_198 = tpu.memref_slice %arg8[%run_scoped3A, %dma_start3A_197] : memref<2x128xi32, #tpu.memory_space<vmem>> -> memref<1x128xi32, #tpu.memory_space<vmem>>
        %dma_start3A_199 = tpu.memref_squeeze %dma_start3A_198 : memref<1x128xi32, #tpu.memory_space<vmem>> -> memref<128xi32, #tpu.memory_space<vmem>>
        %dma_start3A_200 = arith.constant 0 : i32
        %dma_start3A_201 = tpu.memref_slice %arg3[%add3A_189, %dma_start3A_200] : memref<12500x128xi32, #tpu.memory_space<hbm>> -> memref<1x128xi32, #tpu.memory_space<hbm>>
        %dma_start3A_202 = tpu.memref_squeeze %dma_start3A_201 : memref<1x128xi32, #tpu.memory_space<hbm>> -> memref<128xi32, #tpu.memory_space<hbm>>
        %dma_start3A_203 = arith.constant 0 : i32
        %dma_start3A_204 = tpu.memref_slice %arg8[%run_scoped3A, %dma_start3A_203] : memref<2x128xi32, #tpu.memory_space<vmem>> -> memref<1x128xi32, #tpu.memory_space<vmem>>
        %dma_start3A_205 = tpu.memref_squeeze %dma_start3A_204 : memref<1x128xi32, #tpu.memory_space<vmem>> -> memref<128xi32, #tpu.memory_space<vmem>>
        %dma_start3A_206 = arith.constant 0 : i32
        %dma_start3A_207 = tpu.memref_slice %arg3[%add3A_189, %dma_start3A_206] : memref<12500x128xi32, #tpu.memory_space<hbm>> -> memref<1x128xi32, #tpu.memory_space<hbm>>
        %dma_start3A_208 = tpu.memref_squeeze %dma_start3A_207 : memref<1x128xi32, #tpu.memory_space<hbm>> -> memref<128xi32, #tpu.memory_space<hbm>>
        tpu.enqueue_dma source(%dma_start3A_208 : memref<128xi32, #tpu.memory_space<hbm>>) target(%dma_start3A_205 : memref<128xi32, #tpu.memory_space<vmem>>) target_semaphore(%run_scoped3A_196 : memref<!tpu.dma_semaphore, #tpu.memory_space<semaphore_mem>>)
        %dma_wait3A = arith.constant 0 : i32
        %dma_wait3A_209 = tpu.memref_slice %arg8[%run_scoped3A, %dma_wait3A] : memref<2x128xi32, #tpu.memory_space<vmem>> -> memref<1x128xi32, #tpu.memory_space<vmem>>
        %dma_wait3A_210 = tpu.memref_squeeze %dma_wait3A_209 : memref<1x128xi32, #tpu.memory_space<vmem>> -> memref<128xi32, #tpu.memory_space<vmem>>
        %dma_wait3A_211 = arith.constant 0 : i32
        %dma_wait3A_212 = tpu.memref_slice %arg3[%add3A_189, %dma_wait3A_211] : memref<12500x128xi32, #tpu.memory_space<hbm>> -> memref<1x128xi32, #tpu.memory_space<hbm>>
        %dma_wait3A_213 = tpu.memref_squeeze %dma_wait3A_212 : memref<1x128xi32, #tpu.memory_space<hbm>> -> memref<128xi32, #tpu.memory_space<hbm>>
        %dma_wait3A_214 = arith.constant 0 : i32
        %dma_wait3A_215 = tpu.memref_slice %arg8[%run_scoped3A, %dma_wait3A_214] : memref<2x128xi32, #tpu.memory_space<vmem>> -> memref<1x128xi32, #tpu.memory_space<vmem>>
        %dma_wait3A_216 = tpu.memref_squeeze %dma_wait3A_215 : memref<1x128xi32, #tpu.memory_space<vmem>> -> memref<128xi32, #tpu.memory_space<vmem>>
        %dma_wait3A_217 = arith.constant 0 : i32
        %dma_wait3A_218 = tpu.memref_slice %arg3[%add3A_189, %dma_wait3A_217] : memref<12500x128xi32, #tpu.memory_space<hbm>> -> memref<1x128xi32, #tpu.memory_space<hbm>>
        %dma_wait3A_219 = tpu.memref_squeeze %dma_wait3A_218 : memref<1x128xi32, #tpu.memory_space<hbm>> -> memref<128xi32, #tpu.memory_space<hbm>>
        tpu.wait_dma2 semaphore(%run_scoped3A_196 : memref<!tpu.dma_semaphore, #tpu.memory_space<semaphore_mem>>) src(%dma_wait3A_219 : memref<128xi32, #tpu.memory_space<hbm>>) dst(%dma_wait3A_216 : memref<128xi32, #tpu.memory_space<vmem>>)
        tpu.yield
      }) : () -> ()
      %mul3A_190 = arith.constant 12500 : i32
      %mul3A_191 = arith.muli %arg0, %mul3A_190 : i32
      %add3A_192 = arith.addi %mul3A_191, %add3A_189 : i32
      %run_scoped3A_193 = arith.constant 0 : i32
      "tpu.region"() ({
        %run_scoped3A_196 = tpu.sem_alloc : memref<!tpu.dma_semaphore, #tpu.memory_space<semaphore_mem>>
        %dma_start3A_197 = arith.constant 0 : i32
        %dma_start3A_198 = arith.constant 0 : i32
        %dma_start3A_199 = tpu.memref_slice %arg9[%run_scoped3A_193, %dma_start3A_197, %dma_start3A_198] : memref<2x128x32xbf16, #tpu.memory_space<vmem>> -> memref<1x128x32xbf16, #tpu.memory_space<vmem>>
        %dma_start3A_200 = tpu.memref_squeeze %dma_start3A_199 : memref<1x128x32xbf16, #tpu.memory_space<vmem>> -> memref<128x32xbf16, #tpu.memory_space<vmem>>
        %dma_start3A_201 = arith.constant 0 : i32
        %dma_start3A_202 = arith.constant 0 : i32
        %dma_start3A_203 = tpu.memref_slice %arg2[%add3A_192, %dma_start3A_201, %dma_start3A_202] : memref<25000x128x32xbf16, #tpu.memory_space<hbm>> -> memref<1x128x32xbf16, #tpu.memory_space<hbm>>
        %dma_start3A_204 = tpu.memref_squeeze %dma_start3A_203 : memref<1x128x32xbf16, #tpu.memory_space<hbm>> -> memref<128x32xbf16, #tpu.memory_space<hbm>>
        %dma_start3A_205 = arith.constant 0 : i32
        %dma_start3A_206 = arith.constant 0 : i32
        %dma_start3A_207 = tpu.memref_slice %arg9[%run_scoped3A_193, %dma_start3A_205, %dma_start3A_206] : memref<2x128x32xbf16, #tpu.memory_space<vmem>> -> memref<1x128x32xbf16, #tpu.memory_space<vmem>>
        %dma_start3A_208 = tpu.memref_squeeze %dma_start3A_207 : memref<1x128x32xbf16, #tpu.memory_space<vmem>> -> memref<128x32xbf16, #tpu.memory_space<vmem>>
        %dma_start3A_209 = arith.constant 0 : i32
        %dma_start3A_210 = arith.constant 0 : i32
        %dma_start3A_211 = tpu.memref_slice %arg2[%add3A_192, %dma_start3A_209, %dma_start3A_210] : memref<25000x128x32xbf16, #tpu.memory_space<hbm>> -> memref<1x128x32xbf16, #tpu.memory_space<hbm>>
        %dma_start3A_212 = tpu.memref_squeeze %dma_start3A_211 : memref<1x128x32xbf16, #tpu.memory_space<hbm>> -> memref<128x32xbf16, #tpu.memory_space<hbm>>
        tpu.enqueue_dma source(%dma_start3A_212 : memref<128x32xbf16, #tpu.memory_space<hbm>>) target(%dma_start3A_208 : memref<128x32xbf16, #tpu.memory_space<vmem>>) target_semaphore(%run_scoped3A_196 : memref<!tpu.dma_semaphore, #tpu.memory_space<semaphore_mem>>)
        %dma_wait3A = arith.constant 0 : i32
        %dma_wait3A_213 = arith.constant 0 : i32
        %dma_wait3A_214 = tpu.memref_slice %arg9[%run_scoped3A_193, %dma_wait3A, %dma_wait3A_213] : memref<2x128x32xbf16, #tpu.memory_space<vmem>> -> memref<1x128x32xbf16, #tpu.memory_space<vmem>>
        %dma_wait3A_215 = tpu.memref_squeeze %dma_wait3A_214 : memref<1x128x32xbf16, #tpu.memory_space<vmem>> -> memref<128x32xbf16, #tpu.memory_space<vmem>>
        %dma_wait3A_216 = arith.constant 0 : i32
        %dma_wait3A_217 = arith.constant 0 : i32
        %dma_wait3A_218 = tpu.memref_slice %arg2[%add3A_192, %dma_wait3A_216, %dma_wait3A_217] : memref<25000x128x32xbf16, #tpu.memory_space<hbm>> -> memref<1x128x32xbf16, #tpu.memory_space<hbm>>
        %dma_wait3A_219 = tpu.memref_squeeze %dma_wait3A_218 : memref<1x128x32xbf16, #tpu.memory_space<hbm>> -> memref<128x32xbf16, #tpu.memory_space<hbm>>
        %dma_wait3A_220 = arith.constant 0 : i32
        %dma_wait3A_221 = arith.constant 0 : i32
        %dma_wait3A_222 = tpu.memref_slice %arg9[%run_scoped3A_193, %dma_wait3A_220, %dma_wait3A_221] : memref<2x128x32xbf16, #tpu.memory_space<vmem>> -> memref<1x128x32xbf16, #tpu.memory_space<vmem>>
        %dma_wait3A_223 = tpu.memref_squeeze %dma_wait3A_222 : memref<1x128x32xbf16, #tpu.memory_space<vmem>> -> memref<128x32xbf16, #tpu.memory_space<vmem>>
        %dma_wait3A_224 = arith.constant 0 : i32
        %dma_wait3A_225 = arith.constant 0 : i32
        %dma_wait3A_226 = tpu.memref_slice %arg2[%add3A_192, %dma_wait3A_224, %dma_wait3A_225] : memref<25000x128x32xbf16, #tpu.memory_space<hbm>> -> memref<1x128x32xbf16, #tpu.memory_space<hbm>>
        %dma_wait3A_227 = tpu.memref_squeeze %dma_wait3A_226 : memref<1x128x32xbf16, #tpu.memory_space<hbm>> -> memref<128x32xbf16, #tpu.memory_space<hbm>>
        tpu.wait_dma2 semaphore(%run_scoped3A_196 : memref<!tpu.dma_semaphore, #tpu.memory_space<semaphore_mem>>) src(%dma_wait3A_227 : memref<128x32xbf16, #tpu.memory_space<hbm>>) dst(%dma_wait3A_223 : memref<128x32xbf16, #tpu.memory_space<vmem>>)
        tpu.yield
      }) : () -> ()
      %run_scoped3A_194 = arith.constant 0 : i32
      %run_scoped3A_195 = arith.constant 0 : i32
      "tpu.region"() ({
        %run_scoped3A_196 = tpu.sem_alloc : memref<!tpu.dma_semaphore, #tpu.memory_space<semaphore_mem>>
        %dma_start3A_197 = arith.constant 0 : i32
        %dma_start3A_198 = arith.constant 0 : i32
        %dma_start3A_199 = tpu.memref_slice %arg9[%run_scoped3A_194, %dma_start3A_197, %dma_start3A_198] : memref<2x128x32xbf16, #tpu.memory_space<vmem>> -> memref<1x128x32xbf16, #tpu.memory_space<vmem>>
        %dma_start3A_200 = tpu.memref_squeeze %dma_start3A_199 : memref<1x128x32xbf16, #tpu.memory_space<vmem>> -> memref<128x32xbf16, #tpu.memory_space<vmem>>
        %dma_start3A_201 = arith.constant 0 : i32
        %dma_start3A_202 = tpu.memref_slice %arg8[%run_scoped3A_195, %dma_start3A_201] : memref<2x128xi32, #tpu.memory_space<vmem>> -> memref<1x128xi32, #tpu.memory_space<vmem>>
        %dma_start3A_203 = tpu.memref_squeeze %dma_start3A_202 : memref<1x128xi32, #tpu.memory_space<vmem>> -> memref<128xi32, #tpu.memory_space<vmem>>
        %dma_start3A_204 = arith.constant 0 : i32
        %dma_start3A_205 = arith.constant 0 : i32
        %dma_start3A_206 = tpu.memref_slice %arg6[%dma_start3A_204, %dma_start3A_205] : memref<100096x32xbf16, #tpu.memory_space<vmem_shared>> -> memref<100096x32xbf16, #tpu.memory_space<vmem_shared>>
        tpu.enqueue_indirect_dma source(%dma_start3A_200 : memref<128x32xbf16, #tpu.memory_space<vmem>>) target(%dma_start3A_206 : memref<100096x32xbf16, #tpu.memory_space<vmem_shared>>) offsets(%dma_start3A_203 : memref<128xi32, #tpu.memory_space<vmem>>) semaphore(%run_scoped3A_196 : memref<!tpu.dma_semaphore, #tpu.memory_space<semaphore_mem>>) {add = true}
        %dma_wait3A = arith.constant 0 : i32
        %dma_wait3A_207 = arith.constant 0 : i32
        %dma_wait3A_208 = tpu.memref_slice %arg9[%run_scoped3A_194, %dma_wait3A, %dma_wait3A_207] : memref<2x128x32xbf16, #tpu.memory_space<vmem>> -> memref<1x128x32xbf16, #tpu.memory_space<vmem>>
        %dma_wait3A_209 = tpu.memref_squeeze %dma_wait3A_208 : memref<1x128x32xbf16, #tpu.memory_space<vmem>> -> memref<128x32xbf16, #tpu.memory_space<vmem>>
        %dma_wait3A_210 = arith.constant 0 : i32
        %dma_wait3A_211 = tpu.memref_slice %arg8[%run_scoped3A_195, %dma_wait3A_210] : memref<2x128xi32, #tpu.memory_space<vmem>> -> memref<1x128xi32, #tpu.memory_space<vmem>>
        %dma_wait3A_212 = tpu.memref_squeeze %dma_wait3A_211 : memref<1x128xi32, #tpu.memory_space<vmem>> -> memref<128xi32, #tpu.memory_space<vmem>>
        %dma_wait3A_213 = arith.constant 0 : i32
        %dma_wait3A_214 = arith.constant 0 : i32
        %dma_wait3A_215 = tpu.memref_slice %arg6[%dma_wait3A_213, %dma_wait3A_214] : memref<100096x32xbf16, #tpu.memory_space<vmem_shared>> -> memref<100096x32xbf16, #tpu.memory_space<vmem_shared>>
        tpu.wait_indirect_dma semaphore(%run_scoped3A_196 : memref<!tpu.dma_semaphore, #tpu.memory_space<semaphore_mem>>) src(%dma_wait3A_209 : memref<128x32xbf16, #tpu.memory_space<vmem>>) dst(%dma_wait3A_215 : memref<100096x32xbf16, #tpu.memory_space<vmem_shared>>)
        tpu.yield
      }) : () -> ()
    } else {
    }
    %barrier3A_84 = arith.constant 0 : index
    tpu.barrier barrier_id(%barrier3A_84)
    %scan3A_85 = arith.constant 0 : i32
    %scan3A_86 = arith.constant 17 : i32
    %scan3A_87 = arith.addi %scan3A_85, %scan3A_86 : i32
    %scan3A_88 = arith.constant 1 : i32
    scf.for %scan3A_188 = %scan3A_85 to %scan3A_87 step %scan3A_88  : i32 {
      %mul3A_189 = arith.constant 368 : i32
      %mul3A_190 = arith.muli %scan3A_188, %mul3A_189 : i32
      %add3A_191 = arith.addi %mul3A_0, %mul3A_190 : i32
      "tpu.region"() ({
        %run_scoped3A = tpu.sem_alloc : memref<!tpu.dma_semaphore, #tpu.memory_space<semaphore_mem>>
        %dma_start3A_202 = arith.constant 0 : i32
        %dma_start3A_203 = tpu.memref_slice %arg6[%add3A_191, %dma_start3A_202] : memref<100096x32xbf16, #tpu.memory_space<vmem_shared>> -> memref<368x32xbf16, #tpu.memory_space<vmem_shared>>
        %dma_start3A_204 = arith.constant 0 : i32
        %dma_start3A_205 = tpu.memref_slice %arg6[%add3A_191, %dma_start3A_204] : memref<100096x32xbf16, #tpu.memory_space<vmem_shared>> -> memref<368x32xbf16, #tpu.memory_space<vmem_shared>>
        tpu.enqueue_dma source(%dma_start3A_205 : memref<368x32xbf16, #tpu.memory_space<vmem_shared>>) target(%arg7 : memref<368x32xbf16, #tpu.memory_space<vmem>>) target_semaphore(%run_scoped3A : memref<!tpu.dma_semaphore, #tpu.memory_space<semaphore_mem>>)
        %dma_wait3A = arith.constant 0 : i32
        %dma_wait3A_206 = tpu.memref_slice %arg6[%add3A_191, %dma_wait3A] : memref<100096x32xbf16, #tpu.memory_space<vmem_shared>> -> memref<368x32xbf16, #tpu.memory_space<vmem_shared>>
        %dma_wait3A_207 = arith.constant 0 : i32
        %dma_wait3A_208 = tpu.memref_slice %arg6[%add3A_191, %dma_wait3A_207] : memref<100096x32xbf16, #tpu.memory_space<vmem_shared>> -> memref<368x32xbf16, #tpu.memory_space<vmem_shared>>
        tpu.wait_dma2 semaphore(%run_scoped3A : memref<!tpu.dma_semaphore, #tpu.memory_space<semaphore_mem>>) src(%dma_wait3A_208 : memref<368x32xbf16, #tpu.memory_space<vmem_shared>>) dst(%arg7 : memref<368x32xbf16, #tpu.memory_space<vmem>>)
        tpu.yield
      }) : () -> ()
      %mul3A_192 = arith.constant 2 : i32
      %mul3A_193 = arith.muli %arg0, %mul3A_192 : i32
      %add3A_194 = arith.constant 0 : i32
      %add3A_195 = arith.addi %mul3A_193, %add3A_194 : i32
      %mul3A_196 = arith.constant 100096 : i32
      %mul3A_197 = arith.muli %add3A_195, %mul3A_196 : i32
      %add3A_198 = arith.addi %mul3A_197, %mul3A_0 : i32
      %mul3A_199 = arith.constant 368 : i32
      %mul3A_200 = arith.muli %scan3A_188, %mul3A_199 : i32
      %add3A_201 = arith.addi %add3A_198, %mul3A_200 : i32
      "tpu.region"() ({
        %run_scoped3A = tpu.sem_alloc : memref<!tpu.dma_semaphore, #tpu.memory_space<semaphore_mem>>
        %dma_start3A_202 = arith.constant 0 : i32
        %dma_start3A_203 = tpu.memref_slice %arg5[%add3A_201, %dma_start3A_202] : memref<400384x32xbf16, #tpu.memory_space<hbm>> -> memref<368x32xbf16, #tpu.memory_space<hbm>>
        %dma_start3A_204 = arith.constant 0 : i32
        %dma_start3A_205 = tpu.memref_slice %arg5[%add3A_201, %dma_start3A_204] : memref<400384x32xbf16, #tpu.memory_space<hbm>> -> memref<368x32xbf16, #tpu.memory_space<hbm>>
        tpu.enqueue_dma source(%arg7 : memref<368x32xbf16, #tpu.memory_space<vmem>>) target(%dma_start3A_205 : memref<368x32xbf16, #tpu.memory_space<hbm>>) target_semaphore(%run_scoped3A : memref<!tpu.dma_semaphore, #tpu.memory_space<semaphore_mem>>)
        %dma_wait3A = arith.constant 0 : i32
        %dma_wait3A_206 = tpu.memref_slice %arg5[%add3A_201, %dma_wait3A] : memref<400384x32xbf16, #tpu.memory_space<hbm>> -> memref<368x32xbf16, #tpu.memory_space<hbm>>
        %dma_wait3A_207 = arith.constant 0 : i32
        %dma_wait3A_208 = tpu.memref_slice %arg5[%add3A_201, %dma_wait3A_207] : memref<400384x32xbf16, #tpu.memory_space<hbm>> -> memref<368x32xbf16, #tpu.memory_space<hbm>>
        tpu.wait_dma2 semaphore(%run_scoped3A : memref<!tpu.dma_semaphore, #tpu.memory_space<semaphore_mem>>) src(%arg7 : memref<368x32xbf16, #tpu.memory_space<vmem>>) dst(%dma_wait3A_208 : memref<368x32xbf16, #tpu.memory_space<hbm>>)
        tpu.yield
      }) : () -> ()
    }
    %scan3A_89 = arith.constant 17 : i32
    %barrier3A_90 = arith.constant 0 : index
    tpu.barrier barrier_id(%barrier3A_90)
    %scan3A_91 = arith.constant 0 : i32
    %scan3A_92 = arith.constant 17 : i32
    %scan3A_93 = arith.addi %scan3A_91, %scan3A_92 : i32
    %scan3A_94 = arith.constant 1 : i32
    scf.for %scan3A_188 = %scan3A_91 to %scan3A_93 step %scan3A_94  : i32 {
      "tpu.region"() ({
        %run_scoped3A = tpu.sem_alloc : memref<!tpu.dma_semaphore, #tpu.memory_space<semaphore_mem>>
        tpu.enqueue_dma source(%arg4 : memref<368x32xbf16, #tpu.memory_space<hbm>>) target(%arg7 : memref<368x32xbf16, #tpu.memory_space<vmem>>) target_semaphore(%run_scoped3A : memref<!tpu.dma_semaphore, #tpu.memory_space<semaphore_mem>>)
        tpu.wait_dma2 semaphore(%run_scoped3A : memref<!tpu.dma_semaphore, #tpu.memory_space<semaphore_mem>>) src(%arg4 : memref<368x32xbf16, #tpu.memory_space<hbm>>) dst(%arg7 : memref<368x32xbf16, #tpu.memory_space<vmem>>)
        tpu.yield
      }) : () -> ()
      %mul3A_189 = arith.constant 368 : i32
      %mul3A_190 = arith.muli %scan3A_188, %mul3A_189 : i32
      %add3A_191 = arith.addi %mul3A_0, %mul3A_190 : i32
      "tpu.region"() ({
        %run_scoped3A = tpu.sem_alloc : memref<!tpu.dma_semaphore, #tpu.memory_space<semaphore_mem>>
        %dma_start3A_192 = arith.constant 0 : i32
        %dma_start3A_193 = tpu.memref_slice %arg6[%add3A_191, %dma_start3A_192] : memref<100096x32xbf16, #tpu.memory_space<vmem_shared>> -> memref<368x32xbf16, #tpu.memory_space<vmem_shared>>
        %dma_start3A_194 = arith.constant 0 : i32
        %dma_start3A_195 = tpu.memref_slice %arg6[%add3A_191, %dma_start3A_194] : memref<100096x32xbf16, #tpu.memory_space<vmem_shared>> -> memref<368x32xbf16, #tpu.memory_space<vmem_shared>>
        tpu.enqueue_dma source(%arg7 : memref<368x32xbf16, #tpu.memory_space<vmem>>) target(%dma_start3A_195 : memref<368x32xbf16, #tpu.memory_space<vmem_shared>>) target_semaphore(%run_scoped3A : memref<!tpu.dma_semaphore, #tpu.memory_space<semaphore_mem>>)
        %dma_wait3A = arith.constant 0 : i32
        %dma_wait3A_196 = tpu.memref_slice %arg6[%add3A_191, %dma_wait3A] : memref<100096x32xbf16, #tpu.memory_space<vmem_shared>> -> memref<368x32xbf16, #tpu.memory_space<vmem_shared>>
        %dma_wait3A_197 = arith.constant 0 : i32
        %dma_wait3A_198 = tpu.memref_slice %arg6[%add3A_191, %dma_wait3A_197] : memref<100096x32xbf16, #tpu.memory_space<vmem_shared>> -> memref<368x32xbf16, #tpu.memory_space<vmem_shared>>
        tpu.wait_dma2 semaphore(%run_scoped3A : memref<!tpu.dma_semaphore, #tpu.memory_space<semaphore_mem>>) src(%arg7 : memref<368x32xbf16, #tpu.memory_space<vmem>>) dst(%dma_wait3A_198 : memref<368x32xbf16, #tpu.memory_space<vmem_shared>>)
        tpu.yield
      }) : () -> ()
    }
    %scan3A_95 = arith.constant 17 : i32
    %barrier3A_96 = arith.constant 0 : index
    tpu.barrier barrier_id(%barrier3A_96)
    %add3A_97 = arith.constant 6250 : i32
    %add3A_98 = arith.addi %add3A_97, %arg1 : i32
    %add3A_99 = arith.constant 0 : i32
    %add3A_100 = arith.addi %add3A_98, %add3A_99 : i32
    %dma_start3A_101 = arith.constant 0 : i32
    %dma_start3A_102 = arith.constant 0 : i32
    %dma_start3A_103 = tpu.memref_slice %arg8[%dma_start3A_101, %dma_start3A_102] : memref<2x128xi32, #tpu.memory_space<vmem>> -> memref<1x128xi32, #tpu.memory_space<vmem>>
    %dma_start3A_104 = tpu.memref_squeeze %dma_start3A_103 : memref<1x128xi32, #tpu.memory_space<vmem>> -> memref<128xi32, #tpu.memory_space<vmem>>
    %dma_start3A_105 = arith.constant 0 : i32
    %dma_start3A_106 = tpu.memref_slice %arg3[%add3A_100, %dma_start3A_105] : memref<12500x128xi32, #tpu.memory_space<hbm>> -> memref<1x128xi32, #tpu.memory_space<hbm>>
    %dma_start3A_107 = tpu.memref_squeeze %dma_start3A_106 : memref<1x128xi32, #tpu.memory_space<hbm>> -> memref<128xi32, #tpu.memory_space<hbm>>
    %dma_start3A_108 = arith.constant 0 : i32
    %dma_start3A_109 = tpu.memref_slice %arg8[%dma_start3A_101, %dma_start3A_108] : memref<2x128xi32, #tpu.memory_space<vmem>> -> memref<1x128xi32, #tpu.memory_space<vmem>>
    %dma_start3A_110 = tpu.memref_squeeze %dma_start3A_109 : memref<1x128xi32, #tpu.memory_space<vmem>> -> memref<128xi32, #tpu.memory_space<vmem>>
    %dma_start3A_111 = arith.constant 0 : i32
    %dma_start3A_112 = tpu.memref_slice %arg3[%add3A_100, %dma_start3A_111] : memref<12500x128xi32, #tpu.memory_space<hbm>> -> memref<1x128xi32, #tpu.memory_space<hbm>>
    %dma_start3A_113 = tpu.memref_squeeze %dma_start3A_112 : memref<1x128xi32, #tpu.memory_space<hbm>> -> memref<128xi32, #tpu.memory_space<hbm>>
    tpu.enqueue_dma source(%dma_start3A_113 : memref<128xi32, #tpu.memory_space<hbm>>) target(%dma_start3A_110 : memref<128xi32, #tpu.memory_space<vmem>>) target_semaphore(%arg10 : memref<!tpu.dma_semaphore, #tpu.memory_space<semaphore_mem>>)
    %mul3A_114 = arith.constant 12500 : i32
    %mul3A_115 = arith.muli %arg0, %mul3A_114 : i32
    %add3A_116 = arith.addi %mul3A_115, %add3A_100 : i32
    %dma_start3A_117 = arith.constant 0 : i32
    %dma_start3A_118 = arith.constant 0 : i32
    %dma_start3A_119 = arith.constant 0 : i32
    %dma_start3A_120 = tpu.memref_slice %arg9[%dma_start3A_117, %dma_start3A_118, %dma_start3A_119] : memref<2x128x32xbf16, #tpu.memory_space<vmem>> -> memref<1x128x32xbf16, #tpu.memory_space<vmem>>
    %dma_start3A_121 = tpu.memref_squeeze %dma_start3A_120 : memref<1x128x32xbf16, #tpu.memory_space<vmem>> -> memref<128x32xbf16, #tpu.memory_space<vmem>>
    %dma_start3A_122 = arith.constant 0 : i32
    %dma_start3A_123 = arith.constant 0 : i32
    %dma_start3A_124 = tpu.memref_slice %arg2[%add3A_116, %dma_start3A_122, %dma_start3A_123] : memref<25000x128x32xbf16, #tpu.memory_space<hbm>> -> memref<1x128x32xbf16, #tpu.memory_space<hbm>>
    %dma_start3A_125 = tpu.memref_squeeze %dma_start3A_124 : memref<1x128x32xbf16, #tpu.memory_space<hbm>> -> memref<128x32xbf16, #tpu.memory_space<hbm>>
    %dma_start3A_126 = arith.constant 0 : i32
    %dma_start3A_127 = arith.constant 0 : i32
    %dma_start3A_128 = tpu.memref_slice %arg9[%dma_start3A_117, %dma_start3A_126, %dma_start3A_127] : memref<2x128x32xbf16, #tpu.memory_space<vmem>> -> memref<1x128x32xbf16, #tpu.memory_space<vmem>>
    %dma_start3A_129 = tpu.memref_squeeze %dma_start3A_128 : memref<1x128x32xbf16, #tpu.memory_space<vmem>> -> memref<128x32xbf16, #tpu.memory_space<vmem>>
    %dma_start3A_130 = arith.constant 0 : i32
    %dma_start3A_131 = arith.constant 0 : i32
    %dma_start3A_132 = tpu.memref_slice %arg2[%add3A_116, %dma_start3A_130, %dma_start3A_131] : memref<25000x128x32xbf16, #tpu.memory_space<hbm>> -> memref<1x128x32xbf16, #tpu.memory_space<hbm>>
    %dma_start3A_133 = tpu.memref_squeeze %dma_start3A_132 : memref<1x128x32xbf16, #tpu.memory_space<hbm>> -> memref<128x32xbf16, #tpu.memory_space<hbm>>
    tpu.enqueue_dma source(%dma_start3A_133 : memref<128x32xbf16, #tpu.memory_space<hbm>>) target(%dma_start3A_129 : memref<128x32xbf16, #tpu.memory_space<vmem>>) target_semaphore(%arg12 : memref<!tpu.dma_semaphore, #tpu.memory_space<semaphore_mem>>)
    %add3A_134 = arith.constant 6250 : i32
    %add3A_135 = arith.addi %add3A_134, %arg1 : i32
    %add3A_136 = arith.constant 16 : i32
    %add3A_137 = arith.addi %add3A_135, %add3A_136 : i32
    %dma_start3A_138 = arith.constant 1 : i32
    %dma_start3A_139 = arith.constant 0 : i32
    %dma_start3A_140 = tpu.memref_slice %arg8[%dma_start3A_138, %dma_start3A_139] : memref<2x128xi32, #tpu.memory_space<vmem>> -> memref<1x128xi32, #tpu.memory_space<vmem>>
    %dma_start3A_141 = tpu.memref_squeeze %dma_start3A_140 : memref<1x128xi32, #tpu.memory_space<vmem>> -> memref<128xi32, #tpu.memory_space<vmem>>
    %dma_start3A_142 = arith.constant 0 : i32
    %dma_start3A_143 = tpu.memref_slice %arg3[%add3A_137, %dma_start3A_142] : memref<12500x128xi32, #tpu.memory_space<hbm>> -> memref<1x128xi32, #tpu.memory_space<hbm>>
    %dma_start3A_144 = tpu.memref_squeeze %dma_start3A_143 : memref<1x128xi32, #tpu.memory_space<hbm>> -> memref<128xi32, #tpu.memory_space<hbm>>
    %dma_start3A_145 = arith.constant 0 : i32
    %dma_start3A_146 = tpu.memref_slice %arg8[%dma_start3A_138, %dma_start3A_145] : memref<2x128xi32, #tpu.memory_space<vmem>> -> memref<1x128xi32, #tpu.memory_space<vmem>>
    %dma_start3A_147 = tpu.memref_squeeze %dma_start3A_146 : memref<1x128xi32, #tpu.memory_space<vmem>> -> memref<128xi32, #tpu.memory_space<vmem>>
    %dma_start3A_148 = arith.constant 0 : i32
    %dma_start3A_149 = tpu.memref_slice %arg3[%add3A_137, %dma_start3A_148] : memref<12500x128xi32, #tpu.memory_space<hbm>> -> memref<1x128xi32, #tpu.memory_space<hbm>>
    %dma_start3A_150 = tpu.memref_squeeze %dma_start3A_149 : memref<1x128xi32, #tpu.memory_space<hbm>> -> memref<128xi32, #tpu.memory_space<hbm>>
    tpu.enqueue_dma source(%dma_start3A_150 : memref<128xi32, #tpu.memory_space<hbm>>) target(%dma_start3A_147 : memref<128xi32, #tpu.memory_space<vmem>>) target_semaphore(%arg11 : memref<!tpu.dma_semaphore, #tpu.memory_space<semaphore_mem>>)
    %mul3A_151 = arith.constant 12500 : i32
    %mul3A_152 = arith.muli %arg0, %mul3A_151 : i32
    %add3A_153 = arith.addi %mul3A_152, %add3A_137 : i32
    %dma_start3A_154 = arith.constant 1 : i32
    %dma_start3A_155 = arith.constant 0 : i32
    %dma_start3A_156 = arith.constant 0 : i32
    %dma_start3A_157 = tpu.memref_slice %arg9[%dma_start3A_154, %dma_start3A_155, %dma_start3A_156] : memref<2x128x32xbf16, #tpu.memory_space<vmem>> -> memref<1x128x32xbf16, #tpu.memory_space<vmem>>
    %dma_start3A_158 = tpu.memref_squeeze %dma_start3A_157 : memref<1x128x32xbf16, #tpu.memory_space<vmem>> -> memref<128x32xbf16, #tpu.memory_space<vmem>>
    %dma_start3A_159 = arith.constant 0 : i32
    %dma_start3A_160 = arith.constant 0 : i32
    %dma_start3A_161 = tpu.memref_slice %arg2[%add3A_153, %dma_start3A_159, %dma_start3A_160] : memref<25000x128x32xbf16, #tpu.memory_space<hbm>> -> memref<1x128x32xbf16, #tpu.memory_space<hbm>>
    %dma_start3A_162 = tpu.memref_squeeze %dma_start3A_161 : memref<1x128x32xbf16, #tpu.memory_space<hbm>> -> memref<128x32xbf16, #tpu.memory_space<hbm>>
    %dma_start3A_163 = arith.constant 0 : i32
    %dma_start3A_164 = arith.constant 0 : i32
    %dma_start3A_165 = tpu.memref_slice %arg9[%dma_start3A_154, %dma_start3A_163, %dma_start3A_164] : memref<2x128x32xbf16, #tpu.memory_space<vmem>> -> memref<1x128x32xbf16, #tpu.memory_space<vmem>>
    %dma_start3A_166 = tpu.memref_squeeze %dma_start3A_165 : memref<1x128x32xbf16, #tpu.memory_space<vmem>> -> memref<128x32xbf16, #tpu.memory_space<vmem>>
    %dma_start3A_167 = arith.constant 0 : i32
    %dma_start3A_168 = arith.constant 0 : i32
    %dma_start3A_169 = tpu.memref_slice %arg2[%add3A_153, %dma_start3A_167, %dma_start3A_168] : memref<25000x128x32xbf16, #tpu.memory_space<hbm>> -> memref<1x128x32xbf16, #tpu.memory_space<hbm>>
    %dma_start3A_170 = tpu.memref_squeeze %dma_start3A_169 : memref<1x128x32xbf16, #tpu.memory_space<hbm>> -> memref<128x32xbf16, #tpu.memory_space<hbm>>
    tpu.enqueue_dma source(%dma_start3A_170 : memref<128x32xbf16, #tpu.memory_space<hbm>>) target(%dma_start3A_166 : memref<128x32xbf16, #tpu.memory_space<vmem>>) target_semaphore(%arg13 : memref<!tpu.dma_semaphore, #tpu.memory_space<semaphore_mem>>)
    %scan3A_171 = arith.constant 0 : i32
    %scan3A_172 = arith.constant 195 : i32
    %scan3A_173 = arith.addi %scan3A_171, %scan3A_172 : i32
    %scan3A_174 = arith.constant 1 : i32
    scf.for %scan3A_188 = %scan3A_171 to %scan3A_173 step %scan3A_174  : i32 {
      %mul3A_189 = arith.constant 2 : i32
      %mul3A_190 = arith.muli %mul3A_189, %scan3A_188 : i32
      %add3A_191 = arith.constant 0 : i32
      %add3A_192 = arith.addi %mul3A_190, %add3A_191 : i32
      %add3A_193 = arith.constant 6250 : i32
      %add3A_194 = arith.addi %add3A_193, %arg1 : i32
      %mul3A_195 = arith.constant 16 : i32
      %mul3A_196 = arith.muli %mul3A_195, %add3A_192 : i32
      %add3A_197 = arith.addi %add3A_194, %mul3A_196 : i32
      %dma_wait3A = arith.constant 0 : i32
      %dma_wait3A_198 = arith.constant 0 : i32
      %dma_wait3A_199 = tpu.memref_slice %arg8[%dma_wait3A, %dma_wait3A_198] : memref<2x128xi32, #tpu.memory_space<vmem>> -> memref<1x128xi32, #tpu.memory_space<vmem>>
      %dma_wait3A_200 = tpu.memref_squeeze %dma_wait3A_199 : memref<1x128xi32, #tpu.memory_space<vmem>> -> memref<128xi32, #tpu.memory_space<vmem>>
      %dma_wait3A_201 = arith.constant 0 : i32
      %dma_wait3A_202 = tpu.memref_slice %arg3[%add3A_197, %dma_wait3A_201] : memref<12500x128xi32, #tpu.memory_space<hbm>> -> memref<1x128xi32, #tpu.memory_space<hbm>>
      %dma_wait3A_203 = tpu.memref_squeeze %dma_wait3A_202 : memref<1x128xi32, #tpu.memory_space<hbm>> -> memref<128xi32, #tpu.memory_space<hbm>>
      %dma_wait3A_204 = arith.constant 0 : i32
      %dma_wait3A_205 = tpu.memref_slice %arg8[%dma_wait3A, %dma_wait3A_204] : memref<2x128xi32, #tpu.memory_space<vmem>> -> memref<1x128xi32, #tpu.memory_space<vmem>>
      %dma_wait3A_206 = tpu.memref_squeeze %dma_wait3A_205 : memref<1x128xi32, #tpu.memory_space<vmem>> -> memref<128xi32, #tpu.memory_space<vmem>>
      %dma_wait3A_207 = arith.constant 0 : i32
      %dma_wait3A_208 = tpu.memref_slice %arg3[%add3A_197, %dma_wait3A_207] : memref<12500x128xi32, #tpu.memory_space<hbm>> -> memref<1x128xi32, #tpu.memory_space<hbm>>
      %dma_wait3A_209 = tpu.memref_squeeze %dma_wait3A_208 : memref<1x128xi32, #tpu.memory_space<hbm>> -> memref<128xi32, #tpu.memory_space<hbm>>
      tpu.wait_dma2 semaphore(%arg10 : memref<!tpu.dma_semaphore, #tpu.memory_space<semaphore_mem>>) src(%dma_wait3A_209 : memref<128xi32, #tpu.memory_space<hbm>>) dst(%dma_wait3A_206 : memref<128xi32, #tpu.memory_space<vmem>>)
      %mul3A_210 = arith.constant 12500 : i32
      %mul3A_211 = arith.muli %arg0, %mul3A_210 : i32
      %add3A_212 = arith.addi %mul3A_211, %add3A_197 : i32
      %dma_wait3A_213 = arith.constant 0 : i32
      %dma_wait3A_214 = arith.constant 0 : i32
      %dma_wait3A_215 = arith.constant 0 : i32
      %dma_wait3A_216 = tpu.memref_slice %arg9[%dma_wait3A_213, %dma_wait3A_214, %dma_wait3A_215] : memref<2x128x32xbf16, #tpu.memory_space<vmem>> -> memref<1x128x32xbf16, #tpu.memory_space<vmem>>
      %dma_wait3A_217 = tpu.memref_squeeze %dma_wait3A_216 : memref<1x128x32xbf16, #tpu.memory_space<vmem>> -> memref<128x32xbf16, #tpu.memory_space<vmem>>
      %dma_wait3A_218 = arith.constant 0 : i32
      %dma_wait3A_219 = arith.constant 0 : i32
      %dma_wait3A_220 = tpu.memref_slice %arg2[%add3A_212, %dma_wait3A_218, %dma_wait3A_219] : memref<25000x128x32xbf16, #tpu.memory_space<hbm>> -> memref<1x128x32xbf16, #tpu.memory_space<hbm>>
      %dma_wait3A_221 = tpu.memref_squeeze %dma_wait3A_220 : memref<1x128x32xbf16, #tpu.memory_space<hbm>> -> memref<128x32xbf16, #tpu.memory_space<hbm>>
      %dma_wait3A_222 = arith.constant 0 : i32
      %dma_wait3A_223 = arith.constant 0 : i32
      %dma_wait3A_224 = tpu.memref_slice %arg9[%dma_wait3A_213, %dma_wait3A_222, %dma_wait3A_223] : memref<2x128x32xbf16, #tpu.memory_space<vmem>> -> memref<1x128x32xbf16, #tpu.memory_space<vmem>>
      %dma_wait3A_225 = tpu.memref_squeeze %dma_wait3A_224 : memref<1x128x32xbf16, #tpu.memory_space<vmem>> -> memref<128x32xbf16, #tpu.memory_space<vmem>>
      %dma_wait3A_226 = arith.constant 0 : i32
      %dma_wait3A_227 = arith.constant 0 : i32
      %dma_wait3A_228 = tpu.memref_slice %arg2[%add3A_212, %dma_wait3A_226, %dma_wait3A_227] : memref<25000x128x32xbf16, #tpu.memory_space<hbm>> -> memref<1x128x32xbf16, #tpu.memory_space<hbm>>
      %dma_wait3A_229 = tpu.memref_squeeze %dma_wait3A_228 : memref<1x128x32xbf16, #tpu.memory_space<hbm>> -> memref<128x32xbf16, #tpu.memory_space<hbm>>
      tpu.wait_dma2 semaphore(%arg12 : memref<!tpu.dma_semaphore, #tpu.memory_space<semaphore_mem>>) src(%dma_wait3A_229 : memref<128x32xbf16, #tpu.memory_space<hbm>>) dst(%dma_wait3A_225 : memref<128x32xbf16, #tpu.memory_space<vmem>>)
      %run_scoped3A = arith.constant 0 : i32
      %run_scoped3A_230 = arith.constant 0 : i32
      "tpu.region"() ({
        %run_scoped3A_285 = tpu.sem_alloc : memref<!tpu.dma_semaphore, #tpu.memory_space<semaphore_mem>>
        %dma_start3A_286 = arith.constant 0 : i32
        %dma_start3A_287 = arith.constant 0 : i32
        %dma_start3A_288 = tpu.memref_slice %arg9[%run_scoped3A, %dma_start3A_286, %dma_start3A_287] : memref<2x128x32xbf16, #tpu.memory_space<vmem>> -> memref<1x128x32xbf16, #tpu.memory_space<vmem>>
        %dma_start3A_289 = tpu.memref_squeeze %dma_start3A_288 : memref<1x128x32xbf16, #tpu.memory_space<vmem>> -> memref<128x32xbf16, #tpu.memory_space<vmem>>
        %dma_start3A_290 = arith.constant 0 : i32
        %dma_start3A_291 = tpu.memref_slice %arg8[%run_scoped3A_230, %dma_start3A_290] : memref<2x128xi32, #tpu.memory_space<vmem>> -> memref<1x128xi32, #tpu.memory_space<vmem>>
        %dma_start3A_292 = tpu.memref_squeeze %dma_start3A_291 : memref<1x128xi32, #tpu.memory_space<vmem>> -> memref<128xi32, #tpu.memory_space<vmem>>
        %dma_start3A_293 = arith.constant 0 : i32
        %dma_start3A_294 = arith.constant 0 : i32
        %dma_start3A_295 = tpu.memref_slice %arg6[%dma_start3A_293, %dma_start3A_294] : memref<100096x32xbf16, #tpu.memory_space<vmem_shared>> -> memref<100096x32xbf16, #tpu.memory_space<vmem_shared>>
        tpu.enqueue_indirect_dma source(%dma_start3A_289 : memref<128x32xbf16, #tpu.memory_space<vmem>>) target(%dma_start3A_295 : memref<100096x32xbf16, #tpu.memory_space<vmem_shared>>) offsets(%dma_start3A_292 : memref<128xi32, #tpu.memory_space<vmem>>) semaphore(%run_scoped3A_285 : memref<!tpu.dma_semaphore, #tpu.memory_space<semaphore_mem>>) {add = true}
        %dma_wait3A_296 = arith.constant 0 : i32
        %dma_wait3A_297 = arith.constant 0 : i32
        %dma_wait3A_298 = tpu.memref_slice %arg9[%run_scoped3A, %dma_wait3A_296, %dma_wait3A_297] : memref<2x128x32xbf16, #tpu.memory_space<vmem>> -> memref<1x128x32xbf16, #tpu.memory_space<vmem>>
        %dma_wait3A_299 = tpu.memref_squeeze %dma_wait3A_298 : memref<1x128x32xbf16, #tpu.memory_space<vmem>> -> memref<128x32xbf16, #tpu.memory_space<vmem>>
        %dma_wait3A_300 = arith.constant 0 : i32
        %dma_wait3A_301 = tpu.memref_slice %arg8[%run_scoped3A_230, %dma_wait3A_300] : memref<2x128xi32, #tpu.memory_space<vmem>> -> memref<1x128xi32, #tpu.memory_space<vmem>>
        %dma_wait3A_302 = tpu.memref_squeeze %dma_wait3A_301 : memref<1x128xi32, #tpu.memory_space<vmem>> -> memref<128xi32, #tpu.memory_space<vmem>>
        %dma_wait3A_303 = arith.constant 0 : i32
        %dma_wait3A_304 = arith.constant 0 : i32
        %dma_wait3A_305 = tpu.memref_slice %arg6[%dma_wait3A_303, %dma_wait3A_304] : memref<100096x32xbf16, #tpu.memory_space<vmem_shared>> -> memref<100096x32xbf16, #tpu.memory_space<vmem_shared>>
        tpu.wait_indirect_dma semaphore(%run_scoped3A_285 : memref<!tpu.dma_semaphore, #tpu.memory_space<semaphore_mem>>) src(%dma_wait3A_299 : memref<128x32xbf16, #tpu.memory_space<vmem>>) dst(%dma_wait3A_305 : memref<100096x32xbf16, #tpu.memory_space<vmem_shared>>)
        tpu.yield
      }) : () -> ()
      %lt3A_231 = arith.constant 388 : i32
      %lt3A_232 = arith.cmpi slt, %add3A_192, %lt3A_231 : i32
      %convert_element_type3A_233 = arith.extui %lt3A_232 : i1 to i32
      %cond3A_234 = arith.constant 0 : i32
      %cond3A_235 = arith.cmpi ne, %convert_element_type3A_233, %cond3A_234 : i32
      scf.if %cond3A_235 {
        %add3A_285 = arith.constant 32 : i32
        %add3A_286 = arith.addi %add3A_197, %add3A_285 : i32
        %dma_start3A_287 = arith.constant 0 : i32
        %dma_start3A_288 = arith.constant 0 : i32
        %dma_start3A_289 = tpu.memref_slice %arg8[%dma_start3A_287, %dma_start3A_288] : memref<2x128xi32, #tpu.memory_space<vmem>> -> memref<1x128xi32, #tpu.memory_space<vmem>>
        %dma_start3A_290 = tpu.memref_squeeze %dma_start3A_289 : memref<1x128xi32, #tpu.memory_space<vmem>> -> memref<128xi32, #tpu.memory_space<vmem>>
        %dma_start3A_291 = arith.constant 0 : i32
        %dma_start3A_292 = tpu.memref_slice %arg3[%add3A_286, %dma_start3A_291] : memref<12500x128xi32, #tpu.memory_space<hbm>> -> memref<1x128xi32, #tpu.memory_space<hbm>>
        %dma_start3A_293 = tpu.memref_squeeze %dma_start3A_292 : memref<1x128xi32, #tpu.memory_space<hbm>> -> memref<128xi32, #tpu.memory_space<hbm>>
        %dma_start3A_294 = arith.constant 0 : i32
        %dma_start3A_295 = tpu.memref_slice %arg8[%dma_start3A_287, %dma_start3A_294] : memref<2x128xi32, #tpu.memory_space<vmem>> -> memref<1x128xi32, #tpu.memory_space<vmem>>
        %dma_start3A_296 = tpu.memref_squeeze %dma_start3A_295 : memref<1x128xi32, #tpu.memory_space<vmem>> -> memref<128xi32, #tpu.memory_space<vmem>>
        %dma_start3A_297 = arith.constant 0 : i32
        %dma_start3A_298 = tpu.memref_slice %arg3[%add3A_286, %dma_start3A_297] : memref<12500x128xi32, #tpu.memory_space<hbm>> -> memref<1x128xi32, #tpu.memory_space<hbm>>
        %dma_start3A_299 = tpu.memref_squeeze %dma_start3A_298 : memref<1x128xi32, #tpu.memory_space<hbm>> -> memref<128xi32, #tpu.memory_space<hbm>>
        tpu.enqueue_dma source(%dma_start3A_299 : memref<128xi32, #tpu.memory_space<hbm>>) target(%dma_start3A_296 : memref<128xi32, #tpu.memory_space<vmem>>) target_semaphore(%arg10 : memref<!tpu.dma_semaphore, #tpu.memory_space<semaphore_mem>>)
        %mul3A_300 = arith.constant 12500 : i32
        %mul3A_301 = arith.muli %arg0, %mul3A_300 : i32
        %add3A_302 = arith.addi %mul3A_301, %add3A_286 : i32
        %dma_start3A_303 = arith.constant 0 : i32
        %dma_start3A_304 = arith.constant 0 : i32
        %dma_start3A_305 = arith.constant 0 : i32
        %dma_start3A_306 = tpu.memref_slice %arg9[%dma_start3A_303, %dma_start3A_304, %dma_start3A_305] : memref<2x128x32xbf16, #tpu.memory_space<vmem>> -> memref<1x128x32xbf16, #tpu.memory_space<vmem>>
        %dma_start3A_307 = tpu.memref_squeeze %dma_start3A_306 : memref<1x128x32xbf16, #tpu.memory_space<vmem>> -> memref<128x32xbf16, #tpu.memory_space<vmem>>
        %dma_start3A_308 = arith.constant 0 : i32
        %dma_start3A_309 = arith.constant 0 : i32
        %dma_start3A_310 = tpu.memref_slice %arg2[%add3A_302, %dma_start3A_308, %dma_start3A_309] : memref<25000x128x32xbf16, #tpu.memory_space<hbm>> -> memref<1x128x32xbf16, #tpu.memory_space<hbm>>
        %dma_start3A_311 = tpu.memref_squeeze %dma_start3A_310 : memref<1x128x32xbf16, #tpu.memory_space<hbm>> -> memref<128x32xbf16, #tpu.memory_space<hbm>>
        %dma_start3A_312 = arith.constant 0 : i32
        %dma_start3A_313 = arith.constant 0 : i32
        %dma_start3A_314 = tpu.memref_slice %arg9[%dma_start3A_303, %dma_start3A_312, %dma_start3A_313] : memref<2x128x32xbf16, #tpu.memory_space<vmem>> -> memref<1x128x32xbf16, #tpu.memory_space<vmem>>
        %dma_start3A_315 = tpu.memref_squeeze %dma_start3A_314 : memref<1x128x32xbf16, #tpu.memory_space<vmem>> -> memref<128x32xbf16, #tpu.memory_space<vmem>>
        %dma_start3A_316 = arith.constant 0 : i32
        %dma_start3A_317 = arith.constant 0 : i32
        %dma_start3A_318 = tpu.memref_slice %arg2[%add3A_302, %dma_start3A_316, %dma_start3A_317] : memref<25000x128x32xbf16, #tpu.memory_space<hbm>> -> memref<1x128x32xbf16, #tpu.memory_space<hbm>>
        %dma_start3A_319 = tpu.memref_squeeze %dma_start3A_318 : memref<1x128x32xbf16, #tpu.memory_space<hbm>> -> memref<128x32xbf16, #tpu.memory_space<hbm>>
        tpu.enqueue_dma source(%dma_start3A_319 : memref<128x32xbf16, #tpu.memory_space<hbm>>) target(%dma_start3A_315 : memref<128x32xbf16, #tpu.memory_space<vmem>>) target_semaphore(%arg12 : memref<!tpu.dma_semaphore, #tpu.memory_space<semaphore_mem>>)
      } else {
      }
      %mul3A_236 = arith.constant 2 : i32
      %mul3A_237 = arith.muli %mul3A_236, %scan3A_188 : i32
      %add3A_238 = arith.constant 1 : i32
      %add3A_239 = arith.addi %mul3A_237, %add3A_238 : i32
      %add3A_240 = arith.constant 6250 : i32
      %add3A_241 = arith.addi %add3A_240, %arg1 : i32
      %mul3A_242 = arith.constant 16 : i32
      %mul3A_243 = arith.muli %mul3A_242, %add3A_239 : i32
      %add3A_244 = arith.addi %add3A_241, %mul3A_243 : i32
      %dma_wait3A_245 = arith.constant 1 : i32
      %dma_wait3A_246 = arith.constant 0 : i32
      %dma_wait3A_247 = tpu.memref_slice %arg8[%dma_wait3A_245, %dma_wait3A_246] : memref<2x128xi32, #tpu.memory_space<vmem>> -> memref<1x128xi32, #tpu.memory_space<vmem>>
      %dma_wait3A_248 = tpu.memref_squeeze %dma_wait3A_247 : memref<1x128xi32, #tpu.memory_space<vmem>> -> memref<128xi32, #tpu.memory_space<vmem>>
      %dma_wait3A_249 = arith.constant 0 : i32
      %dma_wait3A_250 = tpu.memref_slice %arg3[%add3A_244, %dma_wait3A_249] : memref<12500x128xi32, #tpu.memory_space<hbm>> -> memref<1x128xi32, #tpu.memory_space<hbm>>
      %dma_wait3A_251 = tpu.memref_squeeze %dma_wait3A_250 : memref<1x128xi32, #tpu.memory_space<hbm>> -> memref<128xi32, #tpu.memory_space<hbm>>
      %dma_wait3A_252 = arith.constant 0 : i32
      %dma_wait3A_253 = tpu.memref_slice %arg8[%dma_wait3A_245, %dma_wait3A_252] : memref<2x128xi32, #tpu.memory_space<vmem>> -> memref<1x128xi32, #tpu.memory_space<vmem>>
      %dma_wait3A_254 = tpu.memref_squeeze %dma_wait3A_253 : memref<1x128xi32, #tpu.memory_space<vmem>> -> memref<128xi32, #tpu.memory_space<vmem>>
      %dma_wait3A_255 = arith.constant 0 : i32
      %dma_wait3A_256 = tpu.memref_slice %arg3[%add3A_244, %dma_wait3A_255] : memref<12500x128xi32, #tpu.memory_space<hbm>> -> memref<1x128xi32, #tpu.memory_space<hbm>>
      %dma_wait3A_257 = tpu.memref_squeeze %dma_wait3A_256 : memref<1x128xi32, #tpu.memory_space<hbm>> -> memref<128xi32, #tpu.memory_space<hbm>>
      tpu.wait_dma2 semaphore(%arg11 : memref<!tpu.dma_semaphore, #tpu.memory_space<semaphore_mem>>) src(%dma_wait3A_257 : memref<128xi32, #tpu.memory_space<hbm>>) dst(%dma_wait3A_254 : memref<128xi32, #tpu.memory_space<vmem>>)
      %mul3A_258 = arith.constant 12500 : i32
      %mul3A_259 = arith.muli %arg0, %mul3A_258 : i32
      %add3A_260 = arith.addi %mul3A_259, %add3A_244 : i32
      %dma_wait3A_261 = arith.constant 1 : i32
      %dma_wait3A_262 = arith.constant 0 : i32
      %dma_wait3A_263 = arith.constant 0 : i32
      %dma_wait3A_264 = tpu.memref_slice %arg9[%dma_wait3A_261, %dma_wait3A_262, %dma_wait3A_263] : memref<2x128x32xbf16, #tpu.memory_space<vmem>> -> memref<1x128x32xbf16, #tpu.memory_space<vmem>>
      %dma_wait3A_265 = tpu.memref_squeeze %dma_wait3A_264 : memref<1x128x32xbf16, #tpu.memory_space<vmem>> -> memref<128x32xbf16, #tpu.memory_space<vmem>>
      %dma_wait3A_266 = arith.constant 0 : i32
      %dma_wait3A_267 = arith.constant 0 : i32
      %dma_wait3A_268 = tpu.memref_slice %arg2[%add3A_260, %dma_wait3A_266, %dma_wait3A_267] : memref<25000x128x32xbf16, #tpu.memory_space<hbm>> -> memref<1x128x32xbf16, #tpu.memory_space<hbm>>
      %dma_wait3A_269 = tpu.memref_squeeze %dma_wait3A_268 : memref<1x128x32xbf16, #tpu.memory_space<hbm>> -> memref<128x32xbf16, #tpu.memory_space<hbm>>
      %dma_wait3A_270 = arith.constant 0 : i32
      %dma_wait3A_271 = arith.constant 0 : i32
      %dma_wait3A_272 = tpu.memref_slice %arg9[%dma_wait3A_261, %dma_wait3A_270, %dma_wait3A_271] : memref<2x128x32xbf16, #tpu.memory_space<vmem>> -> memref<1x128x32xbf16, #tpu.memory_space<vmem>>
      %dma_wait3A_273 = tpu.memref_squeeze %dma_wait3A_272 : memref<1x128x32xbf16, #tpu.memory_space<vmem>> -> memref<128x32xbf16, #tpu.memory_space<vmem>>
      %dma_wait3A_274 = arith.constant 0 : i32
      %dma_wait3A_275 = arith.constant 0 : i32
      %dma_wait3A_276 = tpu.memref_slice %arg2[%add3A_260, %dma_wait3A_274, %dma_wait3A_275] : memref<25000x128x32xbf16, #tpu.memory_space<hbm>> -> memref<1x128x32xbf16, #tpu.memory_space<hbm>>
      %dma_wait3A_277 = tpu.memref_squeeze %dma_wait3A_276 : memref<1x128x32xbf16, #tpu.memory_space<hbm>> -> memref<128x32xbf16, #tpu.memory_space<hbm>>
      tpu.wait_dma2 semaphore(%arg13 : memref<!tpu.dma_semaphore, #tpu.memory_space<semaphore_mem>>) src(%dma_wait3A_277 : memref<128x32xbf16, #tpu.memory_space<hbm>>) dst(%dma_wait3A_273 : memref<128x32xbf16, #tpu.memory_space<vmem>>)
      %run_scoped3A_278 = arith.constant 1 : i32
      %run_scoped3A_279 = arith.constant 1 : i32
      "tpu.region"() ({
        %run_scoped3A_285 = tpu.sem_alloc : memref<!tpu.dma_semaphore, #tpu.memory_space<semaphore_mem>>
        %dma_start3A_286 = arith.constant 0 : i32
        %dma_start3A_287 = arith.constant 0 : i32
        %dma_start3A_288 = tpu.memref_slice %arg9[%run_scoped3A_278, %dma_start3A_286, %dma_start3A_287] : memref<2x128x32xbf16, #tpu.memory_space<vmem>> -> memref<1x128x32xbf16, #tpu.memory_space<vmem>>
        %dma_start3A_289 = tpu.memref_squeeze %dma_start3A_288 : memref<1x128x32xbf16, #tpu.memory_space<vmem>> -> memref<128x32xbf16, #tpu.memory_space<vmem>>
        %dma_start3A_290 = arith.constant 0 : i32
        %dma_start3A_291 = tpu.memref_slice %arg8[%run_scoped3A_279, %dma_start3A_290] : memref<2x128xi32, #tpu.memory_space<vmem>> -> memref<1x128xi32, #tpu.memory_space<vmem>>
        %dma_start3A_292 = tpu.memref_squeeze %dma_start3A_291 : memref<1x128xi32, #tpu.memory_space<vmem>> -> memref<128xi32, #tpu.memory_space<vmem>>
        %dma_start3A_293 = arith.constant 0 : i32
        %dma_start3A_294 = arith.constant 0 : i32
        %dma_start3A_295 = tpu.memref_slice %arg6[%dma_start3A_293, %dma_start3A_294] : memref<100096x32xbf16, #tpu.memory_space<vmem_shared>> -> memref<100096x32xbf16, #tpu.memory_space<vmem_shared>>
        tpu.enqueue_indirect_dma source(%dma_start3A_289 : memref<128x32xbf16, #tpu.memory_space<vmem>>) target(%dma_start3A_295 : memref<100096x32xbf16, #tpu.memory_space<vmem_shared>>) offsets(%dma_start3A_292 : memref<128xi32, #tpu.memory_space<vmem>>) semaphore(%run_scoped3A_285 : memref<!tpu.dma_semaphore, #tpu.memory_space<semaphore_mem>>) {add = true}
        %dma_wait3A_296 = arith.constant 0 : i32
        %dma_wait3A_297 = arith.constant 0 : i32
        %dma_wait3A_298 = tpu.memref_slice %arg9[%run_scoped3A_278, %dma_wait3A_296, %dma_wait3A_297] : memref<2x128x32xbf16, #tpu.memory_space<vmem>> -> memref<1x128x32xbf16, #tpu.memory_space<vmem>>
        %dma_wait3A_299 = tpu.memref_squeeze %dma_wait3A_298 : memref<1x128x32xbf16, #tpu.memory_space<vmem>> -> memref<128x32xbf16, #tpu.memory_space<vmem>>
        %dma_wait3A_300 = arith.constant 0 : i32
        %dma_wait3A_301 = tpu.memref_slice %arg8[%run_scoped3A_279, %dma_wait3A_300] : memref<2x128xi32, #tpu.memory_space<vmem>> -> memref<1x128xi32, #tpu.memory_space<vmem>>
        %dma_wait3A_302 = tpu.memref_squeeze %dma_wait3A_301 : memref<1x128xi32, #tpu.memory_space<vmem>> -> memref<128xi32, #tpu.memory_space<vmem>>
        %dma_wait3A_303 = arith.constant 0 : i32
        %dma_wait3A_304 = arith.constant 0 : i32
        %dma_wait3A_305 = tpu.memref_slice %arg6[%dma_wait3A_303, %dma_wait3A_304] : memref<100096x32xbf16, #tpu.memory_space<vmem_shared>> -> memref<100096x32xbf16, #tpu.memory_space<vmem_shared>>
        tpu.wait_indirect_dma semaphore(%run_scoped3A_285 : memref<!tpu.dma_semaphore, #tpu.memory_space<semaphore_mem>>) src(%dma_wait3A_299 : memref<128x32xbf16, #tpu.memory_space<vmem>>) dst(%dma_wait3A_305 : memref<100096x32xbf16, #tpu.memory_space<vmem_shared>>)
        tpu.yield
      }) : () -> ()
      %lt3A_280 = arith.constant 388 : i32
      %lt3A_281 = arith.cmpi slt, %add3A_239, %lt3A_280 : i32
      %convert_element_type3A_282 = arith.extui %lt3A_281 : i1 to i32
      %cond3A_283 = arith.constant 0 : i32
      %cond3A_284 = arith.cmpi ne, %convert_element_type3A_282, %cond3A_283 : i32
      scf.if %cond3A_284 {
        %add3A_285 = arith.constant 32 : i32
        %add3A_286 = arith.addi %add3A_244, %add3A_285 : i32
        %dma_start3A_287 = arith.constant 1 : i32
        %dma_start3A_288 = arith.constant 0 : i32
        %dma_start3A_289 = tpu.memref_slice %arg8[%dma_start3A_287, %dma_start3A_288] : memref<2x128xi32, #tpu.memory_space<vmem>> -> memref<1x128xi32, #tpu.memory_space<vmem>>
        %dma_start3A_290 = tpu.memref_squeeze %dma_start3A_289 : memref<1x128xi32, #tpu.memory_space<vmem>> -> memref<128xi32, #tpu.memory_space<vmem>>
        %dma_start3A_291 = arith.constant 0 : i32
        %dma_start3A_292 = tpu.memref_slice %arg3[%add3A_286, %dma_start3A_291] : memref<12500x128xi32, #tpu.memory_space<hbm>> -> memref<1x128xi32, #tpu.memory_space<hbm>>
        %dma_start3A_293 = tpu.memref_squeeze %dma_start3A_292 : memref<1x128xi32, #tpu.memory_space<hbm>> -> memref<128xi32, #tpu.memory_space<hbm>>
        %dma_start3A_294 = arith.constant 0 : i32
        %dma_start3A_295 = tpu.memref_slice %arg8[%dma_start3A_287, %dma_start3A_294] : memref<2x128xi32, #tpu.memory_space<vmem>> -> memref<1x128xi32, #tpu.memory_space<vmem>>
        %dma_start3A_296 = tpu.memref_squeeze %dma_start3A_295 : memref<1x128xi32, #tpu.memory_space<vmem>> -> memref<128xi32, #tpu.memory_space<vmem>>
        %dma_start3A_297 = arith.constant 0 : i32
        %dma_start3A_298 = tpu.memref_slice %arg3[%add3A_286, %dma_start3A_297] : memref<12500x128xi32, #tpu.memory_space<hbm>> -> memref<1x128xi32, #tpu.memory_space<hbm>>
        %dma_start3A_299 = tpu.memref_squeeze %dma_start3A_298 : memref<1x128xi32, #tpu.memory_space<hbm>> -> memref<128xi32, #tpu.memory_space<hbm>>
        tpu.enqueue_dma source(%dma_start3A_299 : memref<128xi32, #tpu.memory_space<hbm>>) target(%dma_start3A_296 : memref<128xi32, #tpu.memory_space<vmem>>) target_semaphore(%arg11 : memref<!tpu.dma_semaphore, #tpu.memory_space<semaphore_mem>>)
        %mul3A_300 = arith.constant 12500 : i32
        %mul3A_301 = arith.muli %arg0, %mul3A_300 : i32
        %add3A_302 = arith.addi %mul3A_301, %add3A_286 : i32
        %dma_start3A_303 = arith.constant 1 : i32
        %dma_start3A_304 = arith.constant 0 : i32
        %dma_start3A_305 = arith.constant 0 : i32
        %dma_start3A_306 = tpu.memref_slice %arg9[%dma_start3A_303, %dma_start3A_304, %dma_start3A_305] : memref<2x128x32xbf16, #tpu.memory_space<vmem>> -> memref<1x128x32xbf16, #tpu.memory_space<vmem>>
        %dma_start3A_307 = tpu.memref_squeeze %dma_start3A_306 : memref<1x128x32xbf16, #tpu.memory_space<vmem>> -> memref<128x32xbf16, #tpu.memory_space<vmem>>
        %dma_start3A_308 = arith.constant 0 : i32
        %dma_start3A_309 = arith.constant 0 : i32
        %dma_start3A_310 = tpu.memref_slice %arg2[%add3A_302, %dma_start3A_308, %dma_start3A_309] : memref<25000x128x32xbf16, #tpu.memory_space<hbm>> -> memref<1x128x32xbf16, #tpu.memory_space<hbm>>
        %dma_start3A_311 = tpu.memref_squeeze %dma_start3A_310 : memref<1x128x32xbf16, #tpu.memory_space<hbm>> -> memref<128x32xbf16, #tpu.memory_space<hbm>>
        %dma_start3A_312 = arith.constant 0 : i32
        %dma_start3A_313 = arith.constant 0 : i32
        %dma_start3A_314 = tpu.memref_slice %arg9[%dma_start3A_303, %dma_start3A_312, %dma_start3A_313] : memref<2x128x32xbf16, #tpu.memory_space<vmem>> -> memref<1x128x32xbf16, #tpu.memory_space<vmem>>
        %dma_start3A_315 = tpu.memref_squeeze %dma_start3A_314 : memref<1x128x32xbf16, #tpu.memory_space<vmem>> -> memref<128x32xbf16, #tpu.memory_space<vmem>>
        %dma_start3A_316 = arith.constant 0 : i32
        %dma_start3A_317 = arith.constant 0 : i32
        %dma_start3A_318 = tpu.memref_slice %arg2[%add3A_302, %dma_start3A_316, %dma_start3A_317] : memref<25000x128x32xbf16, #tpu.memory_space<hbm>> -> memref<1x128x32xbf16, #tpu.memory_space<hbm>>
        %dma_start3A_319 = tpu.memref_squeeze %dma_start3A_318 : memref<1x128x32xbf16, #tpu.memory_space<hbm>> -> memref<128x32xbf16, #tpu.memory_space<hbm>>
        tpu.enqueue_dma source(%dma_start3A_319 : memref<128x32xbf16, #tpu.memory_space<hbm>>) target(%dma_start3A_315 : memref<128x32xbf16, #tpu.memory_space<vmem>>) target_semaphore(%arg13 : memref<!tpu.dma_semaphore, #tpu.memory_space<semaphore_mem>>)
      } else {
      }
    }
    %scan3A_175 = arith.constant 195 : i32
    %lt3A_176 = arith.constant 10 : i32
    %lt3A_177 = arith.cmpi slt, %arg1, %lt3A_176 : i32
    %convert_element_type3A_178 = arith.extui %lt3A_177 : i1 to i32
    %cond3A_179 = arith.constant 0 : i32
    %cond3A_180 = arith.cmpi ne, %convert_element_type3A_178, %cond3A_179 : i32
    scf.if %cond3A_180 {
      %add3A_188 = arith.constant 12490 : i32
      %add3A_189 = arith.addi %add3A_188, %arg1 : i32
      %run_scoped3A = arith.constant 0 : i32
      "tpu.region"() ({
        %run_scoped3A_196 = tpu.sem_alloc : memref<!tpu.dma_semaphore, #tpu.memory_space<semaphore_mem>>
        %dma_start3A_197 = arith.constant 0 : i32
        %dma_start3A_198 = tpu.memref_slice %arg8[%run_scoped3A, %dma_start3A_197] : memref<2x128xi32, #tpu.memory_space<vmem>> -> memref<1x128xi32, #tpu.memory_space<vmem>>
        %dma_start3A_199 = tpu.memref_squeeze %dma_start3A_198 : memref<1x128xi32, #tpu.memory_space<vmem>> -> memref<128xi32, #tpu.memory_space<vmem>>
        %dma_start3A_200 = arith.constant 0 : i32
        %dma_start3A_201 = tpu.memref_slice %arg3[%add3A_189, %dma_start3A_200] : memref<12500x128xi32, #tpu.memory_space<hbm>> -> memref<1x128xi32, #tpu.memory_space<hbm>>
        %dma_start3A_202 = tpu.memref_squeeze %dma_start3A_201 : memref<1x128xi32, #tpu.memory_space<hbm>> -> memref<128xi32, #tpu.memory_space<hbm>>
        %dma_start3A_203 = arith.constant 0 : i32
        %dma_start3A_204 = tpu.memref_slice %arg8[%run_scoped3A, %dma_start3A_203] : memref<2x128xi32, #tpu.memory_space<vmem>> -> memref<1x128xi32, #tpu.memory_space<vmem>>
        %dma_start3A_205 = tpu.memref_squeeze %dma_start3A_204 : memref<1x128xi32, #tpu.memory_space<vmem>> -> memref<128xi32, #tpu.memory_space<vmem>>
        %dma_start3A_206 = arith.constant 0 : i32
        %dma_start3A_207 = tpu.memref_slice %arg3[%add3A_189, %dma_start3A_206] : memref<12500x128xi32, #tpu.memory_space<hbm>> -> memref<1x128xi32, #tpu.memory_space<hbm>>
        %dma_start3A_208 = tpu.memref_squeeze %dma_start3A_207 : memref<1x128xi32, #tpu.memory_space<hbm>> -> memref<128xi32, #tpu.memory_space<hbm>>
        tpu.enqueue_dma source(%dma_start3A_208 : memref<128xi32, #tpu.memory_space<hbm>>) target(%dma_start3A_205 : memref<128xi32, #tpu.memory_space<vmem>>) target_semaphore(%run_scoped3A_196 : memref<!tpu.dma_semaphore, #tpu.memory_space<semaphore_mem>>)
        %dma_wait3A = arith.constant 0 : i32
        %dma_wait3A_209 = tpu.memref_slice %arg8[%run_scoped3A, %dma_wait3A] : memref<2x128xi32, #tpu.memory_space<vmem>> -> memref<1x128xi32, #tpu.memory_space<vmem>>
        %dma_wait3A_210 = tpu.memref_squeeze %dma_wait3A_209 : memref<1x128xi32, #tpu.memory_space<vmem>> -> memref<128xi32, #tpu.memory_space<vmem>>
        %dma_wait3A_211 = arith.constant 0 : i32
        %dma_wait3A_212 = tpu.memref_slice %arg3[%add3A_189, %dma_wait3A_211] : memref<12500x128xi32, #tpu.memory_space<hbm>> -> memref<1x128xi32, #tpu.memory_space<hbm>>
        %dma_wait3A_213 = tpu.memref_squeeze %dma_wait3A_212 : memref<1x128xi32, #tpu.memory_space<hbm>> -> memref<128xi32, #tpu.memory_space<hbm>>
        %dma_wait3A_214 = arith.constant 0 : i32
        %dma_wait3A_215 = tpu.memref_slice %arg8[%run_scoped3A, %dma_wait3A_214] : memref<2x128xi32, #tpu.memory_space<vmem>> -> memref<1x128xi32, #tpu.memory_space<vmem>>
        %dma_wait3A_216 = tpu.memref_squeeze %dma_wait3A_215 : memref<1x128xi32, #tpu.memory_space<vmem>> -> memref<128xi32, #tpu.memory_space<vmem>>
        %dma_wait3A_217 = arith.constant 0 : i32
        %dma_wait3A_218 = tpu.memref_slice %arg3[%add3A_189, %dma_wait3A_217] : memref<12500x128xi32, #tpu.memory_space<hbm>> -> memref<1x128xi32, #tpu.memory_space<hbm>>
        %dma_wait3A_219 = tpu.memref_squeeze %dma_wait3A_218 : memref<1x128xi32, #tpu.memory_space<hbm>> -> memref<128xi32, #tpu.memory_space<hbm>>
        tpu.wait_dma2 semaphore(%run_scoped3A_196 : memref<!tpu.dma_semaphore, #tpu.memory_space<semaphore_mem>>) src(%dma_wait3A_219 : memref<128xi32, #tpu.memory_space<hbm>>) dst(%dma_wait3A_216 : memref<128xi32, #tpu.memory_space<vmem>>)
        tpu.yield
      }) : () -> ()
      %mul3A_190 = arith.constant 12500 : i32
      %mul3A_191 = arith.muli %arg0, %mul3A_190 : i32
      %add3A_192 = arith.addi %mul3A_191, %add3A_189 : i32
      %run_scoped3A_193 = arith.constant 0 : i32
      "tpu.region"() ({
        %run_scoped3A_196 = tpu.sem_alloc : memref<!tpu.dma_semaphore, #tpu.memory_space<semaphore_mem>>
        %dma_start3A_197 = arith.constant 0 : i32
        %dma_start3A_198 = arith.constant 0 : i32
        %dma_start3A_199 = tpu.memref_slice %arg9[%run_scoped3A_193, %dma_start3A_197, %dma_start3A_198] : memref<2x128x32xbf16, #tpu.memory_space<vmem>> -> memref<1x128x32xbf16, #tpu.memory_space<vmem>>
        %dma_start3A_200 = tpu.memref_squeeze %dma_start3A_199 : memref<1x128x32xbf16, #tpu.memory_space<vmem>> -> memref<128x32xbf16, #tpu.memory_space<vmem>>
        %dma_start3A_201 = arith.constant 0 : i32
        %dma_start3A_202 = arith.constant 0 : i32
        %dma_start3A_203 = tpu.memref_slice %arg2[%add3A_192, %dma_start3A_201, %dma_start3A_202] : memref<25000x128x32xbf16, #tpu.memory_space<hbm>> -> memref<1x128x32xbf16, #tpu.memory_space<hbm>>
        %dma_start3A_204 = tpu.memref_squeeze %dma_start3A_203 : memref<1x128x32xbf16, #tpu.memory_space<hbm>> -> memref<128x32xbf16, #tpu.memory_space<hbm>>
        %dma_start3A_205 = arith.constant 0 : i32
        %dma_start3A_206 = arith.constant 0 : i32
        %dma_start3A_207 = tpu.memref_slice %arg9[%run_scoped3A_193, %dma_start3A_205, %dma_start3A_206] : memref<2x128x32xbf16, #tpu.memory_space<vmem>> -> memref<1x128x32xbf16, #tpu.memory_space<vmem>>
        %dma_start3A_208 = tpu.memref_squeeze %dma_start3A_207 : memref<1x128x32xbf16, #tpu.memory_space<vmem>> -> memref<128x32xbf16, #tpu.memory_space<vmem>>
        %dma_start3A_209 = arith.constant 0 : i32
        %dma_start3A_210 = arith.constant 0 : i32
        %dma_start3A_211 = tpu.memref_slice %arg2[%add3A_192, %dma_start3A_209, %dma_start3A_210] : memref<25000x128x32xbf16, #tpu.memory_space<hbm>> -> memref<1x128x32xbf16, #tpu.memory_space<hbm>>
        %dma_start3A_212 = tpu.memref_squeeze %dma_start3A_211 : memref<1x128x32xbf16, #tpu.memory_space<hbm>> -> memref<128x32xbf16, #tpu.memory_space<hbm>>
        tpu.enqueue_dma source(%dma_start3A_212 : memref<128x32xbf16, #tpu.memory_space<hbm>>) target(%dma_start3A_208 : memref<128x32xbf16, #tpu.memory_space<vmem>>) target_semaphore(%run_scoped3A_196 : memref<!tpu.dma_semaphore, #tpu.memory_space<semaphore_mem>>)
        %dma_wait3A = arith.constant 0 : i32
        %dma_wait3A_213 = arith.constant 0 : i32
        %dma_wait3A_214 = tpu.memref_slice %arg9[%run_scoped3A_193, %dma_wait3A, %dma_wait3A_213] : memref<2x128x32xbf16, #tpu.memory_space<vmem>> -> memref<1x128x32xbf16, #tpu.memory_space<vmem>>
        %dma_wait3A_215 = tpu.memref_squeeze %dma_wait3A_214 : memref<1x128x32xbf16, #tpu.memory_space<vmem>> -> memref<128x32xbf16, #tpu.memory_space<vmem>>
        %dma_wait3A_216 = arith.constant 0 : i32
        %dma_wait3A_217 = arith.constant 0 : i32
        %dma_wait3A_218 = tpu.memref_slice %arg2[%add3A_192, %dma_wait3A_216, %dma_wait3A_217] : memref<25000x128x32xbf16, #tpu.memory_space<hbm>> -> memref<1x128x32xbf16, #tpu.memory_space<hbm>>
        %dma_wait3A_219 = tpu.memref_squeeze %dma_wait3A_218 : memref<1x128x32xbf16, #tpu.memory_space<hbm>> -> memref<128x32xbf16, #tpu.memory_space<hbm>>
        %dma_wait3A_220 = arith.constant 0 : i32
        %dma_wait3A_221 = arith.constant 0 : i32
        %dma_wait3A_222 = tpu.memref_slice %arg9[%run_scoped3A_193, %dma_wait3A_220, %dma_wait3A_221] : memref<2x128x32xbf16, #tpu.memory_space<vmem>> -> memref<1x128x32xbf16, #tpu.memory_space<vmem>>
        %dma_wait3A_223 = tpu.memref_squeeze %dma_wait3A_222 : memref<1x128x32xbf16, #tpu.memory_space<vmem>> -> memref<128x32xbf16, #tpu.memory_space<vmem>>
        %dma_wait3A_224 = arith.constant 0 : i32
        %dma_wait3A_225 = arith.constant 0 : i32
        %dma_wait3A_226 = tpu.memref_slice %arg2[%add3A_192, %dma_wait3A_224, %dma_wait3A_225] : memref<25000x128x32xbf16, #tpu.memory_space<hbm>> -> memref<1x128x32xbf16, #tpu.memory_space<hbm>>
        %dma_wait3A_227 = tpu.memref_squeeze %dma_wait3A_226 : memref<1x128x32xbf16, #tpu.memory_space<hbm>> -> memref<128x32xbf16, #tpu.memory_space<hbm>>
        tpu.wait_dma2 semaphore(%run_scoped3A_196 : memref<!tpu.dma_semaphore, #tpu.memory_space<semaphore_mem>>) src(%dma_wait3A_227 : memref<128x32xbf16, #tpu.memory_space<hbm>>) dst(%dma_wait3A_223 : memref<128x32xbf16, #tpu.memory_space<vmem>>)
        tpu.yield
      }) : () -> ()
      %run_scoped3A_194 = arith.constant 0 : i32
      %run_scoped3A_195 = arith.constant 0 : i32
      "tpu.region"() ({
        %run_scoped3A_196 = tpu.sem_alloc : memref<!tpu.dma_semaphore, #tpu.memory_space<semaphore_mem>>
        %dma_start3A_197 = arith.constant 0 : i32
        %dma_start3A_198 = arith.constant 0 : i32
        %dma_start3A_199 = tpu.memref_slice %arg9[%run_scoped3A_194, %dma_start3A_197, %dma_start3A_198] : memref<2x128x32xbf16, #tpu.memory_space<vmem>> -> memref<1x128x32xbf16, #tpu.memory_space<vmem>>
        %dma_start3A_200 = tpu.memref_squeeze %dma_start3A_199 : memref<1x128x32xbf16, #tpu.memory_space<vmem>> -> memref<128x32xbf16, #tpu.memory_space<vmem>>
        %dma_start3A_201 = arith.constant 0 : i32
        %dma_start3A_202 = tpu.memref_slice %arg8[%run_scoped3A_195, %dma_start3A_201] : memref<2x128xi32, #tpu.memory_space<vmem>> -> memref<1x128xi32, #tpu.memory_space<vmem>>
        %dma_start3A_203 = tpu.memref_squeeze %dma_start3A_202 : memref<1x128xi32, #tpu.memory_space<vmem>> -> memref<128xi32, #tpu.memory_space<vmem>>
        %dma_start3A_204 = arith.constant 0 : i32
        %dma_start3A_205 = arith.constant 0 : i32
        %dma_start3A_206 = tpu.memref_slice %arg6[%dma_start3A_204, %dma_start3A_205] : memref<100096x32xbf16, #tpu.memory_space<vmem_shared>> -> memref<100096x32xbf16, #tpu.memory_space<vmem_shared>>
        tpu.enqueue_indirect_dma source(%dma_start3A_200 : memref<128x32xbf16, #tpu.memory_space<vmem>>) target(%dma_start3A_206 : memref<100096x32xbf16, #tpu.memory_space<vmem_shared>>) offsets(%dma_start3A_203 : memref<128xi32, #tpu.memory_space<vmem>>) semaphore(%run_scoped3A_196 : memref<!tpu.dma_semaphore, #tpu.memory_space<semaphore_mem>>) {add = true}
        %dma_wait3A = arith.constant 0 : i32
        %dma_wait3A_207 = arith.constant 0 : i32
        %dma_wait3A_208 = tpu.memref_slice %arg9[%run_scoped3A_194, %dma_wait3A, %dma_wait3A_207] : memref<2x128x32xbf16, #tpu.memory_space<vmem>> -> memref<1x128x32xbf16, #tpu.memory_space<vmem>>
        %dma_wait3A_209 = tpu.memref_squeeze %dma_wait3A_208 : memref<1x128x32xbf16, #tpu.memory_space<vmem>> -> memref<128x32xbf16, #tpu.memory_space<vmem>>
        %dma_wait3A_210 = arith.constant 0 : i32
        %dma_wait3A_211 = tpu.memref_slice %arg8[%run_scoped3A_195, %dma_wait3A_210] : memref<2x128xi32, #tpu.memory_space<vmem>> -> memref<1x128xi32, #tpu.memory_space<vmem>>
        %dma_wait3A_212 = tpu.memref_squeeze %dma_wait3A_211 : memref<1x128xi32, #tpu.memory_space<vmem>> -> memref<128xi32, #tpu.memory_space<vmem>>
        %dma_wait3A_213 = arith.constant 0 : i32
        %dma_wait3A_214 = arith.constant 0 : i32
        %dma_wait3A_215 = tpu.memref_slice %arg6[%dma_wait3A_213, %dma_wait3A_214] : memref<100096x32xbf16, #tpu.memory_space<vmem_shared>> -> memref<100096x32xbf16, #tpu.memory_space<vmem_shared>>
        tpu.wait_indirect_dma semaphore(%run_scoped3A_196 : memref<!tpu.dma_semaphore, #tpu.memory_space<semaphore_mem>>) src(%dma_wait3A_209 : memref<128x32xbf16, #tpu.memory_space<vmem>>) dst(%dma_wait3A_215 : memref<100096x32xbf16, #tpu.memory_space<vmem_shared>>)
        tpu.yield
      }) : () -> ()
    } else {
    }
    %barrier3A_181 = arith.constant 0 : index
    tpu.barrier barrier_id(%barrier3A_181)
    %scan3A_182 = arith.constant 0 : i32
    %scan3A_183 = arith.constant 17 : i32
    %scan3A_184 = arith.addi %scan3A_182, %scan3A_183 : i32
    %scan3A_185 = arith.constant 1 : i32
    scf.for %scan3A_188 = %scan3A_182 to %scan3A_184 step %scan3A_185  : i32 {
      %mul3A_189 = arith.constant 368 : i32
      %mul3A_190 = arith.muli %scan3A_188, %mul3A_189 : i32
      %add3A_191 = arith.addi %mul3A_0, %mul3A_190 : i32
      "tpu.region"() ({
        %run_scoped3A = tpu.sem_alloc : memref<!tpu.dma_semaphore, #tpu.memory_space<semaphore_mem>>
        %dma_start3A_202 = arith.constant 0 : i32
        %dma_start3A_203 = tpu.memref_slice %arg6[%add3A_191, %dma_start3A_202] : memref<100096x32xbf16, #tpu.memory_space<vmem_shared>> -> memref<368x32xbf16, #tpu.memory_space<vmem_shared>>
        %dma_start3A_204 = arith.constant 0 : i32
        %dma_start3A_205 = tpu.memref_slice %arg6[%add3A_191, %dma_start3A_204] : memref<100096x32xbf16, #tpu.memory_space<vmem_shared>> -> memref<368x32xbf16, #tpu.memory_space<vmem_shared>>
        tpu.enqueue_dma source(%dma_start3A_205 : memref<368x32xbf16, #tpu.memory_space<vmem_shared>>) target(%arg7 : memref<368x32xbf16, #tpu.memory_space<vmem>>) target_semaphore(%run_scoped3A : memref<!tpu.dma_semaphore, #tpu.memory_space<semaphore_mem>>)
        %dma_wait3A = arith.constant 0 : i32
        %dma_wait3A_206 = tpu.memref_slice %arg6[%add3A_191, %dma_wait3A] : memref<100096x32xbf16, #tpu.memory_space<vmem_shared>> -> memref<368x32xbf16, #tpu.memory_space<vmem_shared>>
        %dma_wait3A_207 = arith.constant 0 : i32
        %dma_wait3A_208 = tpu.memref_slice %arg6[%add3A_191, %dma_wait3A_207] : memref<100096x32xbf16, #tpu.memory_space<vmem_shared>> -> memref<368x32xbf16, #tpu.memory_space<vmem_shared>>
        tpu.wait_dma2 semaphore(%run_scoped3A : memref<!tpu.dma_semaphore, #tpu.memory_space<semaphore_mem>>) src(%dma_wait3A_208 : memref<368x32xbf16, #tpu.memory_space<vmem_shared>>) dst(%arg7 : memref<368x32xbf16, #tpu.memory_space<vmem>>)
        tpu.yield
      }) : () -> ()
      %mul3A_192 = arith.constant 2 : i32
      %mul3A_193 = arith.muli %arg0, %mul3A_192 : i32
      %add3A_194 = arith.constant 1 : i32
      %add3A_195 = arith.addi %mul3A_193, %add3A_194 : i32
      %mul3A_196 = arith.constant 100096 : i32
      %mul3A_197 = arith.muli %add3A_195, %mul3A_196 : i32
      %add3A_198 = arith.addi %mul3A_197, %mul3A_0 : i32
      %mul3A_199 = arith.constant 368 : i32
      %mul3A_200 = arith.muli %scan3A_188, %mul3A_199 : i32
      %add3A_201 = arith.addi %add3A_198, %mul3A_200 : i32
      "tpu.region"() ({
        %run_scoped3A = tpu.sem_alloc : memref<!tpu.dma_semaphore, #tpu.memory_space<semaphore_mem>>
        %dma_start3A_202 = arith.constant 0 : i32
        %dma_start3A_203 = tpu.memref_slice %arg5[%add3A_201, %dma_start3A_202] : memref<400384x32xbf16, #tpu.memory_space<hbm>> -> memref<368x32xbf16, #tpu.memory_space<hbm>>
        %dma_start3A_204 = arith.constant 0 : i32
        %dma_start3A_205 = tpu.memref_slice %arg5[%add3A_201, %dma_start3A_204] : memref<400384x32xbf16, #tpu.memory_space<hbm>> -> memref<368x32xbf16, #tpu.memory_space<hbm>>
        tpu.enqueue_dma source(%arg7 : memref<368x32xbf16, #tpu.memory_space<vmem>>) target(%dma_start3A_205 : memref<368x32xbf16, #tpu.memory_space<hbm>>) target_semaphore(%run_scoped3A : memref<!tpu.dma_semaphore, #tpu.memory_space<semaphore_mem>>)
        %dma_wait3A = arith.constant 0 : i32
        %dma_wait3A_206 = tpu.memref_slice %arg5[%add3A_201, %dma_wait3A] : memref<400384x32xbf16, #tpu.memory_space<hbm>> -> memref<368x32xbf16, #tpu.memory_space<hbm>>
        %dma_wait3A_207 = arith.constant 0 : i32
        %dma_wait3A_208 = tpu.memref_slice %arg5[%add3A_201, %dma_wait3A_207] : memref<400384x32xbf16, #tpu.memory_space<hbm>> -> memref<368x32xbf16, #tpu.memory_space<hbm>>
        tpu.wait_dma2 semaphore(%run_scoped3A : memref<!tpu.dma_semaphore, #tpu.memory_space<semaphore_mem>>) src(%arg7 : memref<368x32xbf16, #tpu.memory_space<vmem>>) dst(%dma_wait3A_208 : memref<368x32xbf16, #tpu.memory_space<hbm>>)
        tpu.yield
      }) : () -> ()
    }
    %scan3A_186 = arith.constant 17 : i32
    %barrier3A_187 = arith.constant 0 : index
    tpu.barrier barrier_id(%barrier3A_187)
    return
  }
}

#map = affine_map<(d0, d1) -> (0, 0)>
#map1 = affine_map<(d0, d1) -> (0, 0, 0)>
module attributes {stable_mosaic.version = 14 : i64} {
  func.func @_gather_body(%arg0: i32, %arg1: i32, %arg2: memref<100096x128xf32, #tpu.memory_space<hbm>>, %arg3: memref<12500x128xi32, #tpu.memory_space<hbm>>, %arg4: memref<12500x128xi32, #tpu.memory_space<hbm>>, %arg5: memref<12500x128x16xf32, #tpu.memory_space<hbm>>, %arg6: memref<12500x128x16xf32, #tpu.memory_space<hbm>>, %arg7: memref<100096x16xf32, #tpu.memory_space<hbm>>, %arg8: memref<100096x16xf32, #tpu.memory_space<vmem_shared>>, %arg9: memref<368x16xf32, #tpu.memory_space<vmem>>, %arg10: memref<2x128xi32, #tpu.memory_space<vmem>>, %arg11: memref<2x128x16xf32, #tpu.memory_space<vmem>>, %arg12: memref<2x128xi32, #tpu.memory_space<vmem>>, %arg13: memref<2x128x16xf32, #tpu.memory_space<vmem>>, %arg14: memref<!tpu.dma_semaphore, #tpu.memory_space<semaphore_mem>>, %arg15: memref<!tpu.dma_semaphore, #tpu.memory_space<semaphore_mem>>, %arg16: memref<!tpu.dma_semaphore, #tpu.memory_space<semaphore_mem>>, %arg17: memref<!tpu.dma_semaphore, #tpu.memory_space<semaphore_mem>>, %arg18: memref<!tpu.dma_semaphore, #tpu.memory_space<semaphore_mem>>, %arg19: memref<!tpu.dma_semaphore, #tpu.memory_space<semaphore_mem>>, %arg20: memref<!tpu.dma_semaphore, #tpu.memory_space<semaphore_mem>>, %arg21: memref<!tpu.dma_semaphore, #tpu.memory_space<semaphore_mem>>) attributes {dimension_semantics = [#tpu.dimension_semantics<core_parallel>, #tpu.dimension_semantics<subcore_parallel>], iteration_bounds = array<i64: 2, 16>, scalar_prefetch = 0 : i64, scratch_operands = 14 : i64, tpu.core_type = #tpu.core_type<sc_vector_subcore>, window_params = [{transform_indices = #map}, {transform_indices = #map}, {transform_indices = #map}, {transform_indices = #map1}, {transform_indices = #map1}, {transform_indices = #map}]} {
    %mul3A = arith.constant 2 : i32
    %mul3A_0 = arith.muli %arg1, %mul3A : i32
    %add3A = arith.addi %mul3A_0, %arg0 : i32
    %mul3A_1 = arith.constant 6256 : i32
    %mul3A_2 = arith.muli %arg1, %mul3A_1 : i32
    %scan3A = arith.constant 0 : i32
    %scan3A_3 = arith.constant 17 : i32
    %scan3A_4 = arith.addi %scan3A, %scan3A_3 : i32
    %scan3A_5 = arith.constant 1 : i32
    scf.for %scan3A_140 = %scan3A to %scan3A_4 step %scan3A_5  : i32 {
      %mul3A_141 = arith.constant 368 : i32
      %mul3A_142 = arith.muli %scan3A_140, %mul3A_141 : i32
      %add3A_143 = arith.addi %mul3A_2, %mul3A_142 : i32
      "tpu.region"() ({
        %run_scoped3A = tpu.sem_alloc : memref<!tpu.dma_semaphore, #tpu.memory_space<semaphore_mem>>
        %dma_start3A_144 = arith.constant 0 : i32
        %dma_start3A_145 = tpu.memref_slice %arg2[%add3A_143, %dma_start3A_144] : memref<100096x128xf32, #tpu.memory_space<hbm>> -> memref<368x16xf32, #tpu.memory_space<hbm>>
        %dma_start3A_146 = arith.constant 0 : i32
        %dma_start3A_147 = tpu.memref_slice %arg2[%add3A_143, %dma_start3A_146] : memref<100096x128xf32, #tpu.memory_space<hbm>> -> memref<368x16xf32, #tpu.memory_space<hbm>>
        tpu.enqueue_dma source(%dma_start3A_147 : memref<368x16xf32, #tpu.memory_space<hbm>>) target(%arg9 : memref<368x16xf32, #tpu.memory_space<vmem>>) target_semaphore(%run_scoped3A : memref<!tpu.dma_semaphore, #tpu.memory_space<semaphore_mem>>)
        %dma_wait3A_148 = arith.constant 0 : i32
        %dma_wait3A_149 = tpu.memref_slice %arg2[%add3A_143, %dma_wait3A_148] : memref<100096x128xf32, #tpu.memory_space<hbm>> -> memref<368x16xf32, #tpu.memory_space<hbm>>
        %dma_wait3A_150 = arith.constant 0 : i32
        %dma_wait3A_151 = tpu.memref_slice %arg2[%add3A_143, %dma_wait3A_150] : memref<100096x128xf32, #tpu.memory_space<hbm>> -> memref<368x16xf32, #tpu.memory_space<hbm>>
        tpu.wait_dma2 semaphore(%run_scoped3A : memref<!tpu.dma_semaphore, #tpu.memory_space<semaphore_mem>>) src(%dma_wait3A_151 : memref<368x16xf32, #tpu.memory_space<hbm>>) dst(%arg9 : memref<368x16xf32, #tpu.memory_space<vmem>>)
        tpu.yield
      }) : () -> ()
      "tpu.region"() ({
        %run_scoped3A = tpu.sem_alloc : memref<!tpu.dma_semaphore, #tpu.memory_space<semaphore_mem>>
        %dma_start3A_144 = arith.constant 0 : i32
        %dma_start3A_145 = tpu.memref_slice %arg8[%add3A_143, %dma_start3A_144] : memref<100096x16xf32, #tpu.memory_space<vmem_shared>> -> memref<368x16xf32, #tpu.memory_space<vmem_shared>>
        %dma_start3A_146 = arith.constant 0 : i32
        %dma_start3A_147 = tpu.memref_slice %arg8[%add3A_143, %dma_start3A_146] : memref<100096x16xf32, #tpu.memory_space<vmem_shared>> -> memref<368x16xf32, #tpu.memory_space<vmem_shared>>
        tpu.enqueue_dma source(%arg9 : memref<368x16xf32, #tpu.memory_space<vmem>>) target(%dma_start3A_147 : memref<368x16xf32, #tpu.memory_space<vmem_shared>>) target_semaphore(%run_scoped3A : memref<!tpu.dma_semaphore, #tpu.memory_space<semaphore_mem>>)
        %dma_wait3A_148 = arith.constant 0 : i32
        %dma_wait3A_149 = tpu.memref_slice %arg8[%add3A_143, %dma_wait3A_148] : memref<100096x16xf32, #tpu.memory_space<vmem_shared>> -> memref<368x16xf32, #tpu.memory_space<vmem_shared>>
        %dma_wait3A_150 = arith.constant 0 : i32
        %dma_wait3A_151 = tpu.memref_slice %arg8[%add3A_143, %dma_wait3A_150] : memref<100096x16xf32, #tpu.memory_space<vmem_shared>> -> memref<368x16xf32, #tpu.memory_space<vmem_shared>>
        tpu.wait_dma2 semaphore(%run_scoped3A : memref<!tpu.dma_semaphore, #tpu.memory_space<semaphore_mem>>) src(%arg9 : memref<368x16xf32, #tpu.memory_space<vmem>>) dst(%dma_wait3A_151 : memref<368x16xf32, #tpu.memory_space<vmem_shared>>)
        tpu.yield
      }) : () -> ()
      "tpu.region"() ({
        %run_scoped3A = tpu.sem_alloc : memref<!tpu.dma_semaphore, #tpu.memory_space<semaphore_mem>>
        %dma_start3A_144 = arith.constant 0 : i32
        %dma_start3A_145 = tpu.memref_slice %arg7[%add3A_143, %dma_start3A_144] : memref<100096x16xf32, #tpu.memory_space<hbm>> -> memref<368x16xf32, #tpu.memory_space<hbm>>
        %dma_start3A_146 = arith.constant 0 : i32
        %dma_start3A_147 = tpu.memref_slice %arg7[%add3A_143, %dma_start3A_146] : memref<100096x16xf32, #tpu.memory_space<hbm>> -> memref<368x16xf32, #tpu.memory_space<hbm>>
        tpu.enqueue_dma source(%arg9 : memref<368x16xf32, #tpu.memory_space<vmem>>) target(%dma_start3A_147 : memref<368x16xf32, #tpu.memory_space<hbm>>) target_semaphore(%run_scoped3A : memref<!tpu.dma_semaphore, #tpu.memory_space<semaphore_mem>>)
        %dma_wait3A_148 = arith.constant 0 : i32
        %dma_wait3A_149 = tpu.memref_slice %arg7[%add3A_143, %dma_wait3A_148] : memref<100096x16xf32, #tpu.memory_space<hbm>> -> memref<368x16xf32, #tpu.memory_space<hbm>>
        %dma_wait3A_150 = arith.constant 0 : i32
        %dma_wait3A_151 = tpu.memref_slice %arg7[%add3A_143, %dma_wait3A_150] : memref<100096x16xf32, #tpu.memory_space<hbm>> -> memref<368x16xf32, #tpu.memory_space<hbm>>
        tpu.wait_dma2 semaphore(%run_scoped3A : memref<!tpu.dma_semaphore, #tpu.memory_space<semaphore_mem>>) src(%arg9 : memref<368x16xf32, #tpu.memory_space<vmem>>) dst(%dma_wait3A_151 : memref<368x16xf32, #tpu.memory_space<hbm>>)
        tpu.yield
      }) : () -> ()
    }
    %scan3A_6 = arith.constant 17 : i32
    %barrier3A = arith.constant 0 : index
    tpu.barrier barrier_id(%barrier3A)
    %add3A_7 = arith.constant 0 : i32
    %add3A_8 = arith.addi %add3A, %add3A_7 : i32
    %dma_start3A = arith.constant 0 : i32
    %dma_start3A_9 = arith.constant 0 : i32
    %dma_start3A_10 = tpu.memref_slice %arg10[%dma_start3A, %dma_start3A_9] : memref<2x128xi32, #tpu.memory_space<vmem>> -> memref<1x128xi32, #tpu.memory_space<vmem>>
    %dma_start3A_11 = tpu.memref_squeeze %dma_start3A_10 : memref<1x128xi32, #tpu.memory_space<vmem>> -> memref<128xi32, #tpu.memory_space<vmem>>
    %dma_start3A_12 = arith.constant 0 : i32
    %dma_start3A_13 = tpu.memref_slice %arg3[%add3A_8, %dma_start3A_12] : memref<12500x128xi32, #tpu.memory_space<hbm>> -> memref<1x128xi32, #tpu.memory_space<hbm>>
    %dma_start3A_14 = tpu.memref_squeeze %dma_start3A_13 : memref<1x128xi32, #tpu.memory_space<hbm>> -> memref<128xi32, #tpu.memory_space<hbm>>
    %dma_start3A_15 = arith.constant 0 : i32
    %dma_start3A_16 = tpu.memref_slice %arg10[%dma_start3A, %dma_start3A_15] : memref<2x128xi32, #tpu.memory_space<vmem>> -> memref<1x128xi32, #tpu.memory_space<vmem>>
    %dma_start3A_17 = tpu.memref_squeeze %dma_start3A_16 : memref<1x128xi32, #tpu.memory_space<vmem>> -> memref<128xi32, #tpu.memory_space<vmem>>
    %dma_start3A_18 = arith.constant 0 : i32
    %dma_start3A_19 = tpu.memref_slice %arg3[%add3A_8, %dma_start3A_18] : memref<12500x128xi32, #tpu.memory_space<hbm>> -> memref<1x128xi32, #tpu.memory_space<hbm>>
    %dma_start3A_20 = tpu.memref_squeeze %dma_start3A_19 : memref<1x128xi32, #tpu.memory_space<hbm>> -> memref<128xi32, #tpu.memory_space<hbm>>
    tpu.enqueue_dma source(%dma_start3A_20 : memref<128xi32, #tpu.memory_space<hbm>>) target(%dma_start3A_17 : memref<128xi32, #tpu.memory_space<vmem>>) target_semaphore(%arg14 : memref<!tpu.dma_semaphore, #tpu.memory_space<semaphore_mem>>)
    %dma_start3A_21 = arith.constant 0 : i32
    %dma_start3A_22 = arith.constant 0 : i32
    %dma_start3A_23 = tpu.memref_slice %arg12[%dma_start3A_21, %dma_start3A_22] : memref<2x128xi32, #tpu.memory_space<vmem>> -> memref<1x128xi32, #tpu.memory_space<vmem>>
    %dma_start3A_24 = tpu.memref_squeeze %dma_start3A_23 : memref<1x128xi32, #tpu.memory_space<vmem>> -> memref<128xi32, #tpu.memory_space<vmem>>
    %dma_start3A_25 = arith.constant 0 : i32
    %dma_start3A_26 = tpu.memref_slice %arg4[%add3A_8, %dma_start3A_25] : memref<12500x128xi32, #tpu.memory_space<hbm>> -> memref<1x128xi32, #tpu.memory_space<hbm>>
    %dma_start3A_27 = tpu.memref_squeeze %dma_start3A_26 : memref<1x128xi32, #tpu.memory_space<hbm>> -> memref<128xi32, #tpu.memory_space<hbm>>
    %dma_start3A_28 = arith.constant 0 : i32
    %dma_start3A_29 = tpu.memref_slice %arg12[%dma_start3A_21, %dma_start3A_28] : memref<2x128xi32, #tpu.memory_space<vmem>> -> memref<1x128xi32, #tpu.memory_space<vmem>>
    %dma_start3A_30 = tpu.memref_squeeze %dma_start3A_29 : memref<1x128xi32, #tpu.memory_space<vmem>> -> memref<128xi32, #tpu.memory_space<vmem>>
    %dma_start3A_31 = arith.constant 0 : i32
    %dma_start3A_32 = tpu.memref_slice %arg4[%add3A_8, %dma_start3A_31] : memref<12500x128xi32, #tpu.memory_space<hbm>> -> memref<1x128xi32, #tpu.memory_space<hbm>>
    %dma_start3A_33 = tpu.memref_squeeze %dma_start3A_32 : memref<1x128xi32, #tpu.memory_space<hbm>> -> memref<128xi32, #tpu.memory_space<hbm>>
    tpu.enqueue_dma source(%dma_start3A_33 : memref<128xi32, #tpu.memory_space<hbm>>) target(%dma_start3A_30 : memref<128xi32, #tpu.memory_space<vmem>>) target_semaphore(%arg16 : memref<!tpu.dma_semaphore, #tpu.memory_space<semaphore_mem>>)
    %add3A_34 = arith.constant 32 : i32
    %add3A_35 = arith.addi %add3A, %add3A_34 : i32
    %dma_start3A_36 = arith.constant 1 : i32
    %dma_start3A_37 = arith.constant 0 : i32
    %dma_start3A_38 = tpu.memref_slice %arg10[%dma_start3A_36, %dma_start3A_37] : memref<2x128xi32, #tpu.memory_space<vmem>> -> memref<1x128xi32, #tpu.memory_space<vmem>>
    %dma_start3A_39 = tpu.memref_squeeze %dma_start3A_38 : memref<1x128xi32, #tpu.memory_space<vmem>> -> memref<128xi32, #tpu.memory_space<vmem>>
    %dma_start3A_40 = arith.constant 0 : i32
    %dma_start3A_41 = tpu.memref_slice %arg3[%add3A_35, %dma_start3A_40] : memref<12500x128xi32, #tpu.memory_space<hbm>> -> memref<1x128xi32, #tpu.memory_space<hbm>>
    %dma_start3A_42 = tpu.memref_squeeze %dma_start3A_41 : memref<1x128xi32, #tpu.memory_space<hbm>> -> memref<128xi32, #tpu.memory_space<hbm>>
    %dma_start3A_43 = arith.constant 0 : i32
    %dma_start3A_44 = tpu.memref_slice %arg10[%dma_start3A_36, %dma_start3A_43] : memref<2x128xi32, #tpu.memory_space<vmem>> -> memref<1x128xi32, #tpu.memory_space<vmem>>
    %dma_start3A_45 = tpu.memref_squeeze %dma_start3A_44 : memref<1x128xi32, #tpu.memory_space<vmem>> -> memref<128xi32, #tpu.memory_space<vmem>>
    %dma_start3A_46 = arith.constant 0 : i32
    %dma_start3A_47 = tpu.memref_slice %arg3[%add3A_35, %dma_start3A_46] : memref<12500x128xi32, #tpu.memory_space<hbm>> -> memref<1x128xi32, #tpu.memory_space<hbm>>
    %dma_start3A_48 = tpu.memref_squeeze %dma_start3A_47 : memref<1x128xi32, #tpu.memory_space<hbm>> -> memref<128xi32, #tpu.memory_space<hbm>>
    tpu.enqueue_dma source(%dma_start3A_48 : memref<128xi32, #tpu.memory_space<hbm>>) target(%dma_start3A_45 : memref<128xi32, #tpu.memory_space<vmem>>) target_semaphore(%arg15 : memref<!tpu.dma_semaphore, #tpu.memory_space<semaphore_mem>>)
    %dma_start3A_49 = arith.constant 1 : i32
    %dma_start3A_50 = arith.constant 0 : i32
    %dma_start3A_51 = tpu.memref_slice %arg12[%dma_start3A_49, %dma_start3A_50] : memref<2x128xi32, #tpu.memory_space<vmem>> -> memref<1x128xi32, #tpu.memory_space<vmem>>
    %dma_start3A_52 = tpu.memref_squeeze %dma_start3A_51 : memref<1x128xi32, #tpu.memory_space<vmem>> -> memref<128xi32, #tpu.memory_space<vmem>>
    %dma_start3A_53 = arith.constant 0 : i32
    %dma_start3A_54 = tpu.memref_slice %arg4[%add3A_35, %dma_start3A_53] : memref<12500x128xi32, #tpu.memory_space<hbm>> -> memref<1x128xi32, #tpu.memory_space<hbm>>
    %dma_start3A_55 = tpu.memref_squeeze %dma_start3A_54 : memref<1x128xi32, #tpu.memory_space<hbm>> -> memref<128xi32, #tpu.memory_space<hbm>>
    %dma_start3A_56 = arith.constant 0 : i32
    %dma_start3A_57 = tpu.memref_slice %arg12[%dma_start3A_49, %dma_start3A_56] : memref<2x128xi32, #tpu.memory_space<vmem>> -> memref<1x128xi32, #tpu.memory_space<vmem>>
    %dma_start3A_58 = tpu.memref_squeeze %dma_start3A_57 : memref<1x128xi32, #tpu.memory_space<vmem>> -> memref<128xi32, #tpu.memory_space<vmem>>
    %dma_start3A_59 = arith.constant 0 : i32
    %dma_start3A_60 = tpu.memref_slice %arg4[%add3A_35, %dma_start3A_59] : memref<12500x128xi32, #tpu.memory_space<hbm>> -> memref<1x128xi32, #tpu.memory_space<hbm>>
    %dma_start3A_61 = tpu.memref_squeeze %dma_start3A_60 : memref<1x128xi32, #tpu.memory_space<hbm>> -> memref<128xi32, #tpu.memory_space<hbm>>
    tpu.enqueue_dma source(%dma_start3A_61 : memref<128xi32, #tpu.memory_space<hbm>>) target(%dma_start3A_58 : memref<128xi32, #tpu.memory_space<vmem>>) target_semaphore(%arg17 : memref<!tpu.dma_semaphore, #tpu.memory_space<semaphore_mem>>)
    %scan3A_62 = arith.constant 0 : i32
    %scan3A_63 = arith.constant 195 : i32
    %scan3A_64 = arith.addi %scan3A_62, %scan3A_63 : i32
    %scan3A_65 = arith.constant 1 : i32
    scf.for %scan3A_140 = %scan3A_62 to %scan3A_64 step %scan3A_65  : i32 {
      %mul3A_141 = arith.constant 2 : i32
      %mul3A_142 = arith.muli %mul3A_141, %scan3A_140 : i32
      %add3A_143 = arith.constant 0 : i32
      %add3A_144 = arith.addi %mul3A_142, %add3A_143 : i32
      %mul3A_145 = arith.constant 32 : i32
      %mul3A_146 = arith.muli %mul3A_145, %add3A_144 : i32
      %add3A_147 = arith.addi %add3A, %mul3A_146 : i32
      %ge3A = arith.constant 2 : i32
      %ge3A_148 = arith.cmpi sge, %add3A_144, %ge3A : i32
      %convert_element_type3A_149 = arith.extui %ge3A_148 : i1 to i32
      %cond3A_150 = arith.constant 0 : i32
      %cond3A_151 = arith.cmpi ne, %convert_element_type3A_149, %cond3A_150 : i32
      scf.if %cond3A_151 {
        %sub3A = arith.constant 64 : i32
        %sub3A_301 = arith.subi %add3A_147, %sub3A : i32
        %dma_wait3A_302 = arith.constant 0 : i32
        %dma_wait3A_303 = arith.constant 0 : i32
        %dma_wait3A_304 = arith.constant 0 : i32
        %dma_wait3A_305 = tpu.memref_slice %arg11[%dma_wait3A_302, %dma_wait3A_303, %dma_wait3A_304] : memref<2x128x16xf32, #tpu.memory_space<vmem>> -> memref<1x128x16xf32, #tpu.memory_space<vmem>>
        %dma_wait3A_306 = tpu.memref_squeeze %dma_wait3A_305 : memref<1x128x16xf32, #tpu.memory_space<vmem>> -> memref<128x16xf32, #tpu.memory_space<vmem>>
        %dma_wait3A_307 = arith.constant 0 : i32
        %dma_wait3A_308 = arith.constant 0 : i32
        %dma_wait3A_309 = tpu.memref_slice %arg5[%sub3A_301, %dma_wait3A_307, %dma_wait3A_308] : memref<12500x128x16xf32, #tpu.memory_space<hbm>> -> memref<1x128x16xf32, #tpu.memory_space<hbm>>
        %dma_wait3A_310 = tpu.memref_squeeze %dma_wait3A_309 : memref<1x128x16xf32, #tpu.memory_space<hbm>> -> memref<128x16xf32, #tpu.memory_space<hbm>>
        %dma_wait3A_311 = arith.constant 0 : i32
        %dma_wait3A_312 = arith.constant 0 : i32
        %dma_wait3A_313 = tpu.memref_slice %arg5[%sub3A_301, %dma_wait3A_311, %dma_wait3A_312] : memref<12500x128x16xf32, #tpu.memory_space<hbm>> -> memref<1x128x16xf32, #tpu.memory_space<hbm>>
        %dma_wait3A_314 = tpu.memref_squeeze %dma_wait3A_313 : memref<1x128x16xf32, #tpu.memory_space<hbm>> -> memref<128x16xf32, #tpu.memory_space<hbm>>
        %dma_wait3A_315 = arith.constant 0 : i32
        %dma_wait3A_316 = arith.constant 0 : i32
        %dma_wait3A_317 = tpu.memref_slice %arg11[%dma_wait3A_302, %dma_wait3A_315, %dma_wait3A_316] : memref<2x128x16xf32, #tpu.memory_space<vmem>> -> memref<1x128x16xf32, #tpu.memory_space<vmem>>
        %dma_wait3A_318 = tpu.memref_squeeze %dma_wait3A_317 : memref<1x128x16xf32, #tpu.memory_space<vmem>> -> memref<128x16xf32, #tpu.memory_space<vmem>>
        tpu.wait_dma2 semaphore(%arg18 : memref<!tpu.dma_semaphore, #tpu.memory_space<semaphore_mem>>) src(%dma_wait3A_318 : memref<128x16xf32, #tpu.memory_space<vmem>>) dst(%dma_wait3A_314 : memref<128x16xf32, #tpu.memory_space<hbm>>)
        %sub3A_319 = arith.constant 64 : i32
        %sub3A_320 = arith.subi %add3A_147, %sub3A_319 : i32
        %dma_wait3A_321 = arith.constant 0 : i32
        %dma_wait3A_322 = arith.constant 0 : i32
        %dma_wait3A_323 = arith.constant 0 : i32
        %dma_wait3A_324 = tpu.memref_slice %arg13[%dma_wait3A_321, %dma_wait3A_322, %dma_wait3A_323] : memref<2x128x16xf32, #tpu.memory_space<vmem>> -> memref<1x128x16xf32, #tpu.memory_space<vmem>>
        %dma_wait3A_325 = tpu.memref_squeeze %dma_wait3A_324 : memref<1x128x16xf32, #tpu.memory_space<vmem>> -> memref<128x16xf32, #tpu.memory_space<vmem>>
        %dma_wait3A_326 = arith.constant 0 : i32
        %dma_wait3A_327 = arith.constant 0 : i32
        %dma_wait3A_328 = tpu.memref_slice %arg6[%sub3A_320, %dma_wait3A_326, %dma_wait3A_327] : memref<12500x128x16xf32, #tpu.memory_space<hbm>> -> memref<1x128x16xf32, #tpu.memory_space<hbm>>
        %dma_wait3A_329 = tpu.memref_squeeze %dma_wait3A_328 : memref<1x128x16xf32, #tpu.memory_space<hbm>> -> memref<128x16xf32, #tpu.memory_space<hbm>>
        %dma_wait3A_330 = arith.constant 0 : i32
        %dma_wait3A_331 = arith.constant 0 : i32
        %dma_wait3A_332 = tpu.memref_slice %arg6[%sub3A_320, %dma_wait3A_330, %dma_wait3A_331] : memref<12500x128x16xf32, #tpu.memory_space<hbm>> -> memref<1x128x16xf32, #tpu.memory_space<hbm>>
        %dma_wait3A_333 = tpu.memref_squeeze %dma_wait3A_332 : memref<1x128x16xf32, #tpu.memory_space<hbm>> -> memref<128x16xf32, #tpu.memory_space<hbm>>
        %dma_wait3A_334 = arith.constant 0 : i32
        %dma_wait3A_335 = arith.constant 0 : i32
        %dma_wait3A_336 = tpu.memref_slice %arg13[%dma_wait3A_321, %dma_wait3A_334, %dma_wait3A_335] : memref<2x128x16xf32, #tpu.memory_space<vmem>> -> memref<1x128x16xf32, #tpu.memory_space<vmem>>
        %dma_wait3A_337 = tpu.memref_squeeze %dma_wait3A_336 : memref<1x128x16xf32, #tpu.memory_space<vmem>> -> memref<128x16xf32, #tpu.memory_space<vmem>>
        tpu.wait_dma2 semaphore(%arg20 : memref<!tpu.dma_semaphore, #tpu.memory_space<semaphore_mem>>) src(%dma_wait3A_337 : memref<128x16xf32, #tpu.memory_space<vmem>>) dst(%dma_wait3A_333 : memref<128x16xf32, #tpu.memory_space<hbm>>)
      } else {
      }
      %dma_wait3A_152 = arith.constant 0 : i32
      %dma_wait3A_153 = arith.constant 0 : i32
      %dma_wait3A_154 = tpu.memref_slice %arg10[%dma_wait3A_152, %dma_wait3A_153] : memref<2x128xi32, #tpu.memory_space<vmem>> -> memref<1x128xi32, #tpu.memory_space<vmem>>
      %dma_wait3A_155 = tpu.memref_squeeze %dma_wait3A_154 : memref<1x128xi32, #tpu.memory_space<vmem>> -> memref<128xi32, #tpu.memory_space<vmem>>
      %dma_wait3A_156 = arith.constant 0 : i32
      %dma_wait3A_157 = tpu.memref_slice %arg3[%add3A_147, %dma_wait3A_156] : memref<12500x128xi32, #tpu.memory_space<hbm>> -> memref<1x128xi32, #tpu.memory_space<hbm>>
      %dma_wait3A_158 = tpu.memref_squeeze %dma_wait3A_157 : memref<1x128xi32, #tpu.memory_space<hbm>> -> memref<128xi32, #tpu.memory_space<hbm>>
      %dma_wait3A_159 = arith.constant 0 : i32
      %dma_wait3A_160 = tpu.memref_slice %arg10[%dma_wait3A_152, %dma_wait3A_159] : memref<2x128xi32, #tpu.memory_space<vmem>> -> memref<1x128xi32, #tpu.memory_space<vmem>>
      %dma_wait3A_161 = tpu.memref_squeeze %dma_wait3A_160 : memref<1x128xi32, #tpu.memory_space<vmem>> -> memref<128xi32, #tpu.memory_space<vmem>>
      %dma_wait3A_162 = arith.constant 0 : i32
      %dma_wait3A_163 = tpu.memref_slice %arg3[%add3A_147, %dma_wait3A_162] : memref<12500x128xi32, #tpu.memory_space<hbm>> -> memref<1x128xi32, #tpu.memory_space<hbm>>
      %dma_wait3A_164 = tpu.memref_squeeze %dma_wait3A_163 : memref<1x128xi32, #tpu.memory_space<hbm>> -> memref<128xi32, #tpu.memory_space<hbm>>
      tpu.wait_dma2 semaphore(%arg14 : memref<!tpu.dma_semaphore, #tpu.memory_space<semaphore_mem>>) src(%dma_wait3A_164 : memref<128xi32, #tpu.memory_space<hbm>>) dst(%dma_wait3A_161 : memref<128xi32, #tpu.memory_space<vmem>>)
      %dma_wait3A_165 = arith.constant 0 : i32
      %dma_wait3A_166 = arith.constant 0 : i32
      %dma_wait3A_167 = tpu.memref_slice %arg12[%dma_wait3A_165, %dma_wait3A_166] : memref<2x128xi32, #tpu.memory_space<vmem>> -> memref<1x128xi32, #tpu.memory_space<vmem>>
      %dma_wait3A_168 = tpu.memref_squeeze %dma_wait3A_167 : memref<1x128xi32, #tpu.memory_space<vmem>> -> memref<128xi32, #tpu.memory_space<vmem>>
      %dma_wait3A_169 = arith.constant 0 : i32
      %dma_wait3A_170 = tpu.memref_slice %arg4[%add3A_147, %dma_wait3A_169] : memref<12500x128xi32, #tpu.memory_space<hbm>> -> memref<1x128xi32, #tpu.memory_space<hbm>>
      %dma_wait3A_171 = tpu.memref_squeeze %dma_wait3A_170 : memref<1x128xi32, #tpu.memory_space<hbm>> -> memref<128xi32, #tpu.memory_space<hbm>>
      %dma_wait3A_172 = arith.constant 0 : i32
      %dma_wait3A_173 = tpu.memref_slice %arg12[%dma_wait3A_165, %dma_wait3A_172] : memref<2x128xi32, #tpu.memory_space<vmem>> -> memref<1x128xi32, #tpu.memory_space<vmem>>
      %dma_wait3A_174 = tpu.memref_squeeze %dma_wait3A_173 : memref<1x128xi32, #tpu.memory_space<vmem>> -> memref<128xi32, #tpu.memory_space<vmem>>
      %dma_wait3A_175 = arith.constant 0 : i32
      %dma_wait3A_176 = tpu.memref_slice %arg4[%add3A_147, %dma_wait3A_175] : memref<12500x128xi32, #tpu.memory_space<hbm>> -> memref<1x128xi32, #tpu.memory_space<hbm>>
      %dma_wait3A_177 = tpu.memref_squeeze %dma_wait3A_176 : memref<1x128xi32, #tpu.memory_space<hbm>> -> memref<128xi32, #tpu.memory_space<hbm>>
      tpu.wait_dma2 semaphore(%arg16 : memref<!tpu.dma_semaphore, #tpu.memory_space<semaphore_mem>>) src(%dma_wait3A_177 : memref<128xi32, #tpu.memory_space<hbm>>) dst(%dma_wait3A_174 : memref<128xi32, #tpu.memory_space<vmem>>)
      %run_scoped3A = arith.constant 0 : i32
      %run_scoped3A_178 = arith.constant 0 : i32
      "tpu.region"() ({
        %run_scoped3A_301 = tpu.sem_alloc : memref<!tpu.dma_semaphore, #tpu.memory_space<semaphore_mem>>
        %dma_start3A_302 = arith.constant 0 : i32
        %dma_start3A_303 = arith.constant 0 : i32
        %dma_start3A_304 = tpu.memref_slice %arg11[%run_scoped3A_178, %dma_start3A_302, %dma_start3A_303] : memref<2x128x16xf32, #tpu.memory_space<vmem>> -> memref<1x128x16xf32, #tpu.memory_space<vmem>>
        %dma_start3A_305 = tpu.memref_squeeze %dma_start3A_304 : memref<1x128x16xf32, #tpu.memory_space<vmem>> -> memref<128x16xf32, #tpu.memory_space<vmem>>
        %dma_start3A_306 = arith.constant 0 : i32
        %dma_start3A_307 = tpu.memref_slice %arg10[%run_scoped3A, %dma_start3A_306] : memref<2x128xi32, #tpu.memory_space<vmem>> -> memref<1x128xi32, #tpu.memory_space<vmem>>
        %dma_start3A_308 = tpu.memref_squeeze %dma_start3A_307 : memref<1x128xi32, #tpu.memory_space<vmem>> -> memref<128xi32, #tpu.memory_space<vmem>>
        %dma_start3A_309 = arith.constant 0 : i32
        %dma_start3A_310 = arith.constant 0 : i32
        %dma_start3A_311 = tpu.memref_slice %arg8[%dma_start3A_309, %dma_start3A_310] : memref<100096x16xf32, #tpu.memory_space<vmem_shared>> -> memref<100096x16xf32, #tpu.memory_space<vmem_shared>>
        tpu.enqueue_indirect_dma source(%dma_start3A_311 : memref<100096x16xf32, #tpu.memory_space<vmem_shared>>) target(%dma_start3A_305 : memref<128x16xf32, #tpu.memory_space<vmem>>) offsets(%dma_start3A_308 : memref<128xi32, #tpu.memory_space<vmem>>) semaphore(%run_scoped3A_301 : memref<!tpu.dma_semaphore, #tpu.memory_space<semaphore_mem>>)
        %dma_wait3A_312 = arith.constant 0 : i32
        %dma_wait3A_313 = arith.constant 0 : i32
        %dma_wait3A_314 = tpu.memref_slice %arg11[%run_scoped3A_178, %dma_wait3A_312, %dma_wait3A_313] : memref<2x128x16xf32, #tpu.memory_space<vmem>> -> memref<1x128x16xf32, #tpu.memory_space<vmem>>
        %dma_wait3A_315 = tpu.memref_squeeze %dma_wait3A_314 : memref<1x128x16xf32, #tpu.memory_space<vmem>> -> memref<128x16xf32, #tpu.memory_space<vmem>>
        %dma_wait3A_316 = arith.constant 0 : i32
        %dma_wait3A_317 = tpu.memref_slice %arg10[%run_scoped3A, %dma_wait3A_316] : memref<2x128xi32, #tpu.memory_space<vmem>> -> memref<1x128xi32, #tpu.memory_space<vmem>>
        %dma_wait3A_318 = tpu.memref_squeeze %dma_wait3A_317 : memref<1x128xi32, #tpu.memory_space<vmem>> -> memref<128xi32, #tpu.memory_space<vmem>>
        %dma_wait3A_319 = arith.constant 0 : i32
        %dma_wait3A_320 = arith.constant 0 : i32
        %dma_wait3A_321 = tpu.memref_slice %arg8[%dma_wait3A_319, %dma_wait3A_320] : memref<100096x16xf32, #tpu.memory_space<vmem_shared>> -> memref<100096x16xf32, #tpu.memory_space<vmem_shared>>
        tpu.wait_indirect_dma semaphore(%run_scoped3A_301 : memref<!tpu.dma_semaphore, #tpu.memory_space<semaphore_mem>>) src(%dma_wait3A_321 : memref<100096x16xf32, #tpu.memory_space<vmem_shared>>) dst(%dma_wait3A_315 : memref<128x16xf32, #tpu.memory_space<vmem>>)
        tpu.yield
      }) : () -> ()
      %run_scoped3A_179 = arith.constant 0 : i32
      %run_scoped3A_180 = arith.constant 0 : i32
      "tpu.region"() ({
        %run_scoped3A_301 = tpu.sem_alloc : memref<!tpu.dma_semaphore, #tpu.memory_space<semaphore_mem>>
        %dma_start3A_302 = arith.constant 0 : i32
        %dma_start3A_303 = arith.constant 0 : i32
        %dma_start3A_304 = tpu.memref_slice %arg13[%run_scoped3A_180, %dma_start3A_302, %dma_start3A_303] : memref<2x128x16xf32, #tpu.memory_space<vmem>> -> memref<1x128x16xf32, #tpu.memory_space<vmem>>
        %dma_start3A_305 = tpu.memref_squeeze %dma_start3A_304 : memref<1x128x16xf32, #tpu.memory_space<vmem>> -> memref<128x16xf32, #tpu.memory_space<vmem>>
        %dma_start3A_306 = arith.constant 0 : i32
        %dma_start3A_307 = tpu.memref_slice %arg12[%run_scoped3A_179, %dma_start3A_306] : memref<2x128xi32, #tpu.memory_space<vmem>> -> memref<1x128xi32, #tpu.memory_space<vmem>>
        %dma_start3A_308 = tpu.memref_squeeze %dma_start3A_307 : memref<1x128xi32, #tpu.memory_space<vmem>> -> memref<128xi32, #tpu.memory_space<vmem>>
        %dma_start3A_309 = arith.constant 0 : i32
        %dma_start3A_310 = arith.constant 0 : i32
        %dma_start3A_311 = tpu.memref_slice %arg8[%dma_start3A_309, %dma_start3A_310] : memref<100096x16xf32, #tpu.memory_space<vmem_shared>> -> memref<100096x16xf32, #tpu.memory_space<vmem_shared>>
        tpu.enqueue_indirect_dma source(%dma_start3A_311 : memref<100096x16xf32, #tpu.memory_space<vmem_shared>>) target(%dma_start3A_305 : memref<128x16xf32, #tpu.memory_space<vmem>>) offsets(%dma_start3A_308 : memref<128xi32, #tpu.memory_space<vmem>>) semaphore(%run_scoped3A_301 : memref<!tpu.dma_semaphore, #tpu.memory_space<semaphore_mem>>)
        %dma_wait3A_312 = arith.constant 0 : i32
        %dma_wait3A_313 = arith.constant 0 : i32
        %dma_wait3A_314 = tpu.memref_slice %arg13[%run_scoped3A_180, %dma_wait3A_312, %dma_wait3A_313] : memref<2x128x16xf32, #tpu.memory_space<vmem>> -> memref<1x128x16xf32, #tpu.memory_space<vmem>>
        %dma_wait3A_315 = tpu.memref_squeeze %dma_wait3A_314 : memref<1x128x16xf32, #tpu.memory_space<vmem>> -> memref<128x16xf32, #tpu.memory_space<vmem>>
        %dma_wait3A_316 = arith.constant 0 : i32
        %dma_wait3A_317 = tpu.memref_slice %arg12[%run_scoped3A_179, %dma_wait3A_316] : memref<2x128xi32, #tpu.memory_space<vmem>> -> memref<1x128xi32, #tpu.memory_space<vmem>>
        %dma_wait3A_318 = tpu.memref_squeeze %dma_wait3A_317 : memref<1x128xi32, #tpu.memory_space<vmem>> -> memref<128xi32, #tpu.memory_space<vmem>>
        %dma_wait3A_319 = arith.constant 0 : i32
        %dma_wait3A_320 = arith.constant 0 : i32
        %dma_wait3A_321 = tpu.memref_slice %arg8[%dma_wait3A_319, %dma_wait3A_320] : memref<100096x16xf32, #tpu.memory_space<vmem_shared>> -> memref<100096x16xf32, #tpu.memory_space<vmem_shared>>
        tpu.wait_indirect_dma semaphore(%run_scoped3A_301 : memref<!tpu.dma_semaphore, #tpu.memory_space<semaphore_mem>>) src(%dma_wait3A_321 : memref<100096x16xf32, #tpu.memory_space<vmem_shared>>) dst(%dma_wait3A_315 : memref<128x16xf32, #tpu.memory_space<vmem>>)
        tpu.yield
      }) : () -> ()
      %dma_start3A_181 = arith.constant 0 : i32
      %dma_start3A_182 = arith.constant 0 : i32
      %dma_start3A_183 = arith.constant 0 : i32
      %dma_start3A_184 = tpu.memref_slice %arg11[%dma_start3A_181, %dma_start3A_182, %dma_start3A_183] : memref<2x128x16xf32, #tpu.memory_space<vmem>> -> memref<1x128x16xf32, #tpu.memory_space<vmem>>
      %dma_start3A_185 = tpu.memref_squeeze %dma_start3A_184 : memref<1x128x16xf32, #tpu.memory_space<vmem>> -> memref<128x16xf32, #tpu.memory_space<vmem>>
      %dma_start3A_186 = arith.constant 0 : i32
      %dma_start3A_187 = arith.constant 0 : i32
      %dma_start3A_188 = tpu.memref_slice %arg5[%add3A_147, %dma_start3A_186, %dma_start3A_187] : memref<12500x128x16xf32, #tpu.memory_space<hbm>> -> memref<1x128x16xf32, #tpu.memory_space<hbm>>
      %dma_start3A_189 = tpu.memref_squeeze %dma_start3A_188 : memref<1x128x16xf32, #tpu.memory_space<hbm>> -> memref<128x16xf32, #tpu.memory_space<hbm>>
      %dma_start3A_190 = arith.constant 0 : i32
      %dma_start3A_191 = arith.constant 0 : i32
      %dma_start3A_192 = tpu.memref_slice %arg5[%add3A_147, %dma_start3A_190, %dma_start3A_191] : memref<12500x128x16xf32, #tpu.memory_space<hbm>> -> memref<1x128x16xf32, #tpu.memory_space<hbm>>
      %dma_start3A_193 = tpu.memref_squeeze %dma_start3A_192 : memref<1x128x16xf32, #tpu.memory_space<hbm>> -> memref<128x16xf32, #tpu.memory_space<hbm>>
      %dma_start3A_194 = arith.constant 0 : i32
      %dma_start3A_195 = arith.constant 0 : i32
      %dma_start3A_196 = tpu.memref_slice %arg11[%dma_start3A_181, %dma_start3A_194, %dma_start3A_195] : memref<2x128x16xf32, #tpu.memory_space<vmem>> -> memref<1x128x16xf32, #tpu.memory_space<vmem>>
      %dma_start3A_197 = tpu.memref_squeeze %dma_start3A_196 : memref<1x128x16xf32, #tpu.memory_space<vmem>> -> memref<128x16xf32, #tpu.memory_space<vmem>>
      tpu.enqueue_dma source(%dma_start3A_197 : memref<128x16xf32, #tpu.memory_space<vmem>>) target(%dma_start3A_193 : memref<128x16xf32, #tpu.memory_space<hbm>>) target_semaphore(%arg18 : memref<!tpu.dma_semaphore, #tpu.memory_space<semaphore_mem>>)
      %dma_start3A_198 = arith.constant 0 : i32
      %dma_start3A_199 = arith.constant 0 : i32
      %dma_start3A_200 = arith.constant 0 : i32
      %dma_start3A_201 = tpu.memref_slice %arg13[%dma_start3A_198, %dma_start3A_199, %dma_start3A_200] : memref<2x128x16xf32, #tpu.memory_space<vmem>> -> memref<1x128x16xf32, #tpu.memory_space<vmem>>
      %dma_start3A_202 = tpu.memref_squeeze %dma_start3A_201 : memref<1x128x16xf32, #tpu.memory_space<vmem>> -> memref<128x16xf32, #tpu.memory_space<vmem>>
      %dma_start3A_203 = arith.constant 0 : i32
      %dma_start3A_204 = arith.constant 0 : i32
      %dma_start3A_205 = tpu.memref_slice %arg6[%add3A_147, %dma_start3A_203, %dma_start3A_204] : memref<12500x128x16xf32, #tpu.memory_space<hbm>> -> memref<1x128x16xf32, #tpu.memory_space<hbm>>
      %dma_start3A_206 = tpu.memref_squeeze %dma_start3A_205 : memref<1x128x16xf32, #tpu.memory_space<hbm>> -> memref<128x16xf32, #tpu.memory_space<hbm>>
      %dma_start3A_207 = arith.constant 0 : i32
      %dma_start3A_208 = arith.constant 0 : i32
      %dma_start3A_209 = tpu.memref_slice %arg6[%add3A_147, %dma_start3A_207, %dma_start3A_208] : memref<12500x128x16xf32, #tpu.memory_space<hbm>> -> memref<1x128x16xf32, #tpu.memory_space<hbm>>
      %dma_start3A_210 = tpu.memref_squeeze %dma_start3A_209 : memref<1x128x16xf32, #tpu.memory_space<hbm>> -> memref<128x16xf32, #tpu.memory_space<hbm>>
      %dma_start3A_211 = arith.constant 0 : i32
      %dma_start3A_212 = arith.constant 0 : i32
      %dma_start3A_213 = tpu.memref_slice %arg13[%dma_start3A_198, %dma_start3A_211, %dma_start3A_212] : memref<2x128x16xf32, #tpu.memory_space<vmem>> -> memref<1x128x16xf32, #tpu.memory_space<vmem>>
      %dma_start3A_214 = tpu.memref_squeeze %dma_start3A_213 : memref<1x128x16xf32, #tpu.memory_space<vmem>> -> memref<128x16xf32, #tpu.memory_space<vmem>>
      tpu.enqueue_dma source(%dma_start3A_214 : memref<128x16xf32, #tpu.memory_space<vmem>>) target(%dma_start3A_210 : memref<128x16xf32, #tpu.memory_space<hbm>>) target_semaphore(%arg20 : memref<!tpu.dma_semaphore, #tpu.memory_space<semaphore_mem>>)
      %lt3A_215 = arith.constant 388 : i32
      %lt3A_216 = arith.cmpi slt, %add3A_144, %lt3A_215 : i32
      %convert_element_type3A_217 = arith.extui %lt3A_216 : i1 to i32
      %cond3A_218 = arith.constant 0 : i32
      %cond3A_219 = arith.cmpi ne, %convert_element_type3A_217, %cond3A_218 : i32
      scf.if %cond3A_219 {
        %add3A_301 = arith.constant 64 : i32
        %add3A_302 = arith.addi %add3A_147, %add3A_301 : i32
        %dma_start3A_303 = arith.constant 0 : i32
        %dma_start3A_304 = arith.constant 0 : i32
        %dma_start3A_305 = tpu.memref_slice %arg10[%dma_start3A_303, %dma_start3A_304] : memref<2x128xi32, #tpu.memory_space<vmem>> -> memref<1x128xi32, #tpu.memory_space<vmem>>
        %dma_start3A_306 = tpu.memref_squeeze %dma_start3A_305 : memref<1x128xi32, #tpu.memory_space<vmem>> -> memref<128xi32, #tpu.memory_space<vmem>>
        %dma_start3A_307 = arith.constant 0 : i32
        %dma_start3A_308 = tpu.memref_slice %arg3[%add3A_302, %dma_start3A_307] : memref<12500x128xi32, #tpu.memory_space<hbm>> -> memref<1x128xi32, #tpu.memory_space<hbm>>
        %dma_start3A_309 = tpu.memref_squeeze %dma_start3A_308 : memref<1x128xi32, #tpu.memory_space<hbm>> -> memref<128xi32, #tpu.memory_space<hbm>>
        %dma_start3A_310 = arith.constant 0 : i32
        %dma_start3A_311 = tpu.memref_slice %arg10[%dma_start3A_303, %dma_start3A_310] : memref<2x128xi32, #tpu.memory_space<vmem>> -> memref<1x128xi32, #tpu.memory_space<vmem>>
        %dma_start3A_312 = tpu.memref_squeeze %dma_start3A_311 : memref<1x128xi32, #tpu.memory_space<vmem>> -> memref<128xi32, #tpu.memory_space<vmem>>
        %dma_start3A_313 = arith.constant 0 : i32
        %dma_start3A_314 = tpu.memref_slice %arg3[%add3A_302, %dma_start3A_313] : memref<12500x128xi32, #tpu.memory_space<hbm>> -> memref<1x128xi32, #tpu.memory_space<hbm>>
        %dma_start3A_315 = tpu.memref_squeeze %dma_start3A_314 : memref<1x128xi32, #tpu.memory_space<hbm>> -> memref<128xi32, #tpu.memory_space<hbm>>
        tpu.enqueue_dma source(%dma_start3A_315 : memref<128xi32, #tpu.memory_space<hbm>>) target(%dma_start3A_312 : memref<128xi32, #tpu.memory_space<vmem>>) target_semaphore(%arg14 : memref<!tpu.dma_semaphore, #tpu.memory_space<semaphore_mem>>)
        %add3A_316 = arith.constant 64 : i32
        %add3A_317 = arith.addi %add3A_147, %add3A_316 : i32
        %dma_start3A_318 = arith.constant 0 : i32
        %dma_start3A_319 = arith.constant 0 : i32
        %dma_start3A_320 = tpu.memref_slice %arg12[%dma_start3A_318, %dma_start3A_319] : memref<2x128xi32, #tpu.memory_space<vmem>> -> memref<1x128xi32, #tpu.memory_space<vmem>>
        %dma_start3A_321 = tpu.memref_squeeze %dma_start3A_320 : memref<1x128xi32, #tpu.memory_space<vmem>> -> memref<128xi32, #tpu.memory_space<vmem>>
        %dma_start3A_322 = arith.constant 0 : i32
        %dma_start3A_323 = tpu.memref_slice %arg4[%add3A_317, %dma_start3A_322] : memref<12500x128xi32, #tpu.memory_space<hbm>> -> memref<1x128xi32, #tpu.memory_space<hbm>>
        %dma_start3A_324 = tpu.memref_squeeze %dma_start3A_323 : memref<1x128xi32, #tpu.memory_space<hbm>> -> memref<128xi32, #tpu.memory_space<hbm>>
        %dma_start3A_325 = arith.constant 0 : i32
        %dma_start3A_326 = tpu.memref_slice %arg12[%dma_start3A_318, %dma_start3A_325] : memref<2x128xi32, #tpu.memory_space<vmem>> -> memref<1x128xi32, #tpu.memory_space<vmem>>
        %dma_start3A_327 = tpu.memref_squeeze %dma_start3A_326 : memref<1x128xi32, #tpu.memory_space<vmem>> -> memref<128xi32, #tpu.memory_space<vmem>>
        %dma_start3A_328 = arith.constant 0 : i32
        %dma_start3A_329 = tpu.memref_slice %arg4[%add3A_317, %dma_start3A_328] : memref<12500x128xi32, #tpu.memory_space<hbm>> -> memref<1x128xi32, #tpu.memory_space<hbm>>
        %dma_start3A_330 = tpu.memref_squeeze %dma_start3A_329 : memref<1x128xi32, #tpu.memory_space<hbm>> -> memref<128xi32, #tpu.memory_space<hbm>>
        tpu.enqueue_dma source(%dma_start3A_330 : memref<128xi32, #tpu.memory_space<hbm>>) target(%dma_start3A_327 : memref<128xi32, #tpu.memory_space<vmem>>) target_semaphore(%arg16 : memref<!tpu.dma_semaphore, #tpu.memory_space<semaphore_mem>>)
      } else {
      }
      %mul3A_220 = arith.constant 2 : i32
      %mul3A_221 = arith.muli %mul3A_220, %scan3A_140 : i32
      %add3A_222 = arith.constant 1 : i32
      %add3A_223 = arith.addi %mul3A_221, %add3A_222 : i32
      %mul3A_224 = arith.constant 32 : i32
      %mul3A_225 = arith.muli %mul3A_224, %add3A_223 : i32
      %add3A_226 = arith.addi %add3A, %mul3A_225 : i32
      %ge3A_227 = arith.constant 2 : i32
      %ge3A_228 = arith.cmpi sge, %add3A_223, %ge3A_227 : i32
      %convert_element_type3A_229 = arith.extui %ge3A_228 : i1 to i32
      %cond3A_230 = arith.constant 0 : i32
      %cond3A_231 = arith.cmpi ne, %convert_element_type3A_229, %cond3A_230 : i32
      scf.if %cond3A_231 {
        %sub3A = arith.constant 64 : i32
        %sub3A_301 = arith.subi %add3A_226, %sub3A : i32
        %dma_wait3A_302 = arith.constant 1 : i32
        %dma_wait3A_303 = arith.constant 0 : i32
        %dma_wait3A_304 = arith.constant 0 : i32
        %dma_wait3A_305 = tpu.memref_slice %arg11[%dma_wait3A_302, %dma_wait3A_303, %dma_wait3A_304] : memref<2x128x16xf32, #tpu.memory_space<vmem>> -> memref<1x128x16xf32, #tpu.memory_space<vmem>>
        %dma_wait3A_306 = tpu.memref_squeeze %dma_wait3A_305 : memref<1x128x16xf32, #tpu.memory_space<vmem>> -> memref<128x16xf32, #tpu.memory_space<vmem>>
        %dma_wait3A_307 = arith.constant 0 : i32
        %dma_wait3A_308 = arith.constant 0 : i32
        %dma_wait3A_309 = tpu.memref_slice %arg5[%sub3A_301, %dma_wait3A_307, %dma_wait3A_308] : memref<12500x128x16xf32, #tpu.memory_space<hbm>> -> memref<1x128x16xf32, #tpu.memory_space<hbm>>
        %dma_wait3A_310 = tpu.memref_squeeze %dma_wait3A_309 : memref<1x128x16xf32, #tpu.memory_space<hbm>> -> memref<128x16xf32, #tpu.memory_space<hbm>>
        %dma_wait3A_311 = arith.constant 0 : i32
        %dma_wait3A_312 = arith.constant 0 : i32
        %dma_wait3A_313 = tpu.memref_slice %arg5[%sub3A_301, %dma_wait3A_311, %dma_wait3A_312] : memref<12500x128x16xf32, #tpu.memory_space<hbm>> -> memref<1x128x16xf32, #tpu.memory_space<hbm>>
        %dma_wait3A_314 = tpu.memref_squeeze %dma_wait3A_313 : memref<1x128x16xf32, #tpu.memory_space<hbm>> -> memref<128x16xf32, #tpu.memory_space<hbm>>
        %dma_wait3A_315 = arith.constant 0 : i32
        %dma_wait3A_316 = arith.constant 0 : i32
        %dma_wait3A_317 = tpu.memref_slice %arg11[%dma_wait3A_302, %dma_wait3A_315, %dma_wait3A_316] : memref<2x128x16xf32, #tpu.memory_space<vmem>> -> memref<1x128x16xf32, #tpu.memory_space<vmem>>
        %dma_wait3A_318 = tpu.memref_squeeze %dma_wait3A_317 : memref<1x128x16xf32, #tpu.memory_space<vmem>> -> memref<128x16xf32, #tpu.memory_space<vmem>>
        tpu.wait_dma2 semaphore(%arg19 : memref<!tpu.dma_semaphore, #tpu.memory_space<semaphore_mem>>) src(%dma_wait3A_318 : memref<128x16xf32, #tpu.memory_space<vmem>>) dst(%dma_wait3A_314 : memref<128x16xf32, #tpu.memory_space<hbm>>)
        %sub3A_319 = arith.constant 64 : i32
        %sub3A_320 = arith.subi %add3A_226, %sub3A_319 : i32
        %dma_wait3A_321 = arith.constant 1 : i32
        %dma_wait3A_322 = arith.constant 0 : i32
        %dma_wait3A_323 = arith.constant 0 : i32
        %dma_wait3A_324 = tpu.memref_slice %arg13[%dma_wait3A_321, %dma_wait3A_322, %dma_wait3A_323] : memref<2x128x16xf32, #tpu.memory_space<vmem>> -> memref<1x128x16xf32, #tpu.memory_space<vmem>>
        %dma_wait3A_325 = tpu.memref_squeeze %dma_wait3A_324 : memref<1x128x16xf32, #tpu.memory_space<vmem>> -> memref<128x16xf32, #tpu.memory_space<vmem>>
        %dma_wait3A_326 = arith.constant 0 : i32
        %dma_wait3A_327 = arith.constant 0 : i32
        %dma_wait3A_328 = tpu.memref_slice %arg6[%sub3A_320, %dma_wait3A_326, %dma_wait3A_327] : memref<12500x128x16xf32, #tpu.memory_space<hbm>> -> memref<1x128x16xf32, #tpu.memory_space<hbm>>
        %dma_wait3A_329 = tpu.memref_squeeze %dma_wait3A_328 : memref<1x128x16xf32, #tpu.memory_space<hbm>> -> memref<128x16xf32, #tpu.memory_space<hbm>>
        %dma_wait3A_330 = arith.constant 0 : i32
        %dma_wait3A_331 = arith.constant 0 : i32
        %dma_wait3A_332 = tpu.memref_slice %arg6[%sub3A_320, %dma_wait3A_330, %dma_wait3A_331] : memref<12500x128x16xf32, #tpu.memory_space<hbm>> -> memref<1x128x16xf32, #tpu.memory_space<hbm>>
        %dma_wait3A_333 = tpu.memref_squeeze %dma_wait3A_332 : memref<1x128x16xf32, #tpu.memory_space<hbm>> -> memref<128x16xf32, #tpu.memory_space<hbm>>
        %dma_wait3A_334 = arith.constant 0 : i32
        %dma_wait3A_335 = arith.constant 0 : i32
        %dma_wait3A_336 = tpu.memref_slice %arg13[%dma_wait3A_321, %dma_wait3A_334, %dma_wait3A_335] : memref<2x128x16xf32, #tpu.memory_space<vmem>> -> memref<1x128x16xf32, #tpu.memory_space<vmem>>
        %dma_wait3A_337 = tpu.memref_squeeze %dma_wait3A_336 : memref<1x128x16xf32, #tpu.memory_space<vmem>> -> memref<128x16xf32, #tpu.memory_space<vmem>>
        tpu.wait_dma2 semaphore(%arg21 : memref<!tpu.dma_semaphore, #tpu.memory_space<semaphore_mem>>) src(%dma_wait3A_337 : memref<128x16xf32, #tpu.memory_space<vmem>>) dst(%dma_wait3A_333 : memref<128x16xf32, #tpu.memory_space<hbm>>)
      } else {
      }
      %dma_wait3A_232 = arith.constant 1 : i32
      %dma_wait3A_233 = arith.constant 0 : i32
      %dma_wait3A_234 = tpu.memref_slice %arg10[%dma_wait3A_232, %dma_wait3A_233] : memref<2x128xi32, #tpu.memory_space<vmem>> -> memref<1x128xi32, #tpu.memory_space<vmem>>
      %dma_wait3A_235 = tpu.memref_squeeze %dma_wait3A_234 : memref<1x128xi32, #tpu.memory_space<vmem>> -> memref<128xi32, #tpu.memory_space<vmem>>
      %dma_wait3A_236 = arith.constant 0 : i32
      %dma_wait3A_237 = tpu.memref_slice %arg3[%add3A_226, %dma_wait3A_236] : memref<12500x128xi32, #tpu.memory_space<hbm>> -> memref<1x128xi32, #tpu.memory_space<hbm>>
      %dma_wait3A_238 = tpu.memref_squeeze %dma_wait3A_237 : memref<1x128xi32, #tpu.memory_space<hbm>> -> memref<128xi32, #tpu.memory_space<hbm>>
      %dma_wait3A_239 = arith.constant 0 : i32
      %dma_wait3A_240 = tpu.memref_slice %arg10[%dma_wait3A_232, %dma_wait3A_239] : memref<2x128xi32, #tpu.memory_space<vmem>> -> memref<1x128xi32, #tpu.memory_space<vmem>>
      %dma_wait3A_241 = tpu.memref_squeeze %dma_wait3A_240 : memref<1x128xi32, #tpu.memory_space<vmem>> -> memref<128xi32, #tpu.memory_space<vmem>>
      %dma_wait3A_242 = arith.constant 0 : i32
      %dma_wait3A_243 = tpu.memref_slice %arg3[%add3A_226, %dma_wait3A_242] : memref<12500x128xi32, #tpu.memory_space<hbm>> -> memref<1x128xi32, #tpu.memory_space<hbm>>
      %dma_wait3A_244 = tpu.memref_squeeze %dma_wait3A_243 : memref<1x128xi32, #tpu.memory_space<hbm>> -> memref<128xi32, #tpu.memory_space<hbm>>
      tpu.wait_dma2 semaphore(%arg15 : memref<!tpu.dma_semaphore, #tpu.memory_space<semaphore_mem>>) src(%dma_wait3A_244 : memref<128xi32, #tpu.memory_space<hbm>>) dst(%dma_wait3A_241 : memref<128xi32, #tpu.memory_space<vmem>>)
      %dma_wait3A_245 = arith.constant 1 : i32
      %dma_wait3A_246 = arith.constant 0 : i32
      %dma_wait3A_247 = tpu.memref_slice %arg12[%dma_wait3A_245, %dma_wait3A_246] : memref<2x128xi32, #tpu.memory_space<vmem>> -> memref<1x128xi32, #tpu.memory_space<vmem>>
      %dma_wait3A_248 = tpu.memref_squeeze %dma_wait3A_247 : memref<1x128xi32, #tpu.memory_space<vmem>> -> memref<128xi32, #tpu.memory_space<vmem>>
      %dma_wait3A_249 = arith.constant 0 : i32
      %dma_wait3A_250 = tpu.memref_slice %arg4[%add3A_226, %dma_wait3A_249] : memref<12500x128xi32, #tpu.memory_space<hbm>> -> memref<1x128xi32, #tpu.memory_space<hbm>>
      %dma_wait3A_251 = tpu.memref_squeeze %dma_wait3A_250 : memref<1x128xi32, #tpu.memory_space<hbm>> -> memref<128xi32, #tpu.memory_space<hbm>>
      %dma_wait3A_252 = arith.constant 0 : i32
      %dma_wait3A_253 = tpu.memref_slice %arg12[%dma_wait3A_245, %dma_wait3A_252] : memref<2x128xi32, #tpu.memory_space<vmem>> -> memref<1x128xi32, #tpu.memory_space<vmem>>
      %dma_wait3A_254 = tpu.memref_squeeze %dma_wait3A_253 : memref<1x128xi32, #tpu.memory_space<vmem>> -> memref<128xi32, #tpu.memory_space<vmem>>
      %dma_wait3A_255 = arith.constant 0 : i32
      %dma_wait3A_256 = tpu.memref_slice %arg4[%add3A_226, %dma_wait3A_255] : memref<12500x128xi32, #tpu.memory_space<hbm>> -> memref<1x128xi32, #tpu.memory_space<hbm>>
      %dma_wait3A_257 = tpu.memref_squeeze %dma_wait3A_256 : memref<1x128xi32, #tpu.memory_space<hbm>> -> memref<128xi32, #tpu.memory_space<hbm>>
      tpu.wait_dma2 semaphore(%arg17 : memref<!tpu.dma_semaphore, #tpu.memory_space<semaphore_mem>>) src(%dma_wait3A_257 : memref<128xi32, #tpu.memory_space<hbm>>) dst(%dma_wait3A_254 : memref<128xi32, #tpu.memory_space<vmem>>)
      %run_scoped3A_258 = arith.constant 1 : i32
      %run_scoped3A_259 = arith.constant 1 : i32
      "tpu.region"() ({
        %run_scoped3A_301 = tpu.sem_alloc : memref<!tpu.dma_semaphore, #tpu.memory_space<semaphore_mem>>
        %dma_start3A_302 = arith.constant 0 : i32
        %dma_start3A_303 = arith.constant 0 : i32
        %dma_start3A_304 = tpu.memref_slice %arg11[%run_scoped3A_259, %dma_start3A_302, %dma_start3A_303] : memref<2x128x16xf32, #tpu.memory_space<vmem>> -> memref<1x128x16xf32, #tpu.memory_space<vmem>>
        %dma_start3A_305 = tpu.memref_squeeze %dma_start3A_304 : memref<1x128x16xf32, #tpu.memory_space<vmem>> -> memref<128x16xf32, #tpu.memory_space<vmem>>
        %dma_start3A_306 = arith.constant 0 : i32
        %dma_start3A_307 = tpu.memref_slice %arg10[%run_scoped3A_258, %dma_start3A_306] : memref<2x128xi32, #tpu.memory_space<vmem>> -> memref<1x128xi32, #tpu.memory_space<vmem>>
        %dma_start3A_308 = tpu.memref_squeeze %dma_start3A_307 : memref<1x128xi32, #tpu.memory_space<vmem>> -> memref<128xi32, #tpu.memory_space<vmem>>
        %dma_start3A_309 = arith.constant 0 : i32
        %dma_start3A_310 = arith.constant 0 : i32
        %dma_start3A_311 = tpu.memref_slice %arg8[%dma_start3A_309, %dma_start3A_310] : memref<100096x16xf32, #tpu.memory_space<vmem_shared>> -> memref<100096x16xf32, #tpu.memory_space<vmem_shared>>
        tpu.enqueue_indirect_dma source(%dma_start3A_311 : memref<100096x16xf32, #tpu.memory_space<vmem_shared>>) target(%dma_start3A_305 : memref<128x16xf32, #tpu.memory_space<vmem>>) offsets(%dma_start3A_308 : memref<128xi32, #tpu.memory_space<vmem>>) semaphore(%run_scoped3A_301 : memref<!tpu.dma_semaphore, #tpu.memory_space<semaphore_mem>>)
        %dma_wait3A_312 = arith.constant 0 : i32
        %dma_wait3A_313 = arith.constant 0 : i32
        %dma_wait3A_314 = tpu.memref_slice %arg11[%run_scoped3A_259, %dma_wait3A_312, %dma_wait3A_313] : memref<2x128x16xf32, #tpu.memory_space<vmem>> -> memref<1x128x16xf32, #tpu.memory_space<vmem>>
        %dma_wait3A_315 = tpu.memref_squeeze %dma_wait3A_314 : memref<1x128x16xf32, #tpu.memory_space<vmem>> -> memref<128x16xf32, #tpu.memory_space<vmem>>
        %dma_wait3A_316 = arith.constant 0 : i32
        %dma_wait3A_317 = tpu.memref_slice %arg10[%run_scoped3A_258, %dma_wait3A_316] : memref<2x128xi32, #tpu.memory_space<vmem>> -> memref<1x128xi32, #tpu.memory_space<vmem>>
        %dma_wait3A_318 = tpu.memref_squeeze %dma_wait3A_317 : memref<1x128xi32, #tpu.memory_space<vmem>> -> memref<128xi32, #tpu.memory_space<vmem>>
        %dma_wait3A_319 = arith.constant 0 : i32
        %dma_wait3A_320 = arith.constant 0 : i32
        %dma_wait3A_321 = tpu.memref_slice %arg8[%dma_wait3A_319, %dma_wait3A_320] : memref<100096x16xf32, #tpu.memory_space<vmem_shared>> -> memref<100096x16xf32, #tpu.memory_space<vmem_shared>>
        tpu.wait_indirect_dma semaphore(%run_scoped3A_301 : memref<!tpu.dma_semaphore, #tpu.memory_space<semaphore_mem>>) src(%dma_wait3A_321 : memref<100096x16xf32, #tpu.memory_space<vmem_shared>>) dst(%dma_wait3A_315 : memref<128x16xf32, #tpu.memory_space<vmem>>)
        tpu.yield
      }) : () -> ()
      %run_scoped3A_260 = arith.constant 1 : i32
      %run_scoped3A_261 = arith.constant 1 : i32
      "tpu.region"() ({
        %run_scoped3A_301 = tpu.sem_alloc : memref<!tpu.dma_semaphore, #tpu.memory_space<semaphore_mem>>
        %dma_start3A_302 = arith.constant 0 : i32
        %dma_start3A_303 = arith.constant 0 : i32
        %dma_start3A_304 = tpu.memref_slice %arg13[%run_scoped3A_261, %dma_start3A_302, %dma_start3A_303] : memref<2x128x16xf32, #tpu.memory_space<vmem>> -> memref<1x128x16xf32, #tpu.memory_space<vmem>>
        %dma_start3A_305 = tpu.memref_squeeze %dma_start3A_304 : memref<1x128x16xf32, #tpu.memory_space<vmem>> -> memref<128x16xf32, #tpu.memory_space<vmem>>
        %dma_start3A_306 = arith.constant 0 : i32
        %dma_start3A_307 = tpu.memref_slice %arg12[%run_scoped3A_260, %dma_start3A_306] : memref<2x128xi32, #tpu.memory_space<vmem>> -> memref<1x128xi32, #tpu.memory_space<vmem>>
        %dma_start3A_308 = tpu.memref_squeeze %dma_start3A_307 : memref<1x128xi32, #tpu.memory_space<vmem>> -> memref<128xi32, #tpu.memory_space<vmem>>
        %dma_start3A_309 = arith.constant 0 : i32
        %dma_start3A_310 = arith.constant 0 : i32
        %dma_start3A_311 = tpu.memref_slice %arg8[%dma_start3A_309, %dma_start3A_310] : memref<100096x16xf32, #tpu.memory_space<vmem_shared>> -> memref<100096x16xf32, #tpu.memory_space<vmem_shared>>
        tpu.enqueue_indirect_dma source(%dma_start3A_311 : memref<100096x16xf32, #tpu.memory_space<vmem_shared>>) target(%dma_start3A_305 : memref<128x16xf32, #tpu.memory_space<vmem>>) offsets(%dma_start3A_308 : memref<128xi32, #tpu.memory_space<vmem>>) semaphore(%run_scoped3A_301 : memref<!tpu.dma_semaphore, #tpu.memory_space<semaphore_mem>>)
        %dma_wait3A_312 = arith.constant 0 : i32
        %dma_wait3A_313 = arith.constant 0 : i32
        %dma_wait3A_314 = tpu.memref_slice %arg13[%run_scoped3A_261, %dma_wait3A_312, %dma_wait3A_313] : memref<2x128x16xf32, #tpu.memory_space<vmem>> -> memref<1x128x16xf32, #tpu.memory_space<vmem>>
        %dma_wait3A_315 = tpu.memref_squeeze %dma_wait3A_314 : memref<1x128x16xf32, #tpu.memory_space<vmem>> -> memref<128x16xf32, #tpu.memory_space<vmem>>
        %dma_wait3A_316 = arith.constant 0 : i32
        %dma_wait3A_317 = tpu.memref_slice %arg12[%run_scoped3A_260, %dma_wait3A_316] : memref<2x128xi32, #tpu.memory_space<vmem>> -> memref<1x128xi32, #tpu.memory_space<vmem>>
        %dma_wait3A_318 = tpu.memref_squeeze %dma_wait3A_317 : memref<1x128xi32, #tpu.memory_space<vmem>> -> memref<128xi32, #tpu.memory_space<vmem>>
        %dma_wait3A_319 = arith.constant 0 : i32
        %dma_wait3A_320 = arith.constant 0 : i32
        %dma_wait3A_321 = tpu.memref_slice %arg8[%dma_wait3A_319, %dma_wait3A_320] : memref<100096x16xf32, #tpu.memory_space<vmem_shared>> -> memref<100096x16xf32, #tpu.memory_space<vmem_shared>>
        tpu.wait_indirect_dma semaphore(%run_scoped3A_301 : memref<!tpu.dma_semaphore, #tpu.memory_space<semaphore_mem>>) src(%dma_wait3A_321 : memref<100096x16xf32, #tpu.memory_space<vmem_shared>>) dst(%dma_wait3A_315 : memref<128x16xf32, #tpu.memory_space<vmem>>)
        tpu.yield
      }) : () -> ()
      %dma_start3A_262 = arith.constant 1 : i32
      %dma_start3A_263 = arith.constant 0 : i32
      %dma_start3A_264 = arith.constant 0 : i32
      %dma_start3A_265 = tpu.memref_slice %arg11[%dma_start3A_262, %dma_start3A_263, %dma_start3A_264] : memref<2x128x16xf32, #tpu.memory_space<vmem>> -> memref<1x128x16xf32, #tpu.memory_space<vmem>>
      %dma_start3A_266 = tpu.memref_squeeze %dma_start3A_265 : memref<1x128x16xf32, #tpu.memory_space<vmem>> -> memref<128x16xf32, #tpu.memory_space<vmem>>
      %dma_start3A_267 = arith.constant 0 : i32
      %dma_start3A_268 = arith.constant 0 : i32
      %dma_start3A_269 = tpu.memref_slice %arg5[%add3A_226, %dma_start3A_267, %dma_start3A_268] : memref<12500x128x16xf32, #tpu.memory_space<hbm>> -> memref<1x128x16xf32, #tpu.memory_space<hbm>>
      %dma_start3A_270 = tpu.memref_squeeze %dma_start3A_269 : memref<1x128x16xf32, #tpu.memory_space<hbm>> -> memref<128x16xf32, #tpu.memory_space<hbm>>
      %dma_start3A_271 = arith.constant 0 : i32
      %dma_start3A_272 = arith.constant 0 : i32
      %dma_start3A_273 = tpu.memref_slice %arg5[%add3A_226, %dma_start3A_271, %dma_start3A_272] : memref<12500x128x16xf32, #tpu.memory_space<hbm>> -> memref<1x128x16xf32, #tpu.memory_space<hbm>>
      %dma_start3A_274 = tpu.memref_squeeze %dma_start3A_273 : memref<1x128x16xf32, #tpu.memory_space<hbm>> -> memref<128x16xf32, #tpu.memory_space<hbm>>
      %dma_start3A_275 = arith.constant 0 : i32
      %dma_start3A_276 = arith.constant 0 : i32
      %dma_start3A_277 = tpu.memref_slice %arg11[%dma_start3A_262, %dma_start3A_275, %dma_start3A_276] : memref<2x128x16xf32, #tpu.memory_space<vmem>> -> memref<1x128x16xf32, #tpu.memory_space<vmem>>
      %dma_start3A_278 = tpu.memref_squeeze %dma_start3A_277 : memref<1x128x16xf32, #tpu.memory_space<vmem>> -> memref<128x16xf32, #tpu.memory_space<vmem>>
      tpu.enqueue_dma source(%dma_start3A_278 : memref<128x16xf32, #tpu.memory_space<vmem>>) target(%dma_start3A_274 : memref<128x16xf32, #tpu.memory_space<hbm>>) target_semaphore(%arg19 : memref<!tpu.dma_semaphore, #tpu.memory_space<semaphore_mem>>)
      %dma_start3A_279 = arith.constant 1 : i32
      %dma_start3A_280 = arith.constant 0 : i32
      %dma_start3A_281 = arith.constant 0 : i32
      %dma_start3A_282 = tpu.memref_slice %arg13[%dma_start3A_279, %dma_start3A_280, %dma_start3A_281] : memref<2x128x16xf32, #tpu.memory_space<vmem>> -> memref<1x128x16xf32, #tpu.memory_space<vmem>>
      %dma_start3A_283 = tpu.memref_squeeze %dma_start3A_282 : memref<1x128x16xf32, #tpu.memory_space<vmem>> -> memref<128x16xf32, #tpu.memory_space<vmem>>
      %dma_start3A_284 = arith.constant 0 : i32
      %dma_start3A_285 = arith.constant 0 : i32
      %dma_start3A_286 = tpu.memref_slice %arg6[%add3A_226, %dma_start3A_284, %dma_start3A_285] : memref<12500x128x16xf32, #tpu.memory_space<hbm>> -> memref<1x128x16xf32, #tpu.memory_space<hbm>>
      %dma_start3A_287 = tpu.memref_squeeze %dma_start3A_286 : memref<1x128x16xf32, #tpu.memory_space<hbm>> -> memref<128x16xf32, #tpu.memory_space<hbm>>
      %dma_start3A_288 = arith.constant 0 : i32
      %dma_start3A_289 = arith.constant 0 : i32
      %dma_start3A_290 = tpu.memref_slice %arg6[%add3A_226, %dma_start3A_288, %dma_start3A_289] : memref<12500x128x16xf32, #tpu.memory_space<hbm>> -> memref<1x128x16xf32, #tpu.memory_space<hbm>>
      %dma_start3A_291 = tpu.memref_squeeze %dma_start3A_290 : memref<1x128x16xf32, #tpu.memory_space<hbm>> -> memref<128x16xf32, #tpu.memory_space<hbm>>
      %dma_start3A_292 = arith.constant 0 : i32
      %dma_start3A_293 = arith.constant 0 : i32
      %dma_start3A_294 = tpu.memref_slice %arg13[%dma_start3A_279, %dma_start3A_292, %dma_start3A_293] : memref<2x128x16xf32, #tpu.memory_space<vmem>> -> memref<1x128x16xf32, #tpu.memory_space<vmem>>
      %dma_start3A_295 = tpu.memref_squeeze %dma_start3A_294 : memref<1x128x16xf32, #tpu.memory_space<vmem>> -> memref<128x16xf32, #tpu.memory_space<vmem>>
      tpu.enqueue_dma source(%dma_start3A_295 : memref<128x16xf32, #tpu.memory_space<vmem>>) target(%dma_start3A_291 : memref<128x16xf32, #tpu.memory_space<hbm>>) target_semaphore(%arg21 : memref<!tpu.dma_semaphore, #tpu.memory_space<semaphore_mem>>)
      %lt3A_296 = arith.constant 388 : i32
      %lt3A_297 = arith.cmpi slt, %add3A_223, %lt3A_296 : i32
      %convert_element_type3A_298 = arith.extui %lt3A_297 : i1 to i32
      %cond3A_299 = arith.constant 0 : i32
      %cond3A_300 = arith.cmpi ne, %convert_element_type3A_298, %cond3A_299 : i32
      scf.if %cond3A_300 {
        %add3A_301 = arith.constant 64 : i32
        %add3A_302 = arith.addi %add3A_226, %add3A_301 : i32
        %dma_start3A_303 = arith.constant 1 : i32
        %dma_start3A_304 = arith.constant 0 : i32
        %dma_start3A_305 = tpu.memref_slice %arg10[%dma_start3A_303, %dma_start3A_304] : memref<2x128xi32, #tpu.memory_space<vmem>> -> memref<1x128xi32, #tpu.memory_space<vmem>>
        %dma_start3A_306 = tpu.memref_squeeze %dma_start3A_305 : memref<1x128xi32, #tpu.memory_space<vmem>> -> memref<128xi32, #tpu.memory_space<vmem>>
        %dma_start3A_307 = arith.constant 0 : i32
        %dma_start3A_308 = tpu.memref_slice %arg3[%add3A_302, %dma_start3A_307] : memref<12500x128xi32, #tpu.memory_space<hbm>> -> memref<1x128xi32, #tpu.memory_space<hbm>>
        %dma_start3A_309 = tpu.memref_squeeze %dma_start3A_308 : memref<1x128xi32, #tpu.memory_space<hbm>> -> memref<128xi32, #tpu.memory_space<hbm>>
        %dma_start3A_310 = arith.constant 0 : i32
        %dma_start3A_311 = tpu.memref_slice %arg10[%dma_start3A_303, %dma_start3A_310] : memref<2x128xi32, #tpu.memory_space<vmem>> -> memref<1x128xi32, #tpu.memory_space<vmem>>
        %dma_start3A_312 = tpu.memref_squeeze %dma_start3A_311 : memref<1x128xi32, #tpu.memory_space<vmem>> -> memref<128xi32, #tpu.memory_space<vmem>>
        %dma_start3A_313 = arith.constant 0 : i32
        %dma_start3A_314 = tpu.memref_slice %arg3[%add3A_302, %dma_start3A_313] : memref<12500x128xi32, #tpu.memory_space<hbm>> -> memref<1x128xi32, #tpu.memory_space<hbm>>
        %dma_start3A_315 = tpu.memref_squeeze %dma_start3A_314 : memref<1x128xi32, #tpu.memory_space<hbm>> -> memref<128xi32, #tpu.memory_space<hbm>>
        tpu.enqueue_dma source(%dma_start3A_315 : memref<128xi32, #tpu.memory_space<hbm>>) target(%dma_start3A_312 : memref<128xi32, #tpu.memory_space<vmem>>) target_semaphore(%arg15 : memref<!tpu.dma_semaphore, #tpu.memory_space<semaphore_mem>>)
        %add3A_316 = arith.constant 64 : i32
        %add3A_317 = arith.addi %add3A_226, %add3A_316 : i32
        %dma_start3A_318 = arith.constant 1 : i32
        %dma_start3A_319 = arith.constant 0 : i32
        %dma_start3A_320 = tpu.memref_slice %arg12[%dma_start3A_318, %dma_start3A_319] : memref<2x128xi32, #tpu.memory_space<vmem>> -> memref<1x128xi32, #tpu.memory_space<vmem>>
        %dma_start3A_321 = tpu.memref_squeeze %dma_start3A_320 : memref<1x128xi32, #tpu.memory_space<vmem>> -> memref<128xi32, #tpu.memory_space<vmem>>
        %dma_start3A_322 = arith.constant 0 : i32
        %dma_start3A_323 = tpu.memref_slice %arg4[%add3A_317, %dma_start3A_322] : memref<12500x128xi32, #tpu.memory_space<hbm>> -> memref<1x128xi32, #tpu.memory_space<hbm>>
        %dma_start3A_324 = tpu.memref_squeeze %dma_start3A_323 : memref<1x128xi32, #tpu.memory_space<hbm>> -> memref<128xi32, #tpu.memory_space<hbm>>
        %dma_start3A_325 = arith.constant 0 : i32
        %dma_start3A_326 = tpu.memref_slice %arg12[%dma_start3A_318, %dma_start3A_325] : memref<2x128xi32, #tpu.memory_space<vmem>> -> memref<1x128xi32, #tpu.memory_space<vmem>>
        %dma_start3A_327 = tpu.memref_squeeze %dma_start3A_326 : memref<1x128xi32, #tpu.memory_space<vmem>> -> memref<128xi32, #tpu.memory_space<vmem>>
        %dma_start3A_328 = arith.constant 0 : i32
        %dma_start3A_329 = tpu.memref_slice %arg4[%add3A_317, %dma_start3A_328] : memref<12500x128xi32, #tpu.memory_space<hbm>> -> memref<1x128xi32, #tpu.memory_space<hbm>>
        %dma_start3A_330 = tpu.memref_squeeze %dma_start3A_329 : memref<1x128xi32, #tpu.memory_space<hbm>> -> memref<128xi32, #tpu.memory_space<hbm>>
        tpu.enqueue_dma source(%dma_start3A_330 : memref<128xi32, #tpu.memory_space<hbm>>) target(%dma_start3A_327 : memref<128xi32, #tpu.memory_space<vmem>>) target_semaphore(%arg17 : memref<!tpu.dma_semaphore, #tpu.memory_space<semaphore_mem>>)
      } else {
      }
    }
    %scan3A_66 = arith.constant 195 : i32
    %add3A_67 = arith.constant 12416 : i32
    %add3A_68 = arith.addi %add3A, %add3A_67 : i32
    %dma_wait3A = arith.constant 0 : i32
    %dma_wait3A_69 = arith.constant 0 : i32
    %dma_wait3A_70 = arith.constant 0 : i32
    %dma_wait3A_71 = tpu.memref_slice %arg11[%dma_wait3A, %dma_wait3A_69, %dma_wait3A_70] : memref<2x128x16xf32, #tpu.memory_space<vmem>> -> memref<1x128x16xf32, #tpu.memory_space<vmem>>
    %dma_wait3A_72 = tpu.memref_squeeze %dma_wait3A_71 : memref<1x128x16xf32, #tpu.memory_space<vmem>> -> memref<128x16xf32, #tpu.memory_space<vmem>>
    %dma_wait3A_73 = arith.constant 0 : i32
    %dma_wait3A_74 = arith.constant 0 : i32
    %dma_wait3A_75 = tpu.memref_slice %arg5[%add3A_68, %dma_wait3A_73, %dma_wait3A_74] : memref<12500x128x16xf32, #tpu.memory_space<hbm>> -> memref<1x128x16xf32, #tpu.memory_space<hbm>>
    %dma_wait3A_76 = tpu.memref_squeeze %dma_wait3A_75 : memref<1x128x16xf32, #tpu.memory_space<hbm>> -> memref<128x16xf32, #tpu.memory_space<hbm>>
    %dma_wait3A_77 = arith.constant 0 : i32
    %dma_wait3A_78 = arith.constant 0 : i32
    %dma_wait3A_79 = tpu.memref_slice %arg5[%add3A_68, %dma_wait3A_77, %dma_wait3A_78] : memref<12500x128x16xf32, #tpu.memory_space<hbm>> -> memref<1x128x16xf32, #tpu.memory_space<hbm>>
    %dma_wait3A_80 = tpu.memref_squeeze %dma_wait3A_79 : memref<1x128x16xf32, #tpu.memory_space<hbm>> -> memref<128x16xf32, #tpu.memory_space<hbm>>
    %dma_wait3A_81 = arith.constant 0 : i32
    %dma_wait3A_82 = arith.constant 0 : i32
    %dma_wait3A_83 = tpu.memref_slice %arg11[%dma_wait3A, %dma_wait3A_81, %dma_wait3A_82] : memref<2x128x16xf32, #tpu.memory_space<vmem>> -> memref<1x128x16xf32, #tpu.memory_space<vmem>>
    %dma_wait3A_84 = tpu.memref_squeeze %dma_wait3A_83 : memref<1x128x16xf32, #tpu.memory_space<vmem>> -> memref<128x16xf32, #tpu.memory_space<vmem>>
    tpu.wait_dma2 semaphore(%arg18 : memref<!tpu.dma_semaphore, #tpu.memory_space<semaphore_mem>>) src(%dma_wait3A_84 : memref<128x16xf32, #tpu.memory_space<vmem>>) dst(%dma_wait3A_80 : memref<128x16xf32, #tpu.memory_space<hbm>>)
    %dma_wait3A_85 = arith.constant 0 : i32
    %dma_wait3A_86 = arith.constant 0 : i32
    %dma_wait3A_87 = arith.constant 0 : i32
    %dma_wait3A_88 = tpu.memref_slice %arg13[%dma_wait3A_85, %dma_wait3A_86, %dma_wait3A_87] : memref<2x128x16xf32, #tpu.memory_space<vmem>> -> memref<1x128x16xf32, #tpu.memory_space<vmem>>
    %dma_wait3A_89 = tpu.memref_squeeze %dma_wait3A_88 : memref<1x128x16xf32, #tpu.memory_space<vmem>> -> memref<128x16xf32, #tpu.memory_space<vmem>>
    %dma_wait3A_90 = arith.constant 0 : i32
    %dma_wait3A_91 = arith.constant 0 : i32
    %dma_wait3A_92 = tpu.memref_slice %arg6[%add3A_68, %dma_wait3A_90, %dma_wait3A_91] : memref<12500x128x16xf32, #tpu.memory_space<hbm>> -> memref<1x128x16xf32, #tpu.memory_space<hbm>>
    %dma_wait3A_93 = tpu.memref_squeeze %dma_wait3A_92 : memref<1x128x16xf32, #tpu.memory_space<hbm>> -> memref<128x16xf32, #tpu.memory_space<hbm>>
    %dma_wait3A_94 = arith.constant 0 : i32
    %dma_wait3A_95 = arith.constant 0 : i32
    %dma_wait3A_96 = tpu.memref_slice %arg6[%add3A_68, %dma_wait3A_94, %dma_wait3A_95] : memref<12500x128x16xf32, #tpu.memory_space<hbm>> -> memref<1x128x16xf32, #tpu.memory_space<hbm>>
    %dma_wait3A_97 = tpu.memref_squeeze %dma_wait3A_96 : memref<1x128x16xf32, #tpu.memory_space<hbm>> -> memref<128x16xf32, #tpu.memory_space<hbm>>
    %dma_wait3A_98 = arith.constant 0 : i32
    %dma_wait3A_99 = arith.constant 0 : i32
    %dma_wait3A_100 = tpu.memref_slice %arg13[%dma_wait3A_85, %dma_wait3A_98, %dma_wait3A_99] : memref<2x128x16xf32, #tpu.memory_space<vmem>> -> memref<1x128x16xf32, #tpu.memory_space<vmem>>
    %dma_wait3A_101 = tpu.memref_squeeze %dma_wait3A_100 : memref<1x128x16xf32, #tpu.memory_space<vmem>> -> memref<128x16xf32, #tpu.memory_space<vmem>>
    tpu.wait_dma2 semaphore(%arg20 : memref<!tpu.dma_semaphore, #tpu.memory_space<semaphore_mem>>) src(%dma_wait3A_101 : memref<128x16xf32, #tpu.memory_space<vmem>>) dst(%dma_wait3A_97 : memref<128x16xf32, #tpu.memory_space<hbm>>)
    %add3A_102 = arith.constant 12448 : i32
    %add3A_103 = arith.addi %add3A, %add3A_102 : i32
    %dma_wait3A_104 = arith.constant 1 : i32
    %dma_wait3A_105 = arith.constant 0 : i32
    %dma_wait3A_106 = arith.constant 0 : i32
    %dma_wait3A_107 = tpu.memref_slice %arg11[%dma_wait3A_104, %dma_wait3A_105, %dma_wait3A_106] : memref<2x128x16xf32, #tpu.memory_space<vmem>> -> memref<1x128x16xf32, #tpu.memory_space<vmem>>
    %dma_wait3A_108 = tpu.memref_squeeze %dma_wait3A_107 : memref<1x128x16xf32, #tpu.memory_space<vmem>> -> memref<128x16xf32, #tpu.memory_space<vmem>>
    %dma_wait3A_109 = arith.constant 0 : i32
    %dma_wait3A_110 = arith.constant 0 : i32
    %dma_wait3A_111 = tpu.memref_slice %arg5[%add3A_103, %dma_wait3A_109, %dma_wait3A_110] : memref<12500x128x16xf32, #tpu.memory_space<hbm>> -> memref<1x128x16xf32, #tpu.memory_space<hbm>>
    %dma_wait3A_112 = tpu.memref_squeeze %dma_wait3A_111 : memref<1x128x16xf32, #tpu.memory_space<hbm>> -> memref<128x16xf32, #tpu.memory_space<hbm>>
    %dma_wait3A_113 = arith.constant 0 : i32
    %dma_wait3A_114 = arith.constant 0 : i32
    %dma_wait3A_115 = tpu.memref_slice %arg5[%add3A_103, %dma_wait3A_113, %dma_wait3A_114] : memref<12500x128x16xf32, #tpu.memory_space<hbm>> -> memref<1x128x16xf32, #tpu.memory_space<hbm>>
    %dma_wait3A_116 = tpu.memref_squeeze %dma_wait3A_115 : memref<1x128x16xf32, #tpu.memory_space<hbm>> -> memref<128x16xf32, #tpu.memory_space<hbm>>
    %dma_wait3A_117 = arith.constant 0 : i32
    %dma_wait3A_118 = arith.constant 0 : i32
    %dma_wait3A_119 = tpu.memref_slice %arg11[%dma_wait3A_104, %dma_wait3A_117, %dma_wait3A_118] : memref<2x128x16xf32, #tpu.memory_space<vmem>> -> memref<1x128x16xf32, #tpu.memory_space<vmem>>
    %dma_wait3A_120 = tpu.memref_squeeze %dma_wait3A_119 : memref<1x128x16xf32, #tpu.memory_space<vmem>> -> memref<128x16xf32, #tpu.memory_space<vmem>>
    tpu.wait_dma2 semaphore(%arg19 : memref<!tpu.dma_semaphore, #tpu.memory_space<semaphore_mem>>) src(%dma_wait3A_120 : memref<128x16xf32, #tpu.memory_space<vmem>>) dst(%dma_wait3A_116 : memref<128x16xf32, #tpu.memory_space<hbm>>)
    %dma_wait3A_121 = arith.constant 1 : i32
    %dma_wait3A_122 = arith.constant 0 : i32
    %dma_wait3A_123 = arith.constant 0 : i32
    %dma_wait3A_124 = tpu.memref_slice %arg13[%dma_wait3A_121, %dma_wait3A_122, %dma_wait3A_123] : memref<2x128x16xf32, #tpu.memory_space<vmem>> -> memref<1x128x16xf32, #tpu.memory_space<vmem>>
    %dma_wait3A_125 = tpu.memref_squeeze %dma_wait3A_124 : memref<1x128x16xf32, #tpu.memory_space<vmem>> -> memref<128x16xf32, #tpu.memory_space<vmem>>
    %dma_wait3A_126 = arith.constant 0 : i32
    %dma_wait3A_127 = arith.constant 0 : i32
    %dma_wait3A_128 = tpu.memref_slice %arg6[%add3A_103, %dma_wait3A_126, %dma_wait3A_127] : memref<12500x128x16xf32, #tpu.memory_space<hbm>> -> memref<1x128x16xf32, #tpu.memory_space<hbm>>
    %dma_wait3A_129 = tpu.memref_squeeze %dma_wait3A_128 : memref<1x128x16xf32, #tpu.memory_space<hbm>> -> memref<128x16xf32, #tpu.memory_space<hbm>>
    %dma_wait3A_130 = arith.constant 0 : i32
    %dma_wait3A_131 = arith.constant 0 : i32
    %dma_wait3A_132 = tpu.memref_slice %arg6[%add3A_103, %dma_wait3A_130, %dma_wait3A_131] : memref<12500x128x16xf32, #tpu.memory_space<hbm>> -> memref<1x128x16xf32, #tpu.memory_space<hbm>>
    %dma_wait3A_133 = tpu.memref_squeeze %dma_wait3A_132 : memref<1x128x16xf32, #tpu.memory_space<hbm>> -> memref<128x16xf32, #tpu.memory_space<hbm>>
    %dma_wait3A_134 = arith.constant 0 : i32
    %dma_wait3A_135 = arith.constant 0 : i32
    %dma_wait3A_136 = tpu.memref_slice %arg13[%dma_wait3A_121, %dma_wait3A_134, %dma_wait3A_135] : memref<2x128x16xf32, #tpu.memory_space<vmem>> -> memref<1x128x16xf32, #tpu.memory_space<vmem>>
    %dma_wait3A_137 = tpu.memref_squeeze %dma_wait3A_136 : memref<1x128x16xf32, #tpu.memory_space<vmem>> -> memref<128x16xf32, #tpu.memory_space<vmem>>
    tpu.wait_dma2 semaphore(%arg21 : memref<!tpu.dma_semaphore, #tpu.memory_space<semaphore_mem>>) src(%dma_wait3A_137 : memref<128x16xf32, #tpu.memory_space<vmem>>) dst(%dma_wait3A_133 : memref<128x16xf32, #tpu.memory_space<hbm>>)
    %lt3A = arith.constant 20 : i32
    %lt3A_138 = arith.cmpi slt, %add3A, %lt3A : i32
    %convert_element_type3A = arith.extui %lt3A_138 : i1 to i32
    %cond3A = arith.constant 0 : i32
    %cond3A_139 = arith.cmpi ne, %convert_element_type3A, %cond3A : i32
    scf.if %cond3A_139 {
      %add3A_140 = arith.constant 12480 : i32
      %add3A_141 = arith.addi %add3A_140, %add3A : i32
      %run_scoped3A = arith.constant 0 : i32
      "tpu.region"() ({
        %run_scoped3A_149 = tpu.sem_alloc : memref<!tpu.dma_semaphore, #tpu.memory_space<semaphore_mem>>
        %dma_start3A_150 = arith.constant 0 : i32
        %dma_start3A_151 = tpu.memref_slice %arg10[%run_scoped3A, %dma_start3A_150] : memref<2x128xi32, #tpu.memory_space<vmem>> -> memref<1x128xi32, #tpu.memory_space<vmem>>
        %dma_start3A_152 = tpu.memref_squeeze %dma_start3A_151 : memref<1x128xi32, #tpu.memory_space<vmem>> -> memref<128xi32, #tpu.memory_space<vmem>>
        %dma_start3A_153 = arith.constant 0 : i32
        %dma_start3A_154 = tpu.memref_slice %arg3[%add3A_141, %dma_start3A_153] : memref<12500x128xi32, #tpu.memory_space<hbm>> -> memref<1x128xi32, #tpu.memory_space<hbm>>
        %dma_start3A_155 = tpu.memref_squeeze %dma_start3A_154 : memref<1x128xi32, #tpu.memory_space<hbm>> -> memref<128xi32, #tpu.memory_space<hbm>>
        %dma_start3A_156 = arith.constant 0 : i32
        %dma_start3A_157 = tpu.memref_slice %arg10[%run_scoped3A, %dma_start3A_156] : memref<2x128xi32, #tpu.memory_space<vmem>> -> memref<1x128xi32, #tpu.memory_space<vmem>>
        %dma_start3A_158 = tpu.memref_squeeze %dma_start3A_157 : memref<1x128xi32, #tpu.memory_space<vmem>> -> memref<128xi32, #tpu.memory_space<vmem>>
        %dma_start3A_159 = arith.constant 0 : i32
        %dma_start3A_160 = tpu.memref_slice %arg3[%add3A_141, %dma_start3A_159] : memref<12500x128xi32, #tpu.memory_space<hbm>> -> memref<1x128xi32, #tpu.memory_space<hbm>>
        %dma_start3A_161 = tpu.memref_squeeze %dma_start3A_160 : memref<1x128xi32, #tpu.memory_space<hbm>> -> memref<128xi32, #tpu.memory_space<hbm>>
        tpu.enqueue_dma source(%dma_start3A_161 : memref<128xi32, #tpu.memory_space<hbm>>) target(%dma_start3A_158 : memref<128xi32, #tpu.memory_space<vmem>>) target_semaphore(%run_scoped3A_149 : memref<!tpu.dma_semaphore, #tpu.memory_space<semaphore_mem>>)
        %dma_wait3A_162 = arith.constant 0 : i32
        %dma_wait3A_163 = tpu.memref_slice %arg10[%run_scoped3A, %dma_wait3A_162] : memref<2x128xi32, #tpu.memory_space<vmem>> -> memref<1x128xi32, #tpu.memory_space<vmem>>
        %dma_wait3A_164 = tpu.memref_squeeze %dma_wait3A_163 : memref<1x128xi32, #tpu.memory_space<vmem>> -> memref<128xi32, #tpu.memory_space<vmem>>
        %dma_wait3A_165 = arith.constant 0 : i32
        %dma_wait3A_166 = tpu.memref_slice %arg3[%add3A_141, %dma_wait3A_165] : memref<12500x128xi32, #tpu.memory_space<hbm>> -> memref<1x128xi32, #tpu.memory_space<hbm>>
        %dma_wait3A_167 = tpu.memref_squeeze %dma_wait3A_166 : memref<1x128xi32, #tpu.memory_space<hbm>> -> memref<128xi32, #tpu.memory_space<hbm>>
        %dma_wait3A_168 = arith.constant 0 : i32
        %dma_wait3A_169 = tpu.memref_slice %arg10[%run_scoped3A, %dma_wait3A_168] : memref<2x128xi32, #tpu.memory_space<vmem>> -> memref<1x128xi32, #tpu.memory_space<vmem>>
        %dma_wait3A_170 = tpu.memref_squeeze %dma_wait3A_169 : memref<1x128xi32, #tpu.memory_space<vmem>> -> memref<128xi32, #tpu.memory_space<vmem>>
        %dma_wait3A_171 = arith.constant 0 : i32
        %dma_wait3A_172 = tpu.memref_slice %arg3[%add3A_141, %dma_wait3A_171] : memref<12500x128xi32, #tpu.memory_space<hbm>> -> memref<1x128xi32, #tpu.memory_space<hbm>>
        %dma_wait3A_173 = tpu.memref_squeeze %dma_wait3A_172 : memref<1x128xi32, #tpu.memory_space<hbm>> -> memref<128xi32, #tpu.memory_space<hbm>>
        tpu.wait_dma2 semaphore(%run_scoped3A_149 : memref<!tpu.dma_semaphore, #tpu.memory_space<semaphore_mem>>) src(%dma_wait3A_173 : memref<128xi32, #tpu.memory_space<hbm>>) dst(%dma_wait3A_170 : memref<128xi32, #tpu.memory_space<vmem>>)
        tpu.yield
      }) : () -> ()
      %run_scoped3A_142 = arith.constant 0 : i32
      "tpu.region"() ({
        %run_scoped3A_149 = tpu.sem_alloc : memref<!tpu.dma_semaphore, #tpu.memory_space<semaphore_mem>>
        %dma_start3A_150 = arith.constant 0 : i32
        %dma_start3A_151 = tpu.memref_slice %arg12[%run_scoped3A_142, %dma_start3A_150] : memref<2x128xi32, #tpu.memory_space<vmem>> -> memref<1x128xi32, #tpu.memory_space<vmem>>
        %dma_start3A_152 = tpu.memref_squeeze %dma_start3A_151 : memref<1x128xi32, #tpu.memory_space<vmem>> -> memref<128xi32, #tpu.memory_space<vmem>>
        %dma_start3A_153 = arith.constant 0 : i32
        %dma_start3A_154 = tpu.memref_slice %arg4[%add3A_141, %dma_start3A_153] : memref<12500x128xi32, #tpu.memory_space<hbm>> -> memref<1x128xi32, #tpu.memory_space<hbm>>
        %dma_start3A_155 = tpu.memref_squeeze %dma_start3A_154 : memref<1x128xi32, #tpu.memory_space<hbm>> -> memref<128xi32, #tpu.memory_space<hbm>>
        %dma_start3A_156 = arith.constant 0 : i32
        %dma_start3A_157 = tpu.memref_slice %arg12[%run_scoped3A_142, %dma_start3A_156] : memref<2x128xi32, #tpu.memory_space<vmem>> -> memref<1x128xi32, #tpu.memory_space<vmem>>
        %dma_start3A_158 = tpu.memref_squeeze %dma_start3A_157 : memref<1x128xi32, #tpu.memory_space<vmem>> -> memref<128xi32, #tpu.memory_space<vmem>>
        %dma_start3A_159 = arith.constant 0 : i32
        %dma_start3A_160 = tpu.memref_slice %arg4[%add3A_141, %dma_start3A_159] : memref<12500x128xi32, #tpu.memory_space<hbm>> -> memref<1x128xi32, #tpu.memory_space<hbm>>
        %dma_start3A_161 = tpu.memref_squeeze %dma_start3A_160 : memref<1x128xi32, #tpu.memory_space<hbm>> -> memref<128xi32, #tpu.memory_space<hbm>>
        tpu.enqueue_dma source(%dma_start3A_161 : memref<128xi32, #tpu.memory_space<hbm>>) target(%dma_start3A_158 : memref<128xi32, #tpu.memory_space<vmem>>) target_semaphore(%run_scoped3A_149 : memref<!tpu.dma_semaphore, #tpu.memory_space<semaphore_mem>>)
        %dma_wait3A_162 = arith.constant 0 : i32
        %dma_wait3A_163 = tpu.memref_slice %arg12[%run_scoped3A_142, %dma_wait3A_162] : memref<2x128xi32, #tpu.memory_space<vmem>> -> memref<1x128xi32, #tpu.memory_space<vmem>>
        %dma_wait3A_164 = tpu.memref_squeeze %dma_wait3A_163 : memref<1x128xi32, #tpu.memory_space<vmem>> -> memref<128xi32, #tpu.memory_space<vmem>>
        %dma_wait3A_165 = arith.constant 0 : i32
        %dma_wait3A_166 = tpu.memref_slice %arg4[%add3A_141, %dma_wait3A_165] : memref<12500x128xi32, #tpu.memory_space<hbm>> -> memref<1x128xi32, #tpu.memory_space<hbm>>
        %dma_wait3A_167 = tpu.memref_squeeze %dma_wait3A_166 : memref<1x128xi32, #tpu.memory_space<hbm>> -> memref<128xi32, #tpu.memory_space<hbm>>
        %dma_wait3A_168 = arith.constant 0 : i32
        %dma_wait3A_169 = tpu.memref_slice %arg12[%run_scoped3A_142, %dma_wait3A_168] : memref<2x128xi32, #tpu.memory_space<vmem>> -> memref<1x128xi32, #tpu.memory_space<vmem>>
        %dma_wait3A_170 = tpu.memref_squeeze %dma_wait3A_169 : memref<1x128xi32, #tpu.memory_space<vmem>> -> memref<128xi32, #tpu.memory_space<vmem>>
        %dma_wait3A_171 = arith.constant 0 : i32
        %dma_wait3A_172 = tpu.memref_slice %arg4[%add3A_141, %dma_wait3A_171] : memref<12500x128xi32, #tpu.memory_space<hbm>> -> memref<1x128xi32, #tpu.memory_space<hbm>>
        %dma_wait3A_173 = tpu.memref_squeeze %dma_wait3A_172 : memref<1x128xi32, #tpu.memory_space<hbm>> -> memref<128xi32, #tpu.memory_space<hbm>>
        tpu.wait_dma2 semaphore(%run_scoped3A_149 : memref<!tpu.dma_semaphore, #tpu.memory_space<semaphore_mem>>) src(%dma_wait3A_173 : memref<128xi32, #tpu.memory_space<hbm>>) dst(%dma_wait3A_170 : memref<128xi32, #tpu.memory_space<vmem>>)
        tpu.yield
      }) : () -> ()
      %run_scoped3A_143 = arith.constant 0 : i32
      %run_scoped3A_144 = arith.constant 0 : i32
      "tpu.region"() ({
        %run_scoped3A_149 = tpu.sem_alloc : memref<!tpu.dma_semaphore, #tpu.memory_space<semaphore_mem>>
        %dma_start3A_150 = arith.constant 0 : i32
        %dma_start3A_151 = arith.constant 0 : i32
        %dma_start3A_152 = tpu.memref_slice %arg11[%run_scoped3A_144, %dma_start3A_150, %dma_start3A_151] : memref<2x128x16xf32, #tpu.memory_space<vmem>> -> memref<1x128x16xf32, #tpu.memory_space<vmem>>
        %dma_start3A_153 = tpu.memref_squeeze %dma_start3A_152 : memref<1x128x16xf32, #tpu.memory_space<vmem>> -> memref<128x16xf32, #tpu.memory_space<vmem>>
        %dma_start3A_154 = arith.constant 0 : i32
        %dma_start3A_155 = tpu.memref_slice %arg10[%run_scoped3A_143, %dma_start3A_154] : memref<2x128xi32, #tpu.memory_space<vmem>> -> memref<1x128xi32, #tpu.memory_space<vmem>>
        %dma_start3A_156 = tpu.memref_squeeze %dma_start3A_155 : memref<1x128xi32, #tpu.memory_space<vmem>> -> memref<128xi32, #tpu.memory_space<vmem>>
        %dma_start3A_157 = arith.constant 0 : i32
        %dma_start3A_158 = arith.constant 0 : i32
        %dma_start3A_159 = tpu.memref_slice %arg8[%dma_start3A_157, %dma_start3A_158] : memref<100096x16xf32, #tpu.memory_space<vmem_shared>> -> memref<100096x16xf32, #tpu.memory_space<vmem_shared>>
        tpu.enqueue_indirect_dma source(%dma_start3A_159 : memref<100096x16xf32, #tpu.memory_space<vmem_shared>>) target(%dma_start3A_153 : memref<128x16xf32, #tpu.memory_space<vmem>>) offsets(%dma_start3A_156 : memref<128xi32, #tpu.memory_space<vmem>>) semaphore(%run_scoped3A_149 : memref<!tpu.dma_semaphore, #tpu.memory_space<semaphore_mem>>)
        %dma_wait3A_160 = arith.constant 0 : i32
        %dma_wait3A_161 = arith.constant 0 : i32
        %dma_wait3A_162 = tpu.memref_slice %arg11[%run_scoped3A_144, %dma_wait3A_160, %dma_wait3A_161] : memref<2x128x16xf32, #tpu.memory_space<vmem>> -> memref<1x128x16xf32, #tpu.memory_space<vmem>>
        %dma_wait3A_163 = tpu.memref_squeeze %dma_wait3A_162 : memref<1x128x16xf32, #tpu.memory_space<vmem>> -> memref<128x16xf32, #tpu.memory_space<vmem>>
        %dma_wait3A_164 = arith.constant 0 : i32
        %dma_wait3A_165 = tpu.memref_slice %arg10[%run_scoped3A_143, %dma_wait3A_164] : memref<2x128xi32, #tpu.memory_space<vmem>> -> memref<1x128xi32, #tpu.memory_space<vmem>>
        %dma_wait3A_166 = tpu.memref_squeeze %dma_wait3A_165 : memref<1x128xi32, #tpu.memory_space<vmem>> -> memref<128xi32, #tpu.memory_space<vmem>>
        %dma_wait3A_167 = arith.constant 0 : i32
        %dma_wait3A_168 = arith.constant 0 : i32
        %dma_wait3A_169 = tpu.memref_slice %arg8[%dma_wait3A_167, %dma_wait3A_168] : memref<100096x16xf32, #tpu.memory_space<vmem_shared>> -> memref<100096x16xf32, #tpu.memory_space<vmem_shared>>
        tpu.wait_indirect_dma semaphore(%run_scoped3A_149 : memref<!tpu.dma_semaphore, #tpu.memory_space<semaphore_mem>>) src(%dma_wait3A_169 : memref<100096x16xf32, #tpu.memory_space<vmem_shared>>) dst(%dma_wait3A_163 : memref<128x16xf32, #tpu.memory_space<vmem>>)
        tpu.yield
      }) : () -> ()
      %run_scoped3A_145 = arith.constant 0 : i32
      %run_scoped3A_146 = arith.constant 0 : i32
      "tpu.region"() ({
        %run_scoped3A_149 = tpu.sem_alloc : memref<!tpu.dma_semaphore, #tpu.memory_space<semaphore_mem>>
        %dma_start3A_150 = arith.constant 0 : i32
        %dma_start3A_151 = arith.constant 0 : i32
        %dma_start3A_152 = tpu.memref_slice %arg13[%run_scoped3A_146, %dma_start3A_150, %dma_start3A_151] : memref<2x128x16xf32, #tpu.memory_space<vmem>> -> memref<1x128x16xf32, #tpu.memory_space<vmem>>
        %dma_start3A_153 = tpu.memref_squeeze %dma_start3A_152 : memref<1x128x16xf32, #tpu.memory_space<vmem>> -> memref<128x16xf32, #tpu.memory_space<vmem>>
        %dma_start3A_154 = arith.constant 0 : i32
        %dma_start3A_155 = tpu.memref_slice %arg12[%run_scoped3A_145, %dma_start3A_154] : memref<2x128xi32, #tpu.memory_space<vmem>> -> memref<1x128xi32, #tpu.memory_space<vmem>>
        %dma_start3A_156 = tpu.memref_squeeze %dma_start3A_155 : memref<1x128xi32, #tpu.memory_space<vmem>> -> memref<128xi32, #tpu.memory_space<vmem>>
        %dma_start3A_157 = arith.constant 0 : i32
        %dma_start3A_158 = arith.constant 0 : i32
        %dma_start3A_159 = tpu.memref_slice %arg8[%dma_start3A_157, %dma_start3A_158] : memref<100096x16xf32, #tpu.memory_space<vmem_shared>> -> memref<100096x16xf32, #tpu.memory_space<vmem_shared>>
        tpu.enqueue_indirect_dma source(%dma_start3A_159 : memref<100096x16xf32, #tpu.memory_space<vmem_shared>>) target(%dma_start3A_153 : memref<128x16xf32, #tpu.memory_space<vmem>>) offsets(%dma_start3A_156 : memref<128xi32, #tpu.memory_space<vmem>>) semaphore(%run_scoped3A_149 : memref<!tpu.dma_semaphore, #tpu.memory_space<semaphore_mem>>)
        %dma_wait3A_160 = arith.constant 0 : i32
        %dma_wait3A_161 = arith.constant 0 : i32
        %dma_wait3A_162 = tpu.memref_slice %arg13[%run_scoped3A_146, %dma_wait3A_160, %dma_wait3A_161] : memref<2x128x16xf32, #tpu.memory_space<vmem>> -> memref<1x128x16xf32, #tpu.memory_space<vmem>>
        %dma_wait3A_163 = tpu.memref_squeeze %dma_wait3A_162 : memref<1x128x16xf32, #tpu.memory_space<vmem>> -> memref<128x16xf32, #tpu.memory_space<vmem>>
        %dma_wait3A_164 = arith.constant 0 : i32
        %dma_wait3A_165 = tpu.memref_slice %arg12[%run_scoped3A_145, %dma_wait3A_164] : memref<2x128xi32, #tpu.memory_space<vmem>> -> memref<1x128xi32, #tpu.memory_space<vmem>>
        %dma_wait3A_166 = tpu.memref_squeeze %dma_wait3A_165 : memref<1x128xi32, #tpu.memory_space<vmem>> -> memref<128xi32, #tpu.memory_space<vmem>>
        %dma_wait3A_167 = arith.constant 0 : i32
        %dma_wait3A_168 = arith.constant 0 : i32
        %dma_wait3A_169 = tpu.memref_slice %arg8[%dma_wait3A_167, %dma_wait3A_168] : memref<100096x16xf32, #tpu.memory_space<vmem_shared>> -> memref<100096x16xf32, #tpu.memory_space<vmem_shared>>
        tpu.wait_indirect_dma semaphore(%run_scoped3A_149 : memref<!tpu.dma_semaphore, #tpu.memory_space<semaphore_mem>>) src(%dma_wait3A_169 : memref<100096x16xf32, #tpu.memory_space<vmem_shared>>) dst(%dma_wait3A_163 : memref<128x16xf32, #tpu.memory_space<vmem>>)
        tpu.yield
      }) : () -> ()
      %run_scoped3A_147 = arith.constant 0 : i32
      "tpu.region"() ({
        %run_scoped3A_149 = tpu.sem_alloc : memref<!tpu.dma_semaphore, #tpu.memory_space<semaphore_mem>>
        %dma_start3A_150 = arith.constant 0 : i32
        %dma_start3A_151 = arith.constant 0 : i32
        %dma_start3A_152 = tpu.memref_slice %arg11[%run_scoped3A_147, %dma_start3A_150, %dma_start3A_151] : memref<2x128x16xf32, #tpu.memory_space<vmem>> -> memref<1x128x16xf32, #tpu.memory_space<vmem>>
        %dma_start3A_153 = tpu.memref_squeeze %dma_start3A_152 : memref<1x128x16xf32, #tpu.memory_space<vmem>> -> memref<128x16xf32, #tpu.memory_space<vmem>>
        %dma_start3A_154 = arith.constant 0 : i32
        %dma_start3A_155 = arith.constant 0 : i32
        %dma_start3A_156 = tpu.memref_slice %arg5[%add3A_141, %dma_start3A_154, %dma_start3A_155] : memref<12500x128x16xf32, #tpu.memory_space<hbm>> -> memref<1x128x16xf32, #tpu.memory_space<hbm>>
        %dma_start3A_157 = tpu.memref_squeeze %dma_start3A_156 : memref<1x128x16xf32, #tpu.memory_space<hbm>> -> memref<128x16xf32, #tpu.memory_space<hbm>>
        %dma_start3A_158 = arith.constant 0 : i32
        %dma_start3A_159 = arith.constant 0 : i32
        %dma_start3A_160 = tpu.memref_slice %arg5[%add3A_141, %dma_start3A_158, %dma_start3A_159] : memref<12500x128x16xf32, #tpu.memory_space<hbm>> -> memref<1x128x16xf32, #tpu.memory_space<hbm>>
        %dma_start3A_161 = tpu.memref_squeeze %dma_start3A_160 : memref<1x128x16xf32, #tpu.memory_space<hbm>> -> memref<128x16xf32, #tpu.memory_space<hbm>>
        %dma_start3A_162 = arith.constant 0 : i32
        %dma_start3A_163 = arith.constant 0 : i32
        %dma_start3A_164 = tpu.memref_slice %arg11[%run_scoped3A_147, %dma_start3A_162, %dma_start3A_163] : memref<2x128x16xf32, #tpu.memory_space<vmem>> -> memref<1x128x16xf32, #tpu.memory_space<vmem>>
        %dma_start3A_165 = tpu.memref_squeeze %dma_start3A_164 : memref<1x128x16xf32, #tpu.memory_space<vmem>> -> memref<128x16xf32, #tpu.memory_space<vmem>>
        tpu.enqueue_dma source(%dma_start3A_165 : memref<128x16xf32, #tpu.memory_space<vmem>>) target(%dma_start3A_161 : memref<128x16xf32, #tpu.memory_space<hbm>>) target_semaphore(%run_scoped3A_149 : memref<!tpu.dma_semaphore, #tpu.memory_space<semaphore_mem>>)
        %dma_wait3A_166 = arith.constant 0 : i32
        %dma_wait3A_167 = arith.constant 0 : i32
        %dma_wait3A_168 = tpu.memref_slice %arg11[%run_scoped3A_147, %dma_wait3A_166, %dma_wait3A_167] : memref<2x128x16xf32, #tpu.memory_space<vmem>> -> memref<1x128x16xf32, #tpu.memory_space<vmem>>
        %dma_wait3A_169 = tpu.memref_squeeze %dma_wait3A_168 : memref<1x128x16xf32, #tpu.memory_space<vmem>> -> memref<128x16xf32, #tpu.memory_space<vmem>>
        %dma_wait3A_170 = arith.constant 0 : i32
        %dma_wait3A_171 = arith.constant 0 : i32
        %dma_wait3A_172 = tpu.memref_slice %arg5[%add3A_141, %dma_wait3A_170, %dma_wait3A_171] : memref<12500x128x16xf32, #tpu.memory_space<hbm>> -> memref<1x128x16xf32, #tpu.memory_space<hbm>>
        %dma_wait3A_173 = tpu.memref_squeeze %dma_wait3A_172 : memref<1x128x16xf32, #tpu.memory_space<hbm>> -> memref<128x16xf32, #tpu.memory_space<hbm>>
        %dma_wait3A_174 = arith.constant 0 : i32
        %dma_wait3A_175 = arith.constant 0 : i32
        %dma_wait3A_176 = tpu.memref_slice %arg5[%add3A_141, %dma_wait3A_174, %dma_wait3A_175] : memref<12500x128x16xf32, #tpu.memory_space<hbm>> -> memref<1x128x16xf32, #tpu.memory_space<hbm>>
        %dma_wait3A_177 = tpu.memref_squeeze %dma_wait3A_176 : memref<1x128x16xf32, #tpu.memory_space<hbm>> -> memref<128x16xf32, #tpu.memory_space<hbm>>
        %dma_wait3A_178 = arith.constant 0 : i32
        %dma_wait3A_179 = arith.constant 0 : i32
        %dma_wait3A_180 = tpu.memref_slice %arg11[%run_scoped3A_147, %dma_wait3A_178, %dma_wait3A_179] : memref<2x128x16xf32, #tpu.memory_space<vmem>> -> memref<1x128x16xf32, #tpu.memory_space<vmem>>
        %dma_wait3A_181 = tpu.memref_squeeze %dma_wait3A_180 : memref<1x128x16xf32, #tpu.memory_space<vmem>> -> memref<128x16xf32, #tpu.memory_space<vmem>>
        tpu.wait_dma2 semaphore(%run_scoped3A_149 : memref<!tpu.dma_semaphore, #tpu.memory_space<semaphore_mem>>) src(%dma_wait3A_181 : memref<128x16xf32, #tpu.memory_space<vmem>>) dst(%dma_wait3A_177 : memref<128x16xf32, #tpu.memory_space<hbm>>)
        tpu.yield
      }) : () -> ()
      %run_scoped3A_148 = arith.constant 0 : i32
      "tpu.region"() ({
        %run_scoped3A_149 = tpu.sem_alloc : memref<!tpu.dma_semaphore, #tpu.memory_space<semaphore_mem>>
        %dma_start3A_150 = arith.constant 0 : i32
        %dma_start3A_151 = arith.constant 0 : i32
        %dma_start3A_152 = tpu.memref_slice %arg13[%run_scoped3A_148, %dma_start3A_150, %dma_start3A_151] : memref<2x128x16xf32, #tpu.memory_space<vmem>> -> memref<1x128x16xf32, #tpu.memory_space<vmem>>
        %dma_start3A_153 = tpu.memref_squeeze %dma_start3A_152 : memref<1x128x16xf32, #tpu.memory_space<vmem>> -> memref<128x16xf32, #tpu.memory_space<vmem>>
        %dma_start3A_154 = arith.constant 0 : i32
        %dma_start3A_155 = arith.constant 0 : i32
        %dma_start3A_156 = tpu.memref_slice %arg6[%add3A_141, %dma_start3A_154, %dma_start3A_155] : memref<12500x128x16xf32, #tpu.memory_space<hbm>> -> memref<1x128x16xf32, #tpu.memory_space<hbm>>
        %dma_start3A_157 = tpu.memref_squeeze %dma_start3A_156 : memref<1x128x16xf32, #tpu.memory_space<hbm>> -> memref<128x16xf32, #tpu.memory_space<hbm>>
        %dma_start3A_158 = arith.constant 0 : i32
        %dma_start3A_159 = arith.constant 0 : i32
        %dma_start3A_160 = tpu.memref_slice %arg6[%add3A_141, %dma_start3A_158, %dma_start3A_159] : memref<12500x128x16xf32, #tpu.memory_space<hbm>> -> memref<1x128x16xf32, #tpu.memory_space<hbm>>
        %dma_start3A_161 = tpu.memref_squeeze %dma_start3A_160 : memref<1x128x16xf32, #tpu.memory_space<hbm>> -> memref<128x16xf32, #tpu.memory_space<hbm>>
        %dma_start3A_162 = arith.constant 0 : i32
        %dma_start3A_163 = arith.constant 0 : i32
        %dma_start3A_164 = tpu.memref_slice %arg13[%run_scoped3A_148, %dma_start3A_162, %dma_start3A_163] : memref<2x128x16xf32, #tpu.memory_space<vmem>> -> memref<1x128x16xf32, #tpu.memory_space<vmem>>
        %dma_start3A_165 = tpu.memref_squeeze %dma_start3A_164 : memref<1x128x16xf32, #tpu.memory_space<vmem>> -> memref<128x16xf32, #tpu.memory_space<vmem>>
        tpu.enqueue_dma source(%dma_start3A_165 : memref<128x16xf32, #tpu.memory_space<vmem>>) target(%dma_start3A_161 : memref<128x16xf32, #tpu.memory_space<hbm>>) target_semaphore(%run_scoped3A_149 : memref<!tpu.dma_semaphore, #tpu.memory_space<semaphore_mem>>)
        %dma_wait3A_166 = arith.constant 0 : i32
        %dma_wait3A_167 = arith.constant 0 : i32
        %dma_wait3A_168 = tpu.memref_slice %arg13[%run_scoped3A_148, %dma_wait3A_166, %dma_wait3A_167] : memref<2x128x16xf32, #tpu.memory_space<vmem>> -> memref<1x128x16xf32, #tpu.memory_space<vmem>>
        %dma_wait3A_169 = tpu.memref_squeeze %dma_wait3A_168 : memref<1x128x16xf32, #tpu.memory_space<vmem>> -> memref<128x16xf32, #tpu.memory_space<vmem>>
        %dma_wait3A_170 = arith.constant 0 : i32
        %dma_wait3A_171 = arith.constant 0 : i32
        %dma_wait3A_172 = tpu.memref_slice %arg6[%add3A_141, %dma_wait3A_170, %dma_wait3A_171] : memref<12500x128x16xf32, #tpu.memory_space<hbm>> -> memref<1x128x16xf32, #tpu.memory_space<hbm>>
        %dma_wait3A_173 = tpu.memref_squeeze %dma_wait3A_172 : memref<1x128x16xf32, #tpu.memory_space<hbm>> -> memref<128x16xf32, #tpu.memory_space<hbm>>
        %dma_wait3A_174 = arith.constant 0 : i32
        %dma_wait3A_175 = arith.constant 0 : i32
        %dma_wait3A_176 = tpu.memref_slice %arg6[%add3A_141, %dma_wait3A_174, %dma_wait3A_175] : memref<12500x128x16xf32, #tpu.memory_space<hbm>> -> memref<1x128x16xf32, #tpu.memory_space<hbm>>
        %dma_wait3A_177 = tpu.memref_squeeze %dma_wait3A_176 : memref<1x128x16xf32, #tpu.memory_space<hbm>> -> memref<128x16xf32, #tpu.memory_space<hbm>>
        %dma_wait3A_178 = arith.constant 0 : i32
        %dma_wait3A_179 = arith.constant 0 : i32
        %dma_wait3A_180 = tpu.memref_slice %arg13[%run_scoped3A_148, %dma_wait3A_178, %dma_wait3A_179] : memref<2x128x16xf32, #tpu.memory_space<vmem>> -> memref<1x128x16xf32, #tpu.memory_space<vmem>>
        %dma_wait3A_181 = tpu.memref_squeeze %dma_wait3A_180 : memref<1x128x16xf32, #tpu.memory_space<vmem>> -> memref<128x16xf32, #tpu.memory_space<vmem>>
        tpu.wait_dma2 semaphore(%run_scoped3A_149 : memref<!tpu.dma_semaphore, #tpu.memory_space<semaphore_mem>>) src(%dma_wait3A_181 : memref<128x16xf32, #tpu.memory_space<vmem>>) dst(%dma_wait3A_177 : memref<128x16xf32, #tpu.memory_space<hbm>>)
        tpu.yield
      }) : () -> ()
    } else {
    }
    return
  }
}

module attributes {stable_mosaic.version = 14 : i64} {
  func.func @_edge_mlp_body(%arg0: i32, %arg1: memref<800x128xf32, #tpu.memory_space<vmem>>, %arg2: memref<800x128xf32, #tpu.memory_space<vmem>>, %arg3: memref<128x2048xbf16, #tpu.memory_space<vmem>>, %arg4: memref<1x2048xf32, #tpu.memory_space<vmem>>, %arg5: memref<256x256xbf16, #tpu.memory_space<vmem>>, %arg6: memref<1x256xf32, #tpu.memory_space<vmem>>, %arg7: memref<256x256xbf16, #tpu.memory_space<vmem>>, %arg8: memref<1x256xf32, #tpu.memory_space<vmem>>, %arg9: memref<256x256xbf16, #tpu.memory_space<vmem>>, %arg10: memref<1x256xf32, #tpu.memory_space<vmem>>, %arg11: memref<256x256xbf16, #tpu.memory_space<vmem>>, %arg12: memref<1x256xf32, #tpu.memory_space<vmem>>, %arg13: memref<256x64xbf16, #tpu.memory_space<vmem>>, %arg14: memref<1x64xf32, #tpu.memory_space<vmem>>, %arg15: memref<2x800x256xbf16, #tpu.memory_space<vmem>>) attributes {dimension_semantics = [#tpu.dimension_semantics<arbitrary>], iteration_bounds = array<i64: 250>, scalar_prefetch = 0 : i64, scratch_operands = 0 : i64, tpu.core_type = #tpu.core_type<tc>, window_params = [{transform_indices = @transform_0, window_bounds = array<i64: 800, 128>}, {transform_indices = @transform_1, window_bounds = array<i64: 800, 128>}, {pipeline_mode = #tpu.pipeline_mode<synchronous>, transform_indices = @transform_2, window_bounds = array<i64: 128, 2048>}, {pipeline_mode = #tpu.pipeline_mode<synchronous>, transform_indices = @transform_3, window_bounds = array<i64: 1, 2048>}, {pipeline_mode = #tpu.pipeline_mode<synchronous>, transform_indices = @transform_4, window_bounds = array<i64: 256, 256>}, {pipeline_mode = #tpu.pipeline_mode<synchronous>, transform_indices = @transform_5, window_bounds = array<i64: 1, 256>}, {pipeline_mode = #tpu.pipeline_mode<synchronous>, transform_indices = @transform_6, window_bounds = array<i64: 256, 256>}, {pipeline_mode = #tpu.pipeline_mode<synchronous>, transform_indices = @transform_7, window_bounds = array<i64: 1, 256>}, {pipeline_mode = #tpu.pipeline_mode<synchronous>, transform_indices = @transform_8, window_bounds = array<i64: 256, 256>}, {pipeline_mode = #tpu.pipeline_mode<synchronous>, transform_indices = @transform_9, window_bounds = array<i64: 1, 256>}, {pipeline_mode = #tpu.pipeline_mode<synchronous>, transform_indices = @transform_10, window_bounds = array<i64: 256, 256>}, {pipeline_mode = #tpu.pipeline_mode<synchronous>, transform_indices = @transform_11, window_bounds = array<i64: 1, 256>}, {pipeline_mode = #tpu.pipeline_mode<synchronous>, transform_indices = @transform_12, window_bounds = array<i64: 256, 64>}, {pipeline_mode = #tpu.pipeline_mode<synchronous>, transform_indices = @transform_13, window_bounds = array<i64: 1, 64>}, {transform_indices = @transform_14, window_bounds = array<i64: 2, 800, 256>}]} {
    %get3A = arith.constant 0 : index
    %get3A_0 = arith.constant 0 : index
    %get3A_1 = vector.load %arg2[%get3A, %get3A_0] : memref<800x128xf32, #tpu.memory_space<vmem>>, vector<800x128xf32>
    %get3A_2 = arith.constant 0 : index
    %get3A_3 = arith.constant 0 : index
    %get3A_4 = vector.load %arg1[%get3A_2, %get3A_3] : memref<800x128xf32, #tpu.memory_space<vmem>>, vector<800x128xf32>
    %sub3A = arith.subf %get3A_1, %get3A_4 : vector<800x128xf32>
    %convert_element_type3A = arith.truncf %sub3A : vector<800x128xf32> to vector<800x128xbf16>
    %get3A_5 = arith.constant 0 : index
    %get3A_6 = arith.constant 0 : index
    %get3A_7 = vector.load %arg3[%get3A_5, %get3A_6] : memref<128x2048xbf16, #tpu.memory_space<vmem>>, vector<128x2048xbf16>
    %dot_general3A = arith.constant dense<0.000000e+00> : vector<800x2048xf32>
    %dot_general3A_8 = tpu.matmul %convert_element_type3A, %get3A_7, %dot_general3A {dimension_numbers = #tpu.dot_dimension_numbers<[1], [0], [0], [1], [0, 0, 1, 1], [], []>, transpose_lhs_hint = false} : vector<800x128xbf16>, vector<128x2048xbf16>, vector<800x2048xf32> -> vector<800x2048xf32>
    %get3A_9 = arith.constant 0 : index
    %get3A_10 = arith.constant 0 : index
    %get3A_11 = vector.load %arg4[%get3A_9, %get3A_10] : memref<1x2048xf32, #tpu.memory_space<vmem>>, vector<1x2048xf32>
    %add3A = vector.broadcast %get3A_11 : vector<1x2048xf32> to vector<800x2048xf32>
    %add3A_12 = arith.addf %dot_general3A_8, %add3A : vector<800x2048xf32>
    %max3A = arith.constant 0.000000e+00 : f32
    %max3A_13 = vector.broadcast %max3A : f32 to vector<800x2048xf32>
    %max3A_14 = arith.maximumf %add3A_12, %max3A_13 : vector<800x2048xf32>
    %convert_element_type3A_15 = arith.truncf %max3A_14 : vector<800x2048xf32> to vector<800x2048xbf16>
    %slice3A = vector.extract_strided_slice %convert_element_type3A_15 {offsets = [0, 0], sizes = [800, 256], strides = [1, 1]} : vector<800x2048xbf16> to vector<800x256xbf16>
    %slice3A_16 = vector.extract_strided_slice %convert_element_type3A_15 {offsets = [0, 256], sizes = [800, 256], strides = [1, 1]} : vector<800x2048xbf16> to vector<800x256xbf16>
    %slice3A_17 = vector.extract_strided_slice %convert_element_type3A_15 {offsets = [0, 512], sizes = [800, 256], strides = [1, 1]} : vector<800x2048xbf16> to vector<800x256xbf16>
    %slice3A_18 = vector.extract_strided_slice %convert_element_type3A_15 {offsets = [0, 768], sizes = [800, 256], strides = [1, 1]} : vector<800x2048xbf16> to vector<800x256xbf16>
    %slice3A_19 = vector.extract_strided_slice %convert_element_type3A_15 {offsets = [0, 1024], sizes = [800, 256], strides = [1, 1]} : vector<800x2048xbf16> to vector<800x256xbf16>
    %slice3A_20 = vector.extract_strided_slice %convert_element_type3A_15 {offsets = [0, 1280], sizes = [800, 256], strides = [1, 1]} : vector<800x2048xbf16> to vector<800x256xbf16>
    %slice3A_21 = vector.extract_strided_slice %convert_element_type3A_15 {offsets = [0, 1536], sizes = [800, 256], strides = [1, 1]} : vector<800x2048xbf16> to vector<800x256xbf16>
    %slice3A_22 = vector.extract_strided_slice %convert_element_type3A_15 {offsets = [0, 1792], sizes = [800, 256], strides = [1, 1]} : vector<800x2048xbf16> to vector<800x256xbf16>
    %concatenate3A = tpu.concatenate %slice3A, %slice3A_16, %slice3A_17, %slice3A_18, %slice3A_19, %slice3A_20, %slice3A_21, %slice3A_22 in 0 : vector<800x256xbf16>, vector<800x256xbf16>, vector<800x256xbf16>, vector<800x256xbf16>, vector<800x256xbf16>, vector<800x256xbf16>, vector<800x256xbf16>, vector<800x256xbf16> -> vector<6400x256xbf16>
    %get3A_23 = arith.constant 0 : index
    %get3A_24 = arith.constant 0 : index
    %get3A_25 = vector.load %arg5[%get3A_23, %get3A_24] : memref<256x256xbf16, #tpu.memory_space<vmem>>, vector<256x256xbf16>
    %dot_general3A_26 = arith.constant dense<0.000000e+00> : vector<6400x256xf32>
    %dot_general3A_27 = tpu.matmul %concatenate3A, %get3A_25, %dot_general3A_26 {dimension_numbers = #tpu.dot_dimension_numbers<[1], [0], [0], [1], [0, 0, 1, 1], [], []>, transpose_lhs_hint = false} : vector<6400x256xbf16>, vector<256x256xbf16>, vector<6400x256xf32> -> vector<6400x256xf32>
    %get3A_28 = arith.constant 0 : index
    %get3A_29 = arith.constant 0 : index
    %get3A_30 = vector.load %arg6[%get3A_28, %get3A_29] : memref<1x256xf32, #tpu.memory_space<vmem>>, vector<1x256xf32>
    %add3A_31 = vector.broadcast %get3A_30 : vector<1x256xf32> to vector<6400x256xf32>
    %add3A_32 = arith.addf %dot_general3A_27, %add3A_31 : vector<6400x256xf32>
    %max3A_33 = arith.constant 0.000000e+00 : f32
    %max3A_34 = vector.broadcast %max3A_33 : f32 to vector<6400x256xf32>
    %max3A_35 = arith.maximumf %add3A_32, %max3A_34 : vector<6400x256xf32>
    %convert_element_type3A_36 = arith.truncf %max3A_35 : vector<6400x256xf32> to vector<6400x256xbf16>
    %get3A_37 = arith.constant 0 : index
    %get3A_38 = arith.constant 0 : index
    %get3A_39 = vector.load %arg7[%get3A_37, %get3A_38] : memref<256x256xbf16, #tpu.memory_space<vmem>>, vector<256x256xbf16>
    %dot_general3A_40 = arith.constant dense<0.000000e+00> : vector<6400x256xf32>
    %dot_general3A_41 = tpu.matmul %convert_element_type3A_36, %get3A_39, %dot_general3A_40 {dimension_numbers = #tpu.dot_dimension_numbers<[1], [0], [0], [1], [0, 0, 1, 1], [], []>, transpose_lhs_hint = false} : vector<6400x256xbf16>, vector<256x256xbf16>, vector<6400x256xf32> -> vector<6400x256xf32>
    %get3A_42 = arith.constant 0 : index
    %get3A_43 = arith.constant 0 : index
    %get3A_44 = vector.load %arg8[%get3A_42, %get3A_43] : memref<1x256xf32, #tpu.memory_space<vmem>>, vector<1x256xf32>
    %add3A_45 = vector.broadcast %get3A_44 : vector<1x256xf32> to vector<6400x256xf32>
    %add3A_46 = arith.addf %dot_general3A_41, %add3A_45 : vector<6400x256xf32>
    %max3A_47 = arith.constant 0.000000e+00 : f32
    %max3A_48 = vector.broadcast %max3A_47 : f32 to vector<6400x256xf32>
    %max3A_49 = arith.maximumf %add3A_46, %max3A_48 : vector<6400x256xf32>
    %convert_element_type3A_50 = arith.truncf %max3A_49 : vector<6400x256xf32> to vector<6400x256xbf16>
    %get3A_51 = arith.constant 0 : index
    %get3A_52 = arith.constant 0 : index
    %get3A_53 = vector.load %arg9[%get3A_51, %get3A_52] : memref<256x256xbf16, #tpu.memory_space<vmem>>, vector<256x256xbf16>
    %dot_general3A_54 = arith.constant dense<0.000000e+00> : vector<6400x256xf32>
    %dot_general3A_55 = tpu.matmul %convert_element_type3A_50, %get3A_53, %dot_general3A_54 {dimension_numbers = #tpu.dot_dimension_numbers<[1], [0], [0], [1], [0, 0, 1, 1], [], []>, transpose_lhs_hint = false} : vector<6400x256xbf16>, vector<256x256xbf16>, vector<6400x256xf32> -> vector<6400x256xf32>
    %get3A_56 = arith.constant 0 : index
    %get3A_57 = arith.constant 0 : index
    %get3A_58 = vector.load %arg10[%get3A_56, %get3A_57] : memref<1x256xf32, #tpu.memory_space<vmem>>, vector<1x256xf32>
    %add3A_59 = vector.broadcast %get3A_58 : vector<1x256xf32> to vector<6400x256xf32>
    %add3A_60 = arith.addf %dot_general3A_55, %add3A_59 : vector<6400x256xf32>
    %max3A_61 = arith.constant 0.000000e+00 : f32
    %max3A_62 = vector.broadcast %max3A_61 : f32 to vector<6400x256xf32>
    %max3A_63 = arith.maximumf %add3A_60, %max3A_62 : vector<6400x256xf32>
    %convert_element_type3A_64 = arith.truncf %max3A_63 : vector<6400x256xf32> to vector<6400x256xbf16>
    %get3A_65 = arith.constant 0 : index
    %get3A_66 = arith.constant 0 : index
    %get3A_67 = vector.load %arg11[%get3A_65, %get3A_66] : memref<256x256xbf16, #tpu.memory_space<vmem>>, vector<256x256xbf16>
    %dot_general3A_68 = arith.constant dense<0.000000e+00> : vector<6400x256xf32>
    %dot_general3A_69 = tpu.matmul %convert_element_type3A_64, %get3A_67, %dot_general3A_68 {dimension_numbers = #tpu.dot_dimension_numbers<[1], [0], [0], [1], [0, 0, 1, 1], [], []>, transpose_lhs_hint = false} : vector<6400x256xbf16>, vector<256x256xbf16>, vector<6400x256xf32> -> vector<6400x256xf32>
    %get3A_70 = arith.constant 0 : index
    %get3A_71 = arith.constant 0 : index
    %get3A_72 = vector.load %arg12[%get3A_70, %get3A_71] : memref<1x256xf32, #tpu.memory_space<vmem>>, vector<1x256xf32>
    %add3A_73 = vector.broadcast %get3A_72 : vector<1x256xf32> to vector<6400x256xf32>
    %add3A_74 = arith.addf %dot_general3A_69, %add3A_73 : vector<6400x256xf32>
    %max3A_75 = arith.constant 0.000000e+00 : f32
    %max3A_76 = vector.broadcast %max3A_75 : f32 to vector<6400x256xf32>
    %max3A_77 = arith.maximumf %add3A_74, %max3A_76 : vector<6400x256xf32>
    %convert_element_type3A_78 = arith.truncf %max3A_77 : vector<6400x256xf32> to vector<6400x256xbf16>
    %get3A_79 = arith.constant 0 : index
    %get3A_80 = arith.constant 0 : index
    %get3A_81 = vector.load %arg13[%get3A_79, %get3A_80] : memref<256x64xbf16, #tpu.memory_space<vmem>>, vector<256x64xbf16>
    %dot_general3A_82 = arith.constant dense<0.000000e+00> : vector<6400x64xf32>
    %dot_general3A_83 = tpu.matmul %convert_element_type3A_78, %get3A_81, %dot_general3A_82 {dimension_numbers = #tpu.dot_dimension_numbers<[1], [0], [0], [1], [0, 0, 1, 1], [], []>, transpose_lhs_hint = false} : vector<6400x256xbf16>, vector<256x64xbf16>, vector<6400x64xf32> -> vector<6400x64xf32>
    %get3A_84 = arith.constant 0 : index
    %get3A_85 = arith.constant 0 : index
    %get3A_86 = vector.load %arg14[%get3A_84, %get3A_85] : memref<1x64xf32, #tpu.memory_space<vmem>>, vector<1x64xf32>
    %add3A_87 = vector.broadcast %get3A_86 : vector<1x64xf32> to vector<6400x64xf32>
    %add3A_88 = arith.addf %dot_general3A_83, %add3A_87 : vector<6400x64xf32>
    %convert_element_type3A_89 = arith.truncf %add3A_88 : vector<6400x64xf32> to vector<6400x64xbf16>
    %slice3A_90 = vector.extract_strided_slice %convert_element_type3A_89 {offsets = [0, 0], sizes = [800, 32], strides = [1, 1]} : vector<6400x64xbf16> to vector<800x32xbf16>
    %slice3A_91 = vector.extract_strided_slice %convert_element_type3A_89 {offsets = [800, 0], sizes = [800, 32], strides = [1, 1]} : vector<6400x64xbf16> to vector<800x32xbf16>
    %slice3A_92 = vector.extract_strided_slice %convert_element_type3A_89 {offsets = [1600, 0], sizes = [800, 32], strides = [1, 1]} : vector<6400x64xbf16> to vector<800x32xbf16>
    %slice3A_93 = vector.extract_strided_slice %convert_element_type3A_89 {offsets = [2400, 0], sizes = [800, 32], strides = [1, 1]} : vector<6400x64xbf16> to vector<800x32xbf16>
    %slice3A_94 = vector.extract_strided_slice %convert_element_type3A_89 {offsets = [3200, 0], sizes = [800, 32], strides = [1, 1]} : vector<6400x64xbf16> to vector<800x32xbf16>
    %slice3A_95 = vector.extract_strided_slice %convert_element_type3A_89 {offsets = [4000, 0], sizes = [800, 32], strides = [1, 1]} : vector<6400x64xbf16> to vector<800x32xbf16>
    %slice3A_96 = vector.extract_strided_slice %convert_element_type3A_89 {offsets = [4800, 0], sizes = [800, 32], strides = [1, 1]} : vector<6400x64xbf16> to vector<800x32xbf16>
    %slice3A_97 = vector.extract_strided_slice %convert_element_type3A_89 {offsets = [5600, 0], sizes = [800, 32], strides = [1, 1]} : vector<6400x64xbf16> to vector<800x32xbf16>
    %concatenate3A_98 = tpu.concatenate %slice3A_90, %slice3A_91, %slice3A_92, %slice3A_93, %slice3A_94, %slice3A_95, %slice3A_96, %slice3A_97 in 1 : vector<800x32xbf16>, vector<800x32xbf16>, vector<800x32xbf16>, vector<800x32xbf16>, vector<800x32xbf16>, vector<800x32xbf16>, vector<800x32xbf16>, vector<800x32xbf16> -> vector<800x256xbf16>
    %swap3A = arith.constant 0 : index
    %swap3A_99 = arith.constant 0 : index
    %swap3A_100 = arith.constant 0 : index
    %swap3A_101 = vector.load %arg15[%swap3A, %swap3A_99, %swap3A_100] : memref<2x800x256xbf16, #tpu.memory_space<vmem>>, vector<1x800x256xbf16>
    %swap3A_102 = vector.shape_cast %swap3A_101 : vector<1x800x256xbf16> to vector<800x256xbf16>
    %swap3A_103 = vector.shape_cast %concatenate3A_98 : vector<800x256xbf16> to vector<1x800x256xbf16>
    tpu.vector_store %arg15[%swap3A, %swap3A_99, %swap3A_100], %swap3A_103 {strides = array<i32>} : memref<2x800x256xbf16, #tpu.memory_space<vmem>>, vector<1x800x256xbf16>,
    %slice3A_104 = vector.extract_strided_slice %convert_element_type3A_89 {offsets = [0, 32], sizes = [800, 32], strides = [1, 1]} : vector<6400x64xbf16> to vector<800x32xbf16>
    %slice3A_105 = vector.extract_strided_slice %convert_element_type3A_89 {offsets = [800, 32], sizes = [800, 32], strides = [1, 1]} : vector<6400x64xbf16> to vector<800x32xbf16>
    %slice3A_106 = vector.extract_strided_slice %convert_element_type3A_89 {offsets = [1600, 32], sizes = [800, 32], strides = [1, 1]} : vector<6400x64xbf16> to vector<800x32xbf16>
    %slice3A_107 = vector.extract_strided_slice %convert_element_type3A_89 {offsets = [2400, 32], sizes = [800, 32], strides = [1, 1]} : vector<6400x64xbf16> to vector<800x32xbf16>
    %slice3A_108 = vector.extract_strided_slice %convert_element_type3A_89 {offsets = [3200, 32], sizes = [800, 32], strides = [1, 1]} : vector<6400x64xbf16> to vector<800x32xbf16>
    %slice3A_109 = vector.extract_strided_slice %convert_element_type3A_89 {offsets = [4000, 32], sizes = [800, 32], strides = [1, 1]} : vector<6400x64xbf16> to vector<800x32xbf16>
    %slice3A_110 = vector.extract_strided_slice %convert_element_type3A_89 {offsets = [4800, 32], sizes = [800, 32], strides = [1, 1]} : vector<6400x64xbf16> to vector<800x32xbf16>
    %slice3A_111 = vector.extract_strided_slice %convert_element_type3A_89 {offsets = [5600, 32], sizes = [800, 32], strides = [1, 1]} : vector<6400x64xbf16> to vector<800x32xbf16>
    %concatenate3A_112 = tpu.concatenate %slice3A_104, %slice3A_105, %slice3A_106, %slice3A_107, %slice3A_108, %slice3A_109, %slice3A_110, %slice3A_111 in 1 : vector<800x32xbf16>, vector<800x32xbf16>, vector<800x32xbf16>, vector<800x32xbf16>, vector<800x32xbf16>, vector<800x32xbf16>, vector<800x32xbf16>, vector<800x32xbf16> -> vector<800x256xbf16>
    %swap3A_113 = arith.constant 1 : index
    %swap3A_114 = arith.constant 0 : index
    %swap3A_115 = arith.constant 0 : index
    %swap3A_116 = vector.load %arg15[%swap3A_113, %swap3A_114, %swap3A_115] : memref<2x800x256xbf16, #tpu.memory_space<vmem>>, vector<1x800x256xbf16>
    %swap3A_117 = vector.shape_cast %swap3A_116 : vector<1x800x256xbf16> to vector<800x256xbf16>
    %swap3A_118 = vector.shape_cast %concatenate3A_112 : vector<800x256xbf16> to vector<1x800x256xbf16>
    tpu.vector_store %arg15[%swap3A_113, %swap3A_114, %swap3A_115], %swap3A_118 {strides = array<i32>} : memref<2x800x256xbf16, #tpu.memory_space<vmem>>, vector<1x800x256xbf16>,
    return
  }
  func.func @transform_0(%arg0: i32) -> (i32, i32) {
    %c0_i32 = arith.constant 0 : i32
    %c0_i32_0 = arith.constant 0 : i32
    return %arg0, %c0_i32 : i32, i32
  }
  func.func @transform_1(%arg0: i32) -> (i32, i32) {
    %c0_i32 = arith.constant 0 : i32
    %c0_i32_0 = arith.constant 0 : i32
    return %arg0, %c0_i32 : i32, i32
  }
  func.func @transform_2(%arg0: i32) -> (i32, i32) {
    %c0_i32 = arith.constant 0 : i32
    %c0_i32_0 = arith.constant 0 : i32
    %c0_i32_1 = arith.constant 0 : i32
    return %c0_i32, %c0_i32_0 : i32, i32
  }
  func.func @transform_3(%arg0: i32) -> (i32, i32) {
    %c0_i32 = arith.constant 0 : i32
    %c0_i32_0 = arith.constant 0 : i32
    %c0_i32_1 = arith.constant 0 : i32
    return %c0_i32, %c0_i32_0 : i32, i32
  }
  func.func @transform_4(%arg0: i32) -> (i32, i32) {
    %c0_i32 = arith.constant 0 : i32
    %c0_i32_0 = arith.constant 0 : i32
    %c0_i32_1 = arith.constant 0 : i32
    return %c0_i32, %c0_i32_0 : i32, i32
  }
  func.func @transform_5(%arg0: i32) -> (i32, i32) {
    %c0_i32 = arith.constant 0 : i32
    %c0_i32_0 = arith.constant 0 : i32
    %c0_i32_1 = arith.constant 0 : i32
    return %c0_i32, %c0_i32_0 : i32, i32
  }
  func.func @transform_6(%arg0: i32) -> (i32, i32) {
    %c0_i32 = arith.constant 0 : i32
    %c0_i32_0 = arith.constant 0 : i32
    %c0_i32_1 = arith.constant 0 : i32
    return %c0_i32, %c0_i32_0 : i32, i32
  }
  func.func @transform_7(%arg0: i32) -> (i32, i32) {
    %c0_i32 = arith.constant 0 : i32
    %c0_i32_0 = arith.constant 0 : i32
    %c0_i32_1 = arith.constant 0 : i32
    return %c0_i32, %c0_i32_0 : i32, i32
  }
  func.func @transform_8(%arg0: i32) -> (i32, i32) {
    %c0_i32 = arith.constant 0 : i32
    %c0_i32_0 = arith.constant 0 : i32
    %c0_i32_1 = arith.constant 0 : i32
    return %c0_i32, %c0_i32_0 : i32, i32
  }
  func.func @transform_9(%arg0: i32) -> (i32, i32) {
    %c0_i32 = arith.constant 0 : i32
    %c0_i32_0 = arith.constant 0 : i32
    %c0_i32_1 = arith.constant 0 : i32
    return %c0_i32, %c0_i32_0 : i32, i32
  }
  func.func @transform_10(%arg0: i32) -> (i32, i32) {
    %c0_i32 = arith.constant 0 : i32
    %c0_i32_0 = arith.constant 0 : i32
    %c0_i32_1 = arith.constant 0 : i32
    return %c0_i32, %c0_i32_0 : i32, i32
  }
  func.func @transform_11(%arg0: i32) -> (i32, i32) {
    %c0_i32 = arith.constant 0 : i32
    %c0_i32_0 = arith.constant 0 : i32
    %c0_i32_1 = arith.constant 0 : i32
    return %c0_i32, %c0_i32_0 : i32, i32
  }
  func.func @transform_12(%arg0: i32) -> (i32, i32) {
    %c0_i32 = arith.constant 0 : i32
    %c0_i32_0 = arith.constant 0 : i32
    %c0_i32_1 = arith.constant 0 : i32
    return %c0_i32, %c0_i32_0 : i32, i32
  }
  func.func @transform_13(%arg0: i32) -> (i32, i32) {
    %c0_i32 = arith.constant 0 : i32
    %c0_i32_0 = arith.constant 0 : i32
    %c0_i32_1 = arith.constant 0 : i32
    return %c0_i32, %c0_i32_0 : i32, i32
  }
  func.func @transform_14(%arg0: i32) -> (i32, i32, i32) {
    %c0_i32 = arith.constant 0 : i32
    %c0_i32_0 = arith.constant 0 : i32
    %c0_i32_1 = arith.constant 0 : i32
    return %c0_i32, %arg0, %c0_i32_0 : i32, i32, i32
  }
}

module attributes {stable_mosaic.version = 14 : i64} {
  func.func @_node_mlp_body(%arg0: i32, %arg1: memref<368x128xf32, #tpu.memory_space<vmem>>, %arg2: memref<2x2x368x256xbf16, #tpu.memory_space<vmem>>, %arg3: memref<16x128xf32, #tpu.memory_space<vmem>>, %arg4: memref<2x32x128xbf16, #tpu.memory_space<vmem>>, %arg5: memref<1x128xf32, #tpu.memory_space<vmem>>, %arg6: memref<128x128xf32, #tpu.memory_space<vmem>>, %arg7: memref<1x128xf32, #tpu.memory_space<vmem>>, %arg8: memref<128x8xf32, #tpu.memory_space<vmem>>, %arg9: memref<1x8xf32, #tpu.memory_space<vmem>>, %arg10: memref<368x64xf32, #tpu.memory_space<vmem>>) attributes {dimension_semantics = [#tpu.dimension_semantics<arbitrary>], iteration_bounds = array<i64: 34>, scalar_prefetch = 0 : i64, scratch_operands = 0 : i64, tpu.core_type = #tpu.core_type<tc>, window_params = [{transform_indices = @transform_0, window_bounds = array<i64: 368, 128>}, {transform_indices = @transform_1, window_bounds = array<i64: 2, 2, 368, 256>}, {pipeline_mode = #tpu.pipeline_mode<synchronous>, transform_indices = @transform_2, window_bounds = array<i64: 16, 128>}, {pipeline_mode = #tpu.pipeline_mode<synchronous>, transform_indices = @transform_3, window_bounds = array<i64: 2, 32, 128>}, {pipeline_mode = #tpu.pipeline_mode<synchronous>, transform_indices = @transform_4, window_bounds = array<i64: 1, 128>}, {pipeline_mode = #tpu.pipeline_mode<synchronous>, transform_indices = @transform_5, window_bounds = array<i64: 128, 128>}, {pipeline_mode = #tpu.pipeline_mode<synchronous>, transform_indices = @transform_6, window_bounds = array<i64: 1, 128>}, {pipeline_mode = #tpu.pipeline_mode<synchronous>, transform_indices = @transform_7, window_bounds = array<i64: 128, 8>}, {pipeline_mode = #tpu.pipeline_mode<synchronous>, transform_indices = @transform_8, window_bounds = array<i64: 1, 8>}, {transform_indices = @transform_9, window_bounds = array<i64: 368, 64>}]} {
    %get3A = arith.constant 0 : index
    %get3A_0 = arith.constant 0 : index
    %get3A_1 = vector.load %arg1[%get3A, %get3A_0] : memref<368x128xf32, #tpu.memory_space<vmem>>, vector<368x16xf32>
    %get3A_2 = arith.constant 0 : index
    %get3A_3 = arith.constant 0 : index
    %get3A_4 = vector.load %arg3[%get3A_2, %get3A_3] : memref<16x128xf32, #tpu.memory_space<vmem>>, vector<16x128xf32>
    %dot_general3A = arith.constant dense<0.000000e+00> : vector<368x128xf32>
    %dot_general3A_5 = tpu.matmul %get3A_1, %get3A_4, %dot_general3A {dimension_numbers = #tpu.dot_dimension_numbers<[1], [0], [0], [1], [0, 0, 1, 1], [], []>, transpose_lhs_hint = false} : vector<368x16xf32>, vector<16x128xf32>, vector<368x128xf32> -> vector<368x128xf32>
    %get3A_6 = arith.constant 0 : index
    %get3A_7 = arith.constant 0 : index
    %get3A_8 = vector.load %arg5[%get3A_6, %get3A_7] : memref<1x128xf32, #tpu.memory_space<vmem>>, vector<1x128xf32>
    %add3A = vector.broadcast %get3A_8 : vector<1x128xf32> to vector<368x128xf32>
    %add3A_9 = arith.addf %dot_general3A_5, %add3A : vector<368x128xf32>
    %get3A_10 = arith.constant 0 : index
    %get3A_11 = arith.constant 0 : index
    %get3A_12 = arith.constant 0 : index
    %get3A_13 = arith.constant 0 : index
    %get3A_14 = vector.load %arg2[%get3A_10, %get3A_11, %get3A_12, %get3A_13] : memref<2x2x368x256xbf16, #tpu.memory_space<vmem>>, vector<1x1x368x256xbf16>
    %get3A_15 = vector.shape_cast %get3A_14 : vector<1x1x368x256xbf16> to vector<368x256xbf16>
    %slice3A = vector.extract_strided_slice %get3A_15 {offsets = [0, 0], sizes = [368, 32], strides = [1, 1]} : vector<368x256xbf16> to vector<368x32xbf16>
    %get3A_16 = arith.constant 0 : index
    %get3A_17 = arith.constant 0 : index
    %get3A_18 = arith.constant 0 : index
    %get3A_19 = vector.load %arg4[%get3A_16, %get3A_17, %get3A_18] : memref<2x32x128xbf16, #tpu.memory_space<vmem>>, vector<1x32x128xbf16>
    %get3A_20 = vector.shape_cast %get3A_19 : vector<1x32x128xbf16> to vector<32x128xbf16>
    %dot_general3A_21 = arith.constant dense<0.000000e+00> : vector<368x128xf32>
    %dot_general3A_22 = tpu.matmul %slice3A, %get3A_20, %dot_general3A_21 {dimension_numbers = #tpu.dot_dimension_numbers<[1], [0], [0], [1], [0, 0, 1, 1], [], []>, transpose_lhs_hint = false} : vector<368x32xbf16>, vector<32x128xbf16>, vector<368x128xf32> -> vector<368x128xf32>
    %add3A_23 = arith.addf %add3A_9, %dot_general3A_22 : vector<368x128xf32>
    %get3A_24 = arith.constant 0 : index
    %get3A_25 = arith.constant 1 : index
    %get3A_26 = arith.constant 0 : index
    %get3A_27 = arith.constant 0 : index
    %get3A_28 = vector.load %arg2[%get3A_24, %get3A_25, %get3A_26, %get3A_27] : memref<2x2x368x256xbf16, #tpu.memory_space<vmem>>, vector<1x1x368x256xbf16>
    %get3A_29 = vector.shape_cast %get3A_28 : vector<1x1x368x256xbf16> to vector<368x256xbf16>
    %slice3A_30 = vector.extract_strided_slice %get3A_29 {offsets = [0, 0], sizes = [368, 32], strides = [1, 1]} : vector<368x256xbf16> to vector<368x32xbf16>
    %get3A_31 = arith.constant 0 : index
    %get3A_32 = arith.constant 0 : index
    %get3A_33 = arith.constant 0 : index
    %get3A_34 = vector.load %arg4[%get3A_31, %get3A_32, %get3A_33] : memref<2x32x128xbf16, #tpu.memory_space<vmem>>, vector<1x32x128xbf16>
    %get3A_35 = vector.shape_cast %get3A_34 : vector<1x32x128xbf16> to vector<32x128xbf16>
    %dot_general3A_36 = arith.constant dense<0.000000e+00> : vector<368x128xf32>
    %dot_general3A_37 = tpu.matmul %slice3A_30, %get3A_35, %dot_general3A_36 {dimension_numbers = #tpu.dot_dimension_numbers<[1], [0], [0], [1], [0, 0, 1, 1], [], []>, transpose_lhs_hint = false} : vector<368x32xbf16>, vector<32x128xbf16>, vector<368x128xf32> -> vector<368x128xf32>
    %add3A_38 = arith.addf %add3A_23, %dot_general3A_37 : vector<368x128xf32>
    %get3A_39 = arith.constant 1 : index
    %get3A_40 = arith.constant 0 : index
    %get3A_41 = arith.constant 0 : index
    %get3A_42 = arith.constant 0 : index
    %get3A_43 = vector.load %arg2[%get3A_39, %get3A_40, %get3A_41, %get3A_42] : memref<2x2x368x256xbf16, #tpu.memory_space<vmem>>, vector<1x1x368x256xbf16>
    %get3A_44 = vector.shape_cast %get3A_43 : vector<1x1x368x256xbf16> to vector<368x256xbf16>
    %slice3A_45 = vector.extract_strided_slice %get3A_44 {offsets = [0, 0], sizes = [368, 32], strides = [1, 1]} : vector<368x256xbf16> to vector<368x32xbf16>
    %get3A_46 = arith.constant 1 : index
    %get3A_47 = arith.constant 0 : index
    %get3A_48 = arith.constant 0 : index
    %get3A_49 = vector.load %arg4[%get3A_46, %get3A_47, %get3A_48] : memref<2x32x128xbf16, #tpu.memory_space<vmem>>, vector<1x32x128xbf16>
    %get3A_50 = vector.shape_cast %get3A_49 : vector<1x32x128xbf16> to vector<32x128xbf16>
    %dot_general3A_51 = arith.constant dense<0.000000e+00> : vector<368x128xf32>
    %dot_general3A_52 = tpu.matmul %slice3A_45, %get3A_50, %dot_general3A_51 {dimension_numbers = #tpu.dot_dimension_numbers<[1], [0], [0], [1], [0, 0, 1, 1], [], []>, transpose_lhs_hint = false} : vector<368x32xbf16>, vector<32x128xbf16>, vector<368x128xf32> -> vector<368x128xf32>
    %add3A_53 = arith.addf %add3A_38, %dot_general3A_52 : vector<368x128xf32>
    %get3A_54 = arith.constant 1 : index
    %get3A_55 = arith.constant 1 : index
    %get3A_56 = arith.constant 0 : index
    %get3A_57 = arith.constant 0 : index
    %get3A_58 = vector.load %arg2[%get3A_54, %get3A_55, %get3A_56, %get3A_57] : memref<2x2x368x256xbf16, #tpu.memory_space<vmem>>, vector<1x1x368x256xbf16>
    %get3A_59 = vector.shape_cast %get3A_58 : vector<1x1x368x256xbf16> to vector<368x256xbf16>
    %slice3A_60 = vector.extract_strided_slice %get3A_59 {offsets = [0, 0], sizes = [368, 32], strides = [1, 1]} : vector<368x256xbf16> to vector<368x32xbf16>
    %get3A_61 = arith.constant 1 : index
    %get3A_62 = arith.constant 0 : index
    %get3A_63 = arith.constant 0 : index
    %get3A_64 = vector.load %arg4[%get3A_61, %get3A_62, %get3A_63] : memref<2x32x128xbf16, #tpu.memory_space<vmem>>, vector<1x32x128xbf16>
    %get3A_65 = vector.shape_cast %get3A_64 : vector<1x32x128xbf16> to vector<32x128xbf16>
    %dot_general3A_66 = arith.constant dense<0.000000e+00> : vector<368x128xf32>
    %dot_general3A_67 = tpu.matmul %slice3A_60, %get3A_65, %dot_general3A_66 {dimension_numbers = #tpu.dot_dimension_numbers<[1], [0], [0], [1], [0, 0, 1, 1], [], []>, transpose_lhs_hint = false} : vector<368x32xbf16>, vector<32x128xbf16>, vector<368x128xf32> -> vector<368x128xf32>
    %add3A_68 = arith.addf %add3A_53, %dot_general3A_67 : vector<368x128xf32>
    %max3A = arith.constant 0.000000e+00 : f32
    %max3A_69 = vector.broadcast %max3A : f32 to vector<368x128xf32>
    %max3A_70 = arith.maximumf %add3A_68, %max3A_69 : vector<368x128xf32>
    %get3A_71 = arith.constant 0 : index
    %get3A_72 = arith.constant 0 : index
    %get3A_73 = vector.load %arg6[%get3A_71, %get3A_72] : memref<128x128xf32, #tpu.memory_space<vmem>>, vector<128x128xf32>
    %dot_general3A_74 = arith.constant dense<0.000000e+00> : vector<368x128xf32>
    %dot_general3A_75 = tpu.matmul %max3A_70, %get3A_73, %dot_general3A_74 {dimension_numbers = #tpu.dot_dimension_numbers<[1], [0], [0], [1], [0, 0, 1, 1], [], []>, transpose_lhs_hint = false} : vector<368x128xf32>, vector<128x128xf32>, vector<368x128xf32> -> vector<368x128xf32>
    %get3A_76 = arith.constant 0 : index
    %get3A_77 = arith.constant 0 : index
    %get3A_78 = vector.load %arg7[%get3A_76, %get3A_77] : memref<1x128xf32, #tpu.memory_space<vmem>>, vector<1x128xf32>
    %add3A_79 = vector.broadcast %get3A_78 : vector<1x128xf32> to vector<368x128xf32>
    %add3A_80 = arith.addf %dot_general3A_75, %add3A_79 : vector<368x128xf32>
    %max3A_81 = arith.constant 0.000000e+00 : f32
    %max3A_82 = vector.broadcast %max3A_81 : f32 to vector<368x128xf32>
    %max3A_83 = arith.maximumf %add3A_80, %max3A_82 : vector<368x128xf32>
    %get3A_84 = arith.constant 0 : index
    %get3A_85 = arith.constant 0 : index
    %get3A_86 = vector.load %arg8[%get3A_84, %get3A_85] : memref<128x8xf32, #tpu.memory_space<vmem>>, vector<128x8xf32>
    %dot_general3A_87 = arith.constant dense<0.000000e+00> : vector<368x8xf32>
    %dot_general3A_88 = tpu.matmul %max3A_83, %get3A_86, %dot_general3A_87 {dimension_numbers = #tpu.dot_dimension_numbers<[1], [0], [0], [1], [0, 0, 1, 1], [], []>, transpose_lhs_hint = false} : vector<368x128xf32>, vector<128x8xf32>, vector<368x8xf32> -> vector<368x8xf32>
    %get3A_89 = arith.constant 0 : index
    %get3A_90 = arith.constant 0 : index
    %get3A_91 = vector.load %arg9[%get3A_89, %get3A_90] : memref<1x8xf32, #tpu.memory_space<vmem>>, vector<1x8xf32>
    %add3A_92 = vector.broadcast %get3A_91 : vector<1x8xf32> to vector<368x8xf32>
    %add3A_93 = arith.addf %dot_general3A_88, %add3A_92 : vector<368x8xf32>
    %slice3A_94 = vector.extract_strided_slice %get3A_1 {offsets = [0, 3], sizes = [368, 3], strides = [1, 1]} : vector<368x16xf32> to vector<368x3xf32>
    %slice3A_95 = vector.extract_strided_slice %add3A_93 {offsets = [0, 0], sizes = [368, 3], strides = [1, 1]} : vector<368x8xf32> to vector<368x3xf32>
    %add3A_96 = arith.addf %slice3A_94, %slice3A_95 : vector<368x3xf32>
    %slice3A_97 = vector.extract_strided_slice %get3A_1 {offsets = [0, 0], sizes = [368, 3], strides = [1, 1]} : vector<368x16xf32> to vector<368x3xf32>
    %mul3A = arith.constant 0.00999999977 : f32
    %mul3A_98 = vector.broadcast %mul3A : f32 to vector<368x3xf32>
    %mul3A_99 = arith.mulf %add3A_96, %mul3A_98 : vector<368x3xf32>
    %add3A_100 = arith.addf %slice3A_97, %mul3A_99 : vector<368x3xf32>
    %slice3A_101 = vector.extract_strided_slice %add3A_93 {offsets = [0, 3], sizes = [368, 2], strides = [1, 1]} : vector<368x8xf32> to vector<368x2xf32>
    %concatenate3A = tpu.concatenate %add3A_100, %add3A_96, %slice3A_101 in 1 : vector<368x3xf32>, vector<368x3xf32>, vector<368x2xf32> -> vector<368x8xf32>
    %get3A_102 = arith.constant 0 : index
    %get3A_103 = arith.constant 16 : index
    %get3A_104 = vector.load %arg1[%get3A_102, %get3A_103] : memref<368x128xf32, #tpu.memory_space<vmem>>, vector<368x16xf32>
    %get3A_105 = arith.constant 0 : index
    %get3A_106 = arith.constant 0 : index
    %get3A_107 = vector.load %arg3[%get3A_105, %get3A_106] : memref<16x128xf32, #tpu.memory_space<vmem>>, vector<16x128xf32>
    %dot_general3A_108 = arith.constant dense<0.000000e+00> : vector<368x128xf32>
    %dot_general3A_109 = tpu.matmul %get3A_104, %get3A_107, %dot_general3A_108 {dimension_numbers = #tpu.dot_dimension_numbers<[1], [0], [0], [1], [0, 0, 1, 1], [], []>, transpose_lhs_hint = false} : vector<368x16xf32>, vector<16x128xf32>, vector<368x128xf32> -> vector<368x128xf32>
    %get3A_110 = arith.constant 0 : index
    %get3A_111 = arith.constant 0 : index
    %get3A_112 = vector.load %arg5[%get3A_110, %get3A_111] : memref<1x128xf32, #tpu.memory_space<vmem>>, vector<1x128xf32>
    %add3A_113 = vector.broadcast %get3A_112 : vector<1x128xf32> to vector<368x128xf32>
    %add3A_114 = arith.addf %dot_general3A_109, %add3A_113 : vector<368x128xf32>
    %get3A_115 = arith.constant 0 : index
    %get3A_116 = arith.constant 0 : index
    %get3A_117 = arith.constant 0 : index
    %get3A_118 = arith.constant 0 : index
    %get3A_119 = vector.load %arg2[%get3A_115, %get3A_116, %get3A_117, %get3A_118] : memref<2x2x368x256xbf16, #tpu.memory_space<vmem>>, vector<1x1x368x256xbf16>
    %get3A_120 = vector.shape_cast %get3A_119 : vector<1x1x368x256xbf16> to vector<368x256xbf16>
    %slice3A_121 = vector.extract_strided_slice %get3A_120 {offsets = [0, 32], sizes = [368, 32], strides = [1, 1]} : vector<368x256xbf16> to vector<368x32xbf16>
    %get3A_122 = arith.constant 0 : index
    %get3A_123 = arith.constant 0 : index
    %get3A_124 = arith.constant 0 : index
    %get3A_125 = vector.load %arg4[%get3A_122, %get3A_123, %get3A_124] : memref<2x32x128xbf16, #tpu.memory_space<vmem>>, vector<1x32x128xbf16>
    %get3A_126 = vector.shape_cast %get3A_125 : vector<1x32x128xbf16> to vector<32x128xbf16>
    %dot_general3A_127 = arith.constant dense<0.000000e+00> : vector<368x128xf32>
    %dot_general3A_128 = tpu.matmul %slice3A_121, %get3A_126, %dot_general3A_127 {dimension_numbers = #tpu.dot_dimension_numbers<[1], [0], [0], [1], [0, 0, 1, 1], [], []>, transpose_lhs_hint = false} : vector<368x32xbf16>, vector<32x128xbf16>, vector<368x128xf32> -> vector<368x128xf32>
    %add3A_129 = arith.addf %add3A_114, %dot_general3A_128 : vector<368x128xf32>
    %get3A_130 = arith.constant 0 : index
    %get3A_131 = arith.constant 1 : index
    %get3A_132 = arith.constant 0 : index
    %get3A_133 = arith.constant 0 : index
    %get3A_134 = vector.load %arg2[%get3A_130, %get3A_131, %get3A_132, %get3A_133] : memref<2x2x368x256xbf16, #tpu.memory_space<vmem>>, vector<1x1x368x256xbf16>
    %get3A_135 = vector.shape_cast %get3A_134 : vector<1x1x368x256xbf16> to vector<368x256xbf16>
    %slice3A_136 = vector.extract_strided_slice %get3A_135 {offsets = [0, 32], sizes = [368, 32], strides = [1, 1]} : vector<368x256xbf16> to vector<368x32xbf16>
    %get3A_137 = arith.constant 0 : index
    %get3A_138 = arith.constant 0 : index
    %get3A_139 = arith.constant 0 : index
    %get3A_140 = vector.load %arg4[%get3A_137, %get3A_138, %get3A_139] : memref<2x32x128xbf16, #tpu.memory_space<vmem>>, vector<1x32x128xbf16>
    %get3A_141 = vector.shape_cast %get3A_140 : vector<1x32x128xbf16> to vector<32x128xbf16>
    %dot_general3A_142 = arith.constant dense<0.000000e+00> : vector<368x128xf32>
    %dot_general3A_143 = tpu.matmul %slice3A_136, %get3A_141, %dot_general3A_142 {dimension_numbers = #tpu.dot_dimension_numbers<[1], [0], [0], [1], [0, 0, 1, 1], [], []>, transpose_lhs_hint = false} : vector<368x32xbf16>, vector<32x128xbf16>, vector<368x128xf32> -> vector<368x128xf32>
    %add3A_144 = arith.addf %add3A_129, %dot_general3A_143 : vector<368x128xf32>
    %get3A_145 = arith.constant 1 : index
    %get3A_146 = arith.constant 0 : index
    %get3A_147 = arith.constant 0 : index
    %get3A_148 = arith.constant 0 : index
    %get3A_149 = vector.load %arg2[%get3A_145, %get3A_146, %get3A_147, %get3A_148] : memref<2x2x368x256xbf16, #tpu.memory_space<vmem>>, vector<1x1x368x256xbf16>
    %get3A_150 = vector.shape_cast %get3A_149 : vector<1x1x368x256xbf16> to vector<368x256xbf16>
    %slice3A_151 = vector.extract_strided_slice %get3A_150 {offsets = [0, 32], sizes = [368, 32], strides = [1, 1]} : vector<368x256xbf16> to vector<368x32xbf16>
    %get3A_152 = arith.constant 1 : index
    %get3A_153 = arith.constant 0 : index
    %get3A_154 = arith.constant 0 : index
    %get3A_155 = vector.load %arg4[%get3A_152, %get3A_153, %get3A_154] : memref<2x32x128xbf16, #tpu.memory_space<vmem>>, vector<1x32x128xbf16>
    %get3A_156 = vector.shape_cast %get3A_155 : vector<1x32x128xbf16> to vector<32x128xbf16>
    %dot_general3A_157 = arith.constant dense<0.000000e+00> : vector<368x128xf32>
    %dot_general3A_158 = tpu.matmul %slice3A_151, %get3A_156, %dot_general3A_157 {dimension_numbers = #tpu.dot_dimension_numbers<[1], [0], [0], [1], [0, 0, 1, 1], [], []>, transpose_lhs_hint = false} : vector<368x32xbf16>, vector<32x128xbf16>, vector<368x128xf32> -> vector<368x128xf32>
    %add3A_159 = arith.addf %add3A_144, %dot_general3A_158 : vector<368x128xf32>
    %get3A_160 = arith.constant 1 : index
    %get3A_161 = arith.constant 1 : index
    %get3A_162 = arith.constant 0 : index
    %get3A_163 = arith.constant 0 : index
    %get3A_164 = vector.load %arg2[%get3A_160, %get3A_161, %get3A_162, %get3A_163] : memref<2x2x368x256xbf16, #tpu.memory_space<vmem>>, vector<1x1x368x256xbf16>
    %get3A_165 = vector.shape_cast %get3A_164 : vector<1x1x368x256xbf16> to vector<368x256xbf16>
    %slice3A_166 = vector.extract_strided_slice %get3A_165 {offsets = [0, 32], sizes = [368, 32], strides = [1, 1]} : vector<368x256xbf16> to vector<368x32xbf16>
    %get3A_167 = arith.constant 1 : index
    %get3A_168 = arith.constant 0 : index
    %get3A_169 = arith.constant 0 : index
    %get3A_170 = vector.load %arg4[%get3A_167, %get3A_168, %get3A_169] : memref<2x32x128xbf16, #tpu.memory_space<vmem>>, vector<1x32x128xbf16>
    %get3A_171 = vector.shape_cast %get3A_170 : vector<1x32x128xbf16> to vector<32x128xbf16>
    %dot_general3A_172 = arith.constant dense<0.000000e+00> : vector<368x128xf32>
    %dot_general3A_173 = tpu.matmul %slice3A_166, %get3A_171, %dot_general3A_172 {dimension_numbers = #tpu.dot_dimension_numbers<[1], [0], [0], [1], [0, 0, 1, 1], [], []>, transpose_lhs_hint = false} : vector<368x32xbf16>, vector<32x128xbf16>, vector<368x128xf32> -> vector<368x128xf32>
    %add3A_174 = arith.addf %add3A_159, %dot_general3A_173 : vector<368x128xf32>
    %max3A_175 = arith.constant 0.000000e+00 : f32
    %max3A_176 = vector.broadcast %max3A_175 : f32 to vector<368x128xf32>
    %max3A_177 = arith.maximumf %add3A_174, %max3A_176 : vector<368x128xf32>
    %get3A_178 = arith.constant 0 : index
    %get3A_179 = arith.constant 0 : index
    %get3A_180 = vector.load %arg6[%get3A_178, %get3A_179] : memref<128x128xf32, #tpu.memory_space<vmem>>, vector<128x128xf32>
    %dot_general3A_181 = arith.constant dense<0.000000e+00> : vector<368x128xf32>
    %dot_general3A_182 = tpu.matmul %max3A_177, %get3A_180, %dot_general3A_181 {dimension_numbers = #tpu.dot_dimension_numbers<[1], [0], [0], [1], [0, 0, 1, 1], [], []>, transpose_lhs_hint = false} : vector<368x128xf32>, vector<128x128xf32>, vector<368x128xf32> -> vector<368x128xf32>
    %get3A_183 = arith.constant 0 : index
    %get3A_184 = arith.constant 0 : index
    %get3A_185 = vector.load %arg7[%get3A_183, %get3A_184] : memref<1x128xf32, #tpu.memory_space<vmem>>, vector<1x128xf32>
    %add3A_186 = vector.broadcast %get3A_185 : vector<1x128xf32> to vector<368x128xf32>
    %add3A_187 = arith.addf %dot_general3A_182, %add3A_186 : vector<368x128xf32>
    %max3A_188 = arith.constant 0.000000e+00 : f32
    %max3A_189 = vector.broadcast %max3A_188 : f32 to vector<368x128xf32>
    %max3A_190 = arith.maximumf %add3A_187, %max3A_189 : vector<368x128xf32>
    %get3A_191 = arith.constant 0 : index
    %get3A_192 = arith.constant 0 : index
    %get3A_193 = vector.load %arg8[%get3A_191, %get3A_192] : memref<128x8xf32, #tpu.memory_space<vmem>>, vector<128x8xf32>
    %dot_general3A_194 = arith.constant dense<0.000000e+00> : vector<368x8xf32>
    %dot_general3A_195 = tpu.matmul %max3A_190, %get3A_193, %dot_general3A_194 {dimension_numbers = #tpu.dot_dimension_numbers<[1], [0], [0], [1], [0, 0, 1, 1], [], []>, transpose_lhs_hint = false} : vector<368x128xf32>, vector<128x8xf32>, vector<368x8xf32> -> vector<368x8xf32>
    %get3A_196 = arith.constant 0 : index
    %get3A_197 = arith.constant 0 : index
    %get3A_198 = vector.load %arg9[%get3A_196, %get3A_197] : memref<1x8xf32, #tpu.memory_space<vmem>>, vector<1x8xf32>
    %add3A_199 = vector.broadcast %get3A_198 : vector<1x8xf32> to vector<368x8xf32>
    %add3A_200 = arith.addf %dot_general3A_195, %add3A_199 : vector<368x8xf32>
    %slice3A_201 = vector.extract_strided_slice %get3A_104 {offsets = [0, 3], sizes = [368, 3], strides = [1, 1]} : vector<368x16xf32> to vector<368x3xf32>
    %slice3A_202 = vector.extract_strided_slice %add3A_200 {offsets = [0, 0], sizes = [368, 3], strides = [1, 1]} : vector<368x8xf32> to vector<368x3xf32>
    %add3A_203 = arith.addf %slice3A_201, %slice3A_202 : vector<368x3xf32>
    %slice3A_204 = vector.extract_strided_slice %get3A_104 {offsets = [0, 0], sizes = [368, 3], strides = [1, 1]} : vector<368x16xf32> to vector<368x3xf32>
    %mul3A_205 = arith.constant 0.00999999977 : f32
    %mul3A_206 = vector.broadcast %mul3A_205 : f32 to vector<368x3xf32>
    %mul3A_207 = arith.mulf %add3A_203, %mul3A_206 : vector<368x3xf32>
    %add3A_208 = arith.addf %slice3A_204, %mul3A_207 : vector<368x3xf32>
    %slice3A_209 = vector.extract_strided_slice %add3A_200 {offsets = [0, 3], sizes = [368, 2], strides = [1, 1]} : vector<368x8xf32> to vector<368x2xf32>
    %concatenate3A_210 = tpu.concatenate %add3A_208, %add3A_203, %slice3A_209 in 1 : vector<368x3xf32>, vector<368x3xf32>, vector<368x2xf32> -> vector<368x8xf32>
    %get3A_211 = arith.constant 0 : index
    %get3A_212 = arith.constant 32 : index
    %get3A_213 = vector.load %arg1[%get3A_211, %get3A_212] : memref<368x128xf32, #tpu.memory_space<vmem>>, vector<368x16xf32>
    %get3A_214 = arith.constant 0 : index
    %get3A_215 = arith.constant 0 : index
    %get3A_216 = vector.load %arg3[%get3A_214, %get3A_215] : memref<16x128xf32, #tpu.memory_space<vmem>>, vector<16x128xf32>
    %dot_general3A_217 = arith.constant dense<0.000000e+00> : vector<368x128xf32>
    %dot_general3A_218 = tpu.matmul %get3A_213, %get3A_216, %dot_general3A_217 {dimension_numbers = #tpu.dot_dimension_numbers<[1], [0], [0], [1], [0, 0, 1, 1], [], []>, transpose_lhs_hint = false} : vector<368x16xf32>, vector<16x128xf32>, vector<368x128xf32> -> vector<368x128xf32>
    %get3A_219 = arith.constant 0 : index
    %get3A_220 = arith.constant 0 : index
    %get3A_221 = vector.load %arg5[%get3A_219, %get3A_220] : memref<1x128xf32, #tpu.memory_space<vmem>>, vector<1x128xf32>
    %add3A_222 = vector.broadcast %get3A_221 : vector<1x128xf32> to vector<368x128xf32>
    %add3A_223 = arith.addf %dot_general3A_218, %add3A_222 : vector<368x128xf32>
    %get3A_224 = arith.constant 0 : index
    %get3A_225 = arith.constant 0 : index
    %get3A_226 = arith.constant 0 : index
    %get3A_227 = arith.constant 0 : index
    %get3A_228 = vector.load %arg2[%get3A_224, %get3A_225, %get3A_226, %get3A_227] : memref<2x2x368x256xbf16, #tpu.memory_space<vmem>>, vector<1x1x368x256xbf16>
    %get3A_229 = vector.shape_cast %get3A_228 : vector<1x1x368x256xbf16> to vector<368x256xbf16>
    %slice3A_230 = vector.extract_strided_slice %get3A_229 {offsets = [0, 64], sizes = [368, 32], strides = [1, 1]} : vector<368x256xbf16> to vector<368x32xbf16>
    %get3A_231 = arith.constant 0 : index
    %get3A_232 = arith.constant 0 : index
    %get3A_233 = arith.constant 0 : index
    %get3A_234 = vector.load %arg4[%get3A_231, %get3A_232, %get3A_233] : memref<2x32x128xbf16, #tpu.memory_space<vmem>>, vector<1x32x128xbf16>
    %get3A_235 = vector.shape_cast %get3A_234 : vector<1x32x128xbf16> to vector<32x128xbf16>
    %dot_general3A_236 = arith.constant dense<0.000000e+00> : vector<368x128xf32>
    %dot_general3A_237 = tpu.matmul %slice3A_230, %get3A_235, %dot_general3A_236 {dimension_numbers = #tpu.dot_dimension_numbers<[1], [0], [0], [1], [0, 0, 1, 1], [], []>, transpose_lhs_hint = false} : vector<368x32xbf16>, vector<32x128xbf16>, vector<368x128xf32> -> vector<368x128xf32>
    %add3A_238 = arith.addf %add3A_223, %dot_general3A_237 : vector<368x128xf32>
    %get3A_239 = arith.constant 0 : index
    %get3A_240 = arith.constant 1 : index
    %get3A_241 = arith.constant 0 : index
    %get3A_242 = arith.constant 0 : index
    %get3A_243 = vector.load %arg2[%get3A_239, %get3A_240, %get3A_241, %get3A_242] : memref<2x2x368x256xbf16, #tpu.memory_space<vmem>>, vector<1x1x368x256xbf16>
    %get3A_244 = vector.shape_cast %get3A_243 : vector<1x1x368x256xbf16> to vector<368x256xbf16>
    %slice3A_245 = vector.extract_strided_slice %get3A_244 {offsets = [0, 64], sizes = [368, 32], strides = [1, 1]} : vector<368x256xbf16> to vector<368x32xbf16>
    %get3A_246 = arith.constant 0 : index
    %get3A_247 = arith.constant 0 : index
    %get3A_248 = arith.constant 0 : index
    %get3A_249 = vector.load %arg4[%get3A_246, %get3A_247, %get3A_248] : memref<2x32x128xbf16, #tpu.memory_space<vmem>>, vector<1x32x128xbf16>
    %get3A_250 = vector.shape_cast %get3A_249 : vector<1x32x128xbf16> to vector<32x128xbf16>
    %dot_general3A_251 = arith.constant dense<0.000000e+00> : vector<368x128xf32>
    %dot_general3A_252 = tpu.matmul %slice3A_245, %get3A_250, %dot_general3A_251 {dimension_numbers = #tpu.dot_dimension_numbers<[1], [0], [0], [1], [0, 0, 1, 1], [], []>, transpose_lhs_hint = false} : vector<368x32xbf16>, vector<32x128xbf16>, vector<368x128xf32> -> vector<368x128xf32>
    %add3A_253 = arith.addf %add3A_238, %dot_general3A_252 : vector<368x128xf32>
    %get3A_254 = arith.constant 1 : index
    %get3A_255 = arith.constant 0 : index
    %get3A_256 = arith.constant 0 : index
    %get3A_257 = arith.constant 0 : index
    %get3A_258 = vector.load %arg2[%get3A_254, %get3A_255, %get3A_256, %get3A_257] : memref<2x2x368x256xbf16, #tpu.memory_space<vmem>>, vector<1x1x368x256xbf16>
    %get3A_259 = vector.shape_cast %get3A_258 : vector<1x1x368x256xbf16> to vector<368x256xbf16>
    %slice3A_260 = vector.extract_strided_slice %get3A_259 {offsets = [0, 64], sizes = [368, 32], strides = [1, 1]} : vector<368x256xbf16> to vector<368x32xbf16>
    %get3A_261 = arith.constant 1 : index
    %get3A_262 = arith.constant 0 : index
    %get3A_263 = arith.constant 0 : index
    %get3A_264 = vector.load %arg4[%get3A_261, %get3A_262, %get3A_263] : memref<2x32x128xbf16, #tpu.memory_space<vmem>>, vector<1x32x128xbf16>
    %get3A_265 = vector.shape_cast %get3A_264 : vector<1x32x128xbf16> to vector<32x128xbf16>
    %dot_general3A_266 = arith.constant dense<0.000000e+00> : vector<368x128xf32>
    %dot_general3A_267 = tpu.matmul %slice3A_260, %get3A_265, %dot_general3A_266 {dimension_numbers = #tpu.dot_dimension_numbers<[1], [0], [0], [1], [0, 0, 1, 1], [], []>, transpose_lhs_hint = false} : vector<368x32xbf16>, vector<32x128xbf16>, vector<368x128xf32> -> vector<368x128xf32>
    %add3A_268 = arith.addf %add3A_253, %dot_general3A_267 : vector<368x128xf32>
    %get3A_269 = arith.constant 1 : index
    %get3A_270 = arith.constant 1 : index
    %get3A_271 = arith.constant 0 : index
    %get3A_272 = arith.constant 0 : index
    %get3A_273 = vector.load %arg2[%get3A_269, %get3A_270, %get3A_271, %get3A_272] : memref<2x2x368x256xbf16, #tpu.memory_space<vmem>>, vector<1x1x368x256xbf16>
    %get3A_274 = vector.shape_cast %get3A_273 : vector<1x1x368x256xbf16> to vector<368x256xbf16>
    %slice3A_275 = vector.extract_strided_slice %get3A_274 {offsets = [0, 64], sizes = [368, 32], strides = [1, 1]} : vector<368x256xbf16> to vector<368x32xbf16>
    %get3A_276 = arith.constant 1 : index
    %get3A_277 = arith.constant 0 : index
    %get3A_278 = arith.constant 0 : index
    %get3A_279 = vector.load %arg4[%get3A_276, %get3A_277, %get3A_278] : memref<2x32x128xbf16, #tpu.memory_space<vmem>>, vector<1x32x128xbf16>
    %get3A_280 = vector.shape_cast %get3A_279 : vector<1x32x128xbf16> to vector<32x128xbf16>
    %dot_general3A_281 = arith.constant dense<0.000000e+00> : vector<368x128xf32>
    %dot_general3A_282 = tpu.matmul %slice3A_275, %get3A_280, %dot_general3A_281 {dimension_numbers = #tpu.dot_dimension_numbers<[1], [0], [0], [1], [0, 0, 1, 1], [], []>, transpose_lhs_hint = false} : vector<368x32xbf16>, vector<32x128xbf16>, vector<368x128xf32> -> vector<368x128xf32>
    %add3A_283 = arith.addf %add3A_268, %dot_general3A_282 : vector<368x128xf32>
    %max3A_284 = arith.constant 0.000000e+00 : f32
    %max3A_285 = vector.broadcast %max3A_284 : f32 to vector<368x128xf32>
    %max3A_286 = arith.maximumf %add3A_283, %max3A_285 : vector<368x128xf32>
    %get3A_287 = arith.constant 0 : index
    %get3A_288 = arith.constant 0 : index
    %get3A_289 = vector.load %arg6[%get3A_287, %get3A_288] : memref<128x128xf32, #tpu.memory_space<vmem>>, vector<128x128xf32>
    %dot_general3A_290 = arith.constant dense<0.000000e+00> : vector<368x128xf32>
    %dot_general3A_291 = tpu.matmul %max3A_286, %get3A_289, %dot_general3A_290 {dimension_numbers = #tpu.dot_dimension_numbers<[1], [0], [0], [1], [0, 0, 1, 1], [], []>, transpose_lhs_hint = false} : vector<368x128xf32>, vector<128x128xf32>, vector<368x128xf32> -> vector<368x128xf32>
    %get3A_292 = arith.constant 0 : index
    %get3A_293 = arith.constant 0 : index
    %get3A_294 = vector.load %arg7[%get3A_292, %get3A_293] : memref<1x128xf32, #tpu.memory_space<vmem>>, vector<1x128xf32>
    %add3A_295 = vector.broadcast %get3A_294 : vector<1x128xf32> to vector<368x128xf32>
    %add3A_296 = arith.addf %dot_general3A_291, %add3A_295 : vector<368x128xf32>
    %max3A_297 = arith.constant 0.000000e+00 : f32
    %max3A_298 = vector.broadcast %max3A_297 : f32 to vector<368x128xf32>
    %max3A_299 = arith.maximumf %add3A_296, %max3A_298 : vector<368x128xf32>
    %get3A_300 = arith.constant 0 : index
    %get3A_301 = arith.constant 0 : index
    %get3A_302 = vector.load %arg8[%get3A_300, %get3A_301] : memref<128x8xf32, #tpu.memory_space<vmem>>, vector<128x8xf32>
    %dot_general3A_303 = arith.constant dense<0.000000e+00> : vector<368x8xf32>
    %dot_general3A_304 = tpu.matmul %max3A_299, %get3A_302, %dot_general3A_303 {dimension_numbers = #tpu.dot_dimension_numbers<[1], [0], [0], [1], [0, 0, 1, 1], [], []>, transpose_lhs_hint = false} : vector<368x128xf32>, vector<128x8xf32>, vector<368x8xf32> -> vector<368x8xf32>
    %get3A_305 = arith.constant 0 : index
    %get3A_306 = arith.constant 0 : index
    %get3A_307 = vector.load %arg9[%get3A_305, %get3A_306] : memref<1x8xf32, #tpu.memory_space<vmem>>, vector<1x8xf32>
    %add3A_308 = vector.broadcast %get3A_307 : vector<1x8xf32> to vector<368x8xf32>
    %add3A_309 = arith.addf %dot_general3A_304, %add3A_308 : vector<368x8xf32>
    %slice3A_310 = vector.extract_strided_slice %get3A_213 {offsets = [0, 3], sizes = [368, 3], strides = [1, 1]} : vector<368x16xf32> to vector<368x3xf32>
    %slice3A_311 = vector.extract_strided_slice %add3A_309 {offsets = [0, 0], sizes = [368, 3], strides = [1, 1]} : vector<368x8xf32> to vector<368x3xf32>
    %add3A_312 = arith.addf %slice3A_310, %slice3A_311 : vector<368x3xf32>
    %slice3A_313 = vector.extract_strided_slice %get3A_213 {offsets = [0, 0], sizes = [368, 3], strides = [1, 1]} : vector<368x16xf32> to vector<368x3xf32>
    %mul3A_314 = arith.constant 0.00999999977 : f32
    %mul3A_315 = vector.broadcast %mul3A_314 : f32 to vector<368x3xf32>
    %mul3A_316 = arith.mulf %add3A_312, %mul3A_315 : vector<368x3xf32>
    %add3A_317 = arith.addf %slice3A_313, %mul3A_316 : vector<368x3xf32>
    %slice3A_318 = vector.extract_strided_slice %add3A_309 {offsets = [0, 3], sizes = [368, 2], strides = [1, 1]} : vector<368x8xf32> to vector<368x2xf32>
    %concatenate3A_319 = tpu.concatenate %add3A_317, %add3A_312, %slice3A_318 in 1 : vector<368x3xf32>, vector<368x3xf32>, vector<368x2xf32> -> vector<368x8xf32>
    %get3A_320 = arith.constant 0 : index
    %get3A_321 = arith.constant 48 : index
    %get3A_322 = vector.load %arg1[%get3A_320, %get3A_321] : memref<368x128xf32, #tpu.memory_space<vmem>>, vector<368x16xf32>
    %get3A_323 = arith.constant 0 : index
    %get3A_324 = arith.constant 0 : index
    %get3A_325 = vector.load %arg3[%get3A_323, %get3A_324] : memref<16x128xf32, #tpu.memory_space<vmem>>, vector<16x128xf32>
    %dot_general3A_326 = arith.constant dense<0.000000e+00> : vector<368x128xf32>
    %dot_general3A_327 = tpu.matmul %get3A_322, %get3A_325, %dot_general3A_326 {dimension_numbers = #tpu.dot_dimension_numbers<[1], [0], [0], [1], [0, 0, 1, 1], [], []>, transpose_lhs_hint = false} : vector<368x16xf32>, vector<16x128xf32>, vector<368x128xf32> -> vector<368x128xf32>
    %get3A_328 = arith.constant 0 : index
    %get3A_329 = arith.constant 0 : index
    %get3A_330 = vector.load %arg5[%get3A_328, %get3A_329] : memref<1x128xf32, #tpu.memory_space<vmem>>, vector<1x128xf32>
    %add3A_331 = vector.broadcast %get3A_330 : vector<1x128xf32> to vector<368x128xf32>
    %add3A_332 = arith.addf %dot_general3A_327, %add3A_331 : vector<368x128xf32>
    %get3A_333 = arith.constant 0 : index
    %get3A_334 = arith.constant 0 : index
    %get3A_335 = arith.constant 0 : index
    %get3A_336 = arith.constant 0 : index
    %get3A_337 = vector.load %arg2[%get3A_333, %get3A_334, %get3A_335, %get3A_336] : memref<2x2x368x256xbf16, #tpu.memory_space<vmem>>, vector<1x1x368x256xbf16>
    %get3A_338 = vector.shape_cast %get3A_337 : vector<1x1x368x256xbf16> to vector<368x256xbf16>
    %slice3A_339 = vector.extract_strided_slice %get3A_338 {offsets = [0, 96], sizes = [368, 32], strides = [1, 1]} : vector<368x256xbf16> to vector<368x32xbf16>
    %get3A_340 = arith.constant 0 : index
    %get3A_341 = arith.constant 0 : index
    %get3A_342 = arith.constant 0 : index
    %get3A_343 = vector.load %arg4[%get3A_340, %get3A_341, %get3A_342] : memref<2x32x128xbf16, #tpu.memory_space<vmem>>, vector<1x32x128xbf16>
    %get3A_344 = vector.shape_cast %get3A_343 : vector<1x32x128xbf16> to vector<32x128xbf16>
    %dot_general3A_345 = arith.constant dense<0.000000e+00> : vector<368x128xf32>
    %dot_general3A_346 = tpu.matmul %slice3A_339, %get3A_344, %dot_general3A_345 {dimension_numbers = #tpu.dot_dimension_numbers<[1], [0], [0], [1], [0, 0, 1, 1], [], []>, transpose_lhs_hint = false} : vector<368x32xbf16>, vector<32x128xbf16>, vector<368x128xf32> -> vector<368x128xf32>
    %add3A_347 = arith.addf %add3A_332, %dot_general3A_346 : vector<368x128xf32>
    %get3A_348 = arith.constant 0 : index
    %get3A_349 = arith.constant 1 : index
    %get3A_350 = arith.constant 0 : index
    %get3A_351 = arith.constant 0 : index
    %get3A_352 = vector.load %arg2[%get3A_348, %get3A_349, %get3A_350, %get3A_351] : memref<2x2x368x256xbf16, #tpu.memory_space<vmem>>, vector<1x1x368x256xbf16>
    %get3A_353 = vector.shape_cast %get3A_352 : vector<1x1x368x256xbf16> to vector<368x256xbf16>
    %slice3A_354 = vector.extract_strided_slice %get3A_353 {offsets = [0, 96], sizes = [368, 32], strides = [1, 1]} : vector<368x256xbf16> to vector<368x32xbf16>
    %get3A_355 = arith.constant 0 : index
    %get3A_356 = arith.constant 0 : index
    %get3A_357 = arith.constant 0 : index
    %get3A_358 = vector.load %arg4[%get3A_355, %get3A_356, %get3A_357] : memref<2x32x128xbf16, #tpu.memory_space<vmem>>, vector<1x32x128xbf16>
    %get3A_359 = vector.shape_cast %get3A_358 : vector<1x32x128xbf16> to vector<32x128xbf16>
    %dot_general3A_360 = arith.constant dense<0.000000e+00> : vector<368x128xf32>
    %dot_general3A_361 = tpu.matmul %slice3A_354, %get3A_359, %dot_general3A_360 {dimension_numbers = #tpu.dot_dimension_numbers<[1], [0], [0], [1], [0, 0, 1, 1], [], []>, transpose_lhs_hint = false} : vector<368x32xbf16>, vector<32x128xbf16>, vector<368x128xf32> -> vector<368x128xf32>
    %add3A_362 = arith.addf %add3A_347, %dot_general3A_361 : vector<368x128xf32>
    %get3A_363 = arith.constant 1 : index
    %get3A_364 = arith.constant 0 : index
    %get3A_365 = arith.constant 0 : index
    %get3A_366 = arith.constant 0 : index
    %get3A_367 = vector.load %arg2[%get3A_363, %get3A_364, %get3A_365, %get3A_366] : memref<2x2x368x256xbf16, #tpu.memory_space<vmem>>, vector<1x1x368x256xbf16>
    %get3A_368 = vector.shape_cast %get3A_367 : vector<1x1x368x256xbf16> to vector<368x256xbf16>
    %slice3A_369 = vector.extract_strided_slice %get3A_368 {offsets = [0, 96], sizes = [368, 32], strides = [1, 1]} : vector<368x256xbf16> to vector<368x32xbf16>
    %get3A_370 = arith.constant 1 : index
    %get3A_371 = arith.constant 0 : index
    %get3A_372 = arith.constant 0 : index
    %get3A_373 = vector.load %arg4[%get3A_370, %get3A_371, %get3A_372] : memref<2x32x128xbf16, #tpu.memory_space<vmem>>, vector<1x32x128xbf16>
    %get3A_374 = vector.shape_cast %get3A_373 : vector<1x32x128xbf16> to vector<32x128xbf16>
    %dot_general3A_375 = arith.constant dense<0.000000e+00> : vector<368x128xf32>
    %dot_general3A_376 = tpu.matmul %slice3A_369, %get3A_374, %dot_general3A_375 {dimension_numbers = #tpu.dot_dimension_numbers<[1], [0], [0], [1], [0, 0, 1, 1], [], []>, transpose_lhs_hint = false} : vector<368x32xbf16>, vector<32x128xbf16>, vector<368x128xf32> -> vector<368x128xf32>
    %add3A_377 = arith.addf %add3A_362, %dot_general3A_376 : vector<368x128xf32>
    %get3A_378 = arith.constant 1 : index
    %get3A_379 = arith.constant 1 : index
    %get3A_380 = arith.constant 0 : index
    %get3A_381 = arith.constant 0 : index
    %get3A_382 = vector.load %arg2[%get3A_378, %get3A_379, %get3A_380, %get3A_381] : memref<2x2x368x256xbf16, #tpu.memory_space<vmem>>, vector<1x1x368x256xbf16>
    %get3A_383 = vector.shape_cast %get3A_382 : vector<1x1x368x256xbf16> to vector<368x256xbf16>
    %slice3A_384 = vector.extract_strided_slice %get3A_383 {offsets = [0, 96], sizes = [368, 32], strides = [1, 1]} : vector<368x256xbf16> to vector<368x32xbf16>
    %get3A_385 = arith.constant 1 : index
    %get3A_386 = arith.constant 0 : index
    %get3A_387 = arith.constant 0 : index
    %get3A_388 = vector.load %arg4[%get3A_385, %get3A_386, %get3A_387] : memref<2x32x128xbf16, #tpu.memory_space<vmem>>, vector<1x32x128xbf16>
    %get3A_389 = vector.shape_cast %get3A_388 : vector<1x32x128xbf16> to vector<32x128xbf16>
    %dot_general3A_390 = arith.constant dense<0.000000e+00> : vector<368x128xf32>
    %dot_general3A_391 = tpu.matmul %slice3A_384, %get3A_389, %dot_general3A_390 {dimension_numbers = #tpu.dot_dimension_numbers<[1], [0], [0], [1], [0, 0, 1, 1], [], []>, transpose_lhs_hint = false} : vector<368x32xbf16>, vector<32x128xbf16>, vector<368x128xf32> -> vector<368x128xf32>
    %add3A_392 = arith.addf %add3A_377, %dot_general3A_391 : vector<368x128xf32>
    %max3A_393 = arith.constant 0.000000e+00 : f32
    %max3A_394 = vector.broadcast %max3A_393 : f32 to vector<368x128xf32>
    %max3A_395 = arith.maximumf %add3A_392, %max3A_394 : vector<368x128xf32>
    %get3A_396 = arith.constant 0 : index
    %get3A_397 = arith.constant 0 : index
    %get3A_398 = vector.load %arg6[%get3A_396, %get3A_397] : memref<128x128xf32, #tpu.memory_space<vmem>>, vector<128x128xf32>
    %dot_general3A_399 = arith.constant dense<0.000000e+00> : vector<368x128xf32>
    %dot_general3A_400 = tpu.matmul %max3A_395, %get3A_398, %dot_general3A_399 {dimension_numbers = #tpu.dot_dimension_numbers<[1], [0], [0], [1], [0, 0, 1, 1], [], []>, transpose_lhs_hint = false} : vector<368x128xf32>, vector<128x128xf32>, vector<368x128xf32> -> vector<368x128xf32>
    %get3A_401 = arith.constant 0 : index
    %get3A_402 = arith.constant 0 : index
    %get3A_403 = vector.load %arg7[%get3A_401, %get3A_402] : memref<1x128xf32, #tpu.memory_space<vmem>>, vector<1x128xf32>
    %add3A_404 = vector.broadcast %get3A_403 : vector<1x128xf32> to vector<368x128xf32>
    %add3A_405 = arith.addf %dot_general3A_400, %add3A_404 : vector<368x128xf32>
    %max3A_406 = arith.constant 0.000000e+00 : f32
    %max3A_407 = vector.broadcast %max3A_406 : f32 to vector<368x128xf32>
    %max3A_408 = arith.maximumf %add3A_405, %max3A_407 : vector<368x128xf32>
    %get3A_409 = arith.constant 0 : index
    %get3A_410 = arith.constant 0 : index
    %get3A_411 = vector.load %arg8[%get3A_409, %get3A_410] : memref<128x8xf32, #tpu.memory_space<vmem>>, vector<128x8xf32>
    %dot_general3A_412 = arith.constant dense<0.000000e+00> : vector<368x8xf32>
    %dot_general3A_413 = tpu.matmul %max3A_408, %get3A_411, %dot_general3A_412 {dimension_numbers = #tpu.dot_dimension_numbers<[1], [0], [0], [1], [0, 0, 1, 1], [], []>, transpose_lhs_hint = false} : vector<368x128xf32>, vector<128x8xf32>, vector<368x8xf32> -> vector<368x8xf32>
    %get3A_414 = arith.constant 0 : index
    %get3A_415 = arith.constant 0 : index
    %get3A_416 = vector.load %arg9[%get3A_414, %get3A_415] : memref<1x8xf32, #tpu.memory_space<vmem>>, vector<1x8xf32>
    %add3A_417 = vector.broadcast %get3A_416 : vector<1x8xf32> to vector<368x8xf32>
    %add3A_418 = arith.addf %dot_general3A_413, %add3A_417 : vector<368x8xf32>
    %slice3A_419 = vector.extract_strided_slice %get3A_322 {offsets = [0, 3], sizes = [368, 3], strides = [1, 1]} : vector<368x16xf32> to vector<368x3xf32>
    %slice3A_420 = vector.extract_strided_slice %add3A_418 {offsets = [0, 0], sizes = [368, 3], strides = [1, 1]} : vector<368x8xf32> to vector<368x3xf32>
    %add3A_421 = arith.addf %slice3A_419, %slice3A_420 : vector<368x3xf32>
    %slice3A_422 = vector.extract_strided_slice %get3A_322 {offsets = [0, 0], sizes = [368, 3], strides = [1, 1]} : vector<368x16xf32> to vector<368x3xf32>
    %mul3A_423 = arith.constant 0.00999999977 : f32
    %mul3A_424 = vector.broadcast %mul3A_423 : f32 to vector<368x3xf32>
    %mul3A_425 = arith.mulf %add3A_421, %mul3A_424 : vector<368x3xf32>
    %add3A_426 = arith.addf %slice3A_422, %mul3A_425 : vector<368x3xf32>
    %slice3A_427 = vector.extract_strided_slice %add3A_418 {offsets = [0, 3], sizes = [368, 2], strides = [1, 1]} : vector<368x8xf32> to vector<368x2xf32>
    %concatenate3A_428 = tpu.concatenate %add3A_426, %add3A_421, %slice3A_427 in 1 : vector<368x3xf32>, vector<368x3xf32>, vector<368x2xf32> -> vector<368x8xf32>
    %get3A_429 = arith.constant 0 : index
    %get3A_430 = arith.constant 64 : index
    %get3A_431 = vector.load %arg1[%get3A_429, %get3A_430] : memref<368x128xf32, #tpu.memory_space<vmem>>, vector<368x16xf32>
    %get3A_432 = arith.constant 0 : index
    %get3A_433 = arith.constant 0 : index
    %get3A_434 = vector.load %arg3[%get3A_432, %get3A_433] : memref<16x128xf32, #tpu.memory_space<vmem>>, vector<16x128xf32>
    %dot_general3A_435 = arith.constant dense<0.000000e+00> : vector<368x128xf32>
    %dot_general3A_436 = tpu.matmul %get3A_431, %get3A_434, %dot_general3A_435 {dimension_numbers = #tpu.dot_dimension_numbers<[1], [0], [0], [1], [0, 0, 1, 1], [], []>, transpose_lhs_hint = false} : vector<368x16xf32>, vector<16x128xf32>, vector<368x128xf32> -> vector<368x128xf32>
    %get3A_437 = arith.constant 0 : index
    %get3A_438 = arith.constant 0 : index
    %get3A_439 = vector.load %arg5[%get3A_437, %get3A_438] : memref<1x128xf32, #tpu.memory_space<vmem>>, vector<1x128xf32>
    %add3A_440 = vector.broadcast %get3A_439 : vector<1x128xf32> to vector<368x128xf32>
    %add3A_441 = arith.addf %dot_general3A_436, %add3A_440 : vector<368x128xf32>
    %get3A_442 = arith.constant 0 : index
    %get3A_443 = arith.constant 0 : index
    %get3A_444 = arith.constant 0 : index
    %get3A_445 = arith.constant 0 : index
    %get3A_446 = vector.load %arg2[%get3A_442, %get3A_443, %get3A_444, %get3A_445] : memref<2x2x368x256xbf16, #tpu.memory_space<vmem>>, vector<1x1x368x256xbf16>
    %get3A_447 = vector.shape_cast %get3A_446 : vector<1x1x368x256xbf16> to vector<368x256xbf16>
    %slice3A_448 = vector.extract_strided_slice %get3A_447 {offsets = [0, 128], sizes = [368, 32], strides = [1, 1]} : vector<368x256xbf16> to vector<368x32xbf16>
    %get3A_449 = arith.constant 0 : index
    %get3A_450 = arith.constant 0 : index
    %get3A_451 = arith.constant 0 : index
    %get3A_452 = vector.load %arg4[%get3A_449, %get3A_450, %get3A_451] : memref<2x32x128xbf16, #tpu.memory_space<vmem>>, vector<1x32x128xbf16>
    %get3A_453 = vector.shape_cast %get3A_452 : vector<1x32x128xbf16> to vector<32x128xbf16>
    %dot_general3A_454 = arith.constant dense<0.000000e+00> : vector<368x128xf32>
    %dot_general3A_455 = tpu.matmul %slice3A_448, %get3A_453, %dot_general3A_454 {dimension_numbers = #tpu.dot_dimension_numbers<[1], [0], [0], [1], [0, 0, 1, 1], [], []>, transpose_lhs_hint = false} : vector<368x32xbf16>, vector<32x128xbf16>, vector<368x128xf32> -> vector<368x128xf32>
    %add3A_456 = arith.addf %add3A_441, %dot_general3A_455 : vector<368x128xf32>
    %get3A_457 = arith.constant 0 : index
    %get3A_458 = arith.constant 1 : index
    %get3A_459 = arith.constant 0 : index
    %get3A_460 = arith.constant 0 : index
    %get3A_461 = vector.load %arg2[%get3A_457, %get3A_458, %get3A_459, %get3A_460] : memref<2x2x368x256xbf16, #tpu.memory_space<vmem>>, vector<1x1x368x256xbf16>
    %get3A_462 = vector.shape_cast %get3A_461 : vector<1x1x368x256xbf16> to vector<368x256xbf16>
    %slice3A_463 = vector.extract_strided_slice %get3A_462 {offsets = [0, 128], sizes = [368, 32], strides = [1, 1]} : vector<368x256xbf16> to vector<368x32xbf16>
    %get3A_464 = arith.constant 0 : index
    %get3A_465 = arith.constant 0 : index
    %get3A_466 = arith.constant 0 : index
    %get3A_467 = vector.load %arg4[%get3A_464, %get3A_465, %get3A_466] : memref<2x32x128xbf16, #tpu.memory_space<vmem>>, vector<1x32x128xbf16>
    %get3A_468 = vector.shape_cast %get3A_467 : vector<1x32x128xbf16> to vector<32x128xbf16>
    %dot_general3A_469 = arith.constant dense<0.000000e+00> : vector<368x128xf32>
    %dot_general3A_470 = tpu.matmul %slice3A_463, %get3A_468, %dot_general3A_469 {dimension_numbers = #tpu.dot_dimension_numbers<[1], [0], [0], [1], [0, 0, 1, 1], [], []>, transpose_lhs_hint = false} : vector<368x32xbf16>, vector<32x128xbf16>, vector<368x128xf32> -> vector<368x128xf32>
    %add3A_471 = arith.addf %add3A_456, %dot_general3A_470 : vector<368x128xf32>
    %get3A_472 = arith.constant 1 : index
    %get3A_473 = arith.constant 0 : index
    %get3A_474 = arith.constant 0 : index
    %get3A_475 = arith.constant 0 : index
    %get3A_476 = vector.load %arg2[%get3A_472, %get3A_473, %get3A_474, %get3A_475] : memref<2x2x368x256xbf16, #tpu.memory_space<vmem>>, vector<1x1x368x256xbf16>
    %get3A_477 = vector.shape_cast %get3A_476 : vector<1x1x368x256xbf16> to vector<368x256xbf16>
    %slice3A_478 = vector.extract_strided_slice %get3A_477 {offsets = [0, 128], sizes = [368, 32], strides = [1, 1]} : vector<368x256xbf16> to vector<368x32xbf16>
    %get3A_479 = arith.constant 1 : index
    %get3A_480 = arith.constant 0 : index
    %get3A_481 = arith.constant 0 : index
    %get3A_482 = vector.load %arg4[%get3A_479, %get3A_480, %get3A_481] : memref<2x32x128xbf16, #tpu.memory_space<vmem>>, vector<1x32x128xbf16>
    %get3A_483 = vector.shape_cast %get3A_482 : vector<1x32x128xbf16> to vector<32x128xbf16>
    %dot_general3A_484 = arith.constant dense<0.000000e+00> : vector<368x128xf32>
    %dot_general3A_485 = tpu.matmul %slice3A_478, %get3A_483, %dot_general3A_484 {dimension_numbers = #tpu.dot_dimension_numbers<[1], [0], [0], [1], [0, 0, 1, 1], [], []>, transpose_lhs_hint = false} : vector<368x32xbf16>, vector<32x128xbf16>, vector<368x128xf32> -> vector<368x128xf32>
    %add3A_486 = arith.addf %add3A_471, %dot_general3A_485 : vector<368x128xf32>
    %get3A_487 = arith.constant 1 : index
    %get3A_488 = arith.constant 1 : index
    %get3A_489 = arith.constant 0 : index
    %get3A_490 = arith.constant 0 : index
    %get3A_491 = vector.load %arg2[%get3A_487, %get3A_488, %get3A_489, %get3A_490] : memref<2x2x368x256xbf16, #tpu.memory_space<vmem>>, vector<1x1x368x256xbf16>
    %get3A_492 = vector.shape_cast %get3A_491 : vector<1x1x368x256xbf16> to vector<368x256xbf16>
    %slice3A_493 = vector.extract_strided_slice %get3A_492 {offsets = [0, 128], sizes = [368, 32], strides = [1, 1]} : vector<368x256xbf16> to vector<368x32xbf16>
    %get3A_494 = arith.constant 1 : index
    %get3A_495 = arith.constant 0 : index
    %get3A_496 = arith.constant 0 : index
    %get3A_497 = vector.load %arg4[%get3A_494, %get3A_495, %get3A_496] : memref<2x32x128xbf16, #tpu.memory_space<vmem>>, vector<1x32x128xbf16>
    %get3A_498 = vector.shape_cast %get3A_497 : vector<1x32x128xbf16> to vector<32x128xbf16>
    %dot_general3A_499 = arith.constant dense<0.000000e+00> : vector<368x128xf32>
    %dot_general3A_500 = tpu.matmul %slice3A_493, %get3A_498, %dot_general3A_499 {dimension_numbers = #tpu.dot_dimension_numbers<[1], [0], [0], [1], [0, 0, 1, 1], [], []>, transpose_lhs_hint = false} : vector<368x32xbf16>, vector<32x128xbf16>, vector<368x128xf32> -> vector<368x128xf32>
    %add3A_501 = arith.addf %add3A_486, %dot_general3A_500 : vector<368x128xf32>
    %max3A_502 = arith.constant 0.000000e+00 : f32
    %max3A_503 = vector.broadcast %max3A_502 : f32 to vector<368x128xf32>
    %max3A_504 = arith.maximumf %add3A_501, %max3A_503 : vector<368x128xf32>
    %get3A_505 = arith.constant 0 : index
    %get3A_506 = arith.constant 0 : index
    %get3A_507 = vector.load %arg6[%get3A_505, %get3A_506] : memref<128x128xf32, #tpu.memory_space<vmem>>, vector<128x128xf32>
    %dot_general3A_508 = arith.constant dense<0.000000e+00> : vector<368x128xf32>
    %dot_general3A_509 = tpu.matmul %max3A_504, %get3A_507, %dot_general3A_508 {dimension_numbers = #tpu.dot_dimension_numbers<[1], [0], [0], [1], [0, 0, 1, 1], [], []>, transpose_lhs_hint = false} : vector<368x128xf32>, vector<128x128xf32>, vector<368x128xf32> -> vector<368x128xf32>
    %get3A_510 = arith.constant 0 : index
    %get3A_511 = arith.constant 0 : index
    %get3A_512 = vector.load %arg7[%get3A_510, %get3A_511] : memref<1x128xf32, #tpu.memory_space<vmem>>, vector<1x128xf32>
    %add3A_513 = vector.broadcast %get3A_512 : vector<1x128xf32> to vector<368x128xf32>
    %add3A_514 = arith.addf %dot_general3A_509, %add3A_513 : vector<368x128xf32>
    %max3A_515 = arith.constant 0.000000e+00 : f32
    %max3A_516 = vector.broadcast %max3A_515 : f32 to vector<368x128xf32>
    %max3A_517 = arith.maximumf %add3A_514, %max3A_516 : vector<368x128xf32>
    %get3A_518 = arith.constant 0 : index
    %get3A_519 = arith.constant 0 : index
    %get3A_520 = vector.load %arg8[%get3A_518, %get3A_519] : memref<128x8xf32, #tpu.memory_space<vmem>>, vector<128x8xf32>
    %dot_general3A_521 = arith.constant dense<0.000000e+00> : vector<368x8xf32>
    %dot_general3A_522 = tpu.matmul %max3A_517, %get3A_520, %dot_general3A_521 {dimension_numbers = #tpu.dot_dimension_numbers<[1], [0], [0], [1], [0, 0, 1, 1], [], []>, transpose_lhs_hint = false} : vector<368x128xf32>, vector<128x8xf32>, vector<368x8xf32> -> vector<368x8xf32>
    %get3A_523 = arith.constant 0 : index
    %get3A_524 = arith.constant 0 : index
    %get3A_525 = vector.load %arg9[%get3A_523, %get3A_524] : memref<1x8xf32, #tpu.memory_space<vmem>>, vector<1x8xf32>
    %add3A_526 = vector.broadcast %get3A_525 : vector<1x8xf32> to vector<368x8xf32>
    %add3A_527 = arith.addf %dot_general3A_522, %add3A_526 : vector<368x8xf32>
    %slice3A_528 = vector.extract_strided_slice %get3A_431 {offsets = [0, 3], sizes = [368, 3], strides = [1, 1]} : vector<368x16xf32> to vector<368x3xf32>
    %slice3A_529 = vector.extract_strided_slice %add3A_527 {offsets = [0, 0], sizes = [368, 3], strides = [1, 1]} : vector<368x8xf32> to vector<368x3xf32>
    %add3A_530 = arith.addf %slice3A_528, %slice3A_529 : vector<368x3xf32>
    %slice3A_531 = vector.extract_strided_slice %get3A_431 {offsets = [0, 0], sizes = [368, 3], strides = [1, 1]} : vector<368x16xf32> to vector<368x3xf32>
    %mul3A_532 = arith.constant 0.00999999977 : f32
    %mul3A_533 = vector.broadcast %mul3A_532 : f32 to vector<368x3xf32>
    %mul3A_534 = arith.mulf %add3A_530, %mul3A_533 : vector<368x3xf32>
    %add3A_535 = arith.addf %slice3A_531, %mul3A_534 : vector<368x3xf32>
    %slice3A_536 = vector.extract_strided_slice %add3A_527 {offsets = [0, 3], sizes = [368, 2], strides = [1, 1]} : vector<368x8xf32> to vector<368x2xf32>
    %concatenate3A_537 = tpu.concatenate %add3A_535, %add3A_530, %slice3A_536 in 1 : vector<368x3xf32>, vector<368x3xf32>, vector<368x2xf32> -> vector<368x8xf32>
    %get3A_538 = arith.constant 0 : index
    %get3A_539 = arith.constant 80 : index
    %get3A_540 = vector.load %arg1[%get3A_538, %get3A_539] : memref<368x128xf32, #tpu.memory_space<vmem>>, vector<368x16xf32>
    %get3A_541 = arith.constant 0 : index
    %get3A_542 = arith.constant 0 : index
    %get3A_543 = vector.load %arg3[%get3A_541, %get3A_542] : memref<16x128xf32, #tpu.memory_space<vmem>>, vector<16x128xf32>
    %dot_general3A_544 = arith.constant dense<0.000000e+00> : vector<368x128xf32>
    %dot_general3A_545 = tpu.matmul %get3A_540, %get3A_543, %dot_general3A_544 {dimension_numbers = #tpu.dot_dimension_numbers<[1], [0], [0], [1], [0, 0, 1, 1], [], []>, transpose_lhs_hint = false} : vector<368x16xf32>, vector<16x128xf32>, vector<368x128xf32> -> vector<368x128xf32>
    %get3A_546 = arith.constant 0 : index
    %get3A_547 = arith.constant 0 : index
    %get3A_548 = vector.load %arg5[%get3A_546, %get3A_547] : memref<1x128xf32, #tpu.memory_space<vmem>>, vector<1x128xf32>
    %add3A_549 = vector.broadcast %get3A_548 : vector<1x128xf32> to vector<368x128xf32>
    %add3A_550 = arith.addf %dot_general3A_545, %add3A_549 : vector<368x128xf32>
    %get3A_551 = arith.constant 0 : index
    %get3A_552 = arith.constant 0 : index
    %get3A_553 = arith.constant 0 : index
    %get3A_554 = arith.constant 0 : index
    %get3A_555 = vector.load %arg2[%get3A_551, %get3A_552, %get3A_553, %get3A_554] : memref<2x2x368x256xbf16, #tpu.memory_space<vmem>>, vector<1x1x368x256xbf16>
    %get3A_556 = vector.shape_cast %get3A_555 : vector<1x1x368x256xbf16> to vector<368x256xbf16>
    %slice3A_557 = vector.extract_strided_slice %get3A_556 {offsets = [0, 160], sizes = [368, 32], strides = [1, 1]} : vector<368x256xbf16> to vector<368x32xbf16>
    %get3A_558 = arith.constant 0 : index
    %get3A_559 = arith.constant 0 : index
    %get3A_560 = arith.constant 0 : index
    %get3A_561 = vector.load %arg4[%get3A_558, %get3A_559, %get3A_560] : memref<2x32x128xbf16, #tpu.memory_space<vmem>>, vector<1x32x128xbf16>
    %get3A_562 = vector.shape_cast %get3A_561 : vector<1x32x128xbf16> to vector<32x128xbf16>
    %dot_general3A_563 = arith.constant dense<0.000000e+00> : vector<368x128xf32>
    %dot_general3A_564 = tpu.matmul %slice3A_557, %get3A_562, %dot_general3A_563 {dimension_numbers = #tpu.dot_dimension_numbers<[1], [0], [0], [1], [0, 0, 1, 1], [], []>, transpose_lhs_hint = false} : vector<368x32xbf16>, vector<32x128xbf16>, vector<368x128xf32> -> vector<368x128xf32>
    %add3A_565 = arith.addf %add3A_550, %dot_general3A_564 : vector<368x128xf32>
    %get3A_566 = arith.constant 0 : index
    %get3A_567 = arith.constant 1 : index
    %get3A_568 = arith.constant 0 : index
    %get3A_569 = arith.constant 0 : index
    %get3A_570 = vector.load %arg2[%get3A_566, %get3A_567, %get3A_568, %get3A_569] : memref<2x2x368x256xbf16, #tpu.memory_space<vmem>>, vector<1x1x368x256xbf16>
    %get3A_571 = vector.shape_cast %get3A_570 : vector<1x1x368x256xbf16> to vector<368x256xbf16>
    %slice3A_572 = vector.extract_strided_slice %get3A_571 {offsets = [0, 160], sizes = [368, 32], strides = [1, 1]} : vector<368x256xbf16> to vector<368x32xbf16>
    %get3A_573 = arith.constant 0 : index
    %get3A_574 = arith.constant 0 : index
    %get3A_575 = arith.constant 0 : index
    %get3A_576 = vector.load %arg4[%get3A_573, %get3A_574, %get3A_575] : memref<2x32x128xbf16, #tpu.memory_space<vmem>>, vector<1x32x128xbf16>
    %get3A_577 = vector.shape_cast %get3A_576 : vector<1x32x128xbf16> to vector<32x128xbf16>
    %dot_general3A_578 = arith.constant dense<0.000000e+00> : vector<368x128xf32>
    %dot_general3A_579 = tpu.matmul %slice3A_572, %get3A_577, %dot_general3A_578 {dimension_numbers = #tpu.dot_dimension_numbers<[1], [0], [0], [1], [0, 0, 1, 1], [], []>, transpose_lhs_hint = false} : vector<368x32xbf16>, vector<32x128xbf16>, vector<368x128xf32> -> vector<368x128xf32>
    %add3A_580 = arith.addf %add3A_565, %dot_general3A_579 : vector<368x128xf32>
    %get3A_581 = arith.constant 1 : index
    %get3A_582 = arith.constant 0 : index
    %get3A_583 = arith.constant 0 : index
    %get3A_584 = arith.constant 0 : index
    %get3A_585 = vector.load %arg2[%get3A_581, %get3A_582, %get3A_583, %get3A_584] : memref<2x2x368x256xbf16, #tpu.memory_space<vmem>>, vector<1x1x368x256xbf16>
    %get3A_586 = vector.shape_cast %get3A_585 : vector<1x1x368x256xbf16> to vector<368x256xbf16>
    %slice3A_587 = vector.extract_strided_slice %get3A_586 {offsets = [0, 160], sizes = [368, 32], strides = [1, 1]} : vector<368x256xbf16> to vector<368x32xbf16>
    %get3A_588 = arith.constant 1 : index
    %get3A_589 = arith.constant 0 : index
    %get3A_590 = arith.constant 0 : index
    %get3A_591 = vector.load %arg4[%get3A_588, %get3A_589, %get3A_590] : memref<2x32x128xbf16, #tpu.memory_space<vmem>>, vector<1x32x128xbf16>
    %get3A_592 = vector.shape_cast %get3A_591 : vector<1x32x128xbf16> to vector<32x128xbf16>
    %dot_general3A_593 = arith.constant dense<0.000000e+00> : vector<368x128xf32>
    %dot_general3A_594 = tpu.matmul %slice3A_587, %get3A_592, %dot_general3A_593 {dimension_numbers = #tpu.dot_dimension_numbers<[1], [0], [0], [1], [0, 0, 1, 1], [], []>, transpose_lhs_hint = false} : vector<368x32xbf16>, vector<32x128xbf16>, vector<368x128xf32> -> vector<368x128xf32>
    %add3A_595 = arith.addf %add3A_580, %dot_general3A_594 : vector<368x128xf32>
    %get3A_596 = arith.constant 1 : index
    %get3A_597 = arith.constant 1 : index
    %get3A_598 = arith.constant 0 : index
    %get3A_599 = arith.constant 0 : index
    %get3A_600 = vector.load %arg2[%get3A_596, %get3A_597, %get3A_598, %get3A_599] : memref<2x2x368x256xbf16, #tpu.memory_space<vmem>>, vector<1x1x368x256xbf16>
    %get3A_601 = vector.shape_cast %get3A_600 : vector<1x1x368x256xbf16> to vector<368x256xbf16>
    %slice3A_602 = vector.extract_strided_slice %get3A_601 {offsets = [0, 160], sizes = [368, 32], strides = [1, 1]} : vector<368x256xbf16> to vector<368x32xbf16>
    %get3A_603 = arith.constant 1 : index
    %get3A_604 = arith.constant 0 : index
    %get3A_605 = arith.constant 0 : index
    %get3A_606 = vector.load %arg4[%get3A_603, %get3A_604, %get3A_605] : memref<2x32x128xbf16, #tpu.memory_space<vmem>>, vector<1x32x128xbf16>
    %get3A_607 = vector.shape_cast %get3A_606 : vector<1x32x128xbf16> to vector<32x128xbf16>
    %dot_general3A_608 = arith.constant dense<0.000000e+00> : vector<368x128xf32>
    %dot_general3A_609 = tpu.matmul %slice3A_602, %get3A_607, %dot_general3A_608 {dimension_numbers = #tpu.dot_dimension_numbers<[1], [0], [0], [1], [0, 0, 1, 1], [], []>, transpose_lhs_hint = false} : vector<368x32xbf16>, vector<32x128xbf16>, vector<368x128xf32> -> vector<368x128xf32>
    %add3A_610 = arith.addf %add3A_595, %dot_general3A_609 : vector<368x128xf32>
    %max3A_611 = arith.constant 0.000000e+00 : f32
    %max3A_612 = vector.broadcast %max3A_611 : f32 to vector<368x128xf32>
    %max3A_613 = arith.maximumf %add3A_610, %max3A_612 : vector<368x128xf32>
    %get3A_614 = arith.constant 0 : index
    %get3A_615 = arith.constant 0 : index
    %get3A_616 = vector.load %arg6[%get3A_614, %get3A_615] : memref<128x128xf32, #tpu.memory_space<vmem>>, vector<128x128xf32>
    %dot_general3A_617 = arith.constant dense<0.000000e+00> : vector<368x128xf32>
    %dot_general3A_618 = tpu.matmul %max3A_613, %get3A_616, %dot_general3A_617 {dimension_numbers = #tpu.dot_dimension_numbers<[1], [0], [0], [1], [0, 0, 1, 1], [], []>, transpose_lhs_hint = false} : vector<368x128xf32>, vector<128x128xf32>, vector<368x128xf32> -> vector<368x128xf32>
    %get3A_619 = arith.constant 0 : index
    %get3A_620 = arith.constant 0 : index
    %get3A_621 = vector.load %arg7[%get3A_619, %get3A_620] : memref<1x128xf32, #tpu.memory_space<vmem>>, vector<1x128xf32>
    %add3A_622 = vector.broadcast %get3A_621 : vector<1x128xf32> to vector<368x128xf32>
    %add3A_623 = arith.addf %dot_general3A_618, %add3A_622 : vector<368x128xf32>
    %max3A_624 = arith.constant 0.000000e+00 : f32
    %max3A_625 = vector.broadcast %max3A_624 : f32 to vector<368x128xf32>
    %max3A_626 = arith.maximumf %add3A_623, %max3A_625 : vector<368x128xf32>
    %get3A_627 = arith.constant 0 : index
    %get3A_628 = arith.constant 0 : index
    %get3A_629 = vector.load %arg8[%get3A_627, %get3A_628] : memref<128x8xf32, #tpu.memory_space<vmem>>, vector<128x8xf32>
    %dot_general3A_630 = arith.constant dense<0.000000e+00> : vector<368x8xf32>
    %dot_general3A_631 = tpu.matmul %max3A_626, %get3A_629, %dot_general3A_630 {dimension_numbers = #tpu.dot_dimension_numbers<[1], [0], [0], [1], [0, 0, 1, 1], [], []>, transpose_lhs_hint = false} : vector<368x128xf32>, vector<128x8xf32>, vector<368x8xf32> -> vector<368x8xf32>
    %get3A_632 = arith.constant 0 : index
    %get3A_633 = arith.constant 0 : index
    %get3A_634 = vector.load %arg9[%get3A_632, %get3A_633] : memref<1x8xf32, #tpu.memory_space<vmem>>, vector<1x8xf32>
    %add3A_635 = vector.broadcast %get3A_634 : vector<1x8xf32> to vector<368x8xf32>
    %add3A_636 = arith.addf %dot_general3A_631, %add3A_635 : vector<368x8xf32>
    %slice3A_637 = vector.extract_strided_slice %get3A_540 {offsets = [0, 3], sizes = [368, 3], strides = [1, 1]} : vector<368x16xf32> to vector<368x3xf32>
    %slice3A_638 = vector.extract_strided_slice %add3A_636 {offsets = [0, 0], sizes = [368, 3], strides = [1, 1]} : vector<368x8xf32> to vector<368x3xf32>
    %add3A_639 = arith.addf %slice3A_637, %slice3A_638 : vector<368x3xf32>
    %slice3A_640 = vector.extract_strided_slice %get3A_540 {offsets = [0, 0], sizes = [368, 3], strides = [1, 1]} : vector<368x16xf32> to vector<368x3xf32>
    %mul3A_641 = arith.constant 0.00999999977 : f32
    %mul3A_642 = vector.broadcast %mul3A_641 : f32 to vector<368x3xf32>
    %mul3A_643 = arith.mulf %add3A_639, %mul3A_642 : vector<368x3xf32>
    %add3A_644 = arith.addf %slice3A_640, %mul3A_643 : vector<368x3xf32>
    %slice3A_645 = vector.extract_strided_slice %add3A_636 {offsets = [0, 3], sizes = [368, 2], strides = [1, 1]} : vector<368x8xf32> to vector<368x2xf32>
    %concatenate3A_646 = tpu.concatenate %add3A_644, %add3A_639, %slice3A_645 in 1 : vector<368x3xf32>, vector<368x3xf32>, vector<368x2xf32> -> vector<368x8xf32>
    %get3A_647 = arith.constant 0 : index
    %get3A_648 = arith.constant 96 : index
    %get3A_649 = vector.load %arg1[%get3A_647, %get3A_648] : memref<368x128xf32, #tpu.memory_space<vmem>>, vector<368x16xf32>
    %get3A_650 = arith.constant 0 : index
    %get3A_651 = arith.constant 0 : index
    %get3A_652 = vector.load %arg3[%get3A_650, %get3A_651] : memref<16x128xf32, #tpu.memory_space<vmem>>, vector<16x128xf32>
    %dot_general3A_653 = arith.constant dense<0.000000e+00> : vector<368x128xf32>
    %dot_general3A_654 = tpu.matmul %get3A_649, %get3A_652, %dot_general3A_653 {dimension_numbers = #tpu.dot_dimension_numbers<[1], [0], [0], [1], [0, 0, 1, 1], [], []>, transpose_lhs_hint = false} : vector<368x16xf32>, vector<16x128xf32>, vector<368x128xf32> -> vector<368x128xf32>
    %get3A_655 = arith.constant 0 : index
    %get3A_656 = arith.constant 0 : index
    %get3A_657 = vector.load %arg5[%get3A_655, %get3A_656] : memref<1x128xf32, #tpu.memory_space<vmem>>, vector<1x128xf32>
    %add3A_658 = vector.broadcast %get3A_657 : vector<1x128xf32> to vector<368x128xf32>
    %add3A_659 = arith.addf %dot_general3A_654, %add3A_658 : vector<368x128xf32>
    %get3A_660 = arith.constant 0 : index
    %get3A_661 = arith.constant 0 : index
    %get3A_662 = arith.constant 0 : index
    %get3A_663 = arith.constant 0 : index
    %get3A_664 = vector.load %arg2[%get3A_660, %get3A_661, %get3A_662, %get3A_663] : memref<2x2x368x256xbf16, #tpu.memory_space<vmem>>, vector<1x1x368x256xbf16>
    %get3A_665 = vector.shape_cast %get3A_664 : vector<1x1x368x256xbf16> to vector<368x256xbf16>
    %slice3A_666 = vector.extract_strided_slice %get3A_665 {offsets = [0, 192], sizes = [368, 32], strides = [1, 1]} : vector<368x256xbf16> to vector<368x32xbf16>
    %get3A_667 = arith.constant 0 : index
    %get3A_668 = arith.constant 0 : index
    %get3A_669 = arith.constant 0 : index
    %get3A_670 = vector.load %arg4[%get3A_667, %get3A_668, %get3A_669] : memref<2x32x128xbf16, #tpu.memory_space<vmem>>, vector<1x32x128xbf16>
    %get3A_671 = vector.shape_cast %get3A_670 : vector<1x32x128xbf16> to vector<32x128xbf16>
    %dot_general3A_672 = arith.constant dense<0.000000e+00> : vector<368x128xf32>
    %dot_general3A_673 = tpu.matmul %slice3A_666, %get3A_671, %dot_general3A_672 {dimension_numbers = #tpu.dot_dimension_numbers<[1], [0], [0], [1], [0, 0, 1, 1], [], []>, transpose_lhs_hint = false} : vector<368x32xbf16>, vector<32x128xbf16>, vector<368x128xf32> -> vector<368x128xf32>
    %add3A_674 = arith.addf %add3A_659, %dot_general3A_673 : vector<368x128xf32>
    %get3A_675 = arith.constant 0 : index
    %get3A_676 = arith.constant 1 : index
    %get3A_677 = arith.constant 0 : index
    %get3A_678 = arith.constant 0 : index
    %get3A_679 = vector.load %arg2[%get3A_675, %get3A_676, %get3A_677, %get3A_678] : memref<2x2x368x256xbf16, #tpu.memory_space<vmem>>, vector<1x1x368x256xbf16>
    %get3A_680 = vector.shape_cast %get3A_679 : vector<1x1x368x256xbf16> to vector<368x256xbf16>
    %slice3A_681 = vector.extract_strided_slice %get3A_680 {offsets = [0, 192], sizes = [368, 32], strides = [1, 1]} : vector<368x256xbf16> to vector<368x32xbf16>
    %get3A_682 = arith.constant 0 : index
    %get3A_683 = arith.constant 0 : index
    %get3A_684 = arith.constant 0 : index
    %get3A_685 = vector.load %arg4[%get3A_682, %get3A_683, %get3A_684] : memref<2x32x128xbf16, #tpu.memory_space<vmem>>, vector<1x32x128xbf16>
    %get3A_686 = vector.shape_cast %get3A_685 : vector<1x32x128xbf16> to vector<32x128xbf16>
    %dot_general3A_687 = arith.constant dense<0.000000e+00> : vector<368x128xf32>
    %dot_general3A_688 = tpu.matmul %slice3A_681, %get3A_686, %dot_general3A_687 {dimension_numbers = #tpu.dot_dimension_numbers<[1], [0], [0], [1], [0, 0, 1, 1], [], []>, transpose_lhs_hint = false} : vector<368x32xbf16>, vector<32x128xbf16>, vector<368x128xf32> -> vector<368x128xf32>
    %add3A_689 = arith.addf %add3A_674, %dot_general3A_688 : vector<368x128xf32>
    %get3A_690 = arith.constant 1 : index
    %get3A_691 = arith.constant 0 : index
    %get3A_692 = arith.constant 0 : index
    %get3A_693 = arith.constant 0 : index
    %get3A_694 = vector.load %arg2[%get3A_690, %get3A_691, %get3A_692, %get3A_693] : memref<2x2x368x256xbf16, #tpu.memory_space<vmem>>, vector<1x1x368x256xbf16>
    %get3A_695 = vector.shape_cast %get3A_694 : vector<1x1x368x256xbf16> to vector<368x256xbf16>
    %slice3A_696 = vector.extract_strided_slice %get3A_695 {offsets = [0, 192], sizes = [368, 32], strides = [1, 1]} : vector<368x256xbf16> to vector<368x32xbf16>
    %get3A_697 = arith.constant 1 : index
    %get3A_698 = arith.constant 0 : index
    %get3A_699 = arith.constant 0 : index
    %get3A_700 = vector.load %arg4[%get3A_697, %get3A_698, %get3A_699] : memref<2x32x128xbf16, #tpu.memory_space<vmem>>, vector<1x32x128xbf16>
    %get3A_701 = vector.shape_cast %get3A_700 : vector<1x32x128xbf16> to vector<32x128xbf16>
    %dot_general3A_702 = arith.constant dense<0.000000e+00> : vector<368x128xf32>
    %dot_general3A_703 = tpu.matmul %slice3A_696, %get3A_701, %dot_general3A_702 {dimension_numbers = #tpu.dot_dimension_numbers<[1], [0], [0], [1], [0, 0, 1, 1], [], []>, transpose_lhs_hint = false} : vector<368x32xbf16>, vector<32x128xbf16>, vector<368x128xf32> -> vector<368x128xf32>
    %add3A_704 = arith.addf %add3A_689, %dot_general3A_703 : vector<368x128xf32>
    %get3A_705 = arith.constant 1 : index
    %get3A_706 = arith.constant 1 : index
    %get3A_707 = arith.constant 0 : index
    %get3A_708 = arith.constant 0 : index
    %get3A_709 = vector.load %arg2[%get3A_705, %get3A_706, %get3A_707, %get3A_708] : memref<2x2x368x256xbf16, #tpu.memory_space<vmem>>, vector<1x1x368x256xbf16>
    %get3A_710 = vector.shape_cast %get3A_709 : vector<1x1x368x256xbf16> to vector<368x256xbf16>
    %slice3A_711 = vector.extract_strided_slice %get3A_710 {offsets = [0, 192], sizes = [368, 32], strides = [1, 1]} : vector<368x256xbf16> to vector<368x32xbf16>
    %get3A_712 = arith.constant 1 : index
    %get3A_713 = arith.constant 0 : index
    %get3A_714 = arith.constant 0 : index
    %get3A_715 = vector.load %arg4[%get3A_712, %get3A_713, %get3A_714] : memref<2x32x128xbf16, #tpu.memory_space<vmem>>, vector<1x32x128xbf16>
    %get3A_716 = vector.shape_cast %get3A_715 : vector<1x32x128xbf16> to vector<32x128xbf16>
    %dot_general3A_717 = arith.constant dense<0.000000e+00> : vector<368x128xf32>
    %dot_general3A_718 = tpu.matmul %slice3A_711, %get3A_716, %dot_general3A_717 {dimension_numbers = #tpu.dot_dimension_numbers<[1], [0], [0], [1], [0, 0, 1, 1], [], []>, transpose_lhs_hint = false} : vector<368x32xbf16>, vector<32x128xbf16>, vector<368x128xf32> -> vector<368x128xf32>
    %add3A_719 = arith.addf %add3A_704, %dot_general3A_718 : vector<368x128xf32>
    %max3A_720 = arith.constant 0.000000e+00 : f32
    %max3A_721 = vector.broadcast %max3A_720 : f32 to vector<368x128xf32>
    %max3A_722 = arith.maximumf %add3A_719, %max3A_721 : vector<368x128xf32>
    %get3A_723 = arith.constant 0 : index
    %get3A_724 = arith.constant 0 : index
    %get3A_725 = vector.load %arg6[%get3A_723, %get3A_724] : memref<128x128xf32, #tpu.memory_space<vmem>>, vector<128x128xf32>
    %dot_general3A_726 = arith.constant dense<0.000000e+00> : vector<368x128xf32>
    %dot_general3A_727 = tpu.matmul %max3A_722, %get3A_725, %dot_general3A_726 {dimension_numbers = #tpu.dot_dimension_numbers<[1], [0], [0], [1], [0, 0, 1, 1], [], []>, transpose_lhs_hint = false} : vector<368x128xf32>, vector<128x128xf32>, vector<368x128xf32> -> vector<368x128xf32>
    %get3A_728 = arith.constant 0 : index
    %get3A_729 = arith.constant 0 : index
    %get3A_730 = vector.load %arg7[%get3A_728, %get3A_729] : memref<1x128xf32, #tpu.memory_space<vmem>>, vector<1x128xf32>
    %add3A_731 = vector.broadcast %get3A_730 : vector<1x128xf32> to vector<368x128xf32>
    %add3A_732 = arith.addf %dot_general3A_727, %add3A_731 : vector<368x128xf32>
    %max3A_733 = arith.constant 0.000000e+00 : f32
    %max3A_734 = vector.broadcast %max3A_733 : f32 to vector<368x128xf32>
    %max3A_735 = arith.maximumf %add3A_732, %max3A_734 : vector<368x128xf32>
    %get3A_736 = arith.constant 0 : index
    %get3A_737 = arith.constant 0 : index
    %get3A_738 = vector.load %arg8[%get3A_736, %get3A_737] : memref<128x8xf32, #tpu.memory_space<vmem>>, vector<128x8xf32>
    %dot_general3A_739 = arith.constant dense<0.000000e+00> : vector<368x8xf32>
    %dot_general3A_740 = tpu.matmul %max3A_735, %get3A_738, %dot_general3A_739 {dimension_numbers = #tpu.dot_dimension_numbers<[1], [0], [0], [1], [0, 0, 1, 1], [], []>, transpose_lhs_hint = false} : vector<368x128xf32>, vector<128x8xf32>, vector<368x8xf32> -> vector<368x8xf32>
    %get3A_741 = arith.constant 0 : index
    %get3A_742 = arith.constant 0 : index
    %get3A_743 = vector.load %arg9[%get3A_741, %get3A_742] : memref<1x8xf32, #tpu.memory_space<vmem>>, vector<1x8xf32>
    %add3A_744 = vector.broadcast %get3A_743 : vector<1x8xf32> to vector<368x8xf32>
    %add3A_745 = arith.addf %dot_general3A_740, %add3A_744 : vector<368x8xf32>
    %slice3A_746 = vector.extract_strided_slice %get3A_649 {offsets = [0, 3], sizes = [368, 3], strides = [1, 1]} : vector<368x16xf32> to vector<368x3xf32>
    %slice3A_747 = vector.extract_strided_slice %add3A_745 {offsets = [0, 0], sizes = [368, 3], strides = [1, 1]} : vector<368x8xf32> to vector<368x3xf32>
    %add3A_748 = arith.addf %slice3A_746, %slice3A_747 : vector<368x3xf32>
    %slice3A_749 = vector.extract_strided_slice %get3A_649 {offsets = [0, 0], sizes = [368, 3], strides = [1, 1]} : vector<368x16xf32> to vector<368x3xf32>
    %mul3A_750 = arith.constant 0.00999999977 : f32
    %mul3A_751 = vector.broadcast %mul3A_750 : f32 to vector<368x3xf32>
    %mul3A_752 = arith.mulf %add3A_748, %mul3A_751 : vector<368x3xf32>
    %add3A_753 = arith.addf %slice3A_749, %mul3A_752 : vector<368x3xf32>
    %slice3A_754 = vector.extract_strided_slice %add3A_745 {offsets = [0, 3], sizes = [368, 2], strides = [1, 1]} : vector<368x8xf32> to vector<368x2xf32>
    %concatenate3A_755 = tpu.concatenate %add3A_753, %add3A_748, %slice3A_754 in 1 : vector<368x3xf32>, vector<368x3xf32>, vector<368x2xf32> -> vector<368x8xf32>
    %get3A_756 = arith.constant 0 : index
    %get3A_757 = arith.constant 112 : index
    %get3A_758 = vector.load %arg1[%get3A_756, %get3A_757] : memref<368x128xf32, #tpu.memory_space<vmem>>, vector<368x16xf32>
    %get3A_759 = arith.constant 0 : index
    %get3A_760 = arith.constant 0 : index
    %get3A_761 = vector.load %arg3[%get3A_759, %get3A_760] : memref<16x128xf32, #tpu.memory_space<vmem>>, vector<16x128xf32>
    %dot_general3A_762 = arith.constant dense<0.000000e+00> : vector<368x128xf32>
    %dot_general3A_763 = tpu.matmul %get3A_758, %get3A_761, %dot_general3A_762 {dimension_numbers = #tpu.dot_dimension_numbers<[1], [0], [0], [1], [0, 0, 1, 1], [], []>, transpose_lhs_hint = false} : vector<368x16xf32>, vector<16x128xf32>, vector<368x128xf32> -> vector<368x128xf32>
    %get3A_764 = arith.constant 0 : index
    %get3A_765 = arith.constant 0 : index
    %get3A_766 = vector.load %arg5[%get3A_764, %get3A_765] : memref<1x128xf32, #tpu.memory_space<vmem>>, vector<1x128xf32>
    %add3A_767 = vector.broadcast %get3A_766 : vector<1x128xf32> to vector<368x128xf32>
    %add3A_768 = arith.addf %dot_general3A_763, %add3A_767 : vector<368x128xf32>
    %get3A_769 = arith.constant 0 : index
    %get3A_770 = arith.constant 0 : index
    %get3A_771 = arith.constant 0 : index
    %get3A_772 = arith.constant 0 : index
    %get3A_773 = vector.load %arg2[%get3A_769, %get3A_770, %get3A_771, %get3A_772] : memref<2x2x368x256xbf16, #tpu.memory_space<vmem>>, vector<1x1x368x256xbf16>
    %get3A_774 = vector.shape_cast %get3A_773 : vector<1x1x368x256xbf16> to vector<368x256xbf16>
    %slice3A_775 = vector.extract_strided_slice %get3A_774 {offsets = [0, 224], sizes = [368, 32], strides = [1, 1]} : vector<368x256xbf16> to vector<368x32xbf16>
    %get3A_776 = arith.constant 0 : index
    %get3A_777 = arith.constant 0 : index
    %get3A_778 = arith.constant 0 : index
    %get3A_779 = vector.load %arg4[%get3A_776, %get3A_777, %get3A_778] : memref<2x32x128xbf16, #tpu.memory_space<vmem>>, vector<1x32x128xbf16>
    %get3A_780 = vector.shape_cast %get3A_779 : vector<1x32x128xbf16> to vector<32x128xbf16>
    %dot_general3A_781 = arith.constant dense<0.000000e+00> : vector<368x128xf32>
    %dot_general3A_782 = tpu.matmul %slice3A_775, %get3A_780, %dot_general3A_781 {dimension_numbers = #tpu.dot_dimension_numbers<[1], [0], [0], [1], [0, 0, 1, 1], [], []>, transpose_lhs_hint = false} : vector<368x32xbf16>, vector<32x128xbf16>, vector<368x128xf32> -> vector<368x128xf32>
    %add3A_783 = arith.addf %add3A_768, %dot_general3A_782 : vector<368x128xf32>
    %get3A_784 = arith.constant 0 : index
    %get3A_785 = arith.constant 1 : index
    %get3A_786 = arith.constant 0 : index
    %get3A_787 = arith.constant 0 : index
    %get3A_788 = vector.load %arg2[%get3A_784, %get3A_785, %get3A_786, %get3A_787] : memref<2x2x368x256xbf16, #tpu.memory_space<vmem>>, vector<1x1x368x256xbf16>
    %get3A_789 = vector.shape_cast %get3A_788 : vector<1x1x368x256xbf16> to vector<368x256xbf16>
    %slice3A_790 = vector.extract_strided_slice %get3A_789 {offsets = [0, 224], sizes = [368, 32], strides = [1, 1]} : vector<368x256xbf16> to vector<368x32xbf16>
    %get3A_791 = arith.constant 0 : index
    %get3A_792 = arith.constant 0 : index
    %get3A_793 = arith.constant 0 : index
    %get3A_794 = vector.load %arg4[%get3A_791, %get3A_792, %get3A_793] : memref<2x32x128xbf16, #tpu.memory_space<vmem>>, vector<1x32x128xbf16>
    %get3A_795 = vector.shape_cast %get3A_794 : vector<1x32x128xbf16> to vector<32x128xbf16>
    %dot_general3A_796 = arith.constant dense<0.000000e+00> : vector<368x128xf32>
    %dot_general3A_797 = tpu.matmul %slice3A_790, %get3A_795, %dot_general3A_796 {dimension_numbers = #tpu.dot_dimension_numbers<[1], [0], [0], [1], [0, 0, 1, 1], [], []>, transpose_lhs_hint = false} : vector<368x32xbf16>, vector<32x128xbf16>, vector<368x128xf32> -> vector<368x128xf32>
    %add3A_798 = arith.addf %add3A_783, %dot_general3A_797 : vector<368x128xf32>
    %get3A_799 = arith.constant 1 : index
    %get3A_800 = arith.constant 0 : index
    %get3A_801 = arith.constant 0 : index
    %get3A_802 = arith.constant 0 : index
    %get3A_803 = vector.load %arg2[%get3A_799, %get3A_800, %get3A_801, %get3A_802] : memref<2x2x368x256xbf16, #tpu.memory_space<vmem>>, vector<1x1x368x256xbf16>
    %get3A_804 = vector.shape_cast %get3A_803 : vector<1x1x368x256xbf16> to vector<368x256xbf16>
    %slice3A_805 = vector.extract_strided_slice %get3A_804 {offsets = [0, 224], sizes = [368, 32], strides = [1, 1]} : vector<368x256xbf16> to vector<368x32xbf16>
    %get3A_806 = arith.constant 1 : index
    %get3A_807 = arith.constant 0 : index
    %get3A_808 = arith.constant 0 : index
    %get3A_809 = vector.load %arg4[%get3A_806, %get3A_807, %get3A_808] : memref<2x32x128xbf16, #tpu.memory_space<vmem>>, vector<1x32x128xbf16>
    %get3A_810 = vector.shape_cast %get3A_809 : vector<1x32x128xbf16> to vector<32x128xbf16>
    %dot_general3A_811 = arith.constant dense<0.000000e+00> : vector<368x128xf32>
    %dot_general3A_812 = tpu.matmul %slice3A_805, %get3A_810, %dot_general3A_811 {dimension_numbers = #tpu.dot_dimension_numbers<[1], [0], [0], [1], [0, 0, 1, 1], [], []>, transpose_lhs_hint = false} : vector<368x32xbf16>, vector<32x128xbf16>, vector<368x128xf32> -> vector<368x128xf32>
    %add3A_813 = arith.addf %add3A_798, %dot_general3A_812 : vector<368x128xf32>
    %get3A_814 = arith.constant 1 : index
    %get3A_815 = arith.constant 1 : index
    %get3A_816 = arith.constant 0 : index
    %get3A_817 = arith.constant 0 : index
    %get3A_818 = vector.load %arg2[%get3A_814, %get3A_815, %get3A_816, %get3A_817] : memref<2x2x368x256xbf16, #tpu.memory_space<vmem>>, vector<1x1x368x256xbf16>
    %get3A_819 = vector.shape_cast %get3A_818 : vector<1x1x368x256xbf16> to vector<368x256xbf16>
    %slice3A_820 = vector.extract_strided_slice %get3A_819 {offsets = [0, 224], sizes = [368, 32], strides = [1, 1]} : vector<368x256xbf16> to vector<368x32xbf16>
    %get3A_821 = arith.constant 1 : index
    %get3A_822 = arith.constant 0 : index
    %get3A_823 = arith.constant 0 : index
    %get3A_824 = vector.load %arg4[%get3A_821, %get3A_822, %get3A_823] : memref<2x32x128xbf16, #tpu.memory_space<vmem>>, vector<1x32x128xbf16>
    %get3A_825 = vector.shape_cast %get3A_824 : vector<1x32x128xbf16> to vector<32x128xbf16>
    %dot_general3A_826 = arith.constant dense<0.000000e+00> : vector<368x128xf32>
    %dot_general3A_827 = tpu.matmul %slice3A_820, %get3A_825, %dot_general3A_826 {dimension_numbers = #tpu.dot_dimension_numbers<[1], [0], [0], [1], [0, 0, 1, 1], [], []>, transpose_lhs_hint = false} : vector<368x32xbf16>, vector<32x128xbf16>, vector<368x128xf32> -> vector<368x128xf32>
    %add3A_828 = arith.addf %add3A_813, %dot_general3A_827 : vector<368x128xf32>
    %max3A_829 = arith.constant 0.000000e+00 : f32
    %max3A_830 = vector.broadcast %max3A_829 : f32 to vector<368x128xf32>
    %max3A_831 = arith.maximumf %add3A_828, %max3A_830 : vector<368x128xf32>
    %get3A_832 = arith.constant 0 : index
    %get3A_833 = arith.constant 0 : index
    %get3A_834 = vector.load %arg6[%get3A_832, %get3A_833] : memref<128x128xf32, #tpu.memory_space<vmem>>, vector<128x128xf32>
    %dot_general3A_835 = arith.constant dense<0.000000e+00> : vector<368x128xf32>
    %dot_general3A_836 = tpu.matmul %max3A_831, %get3A_834, %dot_general3A_835 {dimension_numbers = #tpu.dot_dimension_numbers<[1], [0], [0], [1], [0, 0, 1, 1], [], []>, transpose_lhs_hint = false} : vector<368x128xf32>, vector<128x128xf32>, vector<368x128xf32> -> vector<368x128xf32>
    %get3A_837 = arith.constant 0 : index
    %get3A_838 = arith.constant 0 : index
    %get3A_839 = vector.load %arg7[%get3A_837, %get3A_838] : memref<1x128xf32, #tpu.memory_space<vmem>>, vector<1x128xf32>
    %add3A_840 = vector.broadcast %get3A_839 : vector<1x128xf32> to vector<368x128xf32>
    %add3A_841 = arith.addf %dot_general3A_836, %add3A_840 : vector<368x128xf32>
    %max3A_842 = arith.constant 0.000000e+00 : f32
    %max3A_843 = vector.broadcast %max3A_842 : f32 to vector<368x128xf32>
    %max3A_844 = arith.maximumf %add3A_841, %max3A_843 : vector<368x128xf32>
    %get3A_845 = arith.constant 0 : index
    %get3A_846 = arith.constant 0 : index
    %get3A_847 = vector.load %arg8[%get3A_845, %get3A_846] : memref<128x8xf32, #tpu.memory_space<vmem>>, vector<128x8xf32>
    %dot_general3A_848 = arith.constant dense<0.000000e+00> : vector<368x8xf32>
    %dot_general3A_849 = tpu.matmul %max3A_844, %get3A_847, %dot_general3A_848 {dimension_numbers = #tpu.dot_dimension_numbers<[1], [0], [0], [1], [0, 0, 1, 1], [], []>, transpose_lhs_hint = false} : vector<368x128xf32>, vector<128x8xf32>, vector<368x8xf32> -> vector<368x8xf32>
    %get3A_850 = arith.constant 0 : index
    %get3A_851 = arith.constant 0 : index
    %get3A_852 = vector.load %arg9[%get3A_850, %get3A_851] : memref<1x8xf32, #tpu.memory_space<vmem>>, vector<1x8xf32>
    %add3A_853 = vector.broadcast %get3A_852 : vector<1x8xf32> to vector<368x8xf32>
    %add3A_854 = arith.addf %dot_general3A_849, %add3A_853 : vector<368x8xf32>
    %slice3A_855 = vector.extract_strided_slice %get3A_758 {offsets = [0, 3], sizes = [368, 3], strides = [1, 1]} : vector<368x16xf32> to vector<368x3xf32>
    %slice3A_856 = vector.extract_strided_slice %add3A_854 {offsets = [0, 0], sizes = [368, 3], strides = [1, 1]} : vector<368x8xf32> to vector<368x3xf32>
    %add3A_857 = arith.addf %slice3A_855, %slice3A_856 : vector<368x3xf32>
    %slice3A_858 = vector.extract_strided_slice %get3A_758 {offsets = [0, 0], sizes = [368, 3], strides = [1, 1]} : vector<368x16xf32> to vector<368x3xf32>
    %mul3A_859 = arith.constant 0.00999999977 : f32
    %mul3A_860 = vector.broadcast %mul3A_859 : f32 to vector<368x3xf32>
    %mul3A_861 = arith.mulf %add3A_857, %mul3A_860 : vector<368x3xf32>
    %add3A_862 = arith.addf %slice3A_858, %mul3A_861 : vector<368x3xf32>
    %slice3A_863 = vector.extract_strided_slice %add3A_854 {offsets = [0, 3], sizes = [368, 2], strides = [1, 1]} : vector<368x8xf32> to vector<368x2xf32>
    %concatenate3A_864 = tpu.concatenate %add3A_862, %add3A_857, %slice3A_863 in 1 : vector<368x3xf32>, vector<368x3xf32>, vector<368x2xf32> -> vector<368x8xf32>
    %concatenate3A_865 = tpu.concatenate %concatenate3A, %concatenate3A_210, %concatenate3A_319, %concatenate3A_428, %concatenate3A_537, %concatenate3A_646, %concatenate3A_755, %concatenate3A_864 in 1 : vector<368x8xf32>, vector<368x8xf32>, vector<368x8xf32>, vector<368x8xf32>, vector<368x8xf32>, vector<368x8xf32>, vector<368x8xf32>, vector<368x8xf32> -> vector<368x64xf32>
    %swap3A = arith.constant 0 : index
    %swap3A_866 = arith.constant 0 : index
    %swap3A_867 = vector.load %arg10[%swap3A, %swap3A_866] : memref<368x64xf32, #tpu.memory_space<vmem>>, vector<368x64xf32>
    tpu.vector_store %arg10[%swap3A, %swap3A_866], %concatenate3A_865 {strides = array<i32>} : memref<368x64xf32, #tpu.memory_space<vmem>>, vector<368x64xf32>,
    return
  }
  func.func @transform_0(%arg0: i32) -> (i32, i32) {
    %c0_i32 = arith.constant 0 : i32
    %c0_i32_0 = arith.constant 0 : i32
    return %arg0, %c0_i32 : i32, i32
  }
  func.func @transform_1(%arg0: i32) -> (i32, i32, i32, i32) {
    %c0_i32 = arith.constant 0 : i32
    %c0_i32_0 = arith.constant 0 : i32
    %c0_i32_1 = arith.constant 0 : i32
    %c0_i32_2 = arith.constant 0 : i32
    return %c0_i32, %c0_i32_0, %arg0, %c0_i32_1 : i32, i32, i32, i32
  }
  func.func @transform_2(%arg0: i32) -> (i32, i32) {
    %c0_i32 = arith.constant 0 : i32
    %c0_i32_0 = arith.constant 0 : i32
    %c0_i32_1 = arith.constant 0 : i32
    return %c0_i32, %c0_i32_0 : i32, i32
  }
  func.func @transform_3(%arg0: i32) -> (i32, i32, i32) {
    %c0_i32 = arith.constant 0 : i32
    %c0_i32_0 = arith.constant 0 : i32
    %c0_i32_1 = arith.constant 0 : i32
    %c0_i32_2 = arith.constant 0 : i32
    return %c0_i32, %c0_i32_0, %c0_i32_1 : i32, i32, i32
  }
  func.func @transform_4(%arg0: i32) -> (i32, i32) {
    %c0_i32 = arith.constant 0 : i32
    %c0_i32_0 = arith.constant 0 : i32
    %c0_i32_1 = arith.constant 0 : i32
    return %c0_i32, %c0_i32_0 : i32, i32
  }
  func.func @transform_5(%arg0: i32) -> (i32, i32) {
    %c0_i32 = arith.constant 0 : i32
    %c0_i32_0 = arith.constant 0 : i32
    %c0_i32_1 = arith.constant 0 : i32
    return %c0_i32, %c0_i32_0 : i32, i32
  }
  func.func @transform_6(%arg0: i32) -> (i32, i32) {
    %c0_i32 = arith.constant 0 : i32
    %c0_i32_0 = arith.constant 0 : i32
    %c0_i32_1 = arith.constant 0 : i32
    return %c0_i32, %c0_i32_0 : i32, i32
  }
  func.func @transform_7(%arg0: i32) -> (i32, i32) {
    %c0_i32 = arith.constant 0 : i32
    %c0_i32_0 = arith.constant 0 : i32
    %c0_i32_1 = arith.constant 0 : i32
    return %c0_i32, %c0_i32_0 : i32, i32
  }
  func.func @transform_8(%arg0: i32) -> (i32, i32) {
    %c0_i32 = arith.constant 0 : i32
    %c0_i32_0 = arith.constant 0 : i32
    %c0_i32_1 = arith.constant 0 : i32
    return %c0_i32, %c0_i32_0 : i32, i32
  }
  func.func @transform_9(%arg0: i32) -> (i32, i32) {
    %c0_i32 = arith.constant 0 : i32
    %c0_i32_0 = arith.constant 0 : i32
    return %arg0, %c0_i32 : i32, i32
  }
}

</mosaic_0001>

<sc_bundles>
// kernel: kernel.6.cloned.1.call-start
scs
__scs_entry_jumppad:
0x0: {  	(pc) =	sbr.rel $0x88, $3  }
0x1: {  	(tag) =	ssettag $0x0;
	lr =	simm.s32 $0x1  }
0x2: {  	[smem:$0x3F8D] =	sst lr;
	_ =	strace $0xD0000000  }
0x3: {  	_ = 	snop  }
0x4: {  	_ = 	snop  }
0x5: {  	_ = 	snop  }
0x6: {  	_ = 	snop  }
0x7: {  	_ = 	snop  }
__scs_overlays_trampoline_lowered:
0x8: {  	[smem:$0x3F9C] =	sst s0  }
0x9: {  	[smem:$0x3F9D] =	sst s1  }
0xa: {  	[smem:$0x3F9E] =	sst s2  }
0xb: {  	[smem:$0x3F9F] =	sst s3  }
0xc: {  	[smem:$0x3FA0] =	sst s4  }
0xd: {  	[smem:$0x3FA1] =	sst s5  }
0xe: {  	[smem:$0x3FA2] =	sst s6  }
0xf: {  	[smem:$0x3FA3] =	sst s7  }
0x10: {  	[smem:$0x3FA4] =	sst s8  }
0x11: {  	[smem:$0x3FA5] =	sst s9;
	s0 =	simm.s32 @!p0 $0x0  }
0x12: {  	s1 =	sld [smem:$0x3F8B];
	s0 =	simm.s32 @p0 $0x1  }
0x13: {  	[smem:$0x3FA6] =	sst s0;
	s0 =	simm.s32 @!p1 $0x0  }
0x14: {  	s2 =	sld [smem:$0x3F8A];
	s0 =	simm.s32 @p1 $0x1  }
0x15: {  	[smem:$0x3FA7] =	sst s0;
	s0 =	simm.s32 @!p2 $0x0  }
0x16: {  	s3 =	sld [smem:$0x3FDB];
	s0 =	simm.s32 @p2 $0x1  }
0x17: {  	s4 =	simm.s32 $0x1BF5;
	[smem:$0x3FA9] =	sst s0  }
0x18: {  	s0 =	sld [smem:$0x3F8C];
	_ =	swait.ge [sflag:s4], $0x0  }
0x19: {  	s7 =	sld [smem:$0x3F8D]  }
0x1a: {  	s8 =	sadd.s32 $0xFFFFE003, lr  }
0x1b: {  	s9 =	sadd.s32 $0xFFFFFEF7, lr;
	s5 =	simm.s32 $0xFFFFFFFF;
	p2 =	slt.u32 s8, $0xFFFFF086  }
0x1c: {  	p1 =	slt.u32 s9, $0xF7A;
	s5 =	simm.s32 @!p2 $0x0  }
0x1d: {  	s5 =	simm.s32 @p1 $0x1;
	p0 =	seq.s32 s7, s2  }
0x1e: {  	s7 =	smul.u32 @!p0 $0xF7A, s2;
	p2 =	seq.s32 @!p0 s5, $0x0  }
0x1f: {  	s9 =	smul.u32 $0xF7A, s1;
	s8 =	simm.s32 @!p0 $0x1BF5;
	p2 =	por !p2, p0  }
0x20: {  	[sflag:s8] =	ssyncset.s32 @!p0 $0xFFFFF086;
	s6 =	sadd.s32 @!p0 s3, s7;
	s7 =	simm.s32 @!p0 $0x108  }
0x21: {  	s3 =	sadd.s32 s3, s9;
	s6 =	sadd.s32 @!p0 $0x88, s6;
	s7 =	simm.s32 @p2 $0x1082  }
0x22: {  	[simem:s7], [sflag:s8] =	dma.local @!p0 [hbm:s6], $0xF7A  }
0x23: {  	s9 =	sor.u32 $0xD0000000, s2;
	s6 =	simm.s32 $0x108;
	_ =	swait.ge @!p0 [sflag:s8], $0x0  }
0x24: {  	s3 =	sadd.s32 $0x88, s3;
	s6 =	simm.s32 @!p1 $0x1082;
	[sflag:s4] =	ssyncset.s32 $0xFFFFF086  }
0x25: {  	[simem:s6], [sflag:s4] =	dma.local [hbm:s3], $0xF7A  }
0x26: {  	[smem:$0x3F8D] =	sst s1;
	(tag) =	ssettag s2;
	_ =	strace s9  }
0x27: {  	s1 =	sld [smem:$0x3F9D]  }
0x28: {  	s2 =	sld [smem:$0x3F9E]  }
0x29: {  	s4 =	sld [smem:$0x3FA0]  }
0x2a: {  	p0 =	seq.s32 s5, $0x0;
	s5 =	sld [smem:$0x3FA1]  }
0x2b: {  	s6 =	sld [smem:$0x3FA2]  }
0x2c: {  	s7 =	sld [smem:$0x3FA3]  }
0x2d: {  	s3 =	simm.s32 $0x108;
	s8 =	sld [smem:$0x3FA4]  }
0x2e: {  	s3 =	simm.s32 @!p0 $0x1082;
	s9 =	sld [smem:$0x3FA5]  }
0x2f: {  	lr =	sadd.s32 s0, s3;
	s0 =	sld [smem:$0x3F9C]  }
0x30: {  	s3 =	sld [smem:$0x3F9F]  }
0x31: {  	[smem:$0x3FA8] =	sst s10  }
0x32: {  	s10 =	sld [smem:$0x3FA6];
	_ =	sdelay $0x3  }
0x33: {  	p0 =	seq.s32 s10, $0x1;
	s10 =	sld [smem:$0x3FA8];
	_ =	sdelay $0x3  }
0x34: {  	[smem:$0x3FA8] =	sst s10  }
0x35: {  	s10 =	sld [smem:$0x3FA7];
	_ =	sdelay $0x3  }
0x36: {  	p1 =	seq.s32 s10, $0x1;
	s10 =	sld [smem:$0x3FA8];
	_ =	sdelay $0x3  }
0x37: {  	[smem:$0x3FA8] =	sst s10  }
0x38: {  	s10 =	sld [smem:$0x3FA9]  }
0x39: {  	_ = 	snop;
	(pc) =	sbr.ind lr, $3  }
0x3a: {  	_ = 	snop  }
0x3b: {  	_ = 	snop  }
0x3c: {  	p2 =	seq.s32 s10, $0x1;
	s10 =	sld [smem:$0x3FA8]  }
0x3d: {  	_ =	shalt  }
0x3e: {  	_ =	shalt  }
0x3f: {  	_ =	shalt  }
0x40: {  	_ =	shalt  }
0x41: {  	_ =	shalt  }
0x42: {  	_ =	shalt  }
0x43: {  	_ =	shalt  }
0x44: {  	_ =	shalt  }
0x45: {  	_ =	shalt  }
0x46: {  	_ =	shalt  }
0x47: {  	_ =	shalt  }
0x48: {  	_ =	shalt  }
0x49: {  	_ =	shalt  }
0x4a: {  	_ =	shalt  }
0x4b: {  	_ =	shalt  }
0x4c: {  	_ =	shalt  }
0x4d: {  	_ =	shalt  }
0x4e: {  	_ =	shalt  }
0x4f: {  	_ =	shalt  }
0x50: {  	_ =	shalt  }
0x51: {  	_ =	shalt  }
0x52: {  	_ =	shalt  }
0x53: {  	_ =	shalt  }
0x54: {  	_ =	shalt  }
0x55: {  	_ =	shalt  }
0x56: {  	_ =	shalt  }
0x57: {  	_ =	shalt  }
0x58: {  	_ =	shalt  }
0x59: {  	_ =	shalt  }
0x5a: {  	_ =	shalt  }
0x5b: {  	_ =	shalt  }
0x5c: {  	_ =	shalt  }
0x5d: {  	_ =	shalt  }
0x5e: {  	_ =	shalt  }
0x5f: {  	_ =	shalt  }
0x60: {  	_ =	shalt  }
0x61: {  	_ =	shalt  }
0x62: {  	_ =	shalt  }
0x63: {  	_ =	shalt  }
0x64: {  	_ =	shalt  }
0x65: {  	_ =	shalt  }
0x66: {  	_ =	shalt  }
0x67: {  	_ =	shalt  }
0x68: {  	_ =	shalt  }
0x69: {  	_ =	shalt  }
0x6a: {  	_ =	shalt  }
0x6b: {  	_ =	shalt  }
0x6c: {  	_ =	shalt  }
0x6d: {  	_ =	shalt  }
0x6e: {  	_ =	shalt  }
0x6f: {  	_ =	shalt  }
0x70: {  	_ =	shalt  }
0x71: {  	_ =	shalt  }
0x72: {  	_ =	shalt  }
0x73: {  	_ =	shalt  }
0x74: {  	_ =	shalt  }
0x75: {  	_ =	shalt  }
0x76: {  	_ =	shalt  }
0x77: {  	_ =	shalt  }
0x78: {  	_ =	shalt  }
0x79: {  	_ =	shalt  }
0x7a: {  	_ =	shalt  }
0x7b: {  	_ =	shalt  }
0x7c: {  	_ =	shalt  }
0x7d: {  	_ =	shalt  }
0x7e: {  	_ =	shalt  }
0x7f: {  	_ =	shalt  }
0x80: {  	_ =	shalt  }
0x81: {  	_ =	shalt  }
0x82: {  	_ =	shalt  }
0x83: {  	_ =	shalt  }
0x84: {  	_ =	shalt  }
0x85: {  	_ =	shalt  }
0x86: {  	_ =	shalt  }
0x87: {  	_ =	shalt  }
.Lfunc_end0:
.L_simem_size_0:
called_computation.1_lowered:
.L_overlay_start_0:
0x88: {  	s2 =	sld [smem:$0x3FD9]  }
0x89: {  	s3 =	sld [smem:$0x3FFE];
	_ =	sdelay $0x1  }
0x8a: {  	s1 =	srdreg.scid  }
0x8b: {  	s0 =	sand.u32 $0x1, s1  }
0x8c: {  	s16 =	sshll.u32 s0, $0xA;
	s2 =	sadd.s32 s3, s2  }
0x8d: {  	s2 =	sadd.s32 s2, s16  }
0x8e: {  	[smem:$0x3FB4] =	sst s2  }
0x8f: {  	_ = 	snop  }
0x90: {  	(tm) =	ssettm $0x1  }
0x91: {  	s17 =	sld [smem:$0x3FFB];
	_ =	sdelay $0x3  }
0x92: {  	_ =	strace s17  }
0x93: {  	s2 =	sld [smem:$0x3FFC];
	_ =	sdelay $0x3  }
0x94: {  	_ =	strace s2  }
0x95: {  	s2 =	sld [smem:$0x3FFD];
	_ =	sdelay $0x3  }
0x96: {  	_ =	strace s2  }
0x97: {  	_ =	strace $0x8FFFFFFF  }
0x98: {  	s18 =	sld [smem:$0x3FDB];
	_ =	sdelay $0x1  }
0x99: {  	s19 =	simm.s32 $_scs_section_size  }
0x9a: {  	s4 =	simm.s32 $_size__tile_overlayer_lowered;
	s5 =	simm.s32 $_tile_overlayer_lowered  }
0x9b: {  	s22 =	simm.s32 $0x1BFF;
	s21 =	sshll.u32 s5, $0x1;
	s2 =	sadd.s32 s19, s18  }
0x9c: {  	s6 =	simm.s32 $0x0;
	s20 =	sshll.u32 s4, $0x1;
	s4 =	sadd.s32 s21, s2  }
0x9d: {  	[timem:s6], [sflag:s22] =	dma.local [hbm:s4], s20  }
0x9e: {  	_ =	swait.ge [sflag:s22], s20  }
0x9f: {  	s3 =	ssub.s32 $0x0, s20;
	[sflag:s22] =	ssyncset.done $0x0  }
0xa0: {  	[sflag:s22] =	ssyncadd.s32 s3;
	_ =	sdelay $0x1  }
0xa1: {  	s23 =	simm.s32 $0x1B8B  }
0xa2: {  	_ =	swait.ge [sflag:s23], $0x1  }
0xa3: {  	[sflag:s23] =	ssyncset.done $0x0  }
0xa4: {  	s25 =	simm.s32 $0x1B8E;
	s24 =	sld [smem:$0x3FFE];
	[sflag:s23] =	ssyncadd.s32 $0xFFFFFFFF  }
0xa5: {  	s26 =	simm.s32 $execute0_lowered;
	[smem:$0x3FD2] =	sst s25  }
0xa6: {  	s4 =	sshll.u32 s26, $0x1;
	_ =	strace $0x80000046;
	[dreg:$0x1] =	wrdreg $0xFFFFFFFF  }
0xa7: {  	s28 =	simm.s32 $_size_execute0_lowered;
	s2 =	sadd.s32 s2, s4;
	[dreg:$0x0] =	wrdreg $0x0  }
0xa8: {  	s4 =	sshll.u32 s28, $0x1;
	[dreg:$0x2] =	wrdreg s2  }
0xa9: {  	[dreg:$0x3] =	wrdreg s4  }
0xaa: {  	[dreg:$0x4] =	wrdreg $0xC0  }
0xab: {  	_ =	task [dreg:s6], $0x5FFFF  }
0xac: {  	[dreg:$0x1] =	wrdreg $0xFFFFFFFF  }
0xad: {  	[dreg:$0x0] =	wrdreg $0x60  }
0xae: {  	[dreg:$0x2] =	wrdreg s24  }
0xaf: {  	[dreg:$0x3] =	wrdreg $0x0  }
0xb0: {  	[dreg:$0x4] =	wrdreg $0x9  }
0xb1: {  	_ =	task.clear_ibuf [dreg:s6], $0x5FFFF;
	_ =	strace $0x90000046  }
0xb2: {  	s29 =	simm.s32 $0x9;
	_ =	strace $0x80000048  }
0xb3: {  	_ =	swait.ge [sflag:s29], $0x1  }
0xb4: {  	[sflag:s29] =	ssyncadd.s32 $0xFFFFFFFF  }
0xb5: {  	_ =	strace $0x90000048  }
0xb6: {  	_ =	sfence  }
0xb7: {  	s30 =	sld [smem:$0x0];
	_ =	sdelay $0x2  }
0xb8: {  	s31 =	sshll.u32 s1, $0xD;
	s1 =	sshrl.u32 s1, $0x2  }
0xb9: {  	s3 =	sand.u32 $0x4000, s31;
	s1 =	sadd.s32 s1, s30  }
0xba: {  	s0 =	sor.u32 s3, s0;
	s1 =	sshll.u32 s1, $0x11  }
0xbb: {  	s0 =	sor.u32 s1, s0  }
0xbc: {  	s0 =	sadd.s32 $0x8F2B, s0  }
0xbd: {  	[sflag:s0] =	ssyncadd.remote.s32 $0x1  }
0xbe: {  	_ =	sfence.sel $0xFFFF  }
0xbf: {  	[dreg:$0x0] =	wrdreg $0xFFFFFFFF;
	(pc) =	sbr.abs _section_cstart, $3  }
0xc0: {  	[dreg:$0x1] =	wrdreg $0xFFFFFFFF  }
0xc1: {  	_ =	task.clear_ibuf [dreg:s6], $0x2FFFF;
	_ =	strace $0x9FFFFFFF  }
0xc2: {  	(tm) =	ssettm $0x7FFFFFFF  }
0xc3: {  	_ =	shalt  }
tec
execute0_lowered:
.L_overlay_start_1:
0x0: {  	(tag) =	ssettag $0x1  }
0x1: {  	s0 =	rddreg [dreg:$0x0]  }
0x2: {  	s2 =	rddreg [dreg:$0x1];
	s4 =	stileid.u32;
	s3 =	simm.s32 $0x0  }
0x3: {  	s7 =	srdreg.scid;
	s29 =	simm.s32 $0x18700;
	s30 =	simm.s32 $0x9  }
0x4: {  	s1 =	smul.u32 $0x18700, s4;
	[smem:$0x7FF] =	sst s3;
	s17 =	sadd.s32 $0x18A000, s0  }
0x5: {  	s28 =	simm.s32 $0x80;
	s18 =	sadd.s32 $0x1BAE00, s0;
	s19 =	sadd.s32 $0x372C00, s0  }
0x6: {  	s8 =	smul.u32 $0x30E0, s4;
	s9 =	sand.u32 $0x1, s7;
	s10 =	sshll.u32 s4, $0x1  }
0x7: {  	s20 =	sadd.s32 $0x680000, s0;
	s7 =	sshll.u32 s4, $0x9;
	p0 =	sgt.u32 s4, $0x9  }
0x8: {  	_ =	strace $0x80000047;
	s11 =	ssub.s32 $0x2, s9;
	s10 =	sor.u32 s9, s10  }
0x9: {  	s14 =	sadd.s32 s7, s20;
	[dreg:$0x3] =	wrdreg s17;
	s1 =	sadd.s32 s1, s0  }
0xa: {  	s0 =	sadd.s32 s8, s0;
	s16 =	sshrl.u32 s11, $0x1;
	s12 =	sshll.u32 s10, $0x4  }
0xb: {  	s13 =	sor.u32 $0x30C0, s10;
	s25 =	sor.u32 $0x30A0, s10;
	s8 =	ssub.s32 s11, s16  }
0xc: {  	s5 =	sadd.s32 s17, s12;
	s21 =	sor.u32 $0x200, s12;
	s22 =	sadd.s32 s18, s12  }
0xd: {  	[dreg:$0x8] =	wrdreg s25;
	s26 =	sshll.u32 s13, $0x4;
	s13 =	sshll.u32 s13, $0x8  }
0xe: {  	s16 =	sshll.u32 s9, $0x8;
	s11 =	sadd.s32 s7, s19;
	s12 =	sshll.u32 s4, $0x5  }
0xf: {  	s9 =	sshll.u32 s9, $0x4;
	s7 =	smov.u32 s19;
	s1 =	sadd.s32 $0x1EBC00, s1  }
0x10: {  	s25 =	sor.u32 $0x20, s10;
	s10 =	simm.s32 $0x3;
	[dreg:$0x4] =	wrdreg s5  }
0x11: {  	[dreg:$0x5] =	wrdreg s22;
	s23 =	sadd.s32 s17, s21;
	s24 =	sadd.s32 s18, s21  }
0x12: {  	s31 =	sadd.s32 s17, s26;
	s6 =	sadd.s32 s18, s26;
	s15 =	sadd.s32 s16, s14  }
0x13: {  	s16 =	sadd.s32 s16, s11;
	s17 =	sadd.s32 s12, s17;
	[dreg:$0xe] =	wrdreg s1  }
0x14: {  	s21 =	smul.u32 $0x61C00, s4;
	s14 =	sadd.s32 s12, s18;
	[dreg:$0x10] =	wrdreg s25  }
0x15: {  	s22 =	sadd.s32 s19, s13;
	s5 =	smov.u32 s20;
	[dreg:$0x6] =	wrdreg s23  }
0x16: {  	s8 =	smax.u32 s8, $0x1;
	s1 =	simm.s32 $0x19E80;
	[dreg:$0x7] =	wrdreg s24  }
0x17: {  	s19 =	simm.s32 $0x1B800;
	s25 =	simm.s32 $0x6;
	[dreg:$0x9] =	wrdreg s31  }
0x18: {  	s4 =	simm.s32 $0x0;
	[dreg:$0xa] =	wrdreg s6;
	s11 =	sadd.s32 s9, s17  }
0x19: {  	s6 =	smov.u32 s18;
	s9 =	sadd.s32 s9, s14;
	[dreg:$0xb] =	wrdreg s22  }
0x1a: {  	s23 =	sadd.s32 s20, s13;
	[dreg:$0xd] =	wrdreg s8;
	s20 =	sadd.s32 $0x3600, s0  }
0x1b: {  	s8 =	simm.s32 $0x1AF80;
	s13 =	simm.s32 $0x1B000;
	s14 =	simm.s32 $0x2  }
.Ltmp0:
0x1c: {  	s17 =	simm.s32 $0x4;
	s18 =	simm.s32 $0x1A700;
	(pc) =	sbr.rel .LBB2_1-.Ltmp0, $4  }
0x1d: {  	[dreg:$0xc] =	wrdreg s23;
	s24 =	sshrl.u32 s21, $0x2;
	s26 =	sadd.s32 $0x400, s11  }
0x1e: {  	s31 =	sadd.s32 $0x400, s9;
	s9 =	simm.s32 $0x1;
	[dreg:$0x11] =	wrdreg s26  }
0x1f: {  	s11 =	simm.s32 $0x19F00;
	s0 =	sadd.s32 s24, s2;
	[dreg:$0x12] =	wrdreg s31  }
0x20: {  	s23 =	simm.s32 $0x8;
	s26 =	simm.s32 $0x10;
	[dreg:$0xf] =	wrdreg s0  }
.LBB2_8:
0x21: {  	s0 =	simm.s32 $0x5  }
0x22: {  	_ =	swait.ge [sflag:s0], $0x800  }
0x23: {  	[sflag:s0] =	ssyncset.done $0x0  }
0x24: {  	s22 =	simm.s32 $0x7;
	[sflag:s0] =	ssyncadd.s32 $0xFFFFF800  }
0x25: {  	_ =	swait.ge [sflag:s22], $0x800  }
0x26: {  	[sflag:s22] =	ssyncset.done $0x0  }
0x27: {  	[sflag:s22] =	ssyncadd.s32 $0xFFFFF800  }
0x28: {  	_ =	swait.ge [sflag:s25], $0x800  }
0x29: {  	[sflag:s25] =	ssyncset.done $0x0  }
0x2a: {  	[sflag:s25] =	ssyncadd.s32 $0xFFFFF800  }
0x2b: {  	_ =	swait.ge [sflag:s23], $0x800  }
0x2c: {  	s4 =	simm.s32 @!p0 $0x19E00;
	[sflag:s23] =	ssyncset.done $0x0  }
0x2d: {  	s0 =	simm.s32 @!p0 $0x0;
	s12 =	rddreg [dreg:$0x9];
	[sflag:s23] =	ssyncadd.s32 $0xFFFFF800  }
0x2e: {  	[tilespmem:s4], [sflag:$0x9] =	stream.linear.gather @!p0 [hbm4b:s12+s0], $0x80, $0x38;
	[tilespmem:$0x1C000] =	vst v63  }
0x2f: {  	s12 =	simm.s32 @!p0 $0x9  }
0x30: {  	_ =	swait.ge @!p0 [sflag:s12], $0x80  }
0x31: {  	[sflag:s12] =	ssyncset.done @!p0 $0x0  }
0x32: {  	s21 =	simm.s32 @!p0 $0x1AF00;
	s22 =	rddreg [dreg:$0xa];
	[sflag:s12] =	ssyncadd.s32 @!p0 $0xFFFFFF80  }
0x33: {  	[tilespmem:s21], [sflag:$0x9] =	stream.linear.gather @!p0 [hbm4b:s22+s0], $0x80, $0x38;
	[tilespmem:$0x1C000] =	vst v63  }
0x34: {  	_ =	swait.ge @!p0 [sflag:s12], $0x80  }
0x35: {  	[sflag:s12] =	ssyncset.done @!p0 $0x0  }
0x36: {  	s24 =	simm.s32 @!p0 $0x19F00;
	s22 =	simm.s32 @!p0 $0x80;
	[sflag:s12] =	ssyncadd.s32 @!p0 $0xFFFFFF80  }
0x37: {  	[tilespmem:s24], [sflag:$0x9] =	stream.indirect.gather @!p0 [spmem:s2], $0x10, s4, s22, $0xb8;
	[tilespmem:$0x1C000] =	vst v63  }
0x38: {  	_ =	swait.ge @!p0 [sflag:s12], $0x800  }
0x39: {  	[sflag:s12] =	ssyncset.done @!p0 $0x0  }
0x3a: {  	s4 =	simm.s32 @!p0 $0x1B000;
	[sflag:s12] =	ssyncadd.s32 @!p0 $0xFFFFF800  }
0x3b: {  	[tilespmem:s4], [sflag:$0x9] =	stream.indirect.gather @!p0 [spmem:s2], $0x10, s21, s22, $0xb8;
	[tilespmem:$0x1C000] =	vst v63  }
0x3c: {  	_ =	swait.ge @!p0 [sflag:s12], $0x800  }
0x3d: {  	[sflag:s12] =	ssyncset.done @!p0 $0x0  }
0x3e: {  	s21 =	rddreg [dreg:$0xb];
	[sflag:s12] =	ssyncadd.s32 @!p0 $0xFFFFF800  }
0x3f: {  	[hbm4b:s21+s0] =	stream.linear.scatter @!p0 [tilespmem:s24], [sflag:$0x9], $0x800, $0x38;
	[tilespmem:$0x1C000] =	vst v63  }
0x40: {  	_ =	swait.ge @!p0 [sflag:s12], $0x800  }
0x41: {  	[sflag:s12] =	ssyncset.done @!p0 $0x0  }
0x42: {  	s21 =	rddreg [dreg:$0xc];
	[sflag:s12] =	ssyncadd.s32 @!p0 $0xFFFFF800  }
0x43: {  	[hbm4b:s21+s0] =	stream.linear.scatter @!p0 [tilespmem:s4], [sflag:$0x9], $0x800, $0x38;
	[tilespmem:$0x1C000] =	vst v63  }
0x44: {  	_ =	swait.ge @!p0 [sflag:s12], $0x800  }
0x45: {  	s24 =	rddreg [dreg:$0x13]  }
0x46: {  	s31 =	rddreg [dreg:$0xd];
	s4 =	sadd.s32 $0x1, s24  }
0x47: {  	p1 =	sne.s32 s4, s31  }
.Ltmp1:
0x48: {  	_ = 	snop;
	(pc) =	sbr.rel @!p1 .LBB2_9-.Ltmp1, $3  }
0x49: {  	_ =	sdelay $0x1  }
0x4a: {  	[sflag:s12] =	ssyncset.done @!p0 $0x0  }
0x4b: {  	[sflag:s12] =	ssyncadd.s32 @!p0 $0xFFFFF800  }
.LBB2_1:
0x4c: {  	[dreg:$0x13] =	wrdreg s4  }
0x4d: {  	s22 =	rddreg [dreg:$0xe]  }
0x4e: {  	[tilespmem:s29], [sflag:$0x9] =	stream.strided.gather [hbm4b:s22+s26], $0x1700, s28, s26, $0x38;
	[tilespmem:$0x1C000] =	vst v63  }
0x4f: {  	_ =	swait.ge [sflag:s30], $0x1700  }
0x50: {  	[sflag:s30] =	ssyncset.done $0x0  }
0x51: {  	s24 =	rddreg [dreg:$0xf];
	[sflag:s30] =	ssyncadd.s32 $0xFFFFE900  }
0x52: {  	[spmem:s24] =	stream.linear.scatter [tilespmem:s29], [sflag:$0x9], $0x1700, $0x38;
	[tilespmem:$0x1C000] =	vst v63  }
0x53: {  	_ =	swait.ge [sflag:s30], $0x1700  }
0x54: {  	[sflag:s30] =	ssyncset.done $0x0  }
0x55: {  	s0 =	sadd.s32 $0x0, s20;
	[sflag:s30] =	ssyncadd.s32 $0xFFFFE900  }
0x56: {  	[hbm4b:s0+s3] =	stream.linear.scatter [tilespmem:s29], [sflag:$0x9], $0x1700, $0x38;
	[tilespmem:$0x1C000] =	vst v63  }
0x57: {  	_ =	swait.ge [sflag:s30], $0x1700  }
0x58: {  	s21 =	simm.s32 $0x2E0;
	[sflag:s30] =	ssyncset.done $0x0  }
.LBB2_2:
0x59: {  	[sflag:s30] =	ssyncadd.s32 $0xFFFFE900  }
0x5a: {  	s22 =	sadd.s32 $0x1700, s22;
	s24 =	sadd.s32 $0x1700, s24;
	s0 =	smov.u32 s21  }
0x5b: {  	[tilespmem:s29], [sflag:$0x9] =	stream.strided.gather [hbm4b:s22+s26], $0x1700, s28, s26, $0x38;
	[tilespmem:$0x1C000] =	vst v63  }
0x5c: {  	p1 =	sne.s32 s21, $0x2E00;
	s21 =	sadd.s32 $0x2E0, s21;
	_ =	swait.ge [sflag:s30], $0x1700  }
0x5d: {  	[sflag:s30] =	ssyncset.done $0x0  }
0x5e: {  	[sflag:s30] =	ssyncadd.s32 $0xFFFFE900  }
0x5f: {  	[spmem:s24] =	stream.linear.scatter [tilespmem:s29], [sflag:$0x9], $0x1700, $0x38;
	[tilespmem:$0x1C000] =	vst v63  }
0x60: {  	_ =	swait.ge [sflag:s30], $0x1700  }
.Ltmp2:
0x61: {  	[sflag:s30] =	ssyncset.done $0x0;
	(pc) =	sbr.rel @p1 .LBB2_2-.Ltmp2, $4  }
0x62: {  	s0 =	sadd.s32 s0, s20;
	[sflag:s30] =	ssyncadd.s32 $0xFFFFE900  }
0x63: {  	[hbm4b:s0+s3] =	stream.linear.scatter [tilespmem:s29], [sflag:$0x9], $0x1700, $0x38;
	[tilespmem:$0x1C000] =	vst v63  }
0x64: {  	_ =	swait.ge [sflag:s30], $0x1700  }
0x65: {  	[sflag:s30] =	ssyncset.done $0x0  }
0x66: {  	[sflag:s30] =	ssyncadd.s32 $0xFFFFE900  }
0x67: {  	[bflag:$0x0] =	sbarrier.arrive $0xFFFF  }
0x68: {  	s0 =	rddreg [dreg:$0x4]  }
0x69: {  	s12 =	rddreg [dreg:$0x5]  }
0x6a: {  	s24 =	rddreg [dreg:$0x6]  }
0x6b: {  	s21 =	simm.s32 $0x0;
	s4 =	simm.s32 $0x19E00;
	s31 =	rddreg [dreg:$0x7]  }
0x6c: {  	[tilespmem:s4], [sflag:$0x1] =	stream.linear.gather [hbm4b:s0+s21], $0x80, $0x38;
	[tilespmem:$0x1C000] =	vst v63  }
0x6d: {  	s22 =	simm.s32 $0x1AF00;
	s0 =	rddreg [dreg:$0x10]  }
0x6e: {  	[tilespmem:s22], [sflag:$0x3] =	stream.linear.gather [hbm4b:s12+s21], $0x80, $0x38;
	[tilespmem:$0x1C000] =	vst v63  }
0x6f: {  	s22 =	rddreg [dreg:$0x12]  }
0x70: {  	[tilespmem:s1], [sflag:$0x2] =	stream.linear.gather [hbm4b:s24+s21], $0x80, $0x38;
	[tilespmem:$0x1C000] =	vst v63  }
0x71: {  	s24 =	rddreg [dreg:$0x11]  }
0x72: {  	[tilespmem:s8], [sflag:$0x4] =	stream.linear.gather [hbm4b:s31+s21], $0x80, $0x38;
	[tilespmem:$0x1C000] =	vst v63  }
.LBB2_4:
0x73: {  	p1 =	seq.s32 s21, $0x0  }
0x74: {  	s31 =	simm.s32 @!p1 $0x5  }
0x75: {  	_ =	swait.ge @!p1 [sflag:s31], $0x800  }
0x76: {  	[sflag:s31] =	ssyncset.done @!p1 $0x0  }
0x77: {  	[sflag:s31] =	ssyncadd.s32 @!p1 $0xFFFFF800;
	s31 =	simm.s32 @!p1 $0x7  }
0x78: {  	_ =	swait.ge @!p1 [sflag:s31], $0x800  }
0x79: {  	[sflag:s31] =	ssyncset.done @!p1 $0x0  }
0x7a: {  	[sflag:s31] =	ssyncadd.s32 @!p1 $0xFFFFF800  }
0x7b: {  	_ =	swait.ge [sflag:s9], $0x80  }
0x7c: {  	[sflag:s9] =	ssyncset.done $0x0  }
0x7d: {  	[sflag:s9] =	ssyncadd.s32 $0xFFFFFF80  }
0x7e: {  	_ =	swait.ge [sflag:s10], $0x80  }
0x7f: {  	[sflag:s10] =	ssyncset.done $0x0  }
0x80: {  	s4 =	simm.s32 $0x19E00;
	[sflag:s10] =	ssyncadd.s32 $0xFFFFFF80  }
0x81: {  	[tilespmem:s11], [sflag:$0x9] =	stream.indirect.gather [spmem:s2], $0x10, s4, s28, $0xb8;
	[tilespmem:$0x1C000] =	vst v63  }
0x82: {  	_ =	swait.ge [sflag:s30], $0x800  }
0x83: {  	[sflag:s30] =	ssyncset.done $0x0  }
0x84: {  	s12 =	simm.s32 $0x1AF00;
	[sflag:s30] =	ssyncadd.s32 $0xFFFFF800  }
0x85: {  	[tilespmem:s13], [sflag:$0x9] =	stream.indirect.gather [spmem:s2], $0x10, s12, s28, $0xb8;
	[tilespmem:$0x1C000] =	vst v63  }
0x86: {  	_ =	swait.ge [sflag:s30], $0x800  }
0x87: {  	p1 =	seq.s32 s21, $0x308000;
	[sflag:s30] =	ssyncset.done $0x0  }
0x88: {  	s31 =	sadd.s32 s21, s16;
	p2 =	seq.s32 @!p1 s21, $0x0;
	[sflag:s30] =	ssyncadd.s32 $0xFFFFF800  }
0x89: {  	[hbm4b:s31+s3] =	stream.linear.scatter [tilespmem:s11], [sflag:$0x5], $0x800, $0x38;
	[tilespmem:$0x1C000] =	vst v63  }
0x8a: {  	p2 =	por p1, !p2;
	s31 =	sadd.s32 s21, s15  }
0x8b: {  	[hbm4b:s31+s3] =	stream.linear.scatter [tilespmem:s13], [sflag:$0x7], $0x800, $0x38;
	[tilespmem:$0x1C000] =	vst v63  }
.Ltmp3:
0x8c: {  	s12 =	simm.s32 @!p1 $0x19E00;
	s31 =	simm.s32 @!p1 $0x0;
	(pc) =	sbr.rel @!p2 .LBB2_6-.Ltmp3, $4  }
0x8d: {  	[tilespmem:s12], [sflag:$0x1] =	stream.linear.gather @!p1 [hbm4b:s24+s31], $0x80, $0x38;
	[tilespmem:$0x1C000] =	vst v63  }
0x8e: {  	s12 =	simm.s32 @!p1 $0x1AF00  }
0x8f: {  	[tilespmem:s12], [sflag:$0x3] =	stream.linear.gather @!p1 [hbm4b:s22+s31], $0x80, $0x38;
	[tilespmem:$0x1C000] =	vst v63  }
0x90: {  	s31 =	smov.u32 s0  }
0x91: {  	_ =	swait.ge [sflag:s25], $0x800  }
0x92: {  	[sflag:s25] =	ssyncset.done $0x0  }
0x93: {  	[sflag:s25] =	ssyncadd.s32 $0xFFFFF800  }
0x94: {  	_ =	swait.ge [sflag:s23], $0x800  }
0x95: {  	s31 =	smov.u32 s0;
	[sflag:s23] =	ssyncset.done $0x0;
	s4 =	rddreg [dreg:$0x8]  }
0x96: {  	s31 =	smov.u32 @p1 s4;
	[sflag:s23] =	ssyncadd.s32 $0xFFFFF800  }
.LBB2_6:
0x97: {  	_ =	swait.ge [sflag:s14], $0x80  }
0x98: {  	[sflag:s14] =	ssyncset.done $0x0  }
0x99: {  	[sflag:s14] =	ssyncadd.s32 $0xFFFFFF80  }
0x9a: {  	_ =	swait.ge [sflag:s17], $0x80  }
0x9b: {  	[sflag:s17] =	ssyncset.done $0x0  }
0x9c: {  	[sflag:s17] =	ssyncadd.s32 $0xFFFFFF80  }
0x9d: {  	[tilespmem:s18], [sflag:$0x9] =	stream.indirect.gather [spmem:s2], $0x10, s1, s28, $0xb8;
	[tilespmem:$0x1C000] =	vst v63  }
0x9e: {  	_ =	swait.ge [sflag:s30], $0x800  }
0x9f: {  	[sflag:s30] =	ssyncset.done $0x0  }
0xa0: {  	[sflag:s30] =	ssyncadd.s32 $0xFFFFF800  }
0xa1: {  	[tilespmem:s19], [sflag:$0x9] =	stream.indirect.gather [spmem:s2], $0x10, s8, s28, $0xb8;
	[tilespmem:$0x1C000] =	vst v63  }
0xa2: {  	s12 =	sshll.u32 s31, $0x8;
	_ =	swait.ge [sflag:s30], $0x800  }
.Ltmp4:
0xa3: {  	s12 =	sand.u32 $0x1FFFFF00, s12;
	[sflag:s30] =	ssyncset.done $0x0;
	(pc) =	sbr.rel @p1 .LBB2_8-.Ltmp4, $4  }
0xa4: {  	s4 =	sadd.s32 s7, s12;
	[sflag:s30] =	ssyncadd.s32 $0xFFFFF800  }
0xa5: {  	[hbm4b:s4+s3] =	stream.linear.scatter [tilespmem:s18], [sflag:$0x6], $0x800, $0x38;
	[tilespmem:$0x1C000] =	vst v63  }
0xa6: {  	s12 =	sadd.s32 s5, s12  }
0xa7: {  	[hbm4b:s12+s3] =	stream.linear.scatter [tilespmem:s19], [sflag:$0x8], $0x800, $0x38;
	[tilespmem:$0x1C000] =	vst v63  }
0xa8: {  	s4 =	sshll.u32 s31, $0x4  }
.Ltmp5:
0xa9: {  	s12 =	rddreg [dreg:$0x3];
	s4 =	sadd.s32 $0x400, s4;
	(pc) =	sbr.rel .LBB2_4-.Ltmp5, $4  }
0xaa: {  	s0 =	sadd.s32 $0x40, s0;
	s21 =	sadd.s32 $0x4000, s21;
	s12 =	sadd.s32 s12, s4  }
0xab: {  	[tilespmem:s1], [sflag:$0x2] =	stream.linear.gather [hbm4b:s12+s3], $0x80, $0x38;
	[tilespmem:$0x1C000] =	vst v63  }
0xac: {  	s24 =	sadd.s32 $0x400, s24;
	s22 =	sadd.s32 $0x400, s22;
	s4 =	sadd.s32 s6, s4  }
0xad: {  	[tilespmem:s8], [sflag:$0x4] =	stream.linear.gather [hbm4b:s4+s3], $0x80, $0x38;
	[tilespmem:$0x1C000] =	vst v63  }
.LBB2_9:
0xae: {  	_ =	sfence.sel $0x180000  }
0xaf: {  	[bflag:$0x0] =	sbarrier.arrive $0xFFFF  }
0xb0: {  	_ =	strace $0x90000047  }
0xb1: {  	s0 =	stileid.u32;
	[bflag:$0x2] =	sbarrier.arrive $0xFFFF  }
0xb2: {  	p0 =	sne.s32 s0, $0x0;
	s0 =	rddreg [dreg:$0x2]  }
0xb3: {  	s0 =	sadd.s32 @!p0 $0x100000, s0  }
0xb4: {  	[sflag:s0] =	ssyncadd.tile.s32 @!p0 $0x1;
	_ =	shalt  }
.Lfunc_end2:
_tile_overlayer_lowered:
.L_overlay_start_2:
0xb5: {  	(tag) =	ssettag $0x2  }
0xb6: {  	s0 =	rddreg [dreg:$0x0];
	s2 =	stileid.u32  }
0xb7: {  	s1 =	rddreg [dreg:$0x1];
	p0 =	sne.s32 s2, $0x0  }
0xb8: {  	s3 =	rddreg [dreg:$0x2];
	[bflag:$0x3] =	sbarrier.arrive $0xFFFF;
	s2 =	simm.s32 @!p0 $0x1C09  }
0xb9: {  	[timem:s3], [sflag:s2] =	dma.local @!p0 [hbm:s0], s1  }
0xba: {  	s0 =	simm.s32 @!p0 $0x9  }
0xbb: {  	_ =	swait.ge @!p0 [sflag:s0], s1  }
0xbc: {  	s1 =	ssub.s32 @!p0 $0x0, s1;
	[sflag:s0] =	ssyncset.done @!p0 $0x0  }
0xbd: {  	[sflag:s0] =	ssyncadd.s32 @!p0 s1  }
0xbe: {  	[bflag:$0x3] =	sbarrier.arrive $0xFFFF  }
0xbf: {  	_ =	shalt  }

// kernel: kernel.9.cloned.1.call-start
scs
__scs_entry_jumppad:
0x0: {  	(pc) =	sbr.rel $0x88, $3  }
0x1: {  	(tag) =	ssettag $0x0;
	lr =	simm.s32 $0x1  }
0x2: {  	[smem:$0x3F8D] =	sst lr;
	_ =	strace $0xD0000000  }
0x3: {  	_ = 	snop  }
0x4: {  	_ = 	snop  }
0x5: {  	_ = 	snop  }
0x6: {  	_ = 	snop  }
0x7: {  	_ = 	snop  }
__scs_overlays_trampoline_lowered:
0x8: {  	[smem:$0x3F9C] =	sst s0  }
0x9: {  	[smem:$0x3F9D] =	sst s1  }
0xa: {  	[smem:$0x3F9E] =	sst s2  }
0xb: {  	[smem:$0x3F9F] =	sst s3  }
0xc: {  	[smem:$0x3FA0] =	sst s4  }
0xd: {  	[smem:$0x3FA1] =	sst s5  }
0xe: {  	[smem:$0x3FA2] =	sst s6  }
0xf: {  	[smem:$0x3FA3] =	sst s7  }
0x10: {  	[smem:$0x3FA4] =	sst s8  }
0x11: {  	[smem:$0x3FA5] =	sst s9;
	s0 =	simm.s32 @!p0 $0x0  }
0x12: {  	s1 =	sld [smem:$0x3F8B];
	s0 =	simm.s32 @p0 $0x1  }
0x13: {  	[smem:$0x3FA6] =	sst s0;
	s0 =	simm.s32 @!p1 $0x0  }
0x14: {  	s2 =	sld [smem:$0x3F8A];
	s0 =	simm.s32 @p1 $0x1  }
0x15: {  	[smem:$0x3FA7] =	sst s0;
	s0 =	simm.s32 @!p2 $0x0  }
0x16: {  	s3 =	sld [smem:$0x3FDB];
	s0 =	simm.s32 @p2 $0x1  }
0x17: {  	s4 =	simm.s32 $0x1BF5;
	[smem:$0x3FA9] =	sst s0  }
0x18: {  	s0 =	sld [smem:$0x3F8C];
	_ =	swait.ge [sflag:s4], $0x0  }
0x19: {  	s7 =	sld [smem:$0x3F8D]  }
0x1a: {  	s8 =	sadd.s32 $0xFFFFE003, lr  }
0x1b: {  	s9 =	sadd.s32 $0xFFFFFEF7, lr;
	s5 =	simm.s32 $0xFFFFFFFF;
	p2 =	slt.u32 s8, $0xFFFFF086  }
0x1c: {  	p1 =	slt.u32 s9, $0xF7A;
	s5 =	simm.s32 @!p2 $0x0  }
0x1d: {  	s5 =	simm.s32 @p1 $0x1;
	p0 =	seq.s32 s7, s2  }
0x1e: {  	s7 =	smul.u32 @!p0 $0xF7A, s2;
	p2 =	seq.s32 @!p0 s5, $0x0  }
0x1f: {  	s9 =	smul.u32 $0xF7A, s1;
	s8 =	simm.s32 @!p0 $0x1BF5;
	p2 =	por !p2, p0  }
0x20: {  	[sflag:s8] =	ssyncset.s32 @!p0 $0xFFFFF086;
	s6 =	sadd.s32 @!p0 s3, s7;
	s7 =	simm.s32 @!p0 $0x108  }
0x21: {  	s3 =	sadd.s32 s3, s9;
	s6 =	sadd.s32 @!p0 $0x88, s6;
	s7 =	simm.s32 @p2 $0x1082  }
0x22: {  	[simem:s7], [sflag:s8] =	dma.local @!p0 [hbm:s6], $0xF7A  }
0x23: {  	s9 =	sor.u32 $0xD0000000, s2;
	s6 =	simm.s32 $0x108;
	_ =	swait.ge @!p0 [sflag:s8], $0x0  }
0x24: {  	s3 =	sadd.s32 $0x88, s3;
	s6 =	simm.s32 @!p1 $0x1082;
	[sflag:s4] =	ssyncset.s32 $0xFFFFF086  }
0x25: {  	[simem:s6], [sflag:s4] =	dma.local [hbm:s3], $0xF7A  }
0x26: {  	[smem:$0x3F8D] =	sst s1;
	(tag) =	ssettag s2;
	_ =	strace s9  }
0x27: {  	s1 =	sld [smem:$0x3F9D]  }
0x28: {  	s2 =	sld [smem:$0x3F9E]  }
0x29: {  	s4 =	sld [smem:$0x3FA0]  }
0x2a: {  	p0 =	seq.s32 s5, $0x0;
	s5 =	sld [smem:$0x3FA1]  }
0x2b: {  	s6 =	sld [smem:$0x3FA2]  }
0x2c: {  	s7 =	sld [smem:$0x3FA3]  }
0x2d: {  	s3 =	simm.s32 $0x108;
	s8 =	sld [smem:$0x3FA4]  }
0x2e: {  	s3 =	simm.s32 @!p0 $0x1082;
	s9 =	sld [smem:$0x3FA5]  }
0x2f: {  	lr =	sadd.s32 s0, s3;
	s0 =	sld [smem:$0x3F9C]  }
0x30: {  	s3 =	sld [smem:$0x3F9F]  }
0x31: {  	[smem:$0x3FA8] =	sst s10  }
0x32: {  	s10 =	sld [smem:$0x3FA6];
	_ =	sdelay $0x3  }
0x33: {  	p0 =	seq.s32 s10, $0x1;
	s10 =	sld [smem:$0x3FA8];
	_ =	sdelay $0x3  }
0x34: {  	[smem:$0x3FA8] =	sst s10  }
0x35: {  	s10 =	sld [smem:$0x3FA7];
	_ =	sdelay $0x3  }
0x36: {  	p1 =	seq.s32 s10, $0x1;
	s10 =	sld [smem:$0x3FA8];
	_ =	sdelay $0x3  }
0x37: {  	[smem:$0x3FA8] =	sst s10  }
0x38: {  	s10 =	sld [smem:$0x3FA9]  }
0x39: {  	_ = 	snop;
	(pc) =	sbr.ind lr, $3  }
0x3a: {  	_ = 	snop  }
0x3b: {  	_ = 	snop  }
0x3c: {  	p2 =	seq.s32 s10, $0x1;
	s10 =	sld [smem:$0x3FA8]  }
0x3d: {  	_ =	shalt  }
0x3e: {  	_ =	shalt  }
0x3f: {  	_ =	shalt  }
0x40: {  	_ =	shalt  }
0x41: {  	_ =	shalt  }
0x42: {  	_ =	shalt  }
0x43: {  	_ =	shalt  }
0x44: {  	_ =	shalt  }
0x45: {  	_ =	shalt  }
0x46: {  	_ =	shalt  }
0x47: {  	_ =	shalt  }
0x48: {  	_ =	shalt  }
0x49: {  	_ =	shalt  }
0x4a: {  	_ =	shalt  }
0x4b: {  	_ =	shalt  }
0x4c: {  	_ =	shalt  }
0x4d: {  	_ =	shalt  }
0x4e: {  	_ =	shalt  }
0x4f: {  	_ =	shalt  }
0x50: {  	_ =	shalt  }
0x51: {  	_ =	shalt  }
0x52: {  	_ =	shalt  }
0x53: {  	_ =	shalt  }
0x54: {  	_ =	shalt  }
0x55: {  	_ =	shalt  }
0x56: {  	_ =	shalt  }
0x57: {  	_ =	shalt  }
0x58: {  	_ =	shalt  }
0x59: {  	_ =	shalt  }
0x5a: {  	_ =	shalt  }
0x5b: {  	_ =	shalt  }
0x5c: {  	_ =	shalt  }
0x5d: {  	_ =	shalt  }
0x5e: {  	_ =	shalt  }
0x5f: {  	_ =	shalt  }
0x60: {  	_ =	shalt  }
0x61: {  	_ =	shalt  }
0x62: {  	_ =	shalt  }
0x63: {  	_ =	shalt  }
0x64: {  	_ =	shalt  }
0x65: {  	_ =	shalt  }
0x66: {  	_ =	shalt  }
0x67: {  	_ =	shalt  }
0x68: {  	_ =	shalt  }
0x69: {  	_ =	shalt  }
0x6a: {  	_ =	shalt  }
0x6b: {  	_ =	shalt  }
0x6c: {  	_ =	shalt  }
0x6d: {  	_ =	shalt  }
0x6e: {  	_ =	shalt  }
0x6f: {  	_ =	shalt  }
0x70: {  	_ =	shalt  }
0x71: {  	_ =	shalt  }
0x72: {  	_ =	shalt  }
0x73: {  	_ =	shalt  }
0x74: {  	_ =	shalt  }
0x75: {  	_ =	shalt  }
0x76: {  	_ =	shalt  }
0x77: {  	_ =	shalt  }
0x78: {  	_ =	shalt  }
0x79: {  	_ =	shalt  }
0x7a: {  	_ =	shalt  }
0x7b: {  	_ =	shalt  }
0x7c: {  	_ =	shalt  }
0x7d: {  	_ =	shalt  }
0x7e: {  	_ =	shalt  }
0x7f: {  	_ =	shalt  }
0x80: {  	_ =	shalt  }
0x81: {  	_ =	shalt  }
0x82: {  	_ =	shalt  }
0x83: {  	_ =	shalt  }
0x84: {  	_ =	shalt  }
0x85: {  	_ =	shalt  }
0x86: {  	_ =	shalt  }
0x87: {  	_ =	shalt  }
.Lfunc_end0:
.L_simem_size_0:
called_computation.2_lowered:
.L_overlay_start_0:
0x88: {  	s2 =	sld [smem:$0x3FD9]  }
0x89: {  	s3 =	sld [smem:$0x3FFE];
	_ =	sdelay $0x1  }
0x8a: {  	s1 =	srdreg.scid  }
0x8b: {  	s0 =	sand.u32 $0x1, s1  }
0x8c: {  	s17 =	sshll.u32 s0, $0xA;
	s2 =	sadd.s32 s3, s2  }
0x8d: {  	s2 =	sadd.s32 s2, s17  }
0x8e: {  	[smem:$0x3FB4] =	sst s2  }
0x8f: {  	_ = 	snop  }
0x90: {  	s2 =	sld [smem:$0x3FD0];
	(tm) =	ssettm $0x1  }
0x91: {  	s18 =	sld [smem:$0x3FFB];
	_ =	sdelay $0x3  }
0x92: {  	_ =	strace s18  }
0x93: {  	s3 =	sld [smem:$0x3FFC];
	_ =	sdelay $0x3  }
0x94: {  	_ =	strace s3  }
0x95: {  	s3 =	sld [smem:$0x3FFD];
	_ =	sdelay $0x3  }
0x96: {  	_ =	strace s3  }
0x97: {  	_ =	strace $0x8FFFFFFF  }
0x98: {  	s19 =	sld [smem:$0x3FDB];
	_ =	sdelay $0x1  }
0x99: {  	s4 =	simm.s32 $_scs_section_size  }
0x9a: {  	s5 =	simm.s32 $_size__tile_overlayer_lowered;
	s6 =	simm.s32 $_tile_overlayer_lowered  }
0x9b: {  	s22 =	simm.s32 $0x1BFF;
	s21 =	sshll.u32 s6, $0x1;
	s3 =	sadd.s32 s4, s19  }
0x9c: {  	s7 =	simm.s32 $0x0;
	s20 =	sshll.u32 s5, $0x1;
	s5 =	sadd.s32 s21, s3  }
0x9d: {  	[timem:s7], [sflag:s22] =	dma.local [hbm:s5], s20  }
0x9e: {  	_ =	swait.ge [sflag:s22], s20  }
0x9f: {  	s4 =	ssub.s32 $0x0, s20;
	[sflag:s22] =	ssyncset.done $0x0  }
0xa0: {  	[sflag:s22] =	ssyncadd.s32 s4;
	_ =	sdelay $0x1  }
0xa1: {  	s23 =	simm.s32 $0x1B8B  }
0xa2: {  	_ =	swait.ge [sflag:s23], $0x1  }
0xa3: {  	[sflag:s23] =	ssyncset.done $0x0  }
0xa4: {  	s25 =	simm.s32 $0x1B8E;
	s24 =	sld [smem:$0x3FFE];
	[sflag:s23] =	ssyncadd.s32 $0xFFFFFFFF  }
0xa5: {  	s26 =	simm.s32 $execute0_lowered;
	[smem:$0x3FD2] =	sst s25  }
0xa6: {  	s5 =	sshll.u32 s26, $0x1;
	_ =	strace $0x8000004C;
	[dreg:$0x1] =	wrdreg $0xFFFFFFFF  }
0xa7: {  	s28 =	simm.s32 $_size_execute0_lowered;
	s3 =	sadd.s32 s3, s5;
	[dreg:$0x0] =	wrdreg $0x0  }
0xa8: {  	s5 =	sshll.u32 s28, $0x1;
	[dreg:$0x2] =	wrdreg s3  }
0xa9: {  	[dreg:$0x3] =	wrdreg s5  }
0xaa: {  	[dreg:$0x4] =	wrdreg $0xC0  }
0xab: {  	_ =	task [dreg:s7], $0x5FFFF  }
0xac: {  	[dreg:$0x1] =	wrdreg $0xFFFFFFFF  }
0xad: {  	[dreg:$0x0] =	wrdreg $0x60  }
0xae: {  	[dreg:$0x2] =	wrdreg s24  }
0xaf: {  	[dreg:$0x3] =	wrdreg s2  }
0xb0: {  	[dreg:$0x4] =	wrdreg $0x0  }
0xb1: {  	[dreg:$0x5] =	wrdreg $0x9  }
0xb2: {  	_ =	task.clear_ibuf [dreg:s7], $0x6FFFF;
	_ =	strace $0x9000004C  }
0xb3: {  	s29 =	simm.s32 $0x9;
	_ =	strace $0x8000004E  }
0xb4: {  	_ =	swait.ge [sflag:s29], $0x1  }
0xb5: {  	[sflag:s29] =	ssyncadd.s32 $0xFFFFFFFF  }
0xb6: {  	_ =	strace $0x9000004E  }
0xb7: {  	_ =	sfence  }
0xb8: {  	s30 =	sld [smem:$0x0];
	_ =	sdelay $0x2  }
0xb9: {  	s31 =	sshll.u32 s1, $0xD;
	s1 =	sshrl.u32 s1, $0x2  }
0xba: {  	s3 =	sand.u32 $0x4000, s31;
	s1 =	sadd.s32 s1, s30  }
0xbb: {  	s0 =	sor.u32 s3, s0;
	s1 =	sshll.u32 s1, $0x11  }
0xbc: {  	s0 =	sor.u32 s1, s0  }
0xbd: {  	s0 =	sadd.s32 $0x8F2B, s0  }
0xbe: {  	[sflag:s0] =	ssyncadd.remote.s32 $0x1  }
0xbf: {  	_ =	sfence.sel $0xFFFF  }
0xc0: {  	[dreg:$0x0] =	wrdreg $0xFFFFFFFF;
	(pc) =	sbr.abs _section_cstart, $3  }
0xc1: {  	[dreg:$0x1] =	wrdreg $0xFFFFFFFF  }
0xc2: {  	_ =	task.clear_ibuf [dreg:s7], $0x2FFFF;
	_ =	strace $0x9FFFFFFF  }
0xc3: {  	(tm) =	ssettm $0x7FFFFFFF  }
tec
execute0_lowered:
.L_overlay_start_1:
0x0: {  	(tag) =	ssettag $0x1  }
0x1: {  	s0 =	rddreg [dreg:$0x0]  }
0x2: {  	s1 =	rddreg [dreg:$0x1]  }
0x3: {  	s2 =	rddreg [dreg:$0x2]  }
0x4: {  	s3 =	simm.s32 $0x0;
	s4 =	srdreg.scid;
	s15 =	stileid.u32  }
0x5: {  	s28 =	simm.s32 $0x18700;
	s29 =	simm.s32 $0x5;
	s30 =	simm.s32 $0x19E00  }
0x6: {  	s31 =	simm.s32 $0x19F00;
	[smem:$0x7FF] =	sst s3;
	s5 =	sadd.s32 $0x806400, s0  }
0x7: {  	s4 =	sand.u32 $0x1, s4;
	s7 =	sadd.s32 $0x1BAE00, s0;
	s0 =	sadd.s32 $0x34400, s0  }
0x8: {  	s10 =	smul.u32 $0x1870, s15;
	s11 =	sshll.u32 s15, $0x4;
	s12 =	sor.u32 $0x10, s15  }
0x9: {  	s13 =	sor.u32 $0x1860, s15;
	s26 =	sadd.s32 $0x186A, s15;
	s17 =	sadd.s32 $0x187A, s15  }
0xa: {  	s20 =	smul.u32 $0x61C00, s15;
	p0 =	sgt.u32 s15, $0x9;
	_ =	strace $0x8000004D  }
0xb: {  	s6 =	ssub.s32 $0x2, s4;
	s8 =	smul.u32 $0x30D4, s4;
	s23 =	sadd.s32 s7, s11  }
0xc: {  	s25 =	sshll.u32 s13, $0x4;
	s16 =	smul.u32 $0x30E00, s4;
	s9 =	sshrl.u32 s6, $0x1  }
0xd: {  	s18 =	sshll.u32 s17, $0x4;
	s4 =	smul.u32 $0x61C00, s4;
	s9 =	ssub.s32 s6, s9  }
0xe: {  	s21 =	sadd.s32 s15, s8;
	s22 =	sadd.s32 s12, s8;
	s12 =	sshll.u32 s12, $0x4  }
0xf: {  	s24 =	sadd.s32 s13, s8;
	s14 =	sadd.s32 s26, s8;
	s13 =	sshll.u32 s26, $0x4  }
0x10: {  	s4 =	sadd.s32 s4, s0;
	s6 =	sshll.u32 s21, $0x8;
	s11 =	sshll.u32 s22, $0x8  }
0x11: {  	s12 =	sadd.s32 s7, s12;
	s13 =	sadd.s32 s7, s13;
	s21 =	smax.u32 s9, $0x1  }
0x12: {  	s22 =	sshrl.u32 s20, $0x2;
	s20 =	sadd.s32 $0x300, s23;
	s9 =	simm.s32 $0x80  }
0x13: {  	s6 =	sadd.s32 s5, s6;
	[dreg:$0x4] =	wrdreg s12;
	s11 =	sadd.s32 s5, s11  }
0x14: {  	s12 =	sadd.s32 s7, s25;
	[dreg:$0x8] =	wrdreg s13;
	s13 =	sadd.s32 s7, s18  }
0x15: {  	[dreg:$0xe] =	wrdreg s21;
	s18 =	sadd.s32 s22, s2;
	s25 =	sadd.s32 s10, s16  }
0x16: {  	s16 =	smov.u32 s23;
	s23 =	sadd.s32 $0x189A0, s23;
	[dreg:$0x5] =	wrdreg s11  }
0x17: {  	s10 =	simm.s32 $0x2;
	s11 =	sshll.u32 s24, $0x8;
	[dreg:$0x6] =	wrdreg s12  }
0x18: {  	[dreg:$0xa] =	wrdreg s13;
	s24 =	smul.u32 $0x30E0, s15;
	s21 =	sadd.s32 $0x2000, s6  }
0x19: {  	s26 =	sshll.u32 s25, $0x1;
	s12 =	simm.s32 $0x0;
	s11 =	sadd.s32 s5, s11  }
0x1a: {  	s0 =	sadd.s32 s0, s26;
	s26 =	sadd.s32 $0x188A00, s6;
	[dreg:$0x7] =	wrdreg s11  }
0x1b: {  	s11 =	sshll.u32 s14, $0x8;
	s14 =	sadd.s32 $0x30CA, s15;
	s22 =	sadd.s32 s24, s4  }
0x1c: {  	s24 =	sadd.s32 $0x189A00, s6;
	s25 =	sadd.s32 $0x30E00, s0;
	s0 =	simm.s32 $0x19E80  }
0x1d: {  	s4 =	simm.s32 $0x1A700;
	s11 =	sadd.s32 s5, s11;
	s19 =	sshll.u32 s14, $0x4  }
0x1e: {  	[dreg:$0x9] =	wrdreg s11;
	s11 =	sadd.s32 s17, s8;
	s8 =	sadd.s32 s14, s8  }
0x1f: {  	s7 =	sadd.s32 s7, s19;
	s19 =	sadd.s32 $0x3000, s6;
	s11 =	sshll.u32 s11, $0x8  }
0x20: {  	s8 =	sshll.u32 s8, $0x8;
	[dreg:$0xc] =	wrdreg s7;
	s11 =	sadd.s32 s5, s11  }
0x21: {  	s7 =	simm.s32 $0x1;
	s5 =	sadd.s32 s5, s8;
	[dreg:$0xb] =	wrdreg s11  }
0x22: {  	s8 =	simm.s32 $0x3;
	[dreg:$0xd] =	wrdreg s5;
	s11 =	simm.s32 $0x4  }
.LBB2_1:
0x23: {  	[tilespmem:s28], [sflag:$0x5] =	stream.linear.gather [hbm4b:s1+s3], $0x1700, $0x38;
	[tilespmem:$0x1AF00] =	vst v63  }
0x24: {  	_ =	swait.ge [sflag:s29], $0x1700  }
0x25: {  	[sflag:s29] =	ssyncset.done $0x0  }
0x26: {  	s5 =	sadd.s32 $0x0, s18;
	[sflag:s29] =	ssyncadd.s32 $0xFFFFE900  }
0x27: {  	[spmem:s5] =	stream.linear.scatter [tilespmem:s28], [sflag:$0x5], $0x1700, $0x38;
	[tilespmem:$0x1AF00] =	vst v63  }
0x28: {  	_ =	swait.ge [sflag:s29], $0x1700  }
0x29: {  	s5 =	simm.s32 $0x5C00;
	[sflag:s29] =	ssyncset.done $0x0  }
.LBB2_2:
0x2a: {  	p1 =	sne.s32 s5, $0x5C000  }
0x2b: {  	[sflag:s29] =	ssyncadd.s32 $0xFFFFE900;
	s13 =	smov.u32 s5;
	s5 =	sadd.s32 $0x5C00, s5  }
0x2c: {  	[tilespmem:s28], [sflag:$0x5] =	stream.linear.gather [hbm4b:s1+s3], $0x1700, $0x38;
	[tilespmem:$0x1AF00] =	vst v63  }
0x2d: {  	_ =	swait.ge [sflag:s29], $0x1700  }
.Ltmp0:
0x2e: {  	s13 =	sshra.s32 s13, $0x2;
	[sflag:s29] =	ssyncset.done $0x0;
	(pc) =	sbr.rel @p1 .LBB2_2-.Ltmp0, $4  }
0x2f: {  	s13 =	sadd.s32 s13, s18;
	[sflag:s29] =	ssyncadd.s32 $0xFFFFE900  }
0x30: {  	[spmem:s13] =	stream.linear.scatter [tilespmem:s28], [sflag:$0x5], $0x1700, $0x38;
	[tilespmem:$0x1AF00] =	vst v63  }
0x31: {  	_ =	swait.ge [sflag:s29], $0x1700  }
0x32: {  	[sflag:s29] =	ssyncset.done $0x0  }
0x33: {  	[sflag:s29] =	ssyncadd.s32 $0xFFFFE900  }
0x34: {  	s5 =	simm.s32 $0x0;
	[bflag:$0x0] =	sbarrier.arrive $0xFFFF  }
0x35: {  	[tilespmem:s30], [sflag:$0x1] =	stream.linear.gather [hbm4b:s16+s5], $0x80, $0x38;
	[tilespmem:$0x1AF00] =	vst v63  }
0x36: {  	_ = 	snop  }
0x37: {  	[tilespmem:s31], [sflag:$0x3] =	stream.linear.gather [hbm4b:s6+s5], $0x800, $0x38;
	[tilespmem:$0x1AF00] =	vst v63  }
0x38: {  	s13 =	rddreg [dreg:$0x4]  }
0x39: {  	[tilespmem:s0], [sflag:$0x2] =	stream.linear.gather [hbm4b:s13+s5], $0x80, $0x38;
	[tilespmem:$0x1AF00] =	vst v63  }
0x3a: {  	s14 =	rddreg [dreg:$0x5]  }
0x3b: {  	[tilespmem:s4], [sflag:$0x4] =	stream.linear.gather [hbm4b:s14+s5], $0x800, $0x38;
	[tilespmem:$0x1AF00] =	vst v63  }
0x3c: {  	_ =	swait.ge [sflag:s7], $0x80  }
0x3d: {  	[sflag:s7] =	ssyncset.done $0x0  }
0x3e: {  	[sflag:s7] =	ssyncadd.s32 $0xFFFFFF80  }
0x3f: {  	_ =	swait.ge [sflag:s8], $0x800  }
0x40: {  	[sflag:s8] =	ssyncset.done $0x0  }
0x41: {  	[sflag:s8] =	ssyncadd.s32 $0xFFFFF800  }
0x42: {  	[spmem:s2] =	stream.indirect.scatter.add.bf16 [tilespmem:s31], [sflag:$0x5], $0x10, s30, s9, $0xb8;
	[tilespmem:$0x1AF00] =	vst v63  }
0x43: {  	_ =	swait.ge [sflag:s29], $0x800  }
0x44: {  	[sflag:s29] =	ssyncset.done $0x0  }
0x45: {  	s15 =	sadd.s32 $0xFFFFFF00, s20;
	[sflag:s29] =	ssyncadd.s32 $0xFFFFF800  }
0x46: {  	[tilespmem:s30], [sflag:$0x1] =	stream.linear.gather [hbm4b:s15+s3], $0x80, $0x38;
	[tilespmem:$0x1AF00] =	vst v63  }
0x47: {  	s17 =	sadd.s32 $0x0, s21  }
0x48: {  	[tilespmem:s31], [sflag:$0x3] =	stream.linear.gather [hbm4b:s17+s3], $0x800, $0x38;
	[tilespmem:$0x1AF00] =	vst v63  }
0x49: {  	_ =	swait.ge [sflag:s10], $0x80  }
0x4a: {  	[sflag:s10] =	ssyncset.done $0x0  }
0x4b: {  	[sflag:s10] =	ssyncadd.s32 $0xFFFFFF80  }
0x4c: {  	_ =	swait.ge [sflag:s11], $0x800  }
0x4d: {  	[sflag:s11] =	ssyncset.done $0x0  }
0x4e: {  	[sflag:s11] =	ssyncadd.s32 $0xFFFFF800  }
0x4f: {  	[spmem:s2] =	stream.indirect.scatter.add.bf16 [tilespmem:s4], [sflag:$0x5], $0x10, s0, s9, $0xb8;
	[tilespmem:$0x1AF00] =	vst v63  }
0x50: {  	_ =	swait.ge [sflag:s29], $0x800  }
0x51: {  	s13 =	simm.s32 $0x2000;
	[sflag:s29] =	ssyncset.done $0x0  }
0x52: {  	s14 =	sadd.s32 $0x0, s19;
	s5 =	sadd.s32 $0x200, s20;
	[sflag:s29] =	ssyncadd.s32 $0xFFFFF800  }
0x53: {  	[tilespmem:s0], [sflag:$0x2] =	stream.linear.gather [hbm4b:s20+s3], $0x80, $0x38;
	[tilespmem:$0x1AF00] =	vst v63  }
.LBB2_4:
0x54: {  	[tilespmem:s4], [sflag:$0x4] =	stream.linear.gather [hbm4b:s14+s3], $0x800, $0x38;
	[tilespmem:$0x1AF00] =	vst v63  }
0x55: {  	s14 =	smov.u32 s13  }
0x56: {  	p1 =	sne.s32 s13, $0x182000;
	s13 =	sadd.s32 $0x2000, s13;
	_ =	swait.ge [sflag:s7], $0x80  }
0x57: {  	[sflag:s7] =	ssyncset.done $0x0  }
0x58: {  	[sflag:s7] =	ssyncadd.s32 $0xFFFFFF80  }
0x59: {  	_ =	swait.ge [sflag:s8], $0x800  }
0x5a: {  	[sflag:s8] =	ssyncset.done $0x0  }
0x5b: {  	[sflag:s8] =	ssyncadd.s32 $0xFFFFF800  }
0x5c: {  	[spmem:s2] =	stream.indirect.scatter.add.bf16 [tilespmem:s31], [sflag:$0x5], $0x10, s30, s9, $0xb8;
	[tilespmem:$0x1AF00] =	vst v63  }
0x5d: {  	_ =	swait.ge [sflag:s29], $0x800  }
0x5e: {  	[sflag:s29] =	ssyncset.done $0x0  }
0x5f: {  	s15 =	sadd.s32 $0xFFFFFF00, s5;
	[sflag:s29] =	ssyncadd.s32 $0xFFFFF800  }
0x60: {  	[tilespmem:s30], [sflag:$0x1] =	stream.linear.gather [hbm4b:s15+s3], $0x80, $0x38;
	[tilespmem:$0x1AF00] =	vst v63  }
0x61: {  	s15 =	sadd.s32 s14, s21  }
0x62: {  	[tilespmem:s31], [sflag:$0x3] =	stream.linear.gather [hbm4b:s15+s3], $0x800, $0x38;
	[tilespmem:$0x1AF00] =	vst v63  }
0x63: {  	_ =	swait.ge [sflag:s10], $0x80  }
0x64: {  	[sflag:s10] =	ssyncset.done $0x0  }
0x65: {  	[sflag:s10] =	ssyncadd.s32 $0xFFFFFF80  }
0x66: {  	_ =	swait.ge [sflag:s11], $0x800  }
0x67: {  	[sflag:s11] =	ssyncset.done $0x0  }
0x68: {  	[sflag:s11] =	ssyncadd.s32 $0xFFFFF800  }
0x69: {  	[spmem:s2] =	stream.indirect.scatter.add.bf16 [tilespmem:s4], [sflag:$0x5], $0x10, s0, s9, $0xb8;
	[tilespmem:$0x1AF00] =	vst v63  }
.Ltmp1:
0x6a: {  	_ =	swait.ge [sflag:s29], $0x800;
	(pc) =	sbr.rel @p1 .LBB2_4-.Ltmp1, $4  }
0x6b: {  	[sflag:s29] =	ssyncset.done $0x0  }
0x6c: {  	[sflag:s29] =	ssyncadd.s32 $0xFFFFF800  }
0x6d: {  	[tilespmem:s0], [sflag:$0x2] =	stream.linear.gather [hbm4b:s5+s3], $0x80, $0x38;
	[tilespmem:$0x1AF00] =	vst v63  }
0x6e: {  	s14 =	sadd.s32 s14, s19;
	s5 =	sadd.s32 $0x200, s5  }
0x6f: {  	[tilespmem:s4], [sflag:$0x4] =	stream.linear.gather [hbm4b:s14+s3], $0x800, $0x38;
	[tilespmem:$0x1AF00] =	vst v63  }
0x70: {  	_ =	swait.ge [sflag:s7], $0x80  }
0x71: {  	[sflag:s7] =	ssyncset.done $0x0  }
0x72: {  	[sflag:s7] =	ssyncadd.s32 $0xFFFFFF80  }
0x73: {  	_ =	swait.ge [sflag:s8], $0x800  }
0x74: {  	[sflag:s8] =	ssyncset.done $0x0  }
0x75: {  	[sflag:s8] =	ssyncadd.s32 $0xFFFFF800  }
0x76: {  	[spmem:s2] =	stream.indirect.scatter.add.bf16 [tilespmem:s31], [sflag:$0x5], $0x10, s30, s9, $0xb8;
	[tilespmem:$0x1AF00] =	vst v63  }
0x77: {  	_ =	swait.ge [sflag:s29], $0x800  }
0x78: {  	[sflag:s29] =	ssyncset.done $0x0  }
0x79: {  	[sflag:s29] =	ssyncadd.s32 $0xFFFFF800  }
0x7a: {  	_ =	swait.ge [sflag:s10], $0x80  }
0x7b: {  	[sflag:s10] =	ssyncset.done $0x0  }
0x7c: {  	[sflag:s10] =	ssyncadd.s32 $0xFFFFFF80  }
0x7d: {  	_ =	swait.ge [sflag:s11], $0x800  }
0x7e: {  	[sflag:s11] =	ssyncset.done $0x0  }
0x7f: {  	[sflag:s11] =	ssyncadd.s32 $0xFFFFF800  }
0x80: {  	[spmem:s2] =	stream.indirect.scatter.add.bf16 [tilespmem:s4], [sflag:$0x5], $0x10, s0, s9, $0xb8;
	[tilespmem:$0x1AF00] =	vst v63  }
0x81: {  	_ =	swait.ge [sflag:s29], $0x800  }
0x82: {  	s5 =	simm.s32 @!p0 $0x0;
	[sflag:s29] =	ssyncset.done $0x0  }
0x83: {  	s13 =	simm.s32 @!p0 $0x19E00;
	s14 =	rddreg [dreg:$0x6];
	[sflag:s29] =	ssyncadd.s32 $0xFFFFF800  }
0x84: {  	[tilespmem:s13], [sflag:$0x5] =	stream.linear.gather @!p0 [hbm4b:s14+s5], $0x80, $0x38;
	[tilespmem:$0x1AF00] =	vst v63  }
0x85: {  	s14 =	simm.s32 @!p0 $0x5  }
0x86: {  	_ =	swait.ge @!p0 [sflag:s14], $0x80  }
0x87: {  	[sflag:s14] =	ssyncset.done @!p0 $0x0  }
0x88: {  	s15 =	simm.s32 @!p0 $0x19F00;
	s17 =	rddreg [dreg:$0x7];
	[sflag:s14] =	ssyncadd.s32 @!p0 $0xFFFFFF80  }
0x89: {  	[tilespmem:s15], [sflag:$0x5] =	stream.linear.gather @!p0 [hbm4b:s17+s5], $0x800, $0x38;
	[tilespmem:$0x1AF00] =	vst v63  }
0x8a: {  	_ =	swait.ge @!p0 [sflag:s14], $0x800  }
0x8b: {  	[sflag:s14] =	ssyncset.done @!p0 $0x0  }
0x8c: {  	s5 =	simm.s32 @!p0 $0x80;
	[sflag:s14] =	ssyncadd.s32 @!p0 $0xFFFFF800  }
0x8d: {  	[spmem:s2] =	stream.indirect.scatter.add.bf16 @!p0 [tilespmem:s15], [sflag:$0x5], $0x10, s13, s5, $0xb8;
	[tilespmem:$0x1AF00] =	vst v63  }
0x8e: {  	_ =	swait.ge @!p0 [sflag:s14], $0x800  }
0x8f: {  	[sflag:s14] =	ssyncset.done @!p0 $0x0  }
0x90: {  	[sflag:s14] =	ssyncadd.s32 @!p0 $0xFFFFF800  }
0x91: {  	[bflag:$0x0] =	sbarrier.arrive $0xFFFF  }
0x92: {  	[tilespmem:s28], [sflag:$0x5] =	stream.linear.gather [spmem:s18], $0x1700, $0x38;
	[tilespmem:$0x1AF00] =	vst v63  }
0x93: {  	_ =	swait.ge [sflag:s29], $0x1700  }
0x94: {  	[sflag:s29] =	ssyncset.done $0x0  }
0x95: {  	s17 =	sadd.s32 $0x0, s22;
	[sflag:s29] =	ssyncadd.s32 $0xFFFFE900  }
0x96: {  	[hbm4b:s17+s3] =	stream.linear.scatter [tilespmem:s28], [sflag:$0x5], $0x1700, $0x38;
	[tilespmem:$0x1AF00] =	vst v63  }
0x97: {  	_ =	swait.ge [sflag:s29], $0x1700  }
0x98: {  	s5 =	simm.s32 $0x2E0;
	s13 =	smov.u32 s18;
	[sflag:s29] =	ssyncset.done $0x0  }
.LBB2_6:
0x99: {  	p1 =	sne.s32 s5, $0x2E00;
	[sflag:s29] =	ssyncadd.s32 $0xFFFFE900;
	s13 =	sadd.s32 $0x1700, s13  }
0x9a: {  	[tilespmem:s28], [sflag:$0x5] =	stream.linear.gather [spmem:s13], $0x1700, $0x38;
	[tilespmem:$0x1AF00] =	vst v63  }
0x9b: {  	s14 =	smov.u32 s5;
	s5 =	sadd.s32 $0x2E0, s5;
	_ =	swait.ge [sflag:s29], $0x1700  }
.Ltmp2:
0x9c: {  	[sflag:s29] =	ssyncset.done $0x0;
	(pc) =	sbr.rel @p1 .LBB2_6-.Ltmp2, $4  }
0x9d: {  	s14 =	sadd.s32 s14, s22;
	[sflag:s29] =	ssyncadd.s32 $0xFFFFE900  }
0x9e: {  	[hbm4b:s14+s3] =	stream.linear.scatter [tilespmem:s28], [sflag:$0x5], $0x1700, $0x38;
	[tilespmem:$0x1AF00] =	vst v63  }
0x9f: {  	_ =	swait.ge [sflag:s29], $0x1700  }
0xa0: {  	[sflag:s29] =	ssyncset.done $0x0  }
0xa1: {  	[sflag:s29] =	ssyncadd.s32 $0xFFFFE900  }
0xa2: {  	[bflag:$0x0] =	sbarrier.arrive $0xFFFF  }
0xa3: {  	[tilespmem:s28], [sflag:$0x5] =	stream.linear.gather [hbm4b:s1+s3], $0x1700, $0x38;
	[tilespmem:$0x1AF00] =	vst v63  }
0xa4: {  	_ =	swait.ge [sflag:s29], $0x1700  }
0xa5: {  	[sflag:s29] =	ssyncset.done $0x0  }
0xa6: {  	s5 =	sadd.s32 $0x0, s18;
	[sflag:s29] =	ssyncadd.s32 $0xFFFFE900  }
0xa7: {  	[spmem:s5] =	stream.linear.scatter [tilespmem:s28], [sflag:$0x5], $0x1700, $0x38;
	[tilespmem:$0x1AF00] =	vst v63  }
0xa8: {  	_ =	swait.ge [sflag:s29], $0x1700  }
0xa9: {  	s5 =	simm.s32 $0x5C00;
	[sflag:s29] =	ssyncset.done $0x0  }
.LBB2_8:
0xaa: {  	p1 =	sne.s32 s5, $0x5C000  }
0xab: {  	[sflag:s29] =	ssyncadd.s32 $0xFFFFE900;
	s13 =	smov.u32 s5;
	s5 =	sadd.s32 $0x5C00, s5  }
0xac: {  	[tilespmem:s28], [sflag:$0x5] =	stream.linear.gather [hbm4b:s1+s3], $0x1700, $0x38;
	[tilespmem:$0x1AF00] =	vst v63  }
0xad: {  	_ =	swait.ge [sflag:s29], $0x1700  }
.Ltmp3:
0xae: {  	s13 =	sshra.s32 s13, $0x2;
	[sflag:s29] =	ssyncset.done $0x0;
	(pc) =	sbr.rel @p1 .LBB2_8-.Ltmp3, $4  }
0xaf: {  	s13 =	sadd.s32 s13, s18;
	[sflag:s29] =	ssyncadd.s32 $0xFFFFE900  }
0xb0: {  	[spmem:s13] =	stream.linear.scatter [tilespmem:s28], [sflag:$0x5], $0x1700, $0x38;
	[tilespmem:$0x1AF00] =	vst v63  }
0xb1: {  	_ =	swait.ge [sflag:s29], $0x1700  }
0xb2: {  	[sflag:s29] =	ssyncset.done $0x0  }
0xb3: {  	[sflag:s29] =	ssyncadd.s32 $0xFFFFE900  }
0xb4: {  	[bflag:$0x0] =	sbarrier.arrive $0xFFFF  }
0xb5: {  	s5 =	simm.s32 $0x0;
	s13 =	rddreg [dreg:$0x8]  }
0xb6: {  	[tilespmem:s30], [sflag:$0x1] =	stream.linear.gather [hbm4b:s13+s5], $0x80, $0x38;
	[tilespmem:$0x1AF00] =	vst v63  }
0xb7: {  	s15 =	rddreg [dreg:$0x9]  }
0xb8: {  	[tilespmem:s31], [sflag:$0x3] =	stream.linear.gather [hbm4b:s15+s5], $0x800, $0x38;
	[tilespmem:$0x1AF00] =	vst v63  }
0xb9: {  	s17 =	rddreg [dreg:$0xa]  }
0xba: {  	[tilespmem:s0], [sflag:$0x2] =	stream.linear.gather [hbm4b:s17+s5], $0x80, $0x38;
	[tilespmem:$0x1AF00] =	vst v63  }
0xbb: {  	s14 =	rddreg [dreg:$0xb]  }
0xbc: {  	[tilespmem:s4], [sflag:$0x4] =	stream.linear.gather [hbm4b:s14+s5], $0x800, $0x38;
	[tilespmem:$0x1AF00] =	vst v63  }
0xbd: {  	_ =	swait.ge [sflag:s7], $0x80  }
0xbe: {  	[sflag:s7] =	ssyncset.done $0x0  }
0xbf: {  	[sflag:s7] =	ssyncadd.s32 $0xFFFFFF80  }
0xc0: {  	_ =	swait.ge [sflag:s8], $0x800  }
0xc1: {  	[sflag:s8] =	ssyncset.done $0x0  }
0xc2: {  	[sflag:s8] =	ssyncadd.s32 $0xFFFFF800  }
0xc3: {  	[spmem:s2] =	stream.indirect.scatter.add.bf16 [tilespmem:s31], [sflag:$0x5], $0x10, s30, s9, $0xb8;
	[tilespmem:$0x1AF00] =	vst v63  }
0xc4: {  	_ =	swait.ge [sflag:s29], $0x800  }
0xc5: {  	[sflag:s29] =	ssyncset.done $0x0  }
0xc6: {  	s15 =	sadd.s32 $0xFFFFFF00, s23;
	[sflag:s29] =	ssyncadd.s32 $0xFFFFF800  }
0xc7: {  	[tilespmem:s30], [sflag:$0x1] =	stream.linear.gather [hbm4b:s15+s3], $0x80, $0x38;
	[tilespmem:$0x1AF00] =	vst v63  }
0xc8: {  	s17 =	sadd.s32 $0x0, s26  }
0xc9: {  	[tilespmem:s31], [sflag:$0x3] =	stream.linear.gather [hbm4b:s17+s3], $0x800, $0x38;
	[tilespmem:$0x1AF00] =	vst v63  }
0xca: {  	_ =	swait.ge [sflag:s10], $0x80  }
0xcb: {  	[sflag:s10] =	ssyncset.done $0x0  }
0xcc: {  	[sflag:s10] =	ssyncadd.s32 $0xFFFFFF80  }
0xcd: {  	_ =	swait.ge [sflag:s11], $0x800  }
0xce: {  	[sflag:s11] =	ssyncset.done $0x0  }
0xcf: {  	[sflag:s11] =	ssyncadd.s32 $0xFFFFF800  }
0xd0: {  	[spmem:s2] =	stream.indirect.scatter.add.bf16 [tilespmem:s4], [sflag:$0x5], $0x10, s0, s9, $0xb8;
	[tilespmem:$0x1AF00] =	vst v63  }
0xd1: {  	_ =	swait.ge [sflag:s29], $0x800  }
0xd2: {  	s13 =	simm.s32 $0x2000;
	[sflag:s29] =	ssyncset.done $0x0  }
0xd3: {  	s14 =	sadd.s32 $0x0, s24;
	s5 =	sadd.s32 $0x200, s23;
	[sflag:s29] =	ssyncadd.s32 $0xFFFFF800  }
0xd4: {  	[tilespmem:s0], [sflag:$0x2] =	stream.linear.gather [hbm4b:s23+s3], $0x80, $0x38;
	[tilespmem:$0x1AF00] =	vst v63  }
.LBB2_10:
0xd5: {  	[tilespmem:s4], [sflag:$0x4] =	stream.linear.gather [hbm4b:s14+s3], $0x800, $0x38;
	[tilespmem:$0x1AF00] =	vst v63  }
0xd6: {  	s14 =	smov.u32 s13  }
0xd7: {  	p1 =	sne.s32 s13, $0x182000;
	s13 =	sadd.s32 $0x2000, s13;
	_ =	swait.ge [sflag:s7], $0x80  }
0xd8: {  	[sflag:s7] =	ssyncset.done $0x0  }
0xd9: {  	[sflag:s7] =	ssyncadd.s32 $0xFFFFFF80  }
0xda: {  	_ =	swait.ge [sflag:s8], $0x800  }
0xdb: {  	[sflag:s8] =	ssyncset.done $0x0  }
0xdc: {  	[sflag:s8] =	ssyncadd.s32 $0xFFFFF800  }
0xdd: {  	[spmem:s2] =	stream.indirect.scatter.add.bf16 [tilespmem:s31], [sflag:$0x5], $0x10, s30, s9, $0xb8;
	[tilespmem:$0x1AF00] =	vst v63  }
0xde: {  	_ =	swait.ge [sflag:s29], $0x800  }
0xdf: {  	[sflag:s29] =	ssyncset.done $0x0  }
0xe0: {  	s15 =	sadd.s32 $0xFFFFFF00, s5;
	[sflag:s29] =	ssyncadd.s32 $0xFFFFF800  }
0xe1: {  	[tilespmem:s30], [sflag:$0x1] =	stream.linear.gather [hbm4b:s15+s3], $0x80, $0x38;
	[tilespmem:$0x1AF00] =	vst v63  }
0xe2: {  	s15 =	sadd.s32 s14, s26  }
0xe3: {  	[tilespmem:s31], [sflag:$0x3] =	stream.linear.gather [hbm4b:s15+s3], $0x800, $0x38;
	[tilespmem:$0x1AF00] =	vst v63  }
0xe4: {  	_ =	swait.ge [sflag:s10], $0x80  }
0xe5: {  	[sflag:s10] =	ssyncset.done $0x0  }
0xe6: {  	[sflag:s10] =	ssyncadd.s32 $0xFFFFFF80  }
0xe7: {  	_ =	swait.ge [sflag:s11], $0x800  }
0xe8: {  	[sflag:s11] =	ssyncset.done $0x0  }
0xe9: {  	[sflag:s11] =	ssyncadd.s32 $0xFFFFF800  }
0xea: {  	[spmem:s2] =	stream.indirect.scatter.add.bf16 [tilespmem:s4], [sflag:$0x5], $0x10, s0, s9, $0xb8;
	[tilespmem:$0x1AF00] =	vst v63  }
.Ltmp4:
0xeb: {  	_ =	swait.ge [sflag:s29], $0x800;
	(pc) =	sbr.rel @p1 .LBB2_10-.Ltmp4, $4  }
0xec: {  	[sflag:s29] =	ssyncset.done $0x0  }
0xed: {  	[sflag:s29] =	ssyncadd.s32 $0xFFFFF800  }
0xee: {  	[tilespmem:s0], [sflag:$0x2] =	stream.linear.gather [hbm4b:s5+s3], $0x80, $0x38;
	[tilespmem:$0x1AF00] =	vst v63  }
0xef: {  	s14 =	sadd.s32 s14, s24;
	s5 =	sadd.s32 $0x200, s5  }
0xf0: {  	[tilespmem:s4], [sflag:$0x4] =	stream.linear.gather [hbm4b:s14+s3], $0x800, $0x38;
	[tilespmem:$0x1AF00] =	vst v63  }
0xf1: {  	_ =	swait.ge [sflag:s7], $0x80  }
0xf2: {  	[sflag:s7] =	ssyncset.done $0x0  }
0xf3: {  	[sflag:s7] =	ssyncadd.s32 $0xFFFFFF80  }
0xf4: {  	_ =	swait.ge [sflag:s8], $0x800  }
0xf5: {  	[sflag:s8] =	ssyncset.done $0x0  }
0xf6: {  	[sflag:s8] =	ssyncadd.s32 $0xFFFFF800  }
0xf7: {  	[spmem:s2] =	stream.indirect.scatter.add.bf16 [tilespmem:s31], [sflag:$0x5], $0x10, s30, s9, $0xb8;
	[tilespmem:$0x1AF00] =	vst v63  }
0xf8: {  	_ =	swait.ge [sflag:s29], $0x800  }
0xf9: {  	[sflag:s29] =	ssyncset.done $0x0  }
0xfa: {  	[sflag:s29] =	ssyncadd.s32 $0xFFFFF800  }
0xfb: {  	_ =	swait.ge [sflag:s10], $0x80  }
0xfc: {  	[sflag:s10] =	ssyncset.done $0x0  }
0xfd: {  	[sflag:s10] =	ssyncadd.s32 $0xFFFFFF80  }
0xfe: {  	_ =	swait.ge [sflag:s11], $0x800  }
0xff: {  	[sflag:s11] =	ssyncset.done $0x0  }
0x100: {  	[sflag:s11] =	ssyncadd.s32 $0xFFFFF800  }
0x101: {  	[spmem:s2] =	stream.indirect.scatter.add.bf16 [tilespmem:s4], [sflag:$0x5], $0x10, s0, s9, $0xb8;
	[tilespmem:$0x1AF00] =	vst v63  }
0x102: {  	_ =	swait.ge [sflag:s29], $0x800  }
0x103: {  	s5 =	simm.s32 @!p0 $0x0;
	[sflag:s29] =	ssyncset.done $0x0  }
0x104: {  	s13 =	simm.s32 @!p0 $0x19E00;
	s14 =	rddreg [dreg:$0xc];
	[sflag:s29] =	ssyncadd.s32 $0xFFFFF800  }
0x105: {  	[tilespmem:s13], [sflag:$0x5] =	stream.linear.gather @!p0 [hbm4b:s14+s5], $0x80, $0x38;
	[tilespmem:$0x1AF00] =	vst v63  }
0x106: {  	s14 =	simm.s32 @!p0 $0x5  }
0x107: {  	_ =	swait.ge @!p0 [sflag:s14], $0x80  }
0x108: {  	[sflag:s14] =	ssyncset.done @!p0 $0x0  }
0x109: {  	s15 =	simm.s32 @!p0 $0x19F00;
	s17 =	rddreg [dreg:$0xd];
	[sflag:s14] =	ssyncadd.s32 @!p0 $0xFFFFFF80  }
0x10a: {  	[tilespmem:s15], [sflag:$0x5] =	stream.linear.gather @!p0 [hbm4b:s17+s5], $0x800, $0x38;
	[tilespmem:$0x1AF00] =	vst v63  }
0x10b: {  	_ =	swait.ge @!p0 [sflag:s14], $0x800  }
0x10c: {  	[sflag:s14] =	ssyncset.done @!p0 $0x0  }
0x10d: {  	s5 =	simm.s32 @!p0 $0x80;
	[sflag:s14] =	ssyncadd.s32 @!p0 $0xFFFFF800  }
0x10e: {  	[spmem:s2] =	stream.indirect.scatter.add.bf16 @!p0 [tilespmem:s15], [sflag:$0x5], $0x10, s13, s5, $0xb8;
	[tilespmem:$0x1AF00] =	vst v63  }
0x10f: {  	_ =	swait.ge @!p0 [sflag:s14], $0x800  }
0x110: {  	[sflag:s14] =	ssyncset.done @!p0 $0x0  }
0x111: {  	[sflag:s14] =	ssyncadd.s32 @!p0 $0xFFFFF800  }
0x112: {  	[bflag:$0x0] =	sbarrier.arrive $0xFFFF  }
0x113: {  	[tilespmem:s28], [sflag:$0x5] =	stream.linear.gather [spmem:s18], $0x1700, $0x38;
	[tilespmem:$0x1AF00] =	vst v63  }
0x114: {  	_ =	swait.ge [sflag:s29], $0x1700  }
0x115: {  	[sflag:s29] =	ssyncset.done $0x0  }
0x116: {  	s17 =	sadd.s32 $0x0, s25;
	[sflag:s29] =	ssyncadd.s32 $0xFFFFE900  }
0x117: {  	[hbm4b:s17+s3] =	stream.linear.scatter [tilespmem:s28], [sflag:$0x5], $0x1700, $0x38;
	[tilespmem:$0x1AF00] =	vst v63  }
0x118: {  	_ =	swait.ge [sflag:s29], $0x1700  }
0x119: {  	s5 =	simm.s32 $0x2E0;
	s13 =	smov.u32 s18;
	[sflag:s29] =	ssyncset.done $0x0  }
.LBB2_12:
0x11a: {  	p1 =	sne.s32 s5, $0x2E00;
	[sflag:s29] =	ssyncadd.s32 $0xFFFFE900;
	s13 =	sadd.s32 $0x1700, s13  }
0x11b: {  	[tilespmem:s28], [sflag:$0x5] =	stream.linear.gather [spmem:s13], $0x1700, $0x38;
	[tilespmem:$0x1AF00] =	vst v63  }
0x11c: {  	s14 =	smov.u32 s5;
	s5 =	sadd.s32 $0x2E0, s5;
	_ =	swait.ge [sflag:s29], $0x1700  }
.Ltmp5:
0x11d: {  	[sflag:s29] =	ssyncset.done $0x0;
	(pc) =	sbr.rel @p1 .LBB2_12-.Ltmp5, $4  }
0x11e: {  	s14 =	sadd.s32 s14, s25;
	[sflag:s29] =	ssyncadd.s32 $0xFFFFE900  }
0x11f: {  	[hbm4b:s14+s3] =	stream.linear.scatter [tilespmem:s28], [sflag:$0x5], $0x1700, $0x38;
	[tilespmem:$0x1AF00] =	vst v63  }
0x120: {  	_ =	swait.ge [sflag:s29], $0x1700  }
0x121: {  	[sflag:s29] =	ssyncset.done $0x0  }
0x122: {  	s12 =	sadd.s32 $0x1, s12;
	s5 =	rddreg [dreg:$0xe]  }
0x123: {  	p1 =	sne.s32 s12, s5  }
.Ltmp6:
0x124: {  	_ = 	snop;
	(pc) =	sbr.rel @p1 .LBB2_1-.Ltmp6, $3  }
0x125: {  	_ = 	snop  }
0x126: {  	[sflag:s29] =	ssyncadd.s32 $0xFFFFE900  }
0x127: {  	[bflag:$0x0] =	sbarrier.arrive $0xFFFF;
	_ =	sdelay $0x1  }
0x128: {  	_ =	sfence.sel $0x180000  }
0x129: {  	[bflag:$0x0] =	sbarrier.arrive $0xFFFF  }
0x12a: {  	_ =	strace $0x9000004D  }
0x12b: {  	s0 =	stileid.u32;
	[bflag:$0x2] =	sbarrier.arrive $0xFFFF  }
0x12c: {  	p0 =	sne.s32 s0, $0x0;
	s0 =	rddreg [dreg:$0x3]  }
0x12d: {  	s0 =	sadd.s32 @!p0 $0x100000, s0  }
0x12e: {  	[sflag:s0] =	ssyncadd.tile.s32 @!p0 $0x1;
	_ =	shalt  }
.Lfunc_end2:
_tile_overlayer_lowered:
.L_overlay_start_2:
0x12f: {  	(tag) =	ssettag $0x2  }
0x130: {  	s0 =	rddreg [dreg:$0x0];
	s2 =	stileid.u32  }
0x131: {  	s1 =	rddreg [dreg:$0x1];
	p0 =	sne.s32 s2, $0x0  }
0x132: {  	s3 =	rddreg [dreg:$0x2];
	[bflag:$0x3] =	sbarrier.arrive $0xFFFF;
	s2 =	simm.s32 @!p0 $0x1C05  }
0x133: {  	[timem:s3], [sflag:s2] =	dma.local @!p0 [hbm:s0], s1  }
0x134: {  	s0 =	simm.s32 @!p0 $0x5  }
0x135: {  	_ =	swait.ge @!p0 [sflag:s0], s1  }
0x136: {  	s1 =	ssub.s32 @!p0 $0x0, s1;
	[sflag:s0] =	ssyncset.done @!p0 $0x0  }
0x137: {  	[sflag:s0] =	ssyncadd.s32 @!p0 s1  }
0x138: {  	[bflag:$0x3] =	sbarrier.arrive $0xFFFF  }
0x139: {  	_ =	shalt  }

// kernel: sparse-core-data-format-call.cloned.1.call-start
scs
called_computation_lowered:
.L_overlay_start_0:
0x0: {  	s1 =	sld [smem:$0x3FD9]  }
0x1: {  	s2 =	sld [smem:$0x3FFE];
	_ =	sdelay $0x1  }
0x2: {  	s3 =	srdreg.scid  }
0x3: {  	s0 =	sand.u32 $0x1, s3  }
0x4: {  	s17 =	sshll.u32 s0, $0xA;
	s1 =	sadd.s32 s2, s1  }
0x5: {  	s1 =	sadd.s32 s1, s17  }
0x6: {  	[smem:$0x3FB4] =	sst s1  }
0x7: {  	_ = 	snop  }
0x8: {  	(tm) =	ssettm $0x1  }
0x9: {  	s18 =	sld [smem:$0x3FFB];
	_ =	sdelay $0x3  }
0xa: {  	_ =	strace s18  }
0xb: {  	s1 =	sld [smem:$0x3FFC];
	_ =	sdelay $0x3  }
0xc: {  	_ =	strace s1  }
0xd: {  	s1 =	sld [smem:$0x3FFD];
	_ =	sdelay $0x3  }
0xe: {  	_ =	strace s1  }
0xf: {  	_ =	strace $0x8FFFFFFF  }
0x10: {  	s19 =	sld [smem:$0x3FDB];
	_ =	sdelay $0x1  }
0x11: {  	s20 =	simm.s32 $_scs_section_size  }
0x12: {  	s4 =	simm.s32 $_size__tile_overlayer_lowered;
	s5 =	simm.s32 $_tile_overlayer_lowered  }
0x13: {  	s23 =	simm.s32 $0x1BFF;
	s22 =	sshll.u32 s5, $0x1;
	s1 =	sadd.s32 s20, s19  }
0x14: {  	s6 =	simm.s32 $0x0;
	s21 =	sshll.u32 s4, $0x1;
	s4 =	sadd.s32 s22, s1  }
0x15: {  	[timem:s6], [sflag:s23] =	dma.local [hbm:s4], s21  }
0x16: {  	_ =	swait.ge [sflag:s23], s21  }
0x17: {  	s2 =	ssub.s32 $0x0, s21;
	[sflag:s23] =	ssyncset.done $0x0  }
0x18: {  	[sflag:s23] =	ssyncadd.s32 s2;
	_ =	sdelay $0x1  }
0x19: {  	s24 =	simm.s32 $0x1B8B  }
0x1a: {  	_ =	swait.ge [sflag:s24], $0x1  }
0x1b: {  	[sflag:s24] =	ssyncset.done $0x0  }
0x1c: {  	s26 =	simm.s32 $0x1B8E;
	s25 =	sld [smem:$0x3FFE];
	[sflag:s24] =	ssyncadd.s32 $0xFFFFFFFF  }
0x1d: {  	s27 =	simm.s32 $execute0_lowered;
	[smem:$0x3FD2] =	sst s26  }
0x1e: {  	s4 =	sshll.u32 s27, $0x1;
	_ =	strace $0x80000049;
	[dreg:$0x1] =	wrdreg $0xFFFFFFFF  }
0x1f: {  	s28 =	simm.s32 $_size_execute0_lowered;
	s1 =	sadd.s32 s1, s4;
	[dreg:$0x0] =	wrdreg $0x0  }
0x20: {  	s4 =	sshll.u32 s28, $0x1;
	[dreg:$0x2] =	wrdreg s1  }
0x21: {  	[dreg:$0x3] =	wrdreg s4  }
0x22: {  	[dreg:$0x4] =	wrdreg $0xC0  }
0x23: {  	_ =	task [dreg:s6], $0x5FFFF  }
0x24: {  	[dreg:$0x1] =	wrdreg $0xFFFFFFFF  }
0x25: {  	[dreg:$0x0] =	wrdreg $0x60  }
0x26: {  	[dreg:$0x2] =	wrdreg s25  }
0x27: {  	[dreg:$0x3] =	wrdreg $0x9  }
0x28: {  	_ =	task.clear_ibuf [dreg:s6], $0x4FFFF;
	_ =	strace $0x90000049  }
0x29: {  	s29 =	simm.s32 $0x9;
	_ =	strace $0x8000004B  }
0x2a: {  	_ =	swait.ge [sflag:s29], $0x1  }
0x2b: {  	[sflag:s29] =	ssyncadd.s32 $0xFFFFFFFF  }
0x2c: {  	_ =	strace $0x9000004B  }
0x2d: {  	_ =	sfence  }
0x2e: {  	s30 =	sld [smem:$0x0];
	_ =	sdelay $0x2  }
0x2f: {  	s31 =	sshll.u32 s3, $0xD;
	s3 =	sshrl.u32 s3, $0x2  }
0x30: {  	s2 =	sand.u32 $0x4000, s31;
	s1 =	sadd.s32 s3, s30  }
0x31: {  	s0 =	sor.u32 s2, s0;
	s1 =	sshll.u32 s1, $0x11  }
0x32: {  	s0 =	sor.u32 s1, s0  }
0x33: {  	s0 =	sadd.s32 $0x8F2B, s0  }
0x34: {  	[sflag:s0] =	ssyncadd.remote.s32 $0x1  }
0x35: {  	_ =	sfence.sel $0xFFFF  }
0x36: {  	[dreg:$0x0] =	wrdreg $0xFFFFFFFF;
	(pc) =	sbr.abs _section_cstart, $3  }
0x37: {  	[dreg:$0x1] =	wrdreg $0xFFFFFFFF  }
0x38: {  	_ =	task.clear_ibuf [dreg:s6], $0x2FFFF;
	_ =	strace $0x9FFFFFFF  }
0x39: {  	(tm) =	ssettm $0x7FFFFFFF  }
tec
execute0_lowered:
.L_overlay_start_1:
0x0: {  	(tag) =	ssettag $0x1  }
0x1: {  	s0 =	srdreg.scid  }
0x2: {  	s1 =	sshll.u32 s0, $0x4  }
0x3: {  	s4 =	rddreg [dreg:$0x0];
	s0 =	stileid.u32;
	s1 =	sand.u32 $0x10, s1  }
0x4: {  	s7 =	simm.s32 $0x1;
	s8 =	simm.s32 $0x2;
	s2 =	sor.u32 s0, s1  }
0x5: {  	s9 =	simm.s32 $0x0;
	s12 =	simm.s32 $0x0;
	s2 =	sshll.u32 s2, $0x4  }
0x6: {  	s11 =	simm.s32 $0x0;
	s3 =	sadd.s32 $0x1EBC00, s4;
	s6 =	ssub.s32 $0xC350, s2  }
.Ltmp0:
0x7: {  	s4 =	sadd.s32 $0x806400, s4;
	s5 =	sand.u32 $0x1F0, s6;
	(pc) =	sbr.rel .LBB1_1-.Ltmp0, $4  }
0x8: {  	s1 =	rddreg [dreg:$0x1];
	_ =	strace $0x8000004A;
	p0 =	sne.s32 s5, $0x0  }
0x9: {  	s6 =	sshrl.u32 s6, $0x9;
	s5 =	simm.s32 $0x1;
	s7 =	simm.s32 @!p0 $0x0  }
0xa: {  	s10 =	smov.u32 s2;
	[sflag:s5] =	ssyncpa.u1 $0x0;
	s6 =	sadd.s32 s7, s6  }
0xb: {  	[sflag:s8] =	ssyncpa.u1 $0x0;
	s8 =	simm.s32 $0x0;
	s7 =	sadd.s32 $0x1, s6  }
.LBB1_7:
0xc: {  	s14 =	sadd.s32 $0x200, s10  }
0xd: {  	p1 =	sgt.s32 s14, $0xC34F  }
0xe: {  	s14 =	smov.u32 @p1 s2;
	p1 =	sne.s32 s11, s7  }
.Ltmp1:
0xf: {  	p0 =	slt.u32 s11, $0x2;
	(pc) =	sbr.rel @!p1 .LBB1_8-.Ltmp1, $4  }
0x10: {  	s13 =	simm.s32 @!p0 $0x2  }
0x11: {  	s15 =	sadd.s32 $0x1, s11;
	_ =	swait.ge @!p0 [sflag:s13], $0x4000  }
0x12: {  	s12 =	smov.u32 s10;
	s9 =	sadd.s32 $0x8000, s9;
	[sflag:s13] =	ssyncset.done @!p0 $0x0  }
0x13: {  	s11 =	smov.u32 s15;
	s10 =	smov.u32 s14;
	[sflag:s13] =	ssyncadd.s32 @!p0 $0xFFFFC000  }
.LBB1_1:
0x14: {  	p0 =	sge.u32 s11, s6  }
0x15: {  	s13 =	sxor.u32 @!p0 $0xFFFFFFFF, s11  }
0x16: {  	s31 =	sadd.s32 $0xFFFFFFFF, s11;
	s14 =	sshll.u32 @!p0 s10, $0x7;
	s13 =	sshll.u32 @!p0 s13, $0xE  }
0x17: {  	s15 =	simm.s32 @!p0 $0x0;
	s14 =	sadd.s32 @!p0 s3, s14;
	s13 =	sand.u32 @!p0 $0x4000, s13  }
0x18: {  	[tilespmem:s13], [sflag:$0x1] =	stream.linear.gather @!p0 [hbm4b:s14+s15], $0x4000, $0x38;
	[tilespmem:$0x10000] =	vst v63  }
0x19: {  	p0 =	sge.u32 s31, s6  }
.Ltmp2:
0x1a: {  	_ = 	snop;
	(pc) =	sbr.rel @p0 .LBB1_7-.Ltmp2, $1  }
0x1b: {  	_ =	sdelay $0x3  }
0x1c: {  	s13 =	sshrl.u32 s9, $0x1;
	_ =	swait.ge [sflag:s5], $0x4000  }
0x1d: {  	s15 =	sshll.u32 s11, $0xE;
	s16 =	simm.s32 $0x0;
	s14 =	sand.u32 $0x4000, s13  }
0x1e: {  	[sflag:s5] =	ssyncset.done $0x0;
	s15 =	sand.u32 $0x4000, s15;
	s13 =	sor.u32 $0x200, s14  }
0x1f: {  	s14 =	sor.u32 $0x8080, s14;
	[sflag:s5] =	ssyncadd.s32 $0xFFFFC000;
	s15 =	sor.u32 $0x8000, s15  }
.LBB1_3:
0x20: {  	v0 =	vld [tilespmem:s13+$0xFFFFFE70]  }
0x21: {  	v1 =	vld [tilespmem:s13+$0x70]  }
0x22: {  	v2 =	vld [tilespmem:s13+$0x0]  }
0x23: {  	v3 =	vld [tilespmem:s13+$0xFFFFFE10]  }
0x24: {  	v4 =	vld [tilespmem:s13+$0x10]  }
0x25: {  	v5 =	vld [tilespmem:s13+$0xFFFFFE20]  }
0x26: {  	v7 =	vld [tilespmem:s13+$0x20]  }
0x27: {  	v11 =	vld [tilespmem:s13+$0x30];
	v6 =	vunpack.i.l.s16.s32 v0;
	v8 =	vunpack.i.u.s16.s32 v0;
	v9 =	vunpack.i.u.s16.s32 v1  }
0x28: {  	v10 =	vunpack.i.l.s16.s32 v1;
	v0 =	vunpack.i.u.s16.s32 v2;
	v1 =	vunpack.i.l.s16.s32 v2;
	v2 =	vld [tilespmem:s13+$0xFFFFFE30]  }
0x29: {  	v8 =	vpack.i.b32.b16 v9, v8;
	v9 =	vunpack.i.u.s16.s32 v3;
	v3 =	vunpack.i.l.s16.s32 v3  }
0x2a: {  	v12 =	vld [tilespmem:s13+$0xFFFFFE40];
	v6 =	vpack.i.b32.b16 v10, v6;
	[tilespmem:s14+$0x70] =	vst v8;
	v8 =	vunpack.i.u.s16.s32 v4;
	v4 =	vunpack.i.l.s16.s32 v4  }
0x2b: {  	v13 =	vld [tilespmem:s13+$0x40];
	v10 =	vunpack.i.u.s16.s32 v5;
	v5 =	vunpack.i.l.s16.s32 v5;
	[tilespmem:s14+$0xFFFFFFF0] =	vst v6;
	v3 =	vpack.i.b32.b16 v4, v3  }
0x2c: {  	v6 =	vunpack.i.l.s16.s32 v7;
	v4 =	vld [tilespmem:s13+$0xFFFFFE50];
	[tilespmem:s14+$0xFFFFFF90] =	vst v3;
	v3 =	vpack.i.b32.b16 v8, v9;
	v8 =	vunpack.i.u.s16.s32 v7  }
0x2d: {  	v7 =	vunpack.i.l.s16.s32 v11;
	[tilespmem:s14+$0x10] =	vst v3;
	v3 =	vpack.i.b32.b16 v6, v5;
	v9 =	vunpack.i.u.s16.s32 v2;
	v6 =	vld [tilespmem:s13+$0x50]  }
0x2e: {  	v5 =	vunpack.i.l.s16.s32 v2;
	v2 =	vld [tilespmem:s13+$0xFFFFFE60];
	[tilespmem:s14+$0xFFFFFFA0] =	vst v3;
	v3 =	vpack.i.b32.b16 v8, v10;
	v10 =	vunpack.i.u.s16.s32 v11  }
0x2f: {  	s19 =	simm.s32 $0x0;
	v11 =	vpack.i.b32.b16 v7, v5;
	v7 =	vunpack.i.u.s16.s32 v12;
	v8 =	vunpack.i.l.s16.s32 v12;
	[tilespmem:s14+$0x20] =	vst v3;
	v3 =	vld [tilespmem:s13+$0x60]  }
0x30: {  	s20 =	sadd.s32 $0x80, s13;
	s18 =	smov.u32 s14;
	s17 =	smov.u32 s14;
	v5 =	vld [tilespmem:s13+$0xFFFFFE00];
	[tilespmem:s14+$0xFFFFFFB0] =	vst v11;
	v10 =	vpack.i.b32.b16 v10, v9;
	v9 =	vunpack.i.u.s16.s32 v13;
	v11 =	vunpack.i.l.s16.s32 v13  }
.LBB1_4:
0x31: {  	v12 =	vld [tilespmem:s20+$0xFFFFFE70];
	[tilespmem:s18+$0x30] =	vst v10;
	v8 =	vpack.i.b32.b16 v11, v8;
	v10 =	vunpack.i.u.s16.s32 v4;
	v4 =	vunpack.i.l.s16.s32 v4  }
0x32: {  	s19 =	sadd.s32 $0x2, s19;
	v7 =	vpack.i.b32.b16 v9, v7;
	v11 =	vld [tilespmem:s20+$0x70];
	[tilespmem:s18+$0xFFFFFFC0] =	vst v8;
	v8 =	vunpack.i.u.s16.s32 v6;
	v6 =	vunpack.i.l.s16.s32 v6  }
0x33: {  	p0 =	slt.u32 s19, $0x6;
	v9 =	vld [tilespmem:s20+$0x0];
	[tilespmem:s18+$0x40] =	vst v7;
	v4 =	vpack.i.b32.b16 v6, v4;
	v6 =	vunpack.i.u.s16.s32 v2;
	v2 =	vunpack.i.l.s16.s32 v2  }
0x34: {  	v7 =	vld [tilespmem:s20+$0xFFFFFE10];
	[tilespmem:s18+$0xFFFFFFD0] =	vst v4;
	v4 =	vpack.i.b32.b16 v8, v10;
	v8 =	vunpack.i.u.s16.s32 v3;
	v3 =	vunpack.i.l.s16.s32 v3  }
0x35: {  	v10 =	vld [tilespmem:s20+$0x10];
	v13 =	vunpack.i.u.s16.s32 v5;
	v5 =	vunpack.i.l.s16.s32 v5;
	[tilespmem:s18+$0x50] =	vst v4;
	v2 =	vpack.i.b32.b16 v3, v2  }
0x36: {  	v3 =	vld [tilespmem:s20+$0xFFFFFE20];
	v4 =	vunpack.i.l.s16.s32 v12;
	v1 =	vpack.i.b32.b16 v1, v5;
	v5 =	vpack.i.b32.b16 v0, v13;
	[tilespmem:s18+$0xFFFFFFE0] =	vst v2  }
0x37: {  	v12 =	vunpack.i.u.s16.s32 v12;
	v2 =	vld [tilespmem:s20+$0x20];
	v13 =	vunpack.i.u.s16.s32 v11;
	v11 =	vunpack.i.l.s16.s32 v11;
	[tilespmem:s18+$0xFFFFFF80] =	vst v1  }
0x38: {  	s18 =	sadd.s32 $0x100, s18;
	v0 =	vunpack.i.u.s16.s32 v9;
	v1 =	vunpack.i.l.s16.s32 v9;
	v9 =	vld [tilespmem:s20+$0xFFFFFE30];
	v12 =	vpack.i.b32.b16 v13, v12;
	[tilespmem:s17+$0x0] =	vst v5  }
0x39: {  	v6 =	vpack.i.b32.b16 v8, v6;
	v5 =	vunpack.i.u.s16.s32 v7;
	v7 =	vunpack.i.l.s16.s32 v7;
	v13 =	vld [tilespmem:s20+$0x30];
	[tilespmem:s18+$0x70] =	vst v12  }
0x3a: {  	v4 =	vpack.i.b32.b16 v11, v4;
	v8 =	vunpack.i.u.s16.s32 v10;
	v10 =	vunpack.i.l.s16.s32 v10;
	v12 =	vld [tilespmem:s20+$0xFFFFFE40];
	[tilespmem:s17+$0x60] =	vst v6;
	s17 =	smov.u32 s18  }
0x3b: {  	v6 =	vpack.i.b32.b16 v10, v7;
	v7 =	vunpack.i.u.s16.s32 v3;
	v3 =	vunpack.i.l.s16.s32 v3;
	v11 =	vld [tilespmem:s20+$0x40];
	[tilespmem:s18+$0xFFFFFFF0] =	vst v4  }
.Ltmp3:
0x3c: {  	v5 =	vpack.i.b32.b16 v8, v5;
	[tilespmem:s18+$0xFFFFFF90] =	vst v6;
	v8 =	vunpack.i.u.s16.s32 v2;
	v2 =	vunpack.i.l.s16.s32 v2;
	v4 =	vld [tilespmem:s20+$0xFFFFFE50];
	(pc) =	sbr.rel @p0 .LBB1_4-.Ltmp3, $4  }
0x3d: {  	[tilespmem:s18+$0x10] =	vst v5;
	v2 =	vpack.i.b32.b16 v2, v3;
	v10 =	vunpack.i.u.s16.s32 v9;
	v3 =	vunpack.i.l.s16.s32 v9;
	v6 =	vld [tilespmem:s20+$0x50]  }
0x3e: {  	v5 =	vpack.i.b32.b16 v8, v7;
	[tilespmem:s18+$0xFFFFFFA0] =	vst v2;
	v9 =	vunpack.i.u.s16.s32 v13;
	v7 =	vunpack.i.l.s16.s32 v13;
	v2 =	vld [tilespmem:s20+$0xFFFFFE60]  }
0x3f: {  	[tilespmem:s18+$0x20] =	vst v5;
	v13 =	vpack.i.b32.b16 v7, v3;
	v7 =	vunpack.i.u.s16.s32 v12;
	v8 =	vunpack.i.l.s16.s32 v12;
	v3 =	vld [tilespmem:s20+$0x60]  }
0x40: {  	v10 =	vpack.i.b32.b16 v9, v10;
	v5 =	vld [tilespmem:s20+$0xFFFFFE00];
	[tilespmem:s18+$0xFFFFFFB0] =	vst v13;
	v9 =	vunpack.i.u.s16.s32 v11;
	v11 =	vunpack.i.l.s16.s32 v11;
	s20 =	sadd.s32 $0x80, s20  }
0x41: {  	[tilespmem:s18+$0x30] =	vst v10;
	v8 =	vpack.i.b32.b16 v11, v8  }
0x42: {  	v51 =	vunpack.i.l.s16.s32 v4;
	v7 =	vpack.i.b32.b16 v9, v7;
	[tilespmem:s18+$0xFFFFFFC0] =	vst v8;
	v52 =	vunpack.i.l.s16.s32 v6  }
0x43: {  	v53 =	vunpack.i.u.s16.s32 v4;
	s16 =	sadd.s32 $0x1, s16;
	v54 =	vunpack.i.u.s16.s32 v6;
	[tilespmem:s18+$0x40] =	vst v7;
	v55 =	vpack.i.b32.b16 v52, v51  }
0x44: {  	p0 =	sne.s32 s16, $0x10;
	v56 =	vunpack.i.l.s16.s32 v2;
	v4 =	vpack.i.b32.b16 v54, v53;
	[tilespmem:s18+$0xFFFFFFD0] =	vst v55;
	v57 =	vunpack.i.l.s16.s32 v3  }
.Ltmp4:
0x45: {  	[tilespmem:s18+$0x50] =	vst v4;
	v58 =	vunpack.i.l.s16.s32 v5;
	v59 =	vpack.i.b32.b16 v57, v56;
	(pc) =	sbr.rel @p0 .LBB1_3-.Ltmp4, $4  }
0x46: {  	v61 =	vunpack.i.u.s16.s32 v2;
	v62 =	vunpack.i.u.s16.s32 v3;
	v1 =	vpack.i.b32.b16 v1, v58;
	[tilespmem:s18+$0xFFFFFFE0] =	vst v59  }
0x47: {  	v60 =	vunpack.i.u.s16.s32 v5;
	v63 =	vpack.i.b32.b16 v62, v61;
	[tilespmem:s18+$0xFFFFFF80] =	vst v1  }
0x48: {  	v0 =	vpack.i.b32.b16 v0, v60;
	[tilespmem:s17+$0x60] =	vst v63  }
0x49: {  	s13 =	sadd.s32 $0x400, s13;
	s14 =	sadd.s32 $0x400, s14;
	[tilespmem:s17+$0x0] =	vst v0  }
.Ltmp5:
0x4a: {  	(pc) =	sbr.rel .LBB1_7-.Ltmp5, $4  }
0x4b: {  	_ = 	snop  }
0x4c: {  	s12 =	sshll.u32 s12, $0x7  }
0x4d: {  	s12 =	sadd.s32 s4, s12  }
0x4e: {  	[hbm4b:s12+s8] =	stream.linear.scatter [tilespmem:s15], [sflag:$0x2], $0x4000, $0x38;
	[tilespmem:$0x10000] =	vst v63  }
.LBB1_8:
0x4f: {  	_ =	sfence.sel $0x180000  }
0x50: {  	s2 =	simm.s32 $0x1;
	[bflag:$0x0] =	sbarrier.arrive $0xFFFF  }
0x51: {  	s31 =	simm.s32 $0x2;
	[sflag:s2] =	ssyncpa.u1 $0x1  }
0x52: {  	[sflag:s31] =	ssyncpa.u1 $0x1  }
0x53: {  	p0 =	sne.s32 s0, $0x0;
	_ =	strace $0x9000004A  }
0x54: {  	s0 =	sadd.s32 @!p0 $0x100000, s1;
	[bflag:$0x2] =	sbarrier.arrive $0xFFFF  }
0x55: {  	[sflag:s0] =	ssyncadd.tile.s32 @!p0 $0x1;
	_ =	shalt  }
.Lfunc_end1:
_tile_overlayer_lowered:
.L_overlay_start_2:
0x56: {  	(tag) =	ssettag $0x2  }
0x57: {  	s0 =	rddreg [dreg:$0x0];
	s2 =	stileid.u32  }
0x58: {  	s1 =	rddreg [dreg:$0x1];
	p0 =	sne.s32 s2, $0x0  }
0x59: {  	s3 =	rddreg [dreg:$0x2];
	[bflag:$0x3] =	sbarrier.arrive $0xFFFF;
	s2 =	simm.s32 @!p0 $0x1C01  }
0x5a: {  	[timem:s3], [sflag:s2] =	dma.local @!p0 [hbm:s0], s1  }
0x5b: {  	s0 =	simm.s32 @!p0 $0x1  }
0x5c: {  	_ =	swait.ge @!p0 [sflag:s0], s1  }
0x5d: {  	s1 =	ssub.s32 @!p0 $0x0, s1;
	[sflag:s0] =	ssyncset.done @!p0 $0x0  }
0x5e: {  	[sflag:s0] =	ssyncadd.s32 @!p0 s1  }
0x5f: {  	[bflag:$0x3] =	sbarrier.arrive $0xFFFF  }
0x60: {  	_ =	shalt  }

</sc_bundles>
